<compile_context>
chip_gen: v7x
topology: tpu7x:2x2x1
jax: 0.10.2.dev20260603
libtpu: 0.0.44.dev20260713+nightly
codegen_flags: <defaults>
</compile_context>

<pallas_src>
import functools

import jax
import jax.numpy as jnp
import numpy as np
from jax import lax
from jax.experimental import pallas as pl
from jax.experimental.pallas import tpu as pltpu
from jax.experimental.pallas import tpu_sc as plsc

N = 10000
E = 320000
FH = 128
W = 128
NT = 16
E2 = 327680
NACC = 10112
NPAD = 10240
BR = 400

_K = [8000, 6400, 5120]


_IDXC = 64
_NZCH = NACC // 128


def _sc_agg_body(edge_split, x_hbm, src2_hbm, dst2_hbm, out_hbm,
                 acc, sidx_all, didx_all, rows0, rows1,
                 gsem0, gsem1, ssem0, ssem1, zsem):
    c = lax.axis_index("c")
    s = lax.axis_index("s")
    if edge_split:
        nwt = E2 // (2 * NT * W)
        srow = c * (E2 // W) + (c * NT + s) * nwt
        drow = (c * NT + s) * nwt
    else:
        nwt = E2 // (NT * W)
        srow = c * (E2 // W) + s * nwt
        drow = s * nwt

    def zset(i, _):
        rows0[i // 8, pl.ds((i % 8) * 16, 16)] = jnp.zeros((16,), jnp.float32)
        return ()

    lax.fori_loop(0, 1024, zset, ())

    def zcopy(j, _):
        cid = s + NT * j

        @pl.when(cid < _NZCH)
        def _():
            pltpu.sync_copy(rows0, acc.at[pl.ds(cid * 128, 128)])
        return ()

    lax.fori_loop(0, (_NZCH + NT - 1) // NT, zcopy, ())
    plsc.subcore_barrier()

    rows = (rows0, rows1)
    gsem = (gsem0, gsem1)
    ssem = (ssem0, ssem1)

    def start_gather(j, b):
        pltpu.async_copy(x_hbm.at[sidx_all.at[j]], rows[b], gsem[b])

    def wait_gather(j, b):
        pltpu.make_async_copy(x_hbm.at[sidx_all.at[j]], rows[b],
                              gsem[b]).wait()

    def start_scatter(j, b):
        pltpu.async_copy(rows[b], acc.at[didx_all.at[j]], ssem[b], add=True)

    def wait_scatter(j, b):
        pltpu.make_async_copy(rows[b], acc.at[didx_all.at[j]],
                              ssem[b]).wait()

    woff = 0
    while woff < nwt:
        cw = min(_IDXC, nwt - woff)
        pltpu.async_copy(src2_hbm.at[pl.ds(srow + woff, cw)],
                         sidx_all.at[pl.ds(0, cw)], zsem).wait()
        pltpu.async_copy(dst2_hbm.at[pl.ds(drow + woff, cw)],
                         didx_all.at[pl.ds(0, cw)], zsem).wait()

        start_gather(0, 0)

        def pair_step(i, _):
            j0 = 2 * i
            wait_gather(j0, 0)
            start_scatter(j0, 0)

            @pl.when(i > 0)
            def _():
                wait_scatter(j0 - 1, 1)
            start_gather(j0 + 1, 1)

            @pl.when(j0 + 2 < cw)
            def _():
                wait_scatter(j0, 0)
                start_gather(j0 + 2, 0)

            wait_gather(j0 + 1, 1)
            start_scatter(j0 + 1, 1)
            return ()

        lax.fori_loop(0, cw // 2, pair_step, ())
        wait_scatter(cw - 2, 0)
        wait_scatter(cw - 1, 1)
        woff += cw

    plsc.subcore_barrier()

    @pl.when(s < 15)
    def _():
        pltpu.async_copy(acc.at[pl.ds(s * 624, 624)],
                         out_hbm.at[pl.ds(c * N + s * 624, 624)], zsem).wait()

    @pl.when(s == 15)
    def _():
        pltpu.async_copy(acc.at[pl.ds(9360, 640)],
                         out_hbm.at[pl.ds(c * N + 9360, 640)], zsem).wait()


@functools.lru_cache(maxsize=None)
def _make_sc_agg(edge_split):
    nwt = E2 // ((2 * NT if edge_split else NT) * W)
    mesh = plsc.VectorSubcoreMesh(core_axis_name="c", subcore_axis_name="s")
    return pl.kernel(
        functools.partial(_sc_agg_body, edge_split),
        mesh=mesh,
        out_type=jax.ShapeDtypeStruct((2 * N, FH), jnp.float32),
        scratch_types=[
            pltpu.VMEM_SHARED((NACC, FH), jnp.float32),
            pltpu.VMEM((min(_IDXC, nwt), W), jnp.int32),
            pltpu.VMEM((min(_IDXC, nwt), W), jnp.int32),
            pltpu.VMEM((W, FH), jnp.float32),
            pltpu.VMEM((W, FH), jnp.float32),
        ] + [pltpu.SemaphoreType.DMA] * 5,
    )


def _sc_agg_l0(x, src2, dst2):
    return _make_sc_agg(True)(x, src2, dst2)


def _sc_agg_l12(xflat, src2, dst2):
    return _make_sc_agg(False)(xflat, src2, dst2)


def _mlp_body(first, x_ref, agg_ref, w1_ref, b1_ref, g_ref, bb_ref, m_ref,
              v_ref, w2_ref, b2_ref, p_ref, pn_ref, h_ref, y_ref):
    if first:
        h0 = x_ref[...] + agg_ref[0] + agg_ref[1]
    else:
        h0 = jnp.concatenate(
            [x_ref[0] + agg_ref[0], x_ref[1] + agg_ref[1]], axis=-1)
    h1 = jnp.dot(h0, w1_ref[...], preferred_element_type=jnp.float32)
    h1 = h1 + b1_ref[...]
    h1 = jnp.where(h1 > 0, h1, 0.2 * h1)
    h1 = (h1 - m_ref[...]) / jnp.sqrt(v_ref[...] + 1e-5) * g_ref[...] + bb_ref[...]
    h2 = jnp.dot(h1, w2_ref[...], preferred_element_type=jnp.float32)
    h2 = h2 + b2_ref[...]
    h2 = jnp.where(h2 > 0, h2, 0.2 * h2)
    h_ref[...] = h2
    sc = jnp.dot(h2, p_ref[...], preferred_element_type=jnp.float32)
    y_ref[...] = jnp.tanh(sc / pn_ref[...])


def _mlp(first, x, agg2, w1, b1, g, bb, m, v, w2, b2, p, pnorm):
    f_in = w1.shape[0]
    h_dim = w1.shape[1]
    grid = (N // BR,)
    row = lambda i: (i, 0)
    row3 = lambda i: (0, i, 0)
    fixed = lambda i: (0, 0)
    x_spec = (pl.BlockSpec((BR, f_in), row) if first
              else pl.BlockSpec((2, BR, FH), row3))
    return pl.pallas_call(
        functools.partial(_mlp_body, first),
        grid=grid,
        in_specs=[
            x_spec,
            pl.BlockSpec((2, BR, FH), row3),
            pl.BlockSpec((f_in, h_dim), fixed),
            pl.BlockSpec((1, h_dim), fixed),
            pl.BlockSpec((1, h_dim), fixed),
            pl.BlockSpec((1, h_dim), fixed),
            pl.BlockSpec((1, h_dim), fixed),
            pl.BlockSpec((1, h_dim), fixed),
            pl.BlockSpec((h_dim, h_dim), fixed),
            pl.BlockSpec((1, h_dim), fixed),
            pl.BlockSpec((h_dim, 1), fixed),
            pl.BlockSpec((1, 1), fixed),
        ],
        out_specs=[
            pl.BlockSpec((BR, h_dim), row),
            pl.BlockSpec((BR, 1), row),
        ],
        out_shape=[
            jax.ShapeDtypeStruct((N, h_dim), jnp.float32),
            jax.ShapeDtypeStruct((N, 1), jnp.float32),
        ],
    )(x, agg2, w1, b1.reshape(1, -1), g.reshape(1, -1), bb.reshape(1, -1),
      m.reshape(1, -1), v.reshape(1, -1), w2, b2.reshape(1, -1),
      p.reshape(-1, 1), pnorm.reshape(1, 1))


def _kth_largest(masked_key, need, nbits, t0):
    def bit_step(b, t):
        cand = t | (jnp.uint32(1) << (nbits - 1 - b).astype(jnp.uint32))
        cnt = jnp.sum((masked_key >= cand).astype(jnp.int32))
        return jnp.where(cnt >= need, cand, t)
    return lax.fori_loop(0, nbits, bit_step, t0)


def _topk_body(k, nprev, y_ref, alive_ref, *rest):
    key_refs = rest[:nprev]
    alive_out, key_out = rest[nprev], rest[nprev + 1]
    y = y_ref[...]
    alive = alive_ref[...] != 0
    ub = lax.bitcast_convert_type(y, jnp.uint32)
    key = jnp.where((ub >> 31) == 1, ~ub, ub | jnp.uint32(0x80000000))
    key = jnp.where(alive, key, jnp.uint32(0))
    key_out[...] = key

    flat = (lax.broadcasted_iota(jnp.uint32, (80, 128), 0) * 128
            + lax.broadcasted_iota(jnp.uint32, (80, 128), 1))
    idxkey = jnp.uint32(0xFFFFFFFF) - flat

    keys = [key] + [r[...] for r in key_refs]
    sel = jnp.zeros((80, 128), dtype=jnp.bool_)
    s_set = alive
    need = jnp.int32(k)
    for kk in keys:
        mk = jnp.where(s_set, kk, jnp.uint32(0))
        t = _kth_largest(mk, need, 32, jnp.uint32(0))
        gt = s_set & (kk > t)
        sel = sel | gt
        need = need - jnp.sum(gt.astype(jnp.int32))
        s_set = s_set & (kk == t)
    mk = jnp.where(s_set, idxkey, jnp.uint32(0))
    t = _kth_largest(mk, need, 14, jnp.uint32(0xFFFFC000))
    sel = sel | (s_set & (idxkey >= t))
    alive_out[...] = sel.astype(jnp.int32)


def _topk(k, ypad, alive, prev_keys):
    nprev = len(prev_keys)
    full = lambda i: (0, 0)
    return pl.pallas_call(
        functools.partial(_topk_body, k, nprev),
        grid=(1,),
        in_specs=[pl.BlockSpec((80, 128), full)] * (2 + nprev),
        out_specs=[pl.BlockSpec((80, 128), full)] * 2,
        out_shape=[
            jax.ShapeDtypeStruct((80, 128), jnp.int32),
            jax.ShapeDtypeStruct((80, 128), jnp.uint32),
        ],
    )(ypad, alive, *prev_keys)


def _xupd_body(h_ref, y_ref, a_ref, xs_ref):
    sc = y_ref[...] * a_ref[...]
    h = h_ref[...]
    xs_ref[0] = h[:, :FH] * sc
    xs_ref[1] = h[:, FH:] * sc


def _xupd(h, y, alivef):
    grid = (N // BR,)
    return pl.pallas_call(
        _xupd_body,
        grid=grid,
        in_specs=[
            pl.BlockSpec((BR, 2 * FH), lambda i: (i, 0)),
            pl.BlockSpec((BR, 1), lambda i: (i, 0)),
            pl.BlockSpec((BR, 1), lambda i: (i, 0)),
        ],
        out_specs=pl.BlockSpec((2, BR, FH), lambda i: (0, i, 0)),
        out_shape=jax.ShapeDtypeStruct((2, N, FH), jnp.float32),
    )(h, y, alivef)


def _readout_body(k, h_ref, y_ref, a_ref, w_ref, b_ref, o_ref):
    sc = y_ref[...] * a_ref[...]
    colsum = jnp.sum(h_ref[...] * sc, axis=0, keepdims=True)
    o_ref[...] = (jnp.dot(colsum / k, w_ref[...],
                          preferred_element_type=jnp.float32) + b_ref[...])


def _readout(k, h, y, alivef, fc_w, fc_b):
    full = lambda: (0, 0)
    return pl.pallas_call(
        functools.partial(_readout_body, float(k)),
        in_specs=[
            pl.BlockSpec(h.shape, None),
            pl.BlockSpec(y.shape, None),
            pl.BlockSpec(alivef.shape, None),
            pl.BlockSpec(fc_w.shape, None),
            pl.BlockSpec((1, fc_b.shape[0]), None),
        ],
        out_specs=pl.BlockSpec((1, fc_b.shape[0]), None),
        out_shape=jax.ShapeDtypeStruct((1, fc_b.shape[0]), jnp.float32),
    )(h, y, alivef, fc_w, fc_b.reshape(1, -1))


def _pad_y(y):
    return jnp.pad(y, ((0, NPAD - N), (0, 0))).reshape(80, 128)


def _alive_rows(alive):
    return alive.reshape(NPAD, 1)[:N].astype(jnp.float32)


def kernel(x, edge_index, batch, w1_0, b1_0, w1_12, b1_12, w2, b2,
           bn_g, bn_b, bn_m, bn_v, pool_p, fc_w, fc_b):
    del batch
    p_norms = jnp.linalg.norm(pool_p, axis=1)
    src, dst = edge_index[0], edge_index[1]
    npad_e = E2 - E
    pad_src = (jnp.arange(npad_e, dtype=jnp.int32) * 13) % N
    pad_dst = N + jnp.arange(npad_e, dtype=jnp.int32) % 8
    src_p = jnp.concatenate([src, pad_src])
    dst_p = jnp.concatenate([dst, pad_dst])
    src2_l0 = jnp.concatenate([src_p, src_p]).reshape(2 * E2 // W, W)
    src2_l12 = jnp.concatenate([src_p, src_p + N]).reshape(2 * E2 // W, W)
    dst2 = dst_p.reshape(E2 // W, W)
    alive = jnp.pad(jnp.ones((N,), jnp.int32), (0, NPAD - N)).reshape(80, 128)

    keys = []
    xs = None
    h = y = None
    for i in range(3):
        if i == 0:
            agg2 = _sc_agg_l0(x, src2_l0, dst2)
        else:
            agg2 = _sc_agg_l12(xs.reshape(2 * N, FH), src2_l12, dst2)
        w1 = w1_0 if i == 0 else w1_12[i - 1]
        bb1 = b1_0 if i == 0 else b1_12[i - 1]
        h, y = _mlp(i == 0, x if i == 0 else xs, agg2.reshape(2, N, FH),
                    w1, bb1, bn_g[i], bn_b[i], bn_m[i], bn_v[i],
                    w2[i], b2[i], pool_p[i], p_norms[i])
        alive, key = _topk(_K[i], _pad_y(y), alive, keys)
        keys = [key] + keys
        if i < 2:
            xs = _xupd(h, y, _alive_rows(alive))

    return _readout(_K[2], h, y, _alive_rows(alive), fc_w, fc_b)

# --- scband reference (transcript-rebuilt; emitter-appended) ---
"""Pipeline reference for scband-ginwith-top-kpool-86423331930331 (READ-ONLY COPY).

The authoritative reference and input builder live on the scoring server;
editing this copy changes nothing except your own understanding.
"""

import jax, jax.numpy as jnp
import numpy as np

N, E, D, H, L = 10000, 320000, 128, 256, 128
RATIO = 0.8
N_LAYERS = 3


def setup_inputs(seed: int = 0):
    key = jax.random.key(seed)
    ks = jax.random.split(key, 16)

    def w(k, sh, fan):
        return jax.random.normal(k, sh, dtype=jnp.float32) / np.sqrt(fan)

    inp = {}
    inp["x"] = jax.random.normal(ks[0], (N, D), dtype=jnp.float32)
    inp["edge_index"] = jax.random.randint(ks[1], (2, E), 0, N, dtype=jnp.int32)
    inp["batch"] = jnp.zeros((N,), dtype=jnp.int32)
    inp["w1_0"] = w(ks[2], (D, H), D)
    inp["b1_0"] = jnp.zeros((H,), jnp.float32)
    inp["w1_12"] = w(ks[3], (2, H, H), H)
    inp["b1_12"] = jnp.zeros((2, H), jnp.float32)
    inp["w2"] = w(ks[4], (3, H, H), H)
    inp["b2"] = jnp.zeros((3, H), jnp.float32)
    inp["bn_g"] = 1.0 + 0.1 * jax.random.normal(ks[5], (3, H), dtype=jnp.float32)
    inp["bn_b"] = 0.1 * jax.random.normal(ks[6], (3, H), dtype=jnp.float32)
    inp["bn_m"] = 0.1 * jax.random.normal(ks[7], (3, H), dtype=jnp.float32)
    inp["bn_v"] = 1.0 + 0.1 * jax.random.uniform(ks[8], (3, H), dtype=jnp.float32)
    inp["pool_p"] = jax.random.normal(ks[9], (3, H), dtype=jnp.float32) / np.sqrt(H)
    inp["fc_w"] = w(ks[10], (H, L), H)
    inp["fc_b"] = jnp.zeros((L,), jnp.float32)
    return inp


def _leaky(h):
    return jnp.where(h > 0, h, 0.2 * h)


def gin_conv(x, ei, em, w1, b1, g, bb, m, v, w2, b2):
    # GINConv with eps=0: mlp((1+eps)*x + sum_{j in N(i)} x_j)
    msg = jnp.where(em[:, None], x[ei[0]], 0.0)
    agg = jax.ops.segment_sum(msg, ei[1], num_segments=x.shape[0])
    h = x + agg
    h = _leaky(h @ w1 + b1)
    h = (h - m) / jnp.sqrt(v + 1e-5) * g + bb  # BatchNorm1d (eval mode)
    h = _leaky(h @ w2 + b2)
    return h


def topk_pool(x, ei, em, batch, p):
    # TopKPooling: score = x.p/||p||, tanh nonlinearity, keep top ceil(ratio*N)
    score = x @ p / jnp.linalg.norm(p)
    y = jnp.tanh(score)
    k = int(np.ceil(RATIO * x.shape[0]))
    perm = jnp.argsort(-y)[:k]
    xn = x[perm] * y[perm][:, None]
    n = x.shape[0]
    mask = jnp.zeros((n,), dtype=bool).at[perm].set(True)
    nid = jnp.zeros((n,), dtype=jnp.int32).at[perm].set(jnp.arange(k, dtype=jnp.int32))
    em_new = em & mask[ei[0]] & mask[ei[1]]
    ein = jnp.stack([nid[ei[0]], nid[ei[1]]])
    return xn, ein, em_new, batch[perm], perm


def reference(x, edge_index, batch, w1_0, b1_0, w1_12, b1_12, w2, b2, bn_g, bn_b, bn_m, bn_v, pool_p, fc_w, fc_b):
    ei, b = edge_index, batch
    em = jnp.ones((edge_index.shape[1],), dtype=bool)
    for i in range(N_LAYERS):
        w1 = w1_0 if i == 0 else w1_12[i - 1]
        bb1 = b1_0 if i == 0 else b1_12[i - 1]
        x = gin_conv(x, ei, em, w1, bb1, bn_g[i], bn_b[i], bn_m[i], bn_v[i], w2[i], b2[i])
        # dropout is identity in eval mode
        x, ei, em, b, _ = topk_pool(x, ei, em, b, pool_p[i])
    ng = 1
    sums = jax.ops.segment_sum(x, b, num_segments=ng)
    cnt = jax.ops.segment_sum(jnp.ones((x.shape[0],), jnp.float32), b, num_segments=ng)
    out = sums / cnt[:, None]
    return out @ fc_w + fc_b

if __name__ == "__main__":
    import jax
    _d = setup_inputs()
    print(jax.jit(kernel)(*tuple(_d.values())))

</pallas_src>

<mosaic_0001>
#map = affine_map<(d0, d1) -> (0, 0)>
module attributes {stable_mosaic.version = 14 : i64} {
  func.func @_sc_agg_body(%arg0: i32, %arg1: i32, %arg2: memref<20000x128xf32, #tpu.memory_space<hbm>>, %arg3: memref<5120x128xi32, #tpu.memory_space<hbm>>, %arg4: memref<2560x128xi32, #tpu.memory_space<hbm>>, %arg5: memref<20000x128xf32, #tpu.memory_space<hbm>>, %arg6: memref<10112x128xf32, #tpu.memory_space<vmem_shared>>, %arg7: memref<64x128xi32, #tpu.memory_space<vmem>>, %arg8: memref<64x128xi32, #tpu.memory_space<vmem>>, %arg9: memref<128x128xf32, #tpu.memory_space<vmem>>, %arg10: memref<128x128xf32, #tpu.memory_space<vmem>>, %arg11: memref<!tpu.dma_semaphore, #tpu.memory_space<semaphore_mem>>, %arg12: memref<!tpu.dma_semaphore, #tpu.memory_space<semaphore_mem>>, %arg13: memref<!tpu.dma_semaphore, #tpu.memory_space<semaphore_mem>>, %arg14: memref<!tpu.dma_semaphore, #tpu.memory_space<semaphore_mem>>, %arg15: memref<!tpu.dma_semaphore, #tpu.memory_space<semaphore_mem>>) attributes {dimension_semantics = [#tpu.dimension_semantics<core_parallel>, #tpu.dimension_semantics<subcore_parallel>], iteration_bounds = array<i64: 2, 16>, scalar_prefetch = 0 : i64, scratch_operands = 10 : i64, tpu.core_type = #tpu.core_type<sc_vector_subcore>, window_params = [{transform_indices = #map}, {transform_indices = #map}, {transform_indices = #map}, {transform_indices = #map}]} {
    %mul3A = arith.constant 2560 : i32
    %mul3A_0 = arith.muli %arg0, %mul3A : i32
    %mul3A_1 = arith.constant 160 : i32
    %mul3A_2 = arith.muli %arg1, %mul3A_1 : i32
    %add3A = arith.addi %mul3A_0, %mul3A_2 : i32
    %mul3A_3 = arith.constant 160 : i32
    %mul3A_4 = arith.muli %arg1, %mul3A_3 : i32
    %scan3A = arith.constant 0 : i32
    %scan3A_5 = arith.constant 1024 : i32
    %scan3A_6 = arith.addi %scan3A, %scan3A_5 : i32
    %scan3A_7 = arith.constant 1 : i32
    scf.for %scan3A_229 = %scan3A to %scan3A_6 step %scan3A_7  : i32 {
      %broadcast_in_dim3A = arith.constant 0.000000e+00 : f32
      %broadcast_in_dim3A_230 = vector.broadcast %broadcast_in_dim3A : f32 to vector<16xf32>
      %jit3A = arith.constant 8 : i32
      %div3A = arith.divsi %scan3A_229, %jit3A : i32
      %sign3A = arith.constant 0 : i32
      %sign3A_231 = arith.cmpi sgt, %scan3A_229, %sign3A : i32
      %sign3A_232 = arith.extui %sign3A_231 : i1 to i32
      %sign3A_233 = arith.constant 0 : i32
      %sign3A_234 = arith.cmpi slt, %scan3A_229, %sign3A_233 : i32
      %sign3A_235 = arith.extui %sign3A_234 : i1 to i32
      %sign3A_236 = arith.subi %sign3A_232, %sign3A_235 : i32
      %sign3A_237 = arith.constant 0 : i32
      %sign3A_238 = arith.cmpi sgt, %jit3A, %sign3A_237 : i32
      %sign3A_239 = arith.extui %sign3A_238 : i1 to i32
      %sign3A_240 = arith.constant 0 : i32
      %sign3A_241 = arith.cmpi slt, %jit3A, %sign3A_240 : i32
      %sign3A_242 = arith.extui %sign3A_241 : i1 to i32
      %sign3A_243 = arith.subi %sign3A_239, %sign3A_242 : i32
      %ne3A = arith.cmpi ne, %sign3A_236, %sign3A_243 : i32
      %rem3A = arith.remsi %scan3A_229, %jit3A : i32
      %ne3A_244 = arith.constant 0 : i32
      %ne3A_245 = arith.cmpi ne, %rem3A, %ne3A_244 : i32
      %and3A = arith.andi %ne3A, %ne3A_245 : i1
      %sub3A = arith.constant 1 : i32
      %sub3A_246 = arith.subi %div3A, %sub3A : i32
      %select_n3A = arith.select %and3A, %sub3A_246, %div3A : i32
      %jit3A_247 = arith.constant 8 : i32
      %eq3A_248 = arith.constant 0 : i32
      %eq3A_249 = arith.cmpi eq, %jit3A_247, %eq3A_248 : i32
      %jit3A_250 = arith.constant 1 : i32
      %select_n3A_251 = arith.select %eq3A_249, %jit3A_250, %jit3A_247 : i32
      %rem3A_252 = arith.remsi %scan3A_229, %select_n3A_251 : i32
      %ne3A_253 = arith.constant 0 : i32
      %ne3A_254 = arith.cmpi ne, %rem3A_252, %ne3A_253 : i32
      %lt3A_255 = arith.constant 0 : i32
      %lt3A_256 = arith.cmpi slt, %rem3A_252, %lt3A_255 : i32
      %lt3A_257 = arith.constant 0 : i32
      %lt3A_258 = arith.cmpi slt, %select_n3A_251, %lt3A_257 : i32
      %ne3A_259 = arith.xori %lt3A_256, %lt3A_258 : i1
      %and3A_260 = arith.andi %ne3A_259, %ne3A_254 : i1
      %add3A_261 = arith.addi %rem3A_252, %select_n3A_251 : i32
      %select_n3A_262 = arith.select %and3A_260, %add3A_261, %rem3A_252 : i32
      %mul3A_263 = arith.constant 16 : i32
      %mul3A_264 = arith.muli %select_n3A_262, %mul3A_263 : i32
      %swap3A = arith.index_cast %select_n3A : i32 to index
      %swap3A_265 = arith.index_cast %mul3A_264 : i32 to index
      %swap3A_266 = tpu.vector_load %arg9[%swap3A, %swap3A_265] {strides = array<i32>} : memref<128x128xf32, #tpu.memory_space<vmem>>, vector<1x16xf32>,
      %swap3A_267 = vector.shape_cast %swap3A_266 : vector<1x16xf32> to vector<16xf32>
      %swap3A_268 = vector.shape_cast %broadcast_in_dim3A_230 : vector<16xf32> to vector<1x16xf32>
      tpu.vector_store %arg9[%swap3A, %swap3A_265], %swap3A_268 {strides = array<i32>} : memref<128x128xf32, #tpu.memory_space<vmem>>, vector<1x16xf32>,
    }
    %scan3A_8 = arith.constant 1024 : i32
    %scan3A_9 = arith.constant 0 : i32
    %scan3A_10 = arith.constant 5 : i32
    %scan3A_11 = arith.addi %scan3A_9, %scan3A_10 : i32
    %scan3A_12 = arith.constant 1 : i32
    scf.for %scan3A_229 = %scan3A_9 to %scan3A_11 step %scan3A_12  : i32 {
      %mul3A_230 = arith.constant 16 : i32
      %mul3A_231 = arith.muli %mul3A_230, %scan3A_229 : i32
      %add3A_232 = arith.addi %arg1, %mul3A_231 : i32
      %lt3A_233 = arith.constant 79 : i32
      %lt3A_234 = arith.cmpi slt, %add3A_232, %lt3A_233 : i32
      %convert_element_type3A_235 = arith.extui %lt3A_234 : i1 to i32
      %cond3A_236 = arith.constant 0 : i32
      %cond3A_237 = arith.cmpi ne, %convert_element_type3A_235, %cond3A_236 : i32
      scf.if %cond3A_237 {
        %mul3A_238 = arith.constant 128 : i32
        %mul3A_239 = arith.muli %add3A_232, %mul3A_238 : i32
        "tpu.region"() ({
          %run_scoped3A = tpu.sem_alloc : memref<!tpu.dma_semaphore, #tpu.memory_space<semaphore_mem>>
          %dma_start3A_240 = arith.constant 0 : i32
          %dma_start3A_241 = tpu.memref_slice %arg6[%mul3A_239, %dma_start3A_240] : memref<10112x128xf32, #tpu.memory_space<vmem_shared>> -> memref<128x128xf32, #tpu.memory_space<vmem_shared>>
          %dma_start3A_242 = arith.constant 0 : i32
          %dma_start3A_243 = tpu.memref_slice %arg6[%mul3A_239, %dma_start3A_242] : memref<10112x128xf32, #tpu.memory_space<vmem_shared>> -> memref<128x128xf32, #tpu.memory_space<vmem_shared>>
          tpu.enqueue_dma source(%arg9 : memref<128x128xf32, #tpu.memory_space<vmem>>) target(%dma_start3A_243 : memref<128x128xf32, #tpu.memory_space<vmem_shared>>) target_semaphore(%run_scoped3A : memref<!tpu.dma_semaphore, #tpu.memory_space<semaphore_mem>>)
          %dma_wait3A_244 = arith.constant 0 : i32
          %dma_wait3A_245 = tpu.memref_slice %arg6[%mul3A_239, %dma_wait3A_244] : memref<10112x128xf32, #tpu.memory_space<vmem_shared>> -> memref<128x128xf32, #tpu.memory_space<vmem_shared>>
          %dma_wait3A_246 = arith.constant 0 : i32
          %dma_wait3A_247 = tpu.memref_slice %arg6[%mul3A_239, %dma_wait3A_246] : memref<10112x128xf32, #tpu.memory_space<vmem_shared>> -> memref<128x128xf32, #tpu.memory_space<vmem_shared>>
          tpu.wait_dma2 semaphore(%run_scoped3A : memref<!tpu.dma_semaphore, #tpu.memory_space<semaphore_mem>>) src(%arg9 : memref<128x128xf32, #tpu.memory_space<vmem>>) dst(%dma_wait3A_247 : memref<128x128xf32, #tpu.memory_space<vmem_shared>>)
          tpu.yield
        }) : () -> ()
      } else {
      }
    }
    %scan3A_13 = arith.constant 5 : i32
    %barrier3A = arith.constant 0 : index
    tpu.barrier barrier_id(%barrier3A)
    %add3A_14 = arith.constant 0 : i32
    %add3A_15 = arith.addi %add3A, %add3A_14 : i32
    %dma_start3A = arith.constant 0 : i32
    %dma_start3A_16 = arith.constant 0 : i32
    %dma_start3A_17 = tpu.memref_slice %arg7[%dma_start3A, %dma_start3A_16] : memref<64x128xi32, #tpu.memory_space<vmem>> -> memref<64x128xi32, #tpu.memory_space<vmem>>
    %dma_start3A_18 = arith.constant 0 : i32
    %dma_start3A_19 = tpu.memref_slice %arg3[%add3A_15, %dma_start3A_18] : memref<5120x128xi32, #tpu.memory_space<hbm>> -> memref<64x128xi32, #tpu.memory_space<hbm>>
    %dma_start3A_20 = arith.constant 0 : i32
    %dma_start3A_21 = arith.constant 0 : i32
    %dma_start3A_22 = tpu.memref_slice %arg7[%dma_start3A_20, %dma_start3A_21] : memref<64x128xi32, #tpu.memory_space<vmem>> -> memref<64x128xi32, #tpu.memory_space<vmem>>
    %dma_start3A_23 = arith.constant 0 : i32
    %dma_start3A_24 = tpu.memref_slice %arg3[%add3A_15, %dma_start3A_23] : memref<5120x128xi32, #tpu.memory_space<hbm>> -> memref<64x128xi32, #tpu.memory_space<hbm>>
    tpu.enqueue_dma source(%dma_start3A_24 : memref<64x128xi32, #tpu.memory_space<hbm>>) target(%dma_start3A_22 : memref<64x128xi32, #tpu.memory_space<vmem>>) target_semaphore(%arg15 : memref<!tpu.dma_semaphore, #tpu.memory_space<semaphore_mem>>)
    %dma_wait3A = arith.constant 0 : i32
    %dma_wait3A_25 = arith.constant 0 : i32
    %dma_wait3A_26 = tpu.memref_slice %arg7[%dma_wait3A, %dma_wait3A_25] : memref<64x128xi32, #tpu.memory_space<vmem>> -> memref<64x128xi32, #tpu.memory_space<vmem>>
    %dma_wait3A_27 = arith.constant 0 : i32
    %dma_wait3A_28 = tpu.memref_slice %arg3[%add3A_15, %dma_wait3A_27] : memref<5120x128xi32, #tpu.memory_space<hbm>> -> memref<64x128xi32, #tpu.memory_space<hbm>>
    %dma_wait3A_29 = arith.constant 0 : i32
    %dma_wait3A_30 = arith.constant 0 : i32
    %dma_wait3A_31 = tpu.memref_slice %arg7[%dma_wait3A_29, %dma_wait3A_30] : memref<64x128xi32, #tpu.memory_space<vmem>> -> memref<64x128xi32, #tpu.memory_space<vmem>>
    %dma_wait3A_32 = arith.constant 0 : i32
    %dma_wait3A_33 = tpu.memref_slice %arg3[%add3A_15, %dma_wait3A_32] : memref<5120x128xi32, #tpu.memory_space<hbm>> -> memref<64x128xi32, #tpu.memory_space<hbm>>
    tpu.wait_dma2 semaphore(%arg15 : memref<!tpu.dma_semaphore, #tpu.memory_space<semaphore_mem>>) src(%dma_wait3A_33 : memref<64x128xi32, #tpu.memory_space<hbm>>) dst(%dma_wait3A_31 : memref<64x128xi32, #tpu.memory_space<vmem>>)
    %add3A_34 = arith.constant 0 : i32
    %add3A_35 = arith.addi %mul3A_4, %add3A_34 : i32
    %dma_start3A_36 = arith.constant 0 : i32
    %dma_start3A_37 = arith.constant 0 : i32
    %dma_start3A_38 = tpu.memref_slice %arg8[%dma_start3A_36, %dma_start3A_37] : memref<64x128xi32, #tpu.memory_space<vmem>> -> memref<64x128xi32, #tpu.memory_space<vmem>>
    %dma_start3A_39 = arith.constant 0 : i32
    %dma_start3A_40 = tpu.memref_slice %arg4[%add3A_35, %dma_start3A_39] : memref<2560x128xi32, #tpu.memory_space<hbm>> -> memref<64x128xi32, #tpu.memory_space<hbm>>
    %dma_start3A_41 = arith.constant 0 : i32
    %dma_start3A_42 = arith.constant 0 : i32
    %dma_start3A_43 = tpu.memref_slice %arg8[%dma_start3A_41, %dma_start3A_42] : memref<64x128xi32, #tpu.memory_space<vmem>> -> memref<64x128xi32, #tpu.memory_space<vmem>>
    %dma_start3A_44 = arith.constant 0 : i32
    %dma_start3A_45 = tpu.memref_slice %arg4[%add3A_35, %dma_start3A_44] : memref<2560x128xi32, #tpu.memory_space<hbm>> -> memref<64x128xi32, #tpu.memory_space<hbm>>
    tpu.enqueue_dma source(%dma_start3A_45 : memref<64x128xi32, #tpu.memory_space<hbm>>) target(%dma_start3A_43 : memref<64x128xi32, #tpu.memory_space<vmem>>) target_semaphore(%arg15 : memref<!tpu.dma_semaphore, #tpu.memory_space<semaphore_mem>>)
    %dma_wait3A_46 = arith.constant 0 : i32
    %dma_wait3A_47 = arith.constant 0 : i32
    %dma_wait3A_48 = tpu.memref_slice %arg8[%dma_wait3A_46, %dma_wait3A_47] : memref<64x128xi32, #tpu.memory_space<vmem>> -> memref<64x128xi32, #tpu.memory_space<vmem>>
    %dma_wait3A_49 = arith.constant 0 : i32
    %dma_wait3A_50 = tpu.memref_slice %arg4[%add3A_35, %dma_wait3A_49] : memref<2560x128xi32, #tpu.memory_space<hbm>> -> memref<64x128xi32, #tpu.memory_space<hbm>>
    %dma_wait3A_51 = arith.constant 0 : i32
    %dma_wait3A_52 = arith.constant 0 : i32
    %dma_wait3A_53 = tpu.memref_slice %arg8[%dma_wait3A_51, %dma_wait3A_52] : memref<64x128xi32, #tpu.memory_space<vmem>> -> memref<64x128xi32, #tpu.memory_space<vmem>>
    %dma_wait3A_54 = arith.constant 0 : i32
    %dma_wait3A_55 = tpu.memref_slice %arg4[%add3A_35, %dma_wait3A_54] : memref<2560x128xi32, #tpu.memory_space<hbm>> -> memref<64x128xi32, #tpu.memory_space<hbm>>
    tpu.wait_dma2 semaphore(%arg15 : memref<!tpu.dma_semaphore, #tpu.memory_space<semaphore_mem>>) src(%dma_wait3A_55 : memref<64x128xi32, #tpu.memory_space<hbm>>) dst(%dma_wait3A_53 : memref<64x128xi32, #tpu.memory_space<vmem>>)
    %dma_start3A_56 = arith.constant 0 : i32
    %dma_start3A_57 = arith.constant 0 : i32
    %dma_start3A_58 = tpu.memref_slice %arg7[%dma_start3A_56, %dma_start3A_57] : memref<64x128xi32, #tpu.memory_space<vmem>> -> memref<1x128xi32, #tpu.memory_space<vmem>>
    %dma_start3A_59 = tpu.memref_squeeze %dma_start3A_58 : memref<1x128xi32, #tpu.memory_space<vmem>> -> memref<128xi32, #tpu.memory_space<vmem>>
    %dma_start3A_60 = arith.constant 0 : i32
    %dma_start3A_61 = arith.constant 0 : i32
    %dma_start3A_62 = tpu.memref_slice %arg2[%dma_start3A_60, %dma_start3A_61] : memref<20000x128xf32, #tpu.memory_space<hbm>> -> memref<20000x128xf32, #tpu.memory_space<hbm>>
    tpu.enqueue_indirect_dma source(%dma_start3A_62 : memref<20000x128xf32, #tpu.memory_space<hbm>>) target(%arg9 : memref<128x128xf32, #tpu.memory_space<vmem>>) offsets(%dma_start3A_59 : memref<128xi32, #tpu.memory_space<vmem>>) semaphore(%arg11 : memref<!tpu.dma_semaphore, #tpu.memory_space<semaphore_mem>>)
    %scan3A_63 = arith.constant 0 : i32
    %scan3A_64 = arith.constant 32 : i32
    %scan3A_65 = arith.addi %scan3A_63, %scan3A_64 : i32
    %scan3A_66 = arith.constant 1 : i32
    scf.for %scan3A_229 = %scan3A_63 to %scan3A_65 step %scan3A_66  : i32 {
      %mul3A_230 = arith.constant 2 : i32
      %mul3A_231 = arith.muli %mul3A_230, %scan3A_229 : i32
      %dma_wait3A_232 = arith.constant 0 : i32
      %dma_wait3A_233 = tpu.memref_slice %arg7[%mul3A_231, %dma_wait3A_232] : memref<64x128xi32, #tpu.memory_space<vmem>> -> memref<1x128xi32, #tpu.memory_space<vmem>>
      %dma_wait3A_234 = tpu.memref_squeeze %dma_wait3A_233 : memref<1x128xi32, #tpu.memory_space<vmem>> -> memref<128xi32, #tpu.memory_space<vmem>>
      %dma_wait3A_235 = arith.constant 0 : i32
      %dma_wait3A_236 = arith.constant 0 : i32
      %dma_wait3A_237 = tpu.memref_slice %arg2[%dma_wait3A_235, %dma_wait3A_236] : memref<20000x128xf32, #tpu.memory_space<hbm>> -> memref<20000x128xf32, #tpu.memory_space<hbm>>
      tpu.wait_indirect_dma semaphore(%arg11 : memref<!tpu.dma_semaphore, #tpu.memory_space<semaphore_mem>>) src(%dma_wait3A_237 : memref<20000x128xf32, #tpu.memory_space<hbm>>) dst(%arg9 : memref<128x128xf32, #tpu.memory_space<vmem>>)
      %dma_start3A_238 = arith.constant 0 : i32
      %dma_start3A_239 = tpu.memref_slice %arg8[%mul3A_231, %dma_start3A_238] : memref<64x128xi32, #tpu.memory_space<vmem>> -> memref<1x128xi32, #tpu.memory_space<vmem>>
      %dma_start3A_240 = tpu.memref_squeeze %dma_start3A_239 : memref<1x128xi32, #tpu.memory_space<vmem>> -> memref<128xi32, #tpu.memory_space<vmem>>
      %dma_start3A_241 = arith.constant 0 : i32
      %dma_start3A_242 = arith.constant 0 : i32
      %dma_start3A_243 = tpu.memref_slice %arg6[%dma_start3A_241, %dma_start3A_242] : memref<10112x128xf32, #tpu.memory_space<vmem_shared>> -> memref<10112x128xf32, #tpu.memory_space<vmem_shared>>
      tpu.enqueue_indirect_dma source(%arg9 : memref<128x128xf32, #tpu.memory_space<vmem>>) target(%dma_start3A_243 : memref<10112x128xf32, #tpu.memory_space<vmem_shared>>) offsets(%dma_start3A_240 : memref<128xi32, #tpu.memory_space<vmem>>) semaphore(%arg13 : memref<!tpu.dma_semaphore, #tpu.memory_space<semaphore_mem>>) {add = true}
      %gt3A = arith.constant 0 : i32
      %gt3A_244 = arith.cmpi sgt, %scan3A_229, %gt3A : i32
      %convert_element_type3A_245 = arith.extui %gt3A_244 : i1 to i32
      %cond3A_246 = arith.constant 0 : i32
      %cond3A_247 = arith.cmpi ne, %convert_element_type3A_245, %cond3A_246 : i32
      scf.if %cond3A_247 {
        %sub3A = arith.constant 1 : i32
        %sub3A_279 = arith.subi %mul3A_231, %sub3A : i32
        %dma_wait3A_280 = arith.constant 0 : i32
        %dma_wait3A_281 = tpu.memref_slice %arg8[%sub3A_279, %dma_wait3A_280] : memref<64x128xi32, #tpu.memory_space<vmem>> -> memref<1x128xi32, #tpu.memory_space<vmem>>
        %dma_wait3A_282 = tpu.memref_squeeze %dma_wait3A_281 : memref<1x128xi32, #tpu.memory_space<vmem>> -> memref<128xi32, #tpu.memory_space<vmem>>
        %dma_wait3A_283 = arith.constant 0 : i32
        %dma_wait3A_284 = arith.constant 0 : i32
        %dma_wait3A_285 = tpu.memref_slice %arg6[%dma_wait3A_283, %dma_wait3A_284] : memref<10112x128xf32, #tpu.memory_space<vmem_shared>> -> memref<10112x128xf32, #tpu.memory_space<vmem_shared>>
        tpu.wait_indirect_dma semaphore(%arg14 : memref<!tpu.dma_semaphore, #tpu.memory_space<semaphore_mem>>) src(%arg10 : memref<128x128xf32, #tpu.memory_space<vmem>>) dst(%dma_wait3A_285 : memref<10112x128xf32, #tpu.memory_space<vmem_shared>>)
      } else {
      }
      %add3A_248 = arith.constant 1 : i32
      %add3A_249 = arith.addi %mul3A_231, %add3A_248 : i32
      %dma_start3A_250 = arith.constant 0 : i32
      %dma_start3A_251 = tpu.memref_slice %arg7[%add3A_249, %dma_start3A_250] : memref<64x128xi32, #tpu.memory_space<vmem>> -> memref<1x128xi32, #tpu.memory_space<vmem>>
      %dma_start3A_252 = tpu.memref_squeeze %dma_start3A_251 : memref<1x128xi32, #tpu.memory_space<vmem>> -> memref<128xi32, #tpu.memory_space<vmem>>
      %dma_start3A_253 = arith.constant 0 : i32
      %dma_start3A_254 = arith.constant 0 : i32
      %dma_start3A_255 = tpu.memref_slice %arg2[%dma_start3A_253, %dma_start3A_254] : memref<20000x128xf32, #tpu.memory_space<hbm>> -> memref<20000x128xf32, #tpu.memory_space<hbm>>
      tpu.enqueue_indirect_dma source(%dma_start3A_255 : memref<20000x128xf32, #tpu.memory_space<hbm>>) target(%arg10 : memref<128x128xf32, #tpu.memory_space<vmem>>) offsets(%dma_start3A_252 : memref<128xi32, #tpu.memory_space<vmem>>) semaphore(%arg12 : memref<!tpu.dma_semaphore, #tpu.memory_space<semaphore_mem>>)
      %add3A_256 = arith.constant 2 : i32
      %add3A_257 = arith.addi %mul3A_231, %add3A_256 : i32
      %lt3A_258 = arith.constant 64 : i32
      %lt3A_259 = arith.cmpi slt, %add3A_257, %lt3A_258 : i32
      %convert_element_type3A_260 = arith.extui %lt3A_259 : i1 to i32
      %cond3A_261 = arith.constant 0 : i32
      %cond3A_262 = arith.cmpi ne, %convert_element_type3A_260, %cond3A_261 : i32
      scf.if %cond3A_262 {
        %dma_wait3A_279 = arith.constant 0 : i32
        %dma_wait3A_280 = tpu.memref_slice %arg8[%mul3A_231, %dma_wait3A_279] : memref<64x128xi32, #tpu.memory_space<vmem>> -> memref<1x128xi32, #tpu.memory_space<vmem>>
        %dma_wait3A_281 = tpu.memref_squeeze %dma_wait3A_280 : memref<1x128xi32, #tpu.memory_space<vmem>> -> memref<128xi32, #tpu.memory_space<vmem>>
        %dma_wait3A_282 = arith.constant 0 : i32
        %dma_wait3A_283 = arith.constant 0 : i32
        %dma_wait3A_284 = tpu.memref_slice %arg6[%dma_wait3A_282, %dma_wait3A_283] : memref<10112x128xf32, #tpu.memory_space<vmem_shared>> -> memref<10112x128xf32, #tpu.memory_space<vmem_shared>>
        tpu.wait_indirect_dma semaphore(%arg13 : memref<!tpu.dma_semaphore, #tpu.memory_space<semaphore_mem>>) src(%arg9 : memref<128x128xf32, #tpu.memory_space<vmem>>) dst(%dma_wait3A_284 : memref<10112x128xf32, #tpu.memory_space<vmem_shared>>)
        %add3A_285 = arith.constant 2 : i32
        %add3A_286 = arith.addi %mul3A_231, %add3A_285 : i32
        %dma_start3A_287 = arith.constant 0 : i32
        %dma_start3A_288 = tpu.memref_slice %arg7[%add3A_286, %dma_start3A_287] : memref<64x128xi32, #tpu.memory_space<vmem>> -> memref<1x128xi32, #tpu.memory_space<vmem>>
        %dma_start3A_289 = tpu.memref_squeeze %dma_start3A_288 : memref<1x128xi32, #tpu.memory_space<vmem>> -> memref<128xi32, #tpu.memory_space<vmem>>
        %dma_start3A_290 = arith.constant 0 : i32
        %dma_start3A_291 = arith.constant 0 : i32
        %dma_start3A_292 = tpu.memref_slice %arg2[%dma_start3A_290, %dma_start3A_291] : memref<20000x128xf32, #tpu.memory_space<hbm>> -> memref<20000x128xf32, #tpu.memory_space<hbm>>
        tpu.enqueue_indirect_dma source(%dma_start3A_292 : memref<20000x128xf32, #tpu.memory_space<hbm>>) target(%arg9 : memref<128x128xf32, #tpu.memory_space<vmem>>) offsets(%dma_start3A_289 : memref<128xi32, #tpu.memory_space<vmem>>) semaphore(%arg11 : memref<!tpu.dma_semaphore, #tpu.memory_space<semaphore_mem>>)
      } else {
      }
      %add3A_263 = arith.constant 1 : i32
      %add3A_264 = arith.addi %mul3A_231, %add3A_263 : i32
      %dma_wait3A_265 = arith.constant 0 : i32
      %dma_wait3A_266 = tpu.memref_slice %arg7[%add3A_264, %dma_wait3A_265] : memref<64x128xi32, #tpu.memory_space<vmem>> -> memref<1x128xi32, #tpu.memory_space<vmem>>
      %dma_wait3A_267 = tpu.memref_squeeze %dma_wait3A_266 : memref<1x128xi32, #tpu.memory_space<vmem>> -> memref<128xi32, #tpu.memory_space<vmem>>
      %dma_wait3A_268 = arith.constant 0 : i32
      %dma_wait3A_269 = arith.constant 0 : i32
      %dma_wait3A_270 = tpu.memref_slice %arg2[%dma_wait3A_268, %dma_wait3A_269] : memref<20000x128xf32, #tpu.memory_space<hbm>> -> memref<20000x128xf32, #tpu.memory_space<hbm>>
      tpu.wait_indirect_dma semaphore(%arg12 : memref<!tpu.dma_semaphore, #tpu.memory_space<semaphore_mem>>) src(%dma_wait3A_270 : memref<20000x128xf32, #tpu.memory_space<hbm>>) dst(%arg10 : memref<128x128xf32, #tpu.memory_space<vmem>>)
      %add3A_271 = arith.constant 1 : i32
      %add3A_272 = arith.addi %mul3A_231, %add3A_271 : i32
      %dma_start3A_273 = arith.constant 0 : i32
      %dma_start3A_274 = tpu.memref_slice %arg8[%add3A_272, %dma_start3A_273] : memref<64x128xi32, #tpu.memory_space<vmem>> -> memref<1x128xi32, #tpu.memory_space<vmem>>
      %dma_start3A_275 = tpu.memref_squeeze %dma_start3A_274 : memref<1x128xi32, #tpu.memory_space<vmem>> -> memref<128xi32, #tpu.memory_space<vmem>>
      %dma_start3A_276 = arith.constant 0 : i32
      %dma_start3A_277 = arith.constant 0 : i32
      %dma_start3A_278 = tpu.memref_slice %arg6[%dma_start3A_276, %dma_start3A_277] : memref<10112x128xf32, #tpu.memory_space<vmem_shared>> -> memref<10112x128xf32, #tpu.memory_space<vmem_shared>>
      tpu.enqueue_indirect_dma source(%arg10 : memref<128x128xf32, #tpu.memory_space<vmem>>) target(%dma_start3A_278 : memref<10112x128xf32, #tpu.memory_space<vmem_shared>>) offsets(%dma_start3A_275 : memref<128xi32, #tpu.memory_space<vmem>>) semaphore(%arg14 : memref<!tpu.dma_semaphore, #tpu.memory_space<semaphore_mem>>) {add = true}
    }
    %scan3A_67 = arith.constant 32 : i32
    %dma_wait3A_68 = arith.constant 62 : i32
    %dma_wait3A_69 = arith.constant 0 : i32
    %dma_wait3A_70 = tpu.memref_slice %arg8[%dma_wait3A_68, %dma_wait3A_69] : memref<64x128xi32, #tpu.memory_space<vmem>> -> memref<1x128xi32, #tpu.memory_space<vmem>>
    %dma_wait3A_71 = tpu.memref_squeeze %dma_wait3A_70 : memref<1x128xi32, #tpu.memory_space<vmem>> -> memref<128xi32, #tpu.memory_space<vmem>>
    %dma_wait3A_72 = arith.constant 0 : i32
    %dma_wait3A_73 = arith.constant 0 : i32
    %dma_wait3A_74 = tpu.memref_slice %arg6[%dma_wait3A_72, %dma_wait3A_73] : memref<10112x128xf32, #tpu.memory_space<vmem_shared>> -> memref<10112x128xf32, #tpu.memory_space<vmem_shared>>
    tpu.wait_indirect_dma semaphore(%arg13 : memref<!tpu.dma_semaphore, #tpu.memory_space<semaphore_mem>>) src(%arg9 : memref<128x128xf32, #tpu.memory_space<vmem>>) dst(%dma_wait3A_74 : memref<10112x128xf32, #tpu.memory_space<vmem_shared>>)
    %dma_wait3A_75 = arith.constant 63 : i32
    %dma_wait3A_76 = arith.constant 0 : i32
    %dma_wait3A_77 = tpu.memref_slice %arg8[%dma_wait3A_75, %dma_wait3A_76] : memref<64x128xi32, #tpu.memory_space<vmem>> -> memref<1x128xi32, #tpu.memory_space<vmem>>
    %dma_wait3A_78 = tpu.memref_squeeze %dma_wait3A_77 : memref<1x128xi32, #tpu.memory_space<vmem>> -> memref<128xi32, #tpu.memory_space<vmem>>
    %dma_wait3A_79 = arith.constant 0 : i32
    %dma_wait3A_80 = arith.constant 0 : i32
    %dma_wait3A_81 = tpu.memref_slice %arg6[%dma_wait3A_79, %dma_wait3A_80] : memref<10112x128xf32, #tpu.memory_space<vmem_shared>> -> memref<10112x128xf32, #tpu.memory_space<vmem_shared>>
    tpu.wait_indirect_dma semaphore(%arg14 : memref<!tpu.dma_semaphore, #tpu.memory_space<semaphore_mem>>) src(%arg10 : memref<128x128xf32, #tpu.memory_space<vmem>>) dst(%dma_wait3A_81 : memref<10112x128xf32, #tpu.memory_space<vmem_shared>>)
    %add3A_82 = arith.constant 64 : i32
    %add3A_83 = arith.addi %add3A, %add3A_82 : i32
    %dma_start3A_84 = arith.constant 0 : i32
    %dma_start3A_85 = arith.constant 0 : i32
    %dma_start3A_86 = tpu.memref_slice %arg7[%dma_start3A_84, %dma_start3A_85] : memref<64x128xi32, #tpu.memory_space<vmem>> -> memref<64x128xi32, #tpu.memory_space<vmem>>
    %dma_start3A_87 = arith.constant 0 : i32
    %dma_start3A_88 = tpu.memref_slice %arg3[%add3A_83, %dma_start3A_87] : memref<5120x128xi32, #tpu.memory_space<hbm>> -> memref<64x128xi32, #tpu.memory_space<hbm>>
    %dma_start3A_89 = arith.constant 0 : i32
    %dma_start3A_90 = arith.constant 0 : i32
    %dma_start3A_91 = tpu.memref_slice %arg7[%dma_start3A_89, %dma_start3A_90] : memref<64x128xi32, #tpu.memory_space<vmem>> -> memref<64x128xi32, #tpu.memory_space<vmem>>
    %dma_start3A_92 = arith.constant 0 : i32
    %dma_start3A_93 = tpu.memref_slice %arg3[%add3A_83, %dma_start3A_92] : memref<5120x128xi32, #tpu.memory_space<hbm>> -> memref<64x128xi32, #tpu.memory_space<hbm>>
    tpu.enqueue_dma source(%dma_start3A_93 : memref<64x128xi32, #tpu.memory_space<hbm>>) target(%dma_start3A_91 : memref<64x128xi32, #tpu.memory_space<vmem>>) target_semaphore(%arg15 : memref<!tpu.dma_semaphore, #tpu.memory_space<semaphore_mem>>)
    %dma_wait3A_94 = arith.constant 0 : i32
    %dma_wait3A_95 = arith.constant 0 : i32
    %dma_wait3A_96 = tpu.memref_slice %arg7[%dma_wait3A_94, %dma_wait3A_95] : memref<64x128xi32, #tpu.memory_space<vmem>> -> memref<64x128xi32, #tpu.memory_space<vmem>>
    %dma_wait3A_97 = arith.constant 0 : i32
    %dma_wait3A_98 = tpu.memref_slice %arg3[%add3A_83, %dma_wait3A_97] : memref<5120x128xi32, #tpu.memory_space<hbm>> -> memref<64x128xi32, #tpu.memory_space<hbm>>
    %dma_wait3A_99 = arith.constant 0 : i32
    %dma_wait3A_100 = arith.constant 0 : i32
    %dma_wait3A_101 = tpu.memref_slice %arg7[%dma_wait3A_99, %dma_wait3A_100] : memref<64x128xi32, #tpu.memory_space<vmem>> -> memref<64x128xi32, #tpu.memory_space<vmem>>
    %dma_wait3A_102 = arith.constant 0 : i32
    %dma_wait3A_103 = tpu.memref_slice %arg3[%add3A_83, %dma_wait3A_102] : memref<5120x128xi32, #tpu.memory_space<hbm>> -> memref<64x128xi32, #tpu.memory_space<hbm>>
    tpu.wait_dma2 semaphore(%arg15 : memref<!tpu.dma_semaphore, #tpu.memory_space<semaphore_mem>>) src(%dma_wait3A_103 : memref<64x128xi32, #tpu.memory_space<hbm>>) dst(%dma_wait3A_101 : memref<64x128xi32, #tpu.memory_space<vmem>>)
    %add3A_104 = arith.constant 64 : i32
    %add3A_105 = arith.addi %mul3A_4, %add3A_104 : i32
    %dma_start3A_106 = arith.constant 0 : i32
    %dma_start3A_107 = arith.constant 0 : i32
    %dma_start3A_108 = tpu.memref_slice %arg8[%dma_start3A_106, %dma_start3A_107] : memref<64x128xi32, #tpu.memory_space<vmem>> -> memref<64x128xi32, #tpu.memory_space<vmem>>
    %dma_start3A_109 = arith.constant 0 : i32
    %dma_start3A_110 = tpu.memref_slice %arg4[%add3A_105, %dma_start3A_109] : memref<2560x128xi32, #tpu.memory_space<hbm>> -> memref<64x128xi32, #tpu.memory_space<hbm>>
    %dma_start3A_111 = arith.constant 0 : i32
    %dma_start3A_112 = arith.constant 0 : i32
    %dma_start3A_113 = tpu.memref_slice %arg8[%dma_start3A_111, %dma_start3A_112] : memref<64x128xi32, #tpu.memory_space<vmem>> -> memref<64x128xi32, #tpu.memory_space<vmem>>
    %dma_start3A_114 = arith.constant 0 : i32
    %dma_start3A_115 = tpu.memref_slice %arg4[%add3A_105, %dma_start3A_114] : memref<2560x128xi32, #tpu.memory_space<hbm>> -> memref<64x128xi32, #tpu.memory_space<hbm>>
    tpu.enqueue_dma source(%dma_start3A_115 : memref<64x128xi32, #tpu.memory_space<hbm>>) target(%dma_start3A_113 : memref<64x128xi32, #tpu.memory_space<vmem>>) target_semaphore(%arg15 : memref<!tpu.dma_semaphore, #tpu.memory_space<semaphore_mem>>)
    %dma_wait3A_116 = arith.constant 0 : i32
    %dma_wait3A_117 = arith.constant 0 : i32
    %dma_wait3A_118 = tpu.memref_slice %arg8[%dma_wait3A_116, %dma_wait3A_117] : memref<64x128xi32, #tpu.memory_space<vmem>> -> memref<64x128xi32, #tpu.memory_space<vmem>>
    %dma_wait3A_119 = arith.constant 0 : i32
    %dma_wait3A_120 = tpu.memref_slice %arg4[%add3A_105, %dma_wait3A_119] : memref<2560x128xi32, #tpu.memory_space<hbm>> -> memref<64x128xi32, #tpu.memory_space<hbm>>
    %dma_wait3A_121 = arith.constant 0 : i32
    %dma_wait3A_122 = arith.constant 0 : i32
    %dma_wait3A_123 = tpu.memref_slice %arg8[%dma_wait3A_121, %dma_wait3A_122] : memref<64x128xi32, #tpu.memory_space<vmem>> -> memref<64x128xi32, #tpu.memory_space<vmem>>
    %dma_wait3A_124 = arith.constant 0 : i32
    %dma_wait3A_125 = tpu.memref_slice %arg4[%add3A_105, %dma_wait3A_124] : memref<2560x128xi32, #tpu.memory_space<hbm>> -> memref<64x128xi32, #tpu.memory_space<hbm>>
    tpu.wait_dma2 semaphore(%arg15 : memref<!tpu.dma_semaphore, #tpu.memory_space<semaphore_mem>>) src(%dma_wait3A_125 : memref<64x128xi32, #tpu.memory_space<hbm>>) dst(%dma_wait3A_123 : memref<64x128xi32, #tpu.memory_space<vmem>>)
    %dma_start3A_126 = arith.constant 0 : i32
    %dma_start3A_127 = arith.constant 0 : i32
    %dma_start3A_128 = tpu.memref_slice %arg7[%dma_start3A_126, %dma_start3A_127] : memref<64x128xi32, #tpu.memory_space<vmem>> -> memref<1x128xi32, #tpu.memory_space<vmem>>
    %dma_start3A_129 = tpu.memref_squeeze %dma_start3A_128 : memref<1x128xi32, #tpu.memory_space<vmem>> -> memref<128xi32, #tpu.memory_space<vmem>>
    %dma_start3A_130 = arith.constant 0 : i32
    %dma_start3A_131 = arith.constant 0 : i32
    %dma_start3A_132 = tpu.memref_slice %arg2[%dma_start3A_130, %dma_start3A_131] : memref<20000x128xf32, #tpu.memory_space<hbm>> -> memref<20000x128xf32, #tpu.memory_space<hbm>>
    tpu.enqueue_indirect_dma source(%dma_start3A_132 : memref<20000x128xf32, #tpu.memory_space<hbm>>) target(%arg9 : memref<128x128xf32, #tpu.memory_space<vmem>>) offsets(%dma_start3A_129 : memref<128xi32, #tpu.memory_space<vmem>>) semaphore(%arg11 : memref<!tpu.dma_semaphore, #tpu.memory_space<semaphore_mem>>)
    %scan3A_133 = arith.constant 0 : i32
    %scan3A_134 = arith.constant 32 : i32
    %scan3A_135 = arith.addi %scan3A_133, %scan3A_134 : i32
    %scan3A_136 = arith.constant 1 : i32
    scf.for %scan3A_229 = %scan3A_133 to %scan3A_135 step %scan3A_136  : i32 {
      %mul3A_230 = arith.constant 2 : i32
      %mul3A_231 = arith.muli %mul3A_230, %scan3A_229 : i32
      %dma_wait3A_232 = arith.constant 0 : i32
      %dma_wait3A_233 = tpu.memref_slice %arg7[%mul3A_231, %dma_wait3A_232] : memref<64x128xi32, #tpu.memory_space<vmem>> -> memref<1x128xi32, #tpu.memory_space<vmem>>
      %dma_wait3A_234 = tpu.memref_squeeze %dma_wait3A_233 : memref<1x128xi32, #tpu.memory_space<vmem>> -> memref<128xi32, #tpu.memory_space<vmem>>
      %dma_wait3A_235 = arith.constant 0 : i32
      %dma_wait3A_236 = arith.constant 0 : i32
      %dma_wait3A_237 = tpu.memref_slice %arg2[%dma_wait3A_235, %dma_wait3A_236] : memref<20000x128xf32, #tpu.memory_space<hbm>> -> memref<20000x128xf32, #tpu.memory_space<hbm>>
      tpu.wait_indirect_dma semaphore(%arg11 : memref<!tpu.dma_semaphore, #tpu.memory_space<semaphore_mem>>) src(%dma_wait3A_237 : memref<20000x128xf32, #tpu.memory_space<hbm>>) dst(%arg9 : memref<128x128xf32, #tpu.memory_space<vmem>>)
      %dma_start3A_238 = arith.constant 0 : i32
      %dma_start3A_239 = tpu.memref_slice %arg8[%mul3A_231, %dma_start3A_238] : memref<64x128xi32, #tpu.memory_space<vmem>> -> memref<1x128xi32, #tpu.memory_space<vmem>>
      %dma_start3A_240 = tpu.memref_squeeze %dma_start3A_239 : memref<1x128xi32, #tpu.memory_space<vmem>> -> memref<128xi32, #tpu.memory_space<vmem>>
      %dma_start3A_241 = arith.constant 0 : i32
      %dma_start3A_242 = arith.constant 0 : i32
      %dma_start3A_243 = tpu.memref_slice %arg6[%dma_start3A_241, %dma_start3A_242] : memref<10112x128xf32, #tpu.memory_space<vmem_shared>> -> memref<10112x128xf32, #tpu.memory_space<vmem_shared>>
      tpu.enqueue_indirect_dma source(%arg9 : memref<128x128xf32, #tpu.memory_space<vmem>>) target(%dma_start3A_243 : memref<10112x128xf32, #tpu.memory_space<vmem_shared>>) offsets(%dma_start3A_240 : memref<128xi32, #tpu.memory_space<vmem>>) semaphore(%arg13 : memref<!tpu.dma_semaphore, #tpu.memory_space<semaphore_mem>>) {add = true}
      %gt3A = arith.constant 0 : i32
      %gt3A_244 = arith.cmpi sgt, %scan3A_229, %gt3A : i32
      %convert_element_type3A_245 = arith.extui %gt3A_244 : i1 to i32
      %cond3A_246 = arith.constant 0 : i32
      %cond3A_247 = arith.cmpi ne, %convert_element_type3A_245, %cond3A_246 : i32
      scf.if %cond3A_247 {
        %sub3A = arith.constant 1 : i32
        %sub3A_279 = arith.subi %mul3A_231, %sub3A : i32
        %dma_wait3A_280 = arith.constant 0 : i32
        %dma_wait3A_281 = tpu.memref_slice %arg8[%sub3A_279, %dma_wait3A_280] : memref<64x128xi32, #tpu.memory_space<vmem>> -> memref<1x128xi32, #tpu.memory_space<vmem>>
        %dma_wait3A_282 = tpu.memref_squeeze %dma_wait3A_281 : memref<1x128xi32, #tpu.memory_space<vmem>> -> memref<128xi32, #tpu.memory_space<vmem>>
        %dma_wait3A_283 = arith.constant 0 : i32
        %dma_wait3A_284 = arith.constant 0 : i32
        %dma_wait3A_285 = tpu.memref_slice %arg6[%dma_wait3A_283, %dma_wait3A_284] : memref<10112x128xf32, #tpu.memory_space<vmem_shared>> -> memref<10112x128xf32, #tpu.memory_space<vmem_shared>>
        tpu.wait_indirect_dma semaphore(%arg14 : memref<!tpu.dma_semaphore, #tpu.memory_space<semaphore_mem>>) src(%arg10 : memref<128x128xf32, #tpu.memory_space<vmem>>) dst(%dma_wait3A_285 : memref<10112x128xf32, #tpu.memory_space<vmem_shared>>)
      } else {
      }
      %add3A_248 = arith.constant 1 : i32
      %add3A_249 = arith.addi %mul3A_231, %add3A_248 : i32
      %dma_start3A_250 = arith.constant 0 : i32
      %dma_start3A_251 = tpu.memref_slice %arg7[%add3A_249, %dma_start3A_250] : memref<64x128xi32, #tpu.memory_space<vmem>> -> memref<1x128xi32, #tpu.memory_space<vmem>>
      %dma_start3A_252 = tpu.memref_squeeze %dma_start3A_251 : memref<1x128xi32, #tpu.memory_space<vmem>> -> memref<128xi32, #tpu.memory_space<vmem>>
      %dma_start3A_253 = arith.constant 0 : i32
      %dma_start3A_254 = arith.constant 0 : i32
      %dma_start3A_255 = tpu.memref_slice %arg2[%dma_start3A_253, %dma_start3A_254] : memref<20000x128xf32, #tpu.memory_space<hbm>> -> memref<20000x128xf32, #tpu.memory_space<hbm>>
      tpu.enqueue_indirect_dma source(%dma_start3A_255 : memref<20000x128xf32, #tpu.memory_space<hbm>>) target(%arg10 : memref<128x128xf32, #tpu.memory_space<vmem>>) offsets(%dma_start3A_252 : memref<128xi32, #tpu.memory_space<vmem>>) semaphore(%arg12 : memref<!tpu.dma_semaphore, #tpu.memory_space<semaphore_mem>>)
      %add3A_256 = arith.constant 2 : i32
      %add3A_257 = arith.addi %mul3A_231, %add3A_256 : i32
      %lt3A_258 = arith.constant 64 : i32
      %lt3A_259 = arith.cmpi slt, %add3A_257, %lt3A_258 : i32
      %convert_element_type3A_260 = arith.extui %lt3A_259 : i1 to i32
      %cond3A_261 = arith.constant 0 : i32
      %cond3A_262 = arith.cmpi ne, %convert_element_type3A_260, %cond3A_261 : i32
      scf.if %cond3A_262 {
        %dma_wait3A_279 = arith.constant 0 : i32
        %dma_wait3A_280 = tpu.memref_slice %arg8[%mul3A_231, %dma_wait3A_279] : memref<64x128xi32, #tpu.memory_space<vmem>> -> memref<1x128xi32, #tpu.memory_space<vmem>>
        %dma_wait3A_281 = tpu.memref_squeeze %dma_wait3A_280 : memref<1x128xi32, #tpu.memory_space<vmem>> -> memref<128xi32, #tpu.memory_space<vmem>>
        %dma_wait3A_282 = arith.constant 0 : i32
        %dma_wait3A_283 = arith.constant 0 : i32
        %dma_wait3A_284 = tpu.memref_slice %arg6[%dma_wait3A_282, %dma_wait3A_283] : memref<10112x128xf32, #tpu.memory_space<vmem_shared>> -> memref<10112x128xf32, #tpu.memory_space<vmem_shared>>
        tpu.wait_indirect_dma semaphore(%arg13 : memref<!tpu.dma_semaphore, #tpu.memory_space<semaphore_mem>>) src(%arg9 : memref<128x128xf32, #tpu.memory_space<vmem>>) dst(%dma_wait3A_284 : memref<10112x128xf32, #tpu.memory_space<vmem_shared>>)
        %add3A_285 = arith.constant 2 : i32
        %add3A_286 = arith.addi %mul3A_231, %add3A_285 : i32
        %dma_start3A_287 = arith.constant 0 : i32
        %dma_start3A_288 = tpu.memref_slice %arg7[%add3A_286, %dma_start3A_287] : memref<64x128xi32, #tpu.memory_space<vmem>> -> memref<1x128xi32, #tpu.memory_space<vmem>>
        %dma_start3A_289 = tpu.memref_squeeze %dma_start3A_288 : memref<1x128xi32, #tpu.memory_space<vmem>> -> memref<128xi32, #tpu.memory_space<vmem>>
        %dma_start3A_290 = arith.constant 0 : i32
        %dma_start3A_291 = arith.constant 0 : i32
        %dma_start3A_292 = tpu.memref_slice %arg2[%dma_start3A_290, %dma_start3A_291] : memref<20000x128xf32, #tpu.memory_space<hbm>> -> memref<20000x128xf32, #tpu.memory_space<hbm>>
        tpu.enqueue_indirect_dma source(%dma_start3A_292 : memref<20000x128xf32, #tpu.memory_space<hbm>>) target(%arg9 : memref<128x128xf32, #tpu.memory_space<vmem>>) offsets(%dma_start3A_289 : memref<128xi32, #tpu.memory_space<vmem>>) semaphore(%arg11 : memref<!tpu.dma_semaphore, #tpu.memory_space<semaphore_mem>>)
      } else {
      }
      %add3A_263 = arith.constant 1 : i32
      %add3A_264 = arith.addi %mul3A_231, %add3A_263 : i32
      %dma_wait3A_265 = arith.constant 0 : i32
      %dma_wait3A_266 = tpu.memref_slice %arg7[%add3A_264, %dma_wait3A_265] : memref<64x128xi32, #tpu.memory_space<vmem>> -> memref<1x128xi32, #tpu.memory_space<vmem>>
      %dma_wait3A_267 = tpu.memref_squeeze %dma_wait3A_266 : memref<1x128xi32, #tpu.memory_space<vmem>> -> memref<128xi32, #tpu.memory_space<vmem>>
      %dma_wait3A_268 = arith.constant 0 : i32
      %dma_wait3A_269 = arith.constant 0 : i32
      %dma_wait3A_270 = tpu.memref_slice %arg2[%dma_wait3A_268, %dma_wait3A_269] : memref<20000x128xf32, #tpu.memory_space<hbm>> -> memref<20000x128xf32, #tpu.memory_space<hbm>>
      tpu.wait_indirect_dma semaphore(%arg12 : memref<!tpu.dma_semaphore, #tpu.memory_space<semaphore_mem>>) src(%dma_wait3A_270 : memref<20000x128xf32, #tpu.memory_space<hbm>>) dst(%arg10 : memref<128x128xf32, #tpu.memory_space<vmem>>)
      %add3A_271 = arith.constant 1 : i32
      %add3A_272 = arith.addi %mul3A_231, %add3A_271 : i32
      %dma_start3A_273 = arith.constant 0 : i32
      %dma_start3A_274 = tpu.memref_slice %arg8[%add3A_272, %dma_start3A_273] : memref<64x128xi32, #tpu.memory_space<vmem>> -> memref<1x128xi32, #tpu.memory_space<vmem>>
      %dma_start3A_275 = tpu.memref_squeeze %dma_start3A_274 : memref<1x128xi32, #tpu.memory_space<vmem>> -> memref<128xi32, #tpu.memory_space<vmem>>
      %dma_start3A_276 = arith.constant 0 : i32
      %dma_start3A_277 = arith.constant 0 : i32
      %dma_start3A_278 = tpu.memref_slice %arg6[%dma_start3A_276, %dma_start3A_277] : memref<10112x128xf32, #tpu.memory_space<vmem_shared>> -> memref<10112x128xf32, #tpu.memory_space<vmem_shared>>
      tpu.enqueue_indirect_dma source(%arg10 : memref<128x128xf32, #tpu.memory_space<vmem>>) target(%dma_start3A_278 : memref<10112x128xf32, #tpu.memory_space<vmem_shared>>) offsets(%dma_start3A_275 : memref<128xi32, #tpu.memory_space<vmem>>) semaphore(%arg14 : memref<!tpu.dma_semaphore, #tpu.memory_space<semaphore_mem>>) {add = true}
    }
    %scan3A_137 = arith.constant 32 : i32
    %dma_wait3A_138 = arith.constant 62 : i32
    %dma_wait3A_139 = arith.constant 0 : i32
    %dma_wait3A_140 = tpu.memref_slice %arg8[%dma_wait3A_138, %dma_wait3A_139] : memref<64x128xi32, #tpu.memory_space<vmem>> -> memref<1x128xi32, #tpu.memory_space<vmem>>
    %dma_wait3A_141 = tpu.memref_squeeze %dma_wait3A_140 : memref<1x128xi32, #tpu.memory_space<vmem>> -> memref<128xi32, #tpu.memory_space<vmem>>
    %dma_wait3A_142 = arith.constant 0 : i32
    %dma_wait3A_143 = arith.constant 0 : i32
    %dma_wait3A_144 = tpu.memref_slice %arg6[%dma_wait3A_142, %dma_wait3A_143] : memref<10112x128xf32, #tpu.memory_space<vmem_shared>> -> memref<10112x128xf32, #tpu.memory_space<vmem_shared>>
    tpu.wait_indirect_dma semaphore(%arg13 : memref<!tpu.dma_semaphore, #tpu.memory_space<semaphore_mem>>) src(%arg9 : memref<128x128xf32, #tpu.memory_space<vmem>>) dst(%dma_wait3A_144 : memref<10112x128xf32, #tpu.memory_space<vmem_shared>>)
    %dma_wait3A_145 = arith.constant 63 : i32
    %dma_wait3A_146 = arith.constant 0 : i32
    %dma_wait3A_147 = tpu.memref_slice %arg8[%dma_wait3A_145, %dma_wait3A_146] : memref<64x128xi32, #tpu.memory_space<vmem>> -> memref<1x128xi32, #tpu.memory_space<vmem>>
    %dma_wait3A_148 = tpu.memref_squeeze %dma_wait3A_147 : memref<1x128xi32, #tpu.memory_space<vmem>> -> memref<128xi32, #tpu.memory_space<vmem>>
    %dma_wait3A_149 = arith.constant 0 : i32
    %dma_wait3A_150 = arith.constant 0 : i32
    %dma_wait3A_151 = tpu.memref_slice %arg6[%dma_wait3A_149, %dma_wait3A_150] : memref<10112x128xf32, #tpu.memory_space<vmem_shared>> -> memref<10112x128xf32, #tpu.memory_space<vmem_shared>>
    tpu.wait_indirect_dma semaphore(%arg14 : memref<!tpu.dma_semaphore, #tpu.memory_space<semaphore_mem>>) src(%arg10 : memref<128x128xf32, #tpu.memory_space<vmem>>) dst(%dma_wait3A_151 : memref<10112x128xf32, #tpu.memory_space<vmem_shared>>)
    %add3A_152 = arith.constant 128 : i32
    %add3A_153 = arith.addi %add3A, %add3A_152 : i32
    %dma_start3A_154 = arith.constant 0 : i32
    %dma_start3A_155 = arith.constant 0 : i32
    %dma_start3A_156 = tpu.memref_slice %arg7[%dma_start3A_154, %dma_start3A_155] : memref<64x128xi32, #tpu.memory_space<vmem>> -> memref<32x128xi32, #tpu.memory_space<vmem>>
    %dma_start3A_157 = arith.constant 0 : i32
    %dma_start3A_158 = tpu.memref_slice %arg3[%add3A_153, %dma_start3A_157] : memref<5120x128xi32, #tpu.memory_space<hbm>> -> memref<32x128xi32, #tpu.memory_space<hbm>>
    %dma_start3A_159 = arith.constant 0 : i32
    %dma_start3A_160 = arith.constant 0 : i32
    %dma_start3A_161 = tpu.memref_slice %arg7[%dma_start3A_159, %dma_start3A_160] : memref<64x128xi32, #tpu.memory_space<vmem>> -> memref<32x128xi32, #tpu.memory_space<vmem>>
    %dma_start3A_162 = arith.constant 0 : i32
    %dma_start3A_163 = tpu.memref_slice %arg3[%add3A_153, %dma_start3A_162] : memref<5120x128xi32, #tpu.memory_space<hbm>> -> memref<32x128xi32, #tpu.memory_space<hbm>>
    tpu.enqueue_dma source(%dma_start3A_163 : memref<32x128xi32, #tpu.memory_space<hbm>>) target(%dma_start3A_161 : memref<32x128xi32, #tpu.memory_space<vmem>>) target_semaphore(%arg15 : memref<!tpu.dma_semaphore, #tpu.memory_space<semaphore_mem>>)
    %dma_wait3A_164 = arith.constant 0 : i32
    %dma_wait3A_165 = arith.constant 0 : i32
    %dma_wait3A_166 = tpu.memref_slice %arg7[%dma_wait3A_164, %dma_wait3A_165] : memref<64x128xi32, #tpu.memory_space<vmem>> -> memref<32x128xi32, #tpu.memory_space<vmem>>
    %dma_wait3A_167 = arith.constant 0 : i32
    %dma_wait3A_168 = tpu.memref_slice %arg3[%add3A_153, %dma_wait3A_167] : memref<5120x128xi32, #tpu.memory_space<hbm>> -> memref<32x128xi32, #tpu.memory_space<hbm>>
    %dma_wait3A_169 = arith.constant 0 : i32
    %dma_wait3A_170 = arith.constant 0 : i32
    %dma_wait3A_171 = tpu.memref_slice %arg7[%dma_wait3A_169, %dma_wait3A_170] : memref<64x128xi32, #tpu.memory_space<vmem>> -> memref<32x128xi32, #tpu.memory_space<vmem>>
    %dma_wait3A_172 = arith.constant 0 : i32
    %dma_wait3A_173 = tpu.memref_slice %arg3[%add3A_153, %dma_wait3A_172] : memref<5120x128xi32, #tpu.memory_space<hbm>> -> memref<32x128xi32, #tpu.memory_space<hbm>>
    tpu.wait_dma2 semaphore(%arg15 : memref<!tpu.dma_semaphore, #tpu.memory_space<semaphore_mem>>) src(%dma_wait3A_173 : memref<32x128xi32, #tpu.memory_space<hbm>>) dst(%dma_wait3A_171 : memref<32x128xi32, #tpu.memory_space<vmem>>)
    %add3A_174 = arith.constant 128 : i32
    %add3A_175 = arith.addi %mul3A_4, %add3A_174 : i32
    %dma_start3A_176 = arith.constant 0 : i32
    %dma_start3A_177 = arith.constant 0 : i32
    %dma_start3A_178 = tpu.memref_slice %arg8[%dma_start3A_176, %dma_start3A_177] : memref<64x128xi32, #tpu.memory_space<vmem>> -> memref<32x128xi32, #tpu.memory_space<vmem>>
    %dma_start3A_179 = arith.constant 0 : i32
    %dma_start3A_180 = tpu.memref_slice %arg4[%add3A_175, %dma_start3A_179] : memref<2560x128xi32, #tpu.memory_space<hbm>> -> memref<32x128xi32, #tpu.memory_space<hbm>>
    %dma_start3A_181 = arith.constant 0 : i32
    %dma_start3A_182 = arith.constant 0 : i32
    %dma_start3A_183 = tpu.memref_slice %arg8[%dma_start3A_181, %dma_start3A_182] : memref<64x128xi32, #tpu.memory_space<vmem>> -> memref<32x128xi32, #tpu.memory_space<vmem>>
    %dma_start3A_184 = arith.constant 0 : i32
    %dma_start3A_185 = tpu.memref_slice %arg4[%add3A_175, %dma_start3A_184] : memref<2560x128xi32, #tpu.memory_space<hbm>> -> memref<32x128xi32, #tpu.memory_space<hbm>>
    tpu.enqueue_dma source(%dma_start3A_185 : memref<32x128xi32, #tpu.memory_space<hbm>>) target(%dma_start3A_183 : memref<32x128xi32, #tpu.memory_space<vmem>>) target_semaphore(%arg15 : memref<!tpu.dma_semaphore, #tpu.memory_space<semaphore_mem>>)
    %dma_wait3A_186 = arith.constant 0 : i32
    %dma_wait3A_187 = arith.constant 0 : i32
    %dma_wait3A_188 = tpu.memref_slice %arg8[%dma_wait3A_186, %dma_wait3A_187] : memref<64x128xi32, #tpu.memory_space<vmem>> -> memref<32x128xi32, #tpu.memory_space<vmem>>
    %dma_wait3A_189 = arith.constant 0 : i32
    %dma_wait3A_190 = tpu.memref_slice %arg4[%add3A_175, %dma_wait3A_189] : memref<2560x128xi32, #tpu.memory_space<hbm>> -> memref<32x128xi32, #tpu.memory_space<hbm>>
    %dma_wait3A_191 = arith.constant 0 : i32
    %dma_wait3A_192 = arith.constant 0 : i32
    %dma_wait3A_193 = tpu.memref_slice %arg8[%dma_wait3A_191, %dma_wait3A_192] : memref<64x128xi32, #tpu.memory_space<vmem>> -> memref<32x128xi32, #tpu.memory_space<vmem>>
    %dma_wait3A_194 = arith.constant 0 : i32
    %dma_wait3A_195 = tpu.memref_slice %arg4[%add3A_175, %dma_wait3A_194] : memref<2560x128xi32, #tpu.memory_space<hbm>> -> memref<32x128xi32, #tpu.memory_space<hbm>>
    tpu.wait_dma2 semaphore(%arg15 : memref<!tpu.dma_semaphore, #tpu.memory_space<semaphore_mem>>) src(%dma_wait3A_195 : memref<32x128xi32, #tpu.memory_space<hbm>>) dst(%dma_wait3A_193 : memref<32x128xi32, #tpu.memory_space<vmem>>)
    %dma_start3A_196 = arith.constant 0 : i32
    %dma_start3A_197 = arith.constant 0 : i32
    %dma_start3A_198 = tpu.memref_slice %arg7[%dma_start3A_196, %dma_start3A_197] : memref<64x128xi32, #tpu.memory_space<vmem>> -> memref<1x128xi32, #tpu.memory_space<vmem>>
    %dma_start3A_199 = tpu.memref_squeeze %dma_start3A_198 : memref<1x128xi32, #tpu.memory_space<vmem>> -> memref<128xi32, #tpu.memory_space<vmem>>
    %dma_start3A_200 = arith.constant 0 : i32
    %dma_start3A_201 = arith.constant 0 : i32
    %dma_start3A_202 = tpu.memref_slice %arg2[%dma_start3A_200, %dma_start3A_201] : memref<20000x128xf32, #tpu.memory_space<hbm>> -> memref<20000x128xf32, #tpu.memory_space<hbm>>
    tpu.enqueue_indirect_dma source(%dma_start3A_202 : memref<20000x128xf32, #tpu.memory_space<hbm>>) target(%arg9 : memref<128x128xf32, #tpu.memory_space<vmem>>) offsets(%dma_start3A_199 : memref<128xi32, #tpu.memory_space<vmem>>) semaphore(%arg11 : memref<!tpu.dma_semaphore, #tpu.memory_space<semaphore_mem>>)
    %scan3A_203 = arith.constant 0 : i32
    %scan3A_204 = arith.constant 16 : i32
    %scan3A_205 = arith.addi %scan3A_203, %scan3A_204 : i32
    %scan3A_206 = arith.constant 1 : i32
    scf.for %scan3A_229 = %scan3A_203 to %scan3A_205 step %scan3A_206  : i32 {
      %mul3A_230 = arith.constant 2 : i32
      %mul3A_231 = arith.muli %mul3A_230, %scan3A_229 : i32
      %dma_wait3A_232 = arith.constant 0 : i32
      %dma_wait3A_233 = tpu.memref_slice %arg7[%mul3A_231, %dma_wait3A_232] : memref<64x128xi32, #tpu.memory_space<vmem>> -> memref<1x128xi32, #tpu.memory_space<vmem>>
      %dma_wait3A_234 = tpu.memref_squeeze %dma_wait3A_233 : memref<1x128xi32, #tpu.memory_space<vmem>> -> memref<128xi32, #tpu.memory_space<vmem>>
      %dma_wait3A_235 = arith.constant 0 : i32
      %dma_wait3A_236 = arith.constant 0 : i32
      %dma_wait3A_237 = tpu.memref_slice %arg2[%dma_wait3A_235, %dma_wait3A_236] : memref<20000x128xf32, #tpu.memory_space<hbm>> -> memref<20000x128xf32, #tpu.memory_space<hbm>>
      tpu.wait_indirect_dma semaphore(%arg11 : memref<!tpu.dma_semaphore, #tpu.memory_space<semaphore_mem>>) src(%dma_wait3A_237 : memref<20000x128xf32, #tpu.memory_space<hbm>>) dst(%arg9 : memref<128x128xf32, #tpu.memory_space<vmem>>)
      %dma_start3A_238 = arith.constant 0 : i32
      %dma_start3A_239 = tpu.memref_slice %arg8[%mul3A_231, %dma_start3A_238] : memref<64x128xi32, #tpu.memory_space<vmem>> -> memref<1x128xi32, #tpu.memory_space<vmem>>
      %dma_start3A_240 = tpu.memref_squeeze %dma_start3A_239 : memref<1x128xi32, #tpu.memory_space<vmem>> -> memref<128xi32, #tpu.memory_space<vmem>>
      %dma_start3A_241 = arith.constant 0 : i32
      %dma_start3A_242 = arith.constant 0 : i32
      %dma_start3A_243 = tpu.memref_slice %arg6[%dma_start3A_241, %dma_start3A_242] : memref<10112x128xf32, #tpu.memory_space<vmem_shared>> -> memref<10112x128xf32, #tpu.memory_space<vmem_shared>>
      tpu.enqueue_indirect_dma source(%arg9 : memref<128x128xf32, #tpu.memory_space<vmem>>) target(%dma_start3A_243 : memref<10112x128xf32, #tpu.memory_space<vmem_shared>>) offsets(%dma_start3A_240 : memref<128xi32, #tpu.memory_space<vmem>>) semaphore(%arg13 : memref<!tpu.dma_semaphore, #tpu.memory_space<semaphore_mem>>) {add = true}
      %gt3A = arith.constant 0 : i32
      %gt3A_244 = arith.cmpi sgt, %scan3A_229, %gt3A : i32
      %convert_element_type3A_245 = arith.extui %gt3A_244 : i1 to i32
      %cond3A_246 = arith.constant 0 : i32
      %cond3A_247 = arith.cmpi ne, %convert_element_type3A_245, %cond3A_246 : i32
      scf.if %cond3A_247 {
        %sub3A = arith.constant 1 : i32
        %sub3A_279 = arith.subi %mul3A_231, %sub3A : i32
        %dma_wait3A_280 = arith.constant 0 : i32
        %dma_wait3A_281 = tpu.memref_slice %arg8[%sub3A_279, %dma_wait3A_280] : memref<64x128xi32, #tpu.memory_space<vmem>> -> memref<1x128xi32, #tpu.memory_space<vmem>>
        %dma_wait3A_282 = tpu.memref_squeeze %dma_wait3A_281 : memref<1x128xi32, #tpu.memory_space<vmem>> -> memref<128xi32, #tpu.memory_space<vmem>>
        %dma_wait3A_283 = arith.constant 0 : i32
        %dma_wait3A_284 = arith.constant 0 : i32
        %dma_wait3A_285 = tpu.memref_slice %arg6[%dma_wait3A_283, %dma_wait3A_284] : memref<10112x128xf32, #tpu.memory_space<vmem_shared>> -> memref<10112x128xf32, #tpu.memory_space<vmem_shared>>
        tpu.wait_indirect_dma semaphore(%arg14 : memref<!tpu.dma_semaphore, #tpu.memory_space<semaphore_mem>>) src(%arg10 : memref<128x128xf32, #tpu.memory_space<vmem>>) dst(%dma_wait3A_285 : memref<10112x128xf32, #tpu.memory_space<vmem_shared>>)
      } else {
      }
      %add3A_248 = arith.constant 1 : i32
      %add3A_249 = arith.addi %mul3A_231, %add3A_248 : i32
      %dma_start3A_250 = arith.constant 0 : i32
      %dma_start3A_251 = tpu.memref_slice %arg7[%add3A_249, %dma_start3A_250] : memref<64x128xi32, #tpu.memory_space<vmem>> -> memref<1x128xi32, #tpu.memory_space<vmem>>
      %dma_start3A_252 = tpu.memref_squeeze %dma_start3A_251 : memref<1x128xi32, #tpu.memory_space<vmem>> -> memref<128xi32, #tpu.memory_space<vmem>>
      %dma_start3A_253 = arith.constant 0 : i32
      %dma_start3A_254 = arith.constant 0 : i32
      %dma_start3A_255 = tpu.memref_slice %arg2[%dma_start3A_253, %dma_start3A_254] : memref<20000x128xf32, #tpu.memory_space<hbm>> -> memref<20000x128xf32, #tpu.memory_space<hbm>>
      tpu.enqueue_indirect_dma source(%dma_start3A_255 : memref<20000x128xf32, #tpu.memory_space<hbm>>) target(%arg10 : memref<128x128xf32, #tpu.memory_space<vmem>>) offsets(%dma_start3A_252 : memref<128xi32, #tpu.memory_space<vmem>>) semaphore(%arg12 : memref<!tpu.dma_semaphore, #tpu.memory_space<semaphore_mem>>)
      %add3A_256 = arith.constant 2 : i32
      %add3A_257 = arith.addi %mul3A_231, %add3A_256 : i32
      %lt3A_258 = arith.constant 32 : i32
      %lt3A_259 = arith.cmpi slt, %add3A_257, %lt3A_258 : i32
      %convert_element_type3A_260 = arith.extui %lt3A_259 : i1 to i32
      %cond3A_261 = arith.constant 0 : i32
      %cond3A_262 = arith.cmpi ne, %convert_element_type3A_260, %cond3A_261 : i32
      scf.if %cond3A_262 {
        %dma_wait3A_279 = arith.constant 0 : i32
        %dma_wait3A_280 = tpu.memref_slice %arg8[%mul3A_231, %dma_wait3A_279] : memref<64x128xi32, #tpu.memory_space<vmem>> -> memref<1x128xi32, #tpu.memory_space<vmem>>
        %dma_wait3A_281 = tpu.memref_squeeze %dma_wait3A_280 : memref<1x128xi32, #tpu.memory_space<vmem>> -> memref<128xi32, #tpu.memory_space<vmem>>
        %dma_wait3A_282 = arith.constant 0 : i32
        %dma_wait3A_283 = arith.constant 0 : i32
        %dma_wait3A_284 = tpu.memref_slice %arg6[%dma_wait3A_282, %dma_wait3A_283] : memref<10112x128xf32, #tpu.memory_space<vmem_shared>> -> memref<10112x128xf32, #tpu.memory_space<vmem_shared>>
        tpu.wait_indirect_dma semaphore(%arg13 : memref<!tpu.dma_semaphore, #tpu.memory_space<semaphore_mem>>) src(%arg9 : memref<128x128xf32, #tpu.memory_space<vmem>>) dst(%dma_wait3A_284 : memref<10112x128xf32, #tpu.memory_space<vmem_shared>>)
        %add3A_285 = arith.constant 2 : i32
        %add3A_286 = arith.addi %mul3A_231, %add3A_285 : i32
        %dma_start3A_287 = arith.constant 0 : i32
        %dma_start3A_288 = tpu.memref_slice %arg7[%add3A_286, %dma_start3A_287] : memref<64x128xi32, #tpu.memory_space<vmem>> -> memref<1x128xi32, #tpu.memory_space<vmem>>
        %dma_start3A_289 = tpu.memref_squeeze %dma_start3A_288 : memref<1x128xi32, #tpu.memory_space<vmem>> -> memref<128xi32, #tpu.memory_space<vmem>>
        %dma_start3A_290 = arith.constant 0 : i32
        %dma_start3A_291 = arith.constant 0 : i32
        %dma_start3A_292 = tpu.memref_slice %arg2[%dma_start3A_290, %dma_start3A_291] : memref<20000x128xf32, #tpu.memory_space<hbm>> -> memref<20000x128xf32, #tpu.memory_space<hbm>>
        tpu.enqueue_indirect_dma source(%dma_start3A_292 : memref<20000x128xf32, #tpu.memory_space<hbm>>) target(%arg9 : memref<128x128xf32, #tpu.memory_space<vmem>>) offsets(%dma_start3A_289 : memref<128xi32, #tpu.memory_space<vmem>>) semaphore(%arg11 : memref<!tpu.dma_semaphore, #tpu.memory_space<semaphore_mem>>)
      } else {
      }
      %add3A_263 = arith.constant 1 : i32
      %add3A_264 = arith.addi %mul3A_231, %add3A_263 : i32
      %dma_wait3A_265 = arith.constant 0 : i32
      %dma_wait3A_266 = tpu.memref_slice %arg7[%add3A_264, %dma_wait3A_265] : memref<64x128xi32, #tpu.memory_space<vmem>> -> memref<1x128xi32, #tpu.memory_space<vmem>>
      %dma_wait3A_267 = tpu.memref_squeeze %dma_wait3A_266 : memref<1x128xi32, #tpu.memory_space<vmem>> -> memref<128xi32, #tpu.memory_space<vmem>>
      %dma_wait3A_268 = arith.constant 0 : i32
      %dma_wait3A_269 = arith.constant 0 : i32
      %dma_wait3A_270 = tpu.memref_slice %arg2[%dma_wait3A_268, %dma_wait3A_269] : memref<20000x128xf32, #tpu.memory_space<hbm>> -> memref<20000x128xf32, #tpu.memory_space<hbm>>
      tpu.wait_indirect_dma semaphore(%arg12 : memref<!tpu.dma_semaphore, #tpu.memory_space<semaphore_mem>>) src(%dma_wait3A_270 : memref<20000x128xf32, #tpu.memory_space<hbm>>) dst(%arg10 : memref<128x128xf32, #tpu.memory_space<vmem>>)
      %add3A_271 = arith.constant 1 : i32
      %add3A_272 = arith.addi %mul3A_231, %add3A_271 : i32
      %dma_start3A_273 = arith.constant 0 : i32
      %dma_start3A_274 = tpu.memref_slice %arg8[%add3A_272, %dma_start3A_273] : memref<64x128xi32, #tpu.memory_space<vmem>> -> memref<1x128xi32, #tpu.memory_space<vmem>>
      %dma_start3A_275 = tpu.memref_squeeze %dma_start3A_274 : memref<1x128xi32, #tpu.memory_space<vmem>> -> memref<128xi32, #tpu.memory_space<vmem>>
      %dma_start3A_276 = arith.constant 0 : i32
      %dma_start3A_277 = arith.constant 0 : i32
      %dma_start3A_278 = tpu.memref_slice %arg6[%dma_start3A_276, %dma_start3A_277] : memref<10112x128xf32, #tpu.memory_space<vmem_shared>> -> memref<10112x128xf32, #tpu.memory_space<vmem_shared>>
      tpu.enqueue_indirect_dma source(%arg10 : memref<128x128xf32, #tpu.memory_space<vmem>>) target(%dma_start3A_278 : memref<10112x128xf32, #tpu.memory_space<vmem_shared>>) offsets(%dma_start3A_275 : memref<128xi32, #tpu.memory_space<vmem>>) semaphore(%arg14 : memref<!tpu.dma_semaphore, #tpu.memory_space<semaphore_mem>>) {add = true}
    }
    %scan3A_207 = arith.constant 16 : i32
    %dma_wait3A_208 = arith.constant 30 : i32
    %dma_wait3A_209 = arith.constant 0 : i32
    %dma_wait3A_210 = tpu.memref_slice %arg8[%dma_wait3A_208, %dma_wait3A_209] : memref<64x128xi32, #tpu.memory_space<vmem>> -> memref<1x128xi32, #tpu.memory_space<vmem>>
    %dma_wait3A_211 = tpu.memref_squeeze %dma_wait3A_210 : memref<1x128xi32, #tpu.memory_space<vmem>> -> memref<128xi32, #tpu.memory_space<vmem>>
    %dma_wait3A_212 = arith.constant 0 : i32
    %dma_wait3A_213 = arith.constant 0 : i32
    %dma_wait3A_214 = tpu.memref_slice %arg6[%dma_wait3A_212, %dma_wait3A_213] : memref<10112x128xf32, #tpu.memory_space<vmem_shared>> -> memref<10112x128xf32, #tpu.memory_space<vmem_shared>>
    tpu.wait_indirect_dma semaphore(%arg13 : memref<!tpu.dma_semaphore, #tpu.memory_space<semaphore_mem>>) src(%arg9 : memref<128x128xf32, #tpu.memory_space<vmem>>) dst(%dma_wait3A_214 : memref<10112x128xf32, #tpu.memory_space<vmem_shared>>)
    %dma_wait3A_215 = arith.constant 31 : i32
    %dma_wait3A_216 = arith.constant 0 : i32
    %dma_wait3A_217 = tpu.memref_slice %arg8[%dma_wait3A_215, %dma_wait3A_216] : memref<64x128xi32, #tpu.memory_space<vmem>> -> memref<1x128xi32, #tpu.memory_space<vmem>>
    %dma_wait3A_218 = tpu.memref_squeeze %dma_wait3A_217 : memref<1x128xi32, #tpu.memory_space<vmem>> -> memref<128xi32, #tpu.memory_space<vmem>>
    %dma_wait3A_219 = arith.constant 0 : i32
    %dma_wait3A_220 = arith.constant 0 : i32
    %dma_wait3A_221 = tpu.memref_slice %arg6[%dma_wait3A_219, %dma_wait3A_220] : memref<10112x128xf32, #tpu.memory_space<vmem_shared>> -> memref<10112x128xf32, #tpu.memory_space<vmem_shared>>
    tpu.wait_indirect_dma semaphore(%arg14 : memref<!tpu.dma_semaphore, #tpu.memory_space<semaphore_mem>>) src(%arg10 : memref<128x128xf32, #tpu.memory_space<vmem>>) dst(%dma_wait3A_221 : memref<10112x128xf32, #tpu.memory_space<vmem_shared>>)
    %barrier3A_222 = arith.constant 0 : index
    tpu.barrier barrier_id(%barrier3A_222)
    %lt3A = arith.constant 15 : i32
    %lt3A_223 = arith.cmpi slt, %arg1, %lt3A : i32
    %convert_element_type3A = arith.extui %lt3A_223 : i1 to i32
    %cond3A = arith.constant 0 : i32
    %cond3A_224 = arith.cmpi ne, %convert_element_type3A, %cond3A : i32
    scf.if %cond3A_224 {
      %mul3A_229 = arith.constant 624 : i32
      %mul3A_230 = arith.muli %arg1, %mul3A_229 : i32
      %mul3A_231 = arith.constant 10000 : i32
      %mul3A_232 = arith.muli %arg0, %mul3A_231 : i32
      %mul3A_233 = arith.constant 624 : i32
      %mul3A_234 = arith.muli %arg1, %mul3A_233 : i32
      %add3A_235 = arith.addi %mul3A_232, %mul3A_234 : i32
      %dma_start3A_236 = arith.constant 0 : i32
      %dma_start3A_237 = tpu.memref_slice %arg5[%add3A_235, %dma_start3A_236] : memref<20000x128xf32, #tpu.memory_space<hbm>> -> memref<624x128xf32, #tpu.memory_space<hbm>>
      %dma_start3A_238 = arith.constant 0 : i32
      %dma_start3A_239 = tpu.memref_slice %arg6[%mul3A_230, %dma_start3A_238] : memref<10112x128xf32, #tpu.memory_space<vmem_shared>> -> memref<624x128xf32, #tpu.memory_space<vmem_shared>>
      tpu.enqueue_dma source(%dma_start3A_239 : memref<624x128xf32, #tpu.memory_space<vmem_shared>>) target(%dma_start3A_237 : memref<624x128xf32, #tpu.memory_space<hbm>>) target_semaphore(%arg15 : memref<!tpu.dma_semaphore, #tpu.memory_space<semaphore_mem>>)
      %dma_wait3A_240 = arith.constant 0 : i32
      %dma_wait3A_241 = tpu.memref_slice %arg5[%add3A_235, %dma_wait3A_240] : memref<20000x128xf32, #tpu.memory_space<hbm>> -> memref<624x128xf32, #tpu.memory_space<hbm>>
      %dma_wait3A_242 = arith.constant 0 : i32
      %dma_wait3A_243 = tpu.memref_slice %arg6[%mul3A_230, %dma_wait3A_242] : memref<10112x128xf32, #tpu.memory_space<vmem_shared>> -> memref<624x128xf32, #tpu.memory_space<vmem_shared>>
      tpu.wait_dma2 semaphore(%arg15 : memref<!tpu.dma_semaphore, #tpu.memory_space<semaphore_mem>>) src(%dma_wait3A_243 : memref<624x128xf32, #tpu.memory_space<vmem_shared>>) dst(%dma_wait3A_241 : memref<624x128xf32, #tpu.memory_space<hbm>>)
    } else {
    }
    %eq3A = arith.constant 15 : i32
    %eq3A_225 = arith.cmpi eq, %arg1, %eq3A : i32
    %convert_element_type3A_226 = arith.extui %eq3A_225 : i1 to i32
    %cond3A_227 = arith.constant 0 : i32
    %cond3A_228 = arith.cmpi ne, %convert_element_type3A_226, %cond3A_227 : i32
    scf.if %cond3A_228 {
      %mul3A_229 = arith.constant 10000 : i32
      %mul3A_230 = arith.muli %arg0, %mul3A_229 : i32
      %add3A_231 = arith.constant 9360 : i32
      %add3A_232 = arith.addi %mul3A_230, %add3A_231 : i32
      %dma_start3A_233 = arith.constant 0 : i32
      %dma_start3A_234 = tpu.memref_slice %arg5[%add3A_232, %dma_start3A_233] : memref<20000x128xf32, #tpu.memory_space<hbm>> -> memref<640x128xf32, #tpu.memory_space<hbm>>
      %dma_start3A_235 = arith.constant 9360 : i32
      %dma_start3A_236 = arith.constant 0 : i32
      %dma_start3A_237 = tpu.memref_slice %arg6[%dma_start3A_235, %dma_start3A_236] : memref<10112x128xf32, #tpu.memory_space<vmem_shared>> -> memref<640x128xf32, #tpu.memory_space<vmem_shared>>
      tpu.enqueue_dma source(%dma_start3A_237 : memref<640x128xf32, #tpu.memory_space<vmem_shared>>) target(%dma_start3A_234 : memref<640x128xf32, #tpu.memory_space<hbm>>) target_semaphore(%arg15 : memref<!tpu.dma_semaphore, #tpu.memory_space<semaphore_mem>>)
      %dma_wait3A_238 = arith.constant 0 : i32
      %dma_wait3A_239 = tpu.memref_slice %arg5[%add3A_232, %dma_wait3A_238] : memref<20000x128xf32, #tpu.memory_space<hbm>> -> memref<640x128xf32, #tpu.memory_space<hbm>>
      %dma_wait3A_240 = arith.constant 9360 : i32
      %dma_wait3A_241 = arith.constant 0 : i32
      %dma_wait3A_242 = tpu.memref_slice %arg6[%dma_wait3A_240, %dma_wait3A_241] : memref<10112x128xf32, #tpu.memory_space<vmem_shared>> -> memref<640x128xf32, #tpu.memory_space<vmem_shared>>
      tpu.wait_dma2 semaphore(%arg15 : memref<!tpu.dma_semaphore, #tpu.memory_space<semaphore_mem>>) src(%dma_wait3A_242 : memref<640x128xf32, #tpu.memory_space<vmem_shared>>) dst(%dma_wait3A_239 : memref<640x128xf32, #tpu.memory_space<hbm>>)
    } else {
    }
    return
  }
}

#map = affine_map<(d0, d1) -> (0, 0)>
module attributes {stable_mosaic.version = 14 : i64} {
  func.func @_sc_agg_body(%arg0: i32, %arg1: i32, %arg2: memref<20000x128xf32, #tpu.memory_space<hbm>>, %arg3: memref<5120x128xi32, #tpu.memory_space<hbm>>, %arg4: memref<2560x128xi32, #tpu.memory_space<hbm>>, %arg5: memref<20000x128xf32, #tpu.memory_space<hbm>>, %arg6: memref<10112x128xf32, #tpu.memory_space<vmem_shared>>, %arg7: memref<64x128xi32, #tpu.memory_space<vmem>>, %arg8: memref<64x128xi32, #tpu.memory_space<vmem>>, %arg9: memref<128x128xf32, #tpu.memory_space<vmem>>, %arg10: memref<128x128xf32, #tpu.memory_space<vmem>>, %arg11: memref<!tpu.dma_semaphore, #tpu.memory_space<semaphore_mem>>, %arg12: memref<!tpu.dma_semaphore, #tpu.memory_space<semaphore_mem>>, %arg13: memref<!tpu.dma_semaphore, #tpu.memory_space<semaphore_mem>>, %arg14: memref<!tpu.dma_semaphore, #tpu.memory_space<semaphore_mem>>, %arg15: memref<!tpu.dma_semaphore, #tpu.memory_space<semaphore_mem>>) attributes {dimension_semantics = [#tpu.dimension_semantics<core_parallel>, #tpu.dimension_semantics<subcore_parallel>], iteration_bounds = array<i64: 2, 16>, scalar_prefetch = 0 : i64, scratch_operands = 10 : i64, tpu.core_type = #tpu.core_type<sc_vector_subcore>, window_params = [{transform_indices = #map}, {transform_indices = #map}, {transform_indices = #map}, {transform_indices = #map}]} {
    %mul3A = arith.constant 2560 : i32
    %mul3A_0 = arith.muli %arg0, %mul3A : i32
    %mul3A_1 = arith.constant 160 : i32
    %mul3A_2 = arith.muli %arg1, %mul3A_1 : i32
    %add3A = arith.addi %mul3A_0, %mul3A_2 : i32
    %mul3A_3 = arith.constant 160 : i32
    %mul3A_4 = arith.muli %arg1, %mul3A_3 : i32
    %scan3A = arith.constant 0 : i32
    %scan3A_5 = arith.constant 1024 : i32
    %scan3A_6 = arith.addi %scan3A, %scan3A_5 : i32
    %scan3A_7 = arith.constant 1 : i32
    scf.for %scan3A_229 = %scan3A to %scan3A_6 step %scan3A_7  : i32 {
      %broadcast_in_dim3A = arith.constant 0.000000e+00 : f32
      %broadcast_in_dim3A_230 = vector.broadcast %broadcast_in_dim3A : f32 to vector<16xf32>
      %jit3A = arith.constant 8 : i32
      %div3A = arith.divsi %scan3A_229, %jit3A : i32
      %sign3A = arith.constant 0 : i32
      %sign3A_231 = arith.cmpi sgt, %scan3A_229, %sign3A : i32
      %sign3A_232 = arith.extui %sign3A_231 : i1 to i32
      %sign3A_233 = arith.constant 0 : i32
      %sign3A_234 = arith.cmpi slt, %scan3A_229, %sign3A_233 : i32
      %sign3A_235 = arith.extui %sign3A_234 : i1 to i32
      %sign3A_236 = arith.subi %sign3A_232, %sign3A_235 : i32
      %sign3A_237 = arith.constant 0 : i32
      %sign3A_238 = arith.cmpi sgt, %jit3A, %sign3A_237 : i32
      %sign3A_239 = arith.extui %sign3A_238 : i1 to i32
      %sign3A_240 = arith.constant 0 : i32
      %sign3A_241 = arith.cmpi slt, %jit3A, %sign3A_240 : i32
      %sign3A_242 = arith.extui %sign3A_241 : i1 to i32
      %sign3A_243 = arith.subi %sign3A_239, %sign3A_242 : i32
      %ne3A = arith.cmpi ne, %sign3A_236, %sign3A_243 : i32
      %rem3A = arith.remsi %scan3A_229, %jit3A : i32
      %ne3A_244 = arith.constant 0 : i32
      %ne3A_245 = arith.cmpi ne, %rem3A, %ne3A_244 : i32
      %and3A = arith.andi %ne3A, %ne3A_245 : i1
      %sub3A = arith.constant 1 : i32
      %sub3A_246 = arith.subi %div3A, %sub3A : i32
      %select_n3A = arith.select %and3A, %sub3A_246, %div3A : i32
      %jit3A_247 = arith.constant 8 : i32
      %eq3A_248 = arith.constant 0 : i32
      %eq3A_249 = arith.cmpi eq, %jit3A_247, %eq3A_248 : i32
      %jit3A_250 = arith.constant 1 : i32
      %select_n3A_251 = arith.select %eq3A_249, %jit3A_250, %jit3A_247 : i32
      %rem3A_252 = arith.remsi %scan3A_229, %select_n3A_251 : i32
      %ne3A_253 = arith.constant 0 : i32
      %ne3A_254 = arith.cmpi ne, %rem3A_252, %ne3A_253 : i32
      %lt3A_255 = arith.constant 0 : i32
      %lt3A_256 = arith.cmpi slt, %rem3A_252, %lt3A_255 : i32
      %lt3A_257 = arith.constant 0 : i32
      %lt3A_258 = arith.cmpi slt, %select_n3A_251, %lt3A_257 : i32
      %ne3A_259 = arith.xori %lt3A_256, %lt3A_258 : i1
      %and3A_260 = arith.andi %ne3A_259, %ne3A_254 : i1
      %add3A_261 = arith.addi %rem3A_252, %select_n3A_251 : i32
      %select_n3A_262 = arith.select %and3A_260, %add3A_261, %rem3A_252 : i32
      %mul3A_263 = arith.constant 16 : i32
      %mul3A_264 = arith.muli %select_n3A_262, %mul3A_263 : i32
      %swap3A = arith.index_cast %select_n3A : i32 to index
      %swap3A_265 = arith.index_cast %mul3A_264 : i32 to index
      %swap3A_266 = tpu.vector_load %arg9[%swap3A, %swap3A_265] {strides = array<i32>} : memref<128x128xf32, #tpu.memory_space<vmem>>, vector<1x16xf32>,
      %swap3A_267 = vector.shape_cast %swap3A_266 : vector<1x16xf32> to vector<16xf32>
      %swap3A_268 = vector.shape_cast %broadcast_in_dim3A_230 : vector<16xf32> to vector<1x16xf32>
      tpu.vector_store %arg9[%swap3A, %swap3A_265], %swap3A_268 {strides = array<i32>} : memref<128x128xf32, #tpu.memory_space<vmem>>, vector<1x16xf32>,
    }
    %scan3A_8 = arith.constant 1024 : i32
    %scan3A_9 = arith.constant 0 : i32
    %scan3A_10 = arith.constant 5 : i32
    %scan3A_11 = arith.addi %scan3A_9, %scan3A_10 : i32
    %scan3A_12 = arith.constant 1 : i32
    scf.for %scan3A_229 = %scan3A_9 to %scan3A_11 step %scan3A_12  : i32 {
      %mul3A_230 = arith.constant 16 : i32
      %mul3A_231 = arith.muli %mul3A_230, %scan3A_229 : i32
      %add3A_232 = arith.addi %arg1, %mul3A_231 : i32
      %lt3A_233 = arith.constant 79 : i32
      %lt3A_234 = arith.cmpi slt, %add3A_232, %lt3A_233 : i32
      %convert_element_type3A_235 = arith.extui %lt3A_234 : i1 to i32
      %cond3A_236 = arith.constant 0 : i32
      %cond3A_237 = arith.cmpi ne, %convert_element_type3A_235, %cond3A_236 : i32
      scf.if %cond3A_237 {
        %mul3A_238 = arith.constant 128 : i32
        %mul3A_239 = arith.muli %add3A_232, %mul3A_238 : i32
        "tpu.region"() ({
          %run_scoped3A = tpu.sem_alloc : memref<!tpu.dma_semaphore, #tpu.memory_space<semaphore_mem>>
          %dma_start3A_240 = arith.constant 0 : i32
          %dma_start3A_241 = tpu.memref_slice %arg6[%mul3A_239, %dma_start3A_240] : memref<10112x128xf32, #tpu.memory_space<vmem_shared>> -> memref<128x128xf32, #tpu.memory_space<vmem_shared>>
          %dma_start3A_242 = arith.constant 0 : i32
          %dma_start3A_243 = tpu.memref_slice %arg6[%mul3A_239, %dma_start3A_242] : memref<10112x128xf32, #tpu.memory_space<vmem_shared>> -> memref<128x128xf32, #tpu.memory_space<vmem_shared>>
          tpu.enqueue_dma source(%arg9 : memref<128x128xf32, #tpu.memory_space<vmem>>) target(%dma_start3A_243 : memref<128x128xf32, #tpu.memory_space<vmem_shared>>) target_semaphore(%run_scoped3A : memref<!tpu.dma_semaphore, #tpu.memory_space<semaphore_mem>>)
          %dma_wait3A_244 = arith.constant 0 : i32
          %dma_wait3A_245 = tpu.memref_slice %arg6[%mul3A_239, %dma_wait3A_244] : memref<10112x128xf32, #tpu.memory_space<vmem_shared>> -> memref<128x128xf32, #tpu.memory_space<vmem_shared>>
          %dma_wait3A_246 = arith.constant 0 : i32
          %dma_wait3A_247 = tpu.memref_slice %arg6[%mul3A_239, %dma_wait3A_246] : memref<10112x128xf32, #tpu.memory_space<vmem_shared>> -> memref<128x128xf32, #tpu.memory_space<vmem_shared>>
          tpu.wait_dma2 semaphore(%run_scoped3A : memref<!tpu.dma_semaphore, #tpu.memory_space<semaphore_mem>>) src(%arg9 : memref<128x128xf32, #tpu.memory_space<vmem>>) dst(%dma_wait3A_247 : memref<128x128xf32, #tpu.memory_space<vmem_shared>>)
          tpu.yield
        }) : () -> ()
      } else {
      }
    }
    %scan3A_13 = arith.constant 5 : i32
    %barrier3A = arith.constant 0 : index
    tpu.barrier barrier_id(%barrier3A)
    %add3A_14 = arith.constant 0 : i32
    %add3A_15 = arith.addi %add3A, %add3A_14 : i32
    %dma_start3A = arith.constant 0 : i32
    %dma_start3A_16 = arith.constant 0 : i32
    %dma_start3A_17 = tpu.memref_slice %arg7[%dma_start3A, %dma_start3A_16] : memref<64x128xi32, #tpu.memory_space<vmem>> -> memref<64x128xi32, #tpu.memory_space<vmem>>
    %dma_start3A_18 = arith.constant 0 : i32
    %dma_start3A_19 = tpu.memref_slice %arg3[%add3A_15, %dma_start3A_18] : memref<5120x128xi32, #tpu.memory_space<hbm>> -> memref<64x128xi32, #tpu.memory_space<hbm>>
    %dma_start3A_20 = arith.constant 0 : i32
    %dma_start3A_21 = arith.constant 0 : i32
    %dma_start3A_22 = tpu.memref_slice %arg7[%dma_start3A_20, %dma_start3A_21] : memref<64x128xi32, #tpu.memory_space<vmem>> -> memref<64x128xi32, #tpu.memory_space<vmem>>
    %dma_start3A_23 = arith.constant 0 : i32
    %dma_start3A_24 = tpu.memref_slice %arg3[%add3A_15, %dma_start3A_23] : memref<5120x128xi32, #tpu.memory_space<hbm>> -> memref<64x128xi32, #tpu.memory_space<hbm>>
    tpu.enqueue_dma source(%dma_start3A_24 : memref<64x128xi32, #tpu.memory_space<hbm>>) target(%dma_start3A_22 : memref<64x128xi32, #tpu.memory_space<vmem>>) target_semaphore(%arg15 : memref<!tpu.dma_semaphore, #tpu.memory_space<semaphore_mem>>)
    %dma_wait3A = arith.constant 0 : i32
    %dma_wait3A_25 = arith.constant 0 : i32
    %dma_wait3A_26 = tpu.memref_slice %arg7[%dma_wait3A, %dma_wait3A_25] : memref<64x128xi32, #tpu.memory_space<vmem>> -> memref<64x128xi32, #tpu.memory_space<vmem>>
    %dma_wait3A_27 = arith.constant 0 : i32
    %dma_wait3A_28 = tpu.memref_slice %arg3[%add3A_15, %dma_wait3A_27] : memref<5120x128xi32, #tpu.memory_space<hbm>> -> memref<64x128xi32, #tpu.memory_space<hbm>>
    %dma_wait3A_29 = arith.constant 0 : i32
    %dma_wait3A_30 = arith.constant 0 : i32
    %dma_wait3A_31 = tpu.memref_slice %arg7[%dma_wait3A_29, %dma_wait3A_30] : memref<64x128xi32, #tpu.memory_space<vmem>> -> memref<64x128xi32, #tpu.memory_space<vmem>>
    %dma_wait3A_32 = arith.constant 0 : i32
    %dma_wait3A_33 = tpu.memref_slice %arg3[%add3A_15, %dma_wait3A_32] : memref<5120x128xi32, #tpu.memory_space<hbm>> -> memref<64x128xi32, #tpu.memory_space<hbm>>
    tpu.wait_dma2 semaphore(%arg15 : memref<!tpu.dma_semaphore, #tpu.memory_space<semaphore_mem>>) src(%dma_wait3A_33 : memref<64x128xi32, #tpu.memory_space<hbm>>) dst(%dma_wait3A_31 : memref<64x128xi32, #tpu.memory_space<vmem>>)
    %add3A_34 = arith.constant 0 : i32
    %add3A_35 = arith.addi %mul3A_4, %add3A_34 : i32
    %dma_start3A_36 = arith.constant 0 : i32
    %dma_start3A_37 = arith.constant 0 : i32
    %dma_start3A_38 = tpu.memref_slice %arg8[%dma_start3A_36, %dma_start3A_37] : memref<64x128xi32, #tpu.memory_space<vmem>> -> memref<64x128xi32, #tpu.memory_space<vmem>>
    %dma_start3A_39 = arith.constant 0 : i32
    %dma_start3A_40 = tpu.memref_slice %arg4[%add3A_35, %dma_start3A_39] : memref<2560x128xi32, #tpu.memory_space<hbm>> -> memref<64x128xi32, #tpu.memory_space<hbm>>
    %dma_start3A_41 = arith.constant 0 : i32
    %dma_start3A_42 = arith.constant 0 : i32
    %dma_start3A_43 = tpu.memref_slice %arg8[%dma_start3A_41, %dma_start3A_42] : memref<64x128xi32, #tpu.memory_space<vmem>> -> memref<64x128xi32, #tpu.memory_space<vmem>>
    %dma_start3A_44 = arith.constant 0 : i32
    %dma_start3A_45 = tpu.memref_slice %arg4[%add3A_35, %dma_start3A_44] : memref<2560x128xi32, #tpu.memory_space<hbm>> -> memref<64x128xi32, #tpu.memory_space<hbm>>
    tpu.enqueue_dma source(%dma_start3A_45 : memref<64x128xi32, #tpu.memory_space<hbm>>) target(%dma_start3A_43 : memref<64x128xi32, #tpu.memory_space<vmem>>) target_semaphore(%arg15 : memref<!tpu.dma_semaphore, #tpu.memory_space<semaphore_mem>>)
    %dma_wait3A_46 = arith.constant 0 : i32
    %dma_wait3A_47 = arith.constant 0 : i32
    %dma_wait3A_48 = tpu.memref_slice %arg8[%dma_wait3A_46, %dma_wait3A_47] : memref<64x128xi32, #tpu.memory_space<vmem>> -> memref<64x128xi32, #tpu.memory_space<vmem>>
    %dma_wait3A_49 = arith.constant 0 : i32
    %dma_wait3A_50 = tpu.memref_slice %arg4[%add3A_35, %dma_wait3A_49] : memref<2560x128xi32, #tpu.memory_space<hbm>> -> memref<64x128xi32, #tpu.memory_space<hbm>>
    %dma_wait3A_51 = arith.constant 0 : i32
    %dma_wait3A_52 = arith.constant 0 : i32
    %dma_wait3A_53 = tpu.memref_slice %arg8[%dma_wait3A_51, %dma_wait3A_52] : memref<64x128xi32, #tpu.memory_space<vmem>> -> memref<64x128xi32, #tpu.memory_space<vmem>>
    %dma_wait3A_54 = arith.constant 0 : i32
    %dma_wait3A_55 = tpu.memref_slice %arg4[%add3A_35, %dma_wait3A_54] : memref<2560x128xi32, #tpu.memory_space<hbm>> -> memref<64x128xi32, #tpu.memory_space<hbm>>
    tpu.wait_dma2 semaphore(%arg15 : memref<!tpu.dma_semaphore, #tpu.memory_space<semaphore_mem>>) src(%dma_wait3A_55 : memref<64x128xi32, #tpu.memory_space<hbm>>) dst(%dma_wait3A_53 : memref<64x128xi32, #tpu.memory_space<vmem>>)
    %dma_start3A_56 = arith.constant 0 : i32
    %dma_start3A_57 = arith.constant 0 : i32
    %dma_start3A_58 = tpu.memref_slice %arg7[%dma_start3A_56, %dma_start3A_57] : memref<64x128xi32, #tpu.memory_space<vmem>> -> memref<1x128xi32, #tpu.memory_space<vmem>>
    %dma_start3A_59 = tpu.memref_squeeze %dma_start3A_58 : memref<1x128xi32, #tpu.memory_space<vmem>> -> memref<128xi32, #tpu.memory_space<vmem>>
    %dma_start3A_60 = arith.constant 0 : i32
    %dma_start3A_61 = arith.constant 0 : i32
    %dma_start3A_62 = tpu.memref_slice %arg2[%dma_start3A_60, %dma_start3A_61] : memref<20000x128xf32, #tpu.memory_space<hbm>> -> memref<20000x128xf32, #tpu.memory_space<hbm>>
    tpu.enqueue_indirect_dma source(%dma_start3A_62 : memref<20000x128xf32, #tpu.memory_space<hbm>>) target(%arg9 : memref<128x128xf32, #tpu.memory_space<vmem>>) offsets(%dma_start3A_59 : memref<128xi32, #tpu.memory_space<vmem>>) semaphore(%arg11 : memref<!tpu.dma_semaphore, #tpu.memory_space<semaphore_mem>>)
    %scan3A_63 = arith.constant 0 : i32
    %scan3A_64 = arith.constant 32 : i32
    %scan3A_65 = arith.addi %scan3A_63, %scan3A_64 : i32
    %scan3A_66 = arith.constant 1 : i32
    scf.for %scan3A_229 = %scan3A_63 to %scan3A_65 step %scan3A_66  : i32 {
      %mul3A_230 = arith.constant 2 : i32
      %mul3A_231 = arith.muli %mul3A_230, %scan3A_229 : i32
      %dma_wait3A_232 = arith.constant 0 : i32
      %dma_wait3A_233 = tpu.memref_slice %arg7[%mul3A_231, %dma_wait3A_232] : memref<64x128xi32, #tpu.memory_space<vmem>> -> memref<1x128xi32, #tpu.memory_space<vmem>>
      %dma_wait3A_234 = tpu.memref_squeeze %dma_wait3A_233 : memref<1x128xi32, #tpu.memory_space<vmem>> -> memref<128xi32, #tpu.memory_space<vmem>>
      %dma_wait3A_235 = arith.constant 0 : i32
      %dma_wait3A_236 = arith.constant 0 : i32
      %dma_wait3A_237 = tpu.memref_slice %arg2[%dma_wait3A_235, %dma_wait3A_236] : memref<20000x128xf32, #tpu.memory_space<hbm>> -> memref<20000x128xf32, #tpu.memory_space<hbm>>
      tpu.wait_indirect_dma semaphore(%arg11 : memref<!tpu.dma_semaphore, #tpu.memory_space<semaphore_mem>>) src(%dma_wait3A_237 : memref<20000x128xf32, #tpu.memory_space<hbm>>) dst(%arg9 : memref<128x128xf32, #tpu.memory_space<vmem>>)
      %dma_start3A_238 = arith.constant 0 : i32
      %dma_start3A_239 = tpu.memref_slice %arg8[%mul3A_231, %dma_start3A_238] : memref<64x128xi32, #tpu.memory_space<vmem>> -> memref<1x128xi32, #tpu.memory_space<vmem>>
      %dma_start3A_240 = tpu.memref_squeeze %dma_start3A_239 : memref<1x128xi32, #tpu.memory_space<vmem>> -> memref<128xi32, #tpu.memory_space<vmem>>
      %dma_start3A_241 = arith.constant 0 : i32
      %dma_start3A_242 = arith.constant 0 : i32
      %dma_start3A_243 = tpu.memref_slice %arg6[%dma_start3A_241, %dma_start3A_242] : memref<10112x128xf32, #tpu.memory_space<vmem_shared>> -> memref<10112x128xf32, #tpu.memory_space<vmem_shared>>
      tpu.enqueue_indirect_dma source(%arg9 : memref<128x128xf32, #tpu.memory_space<vmem>>) target(%dma_start3A_243 : memref<10112x128xf32, #tpu.memory_space<vmem_shared>>) offsets(%dma_start3A_240 : memref<128xi32, #tpu.memory_space<vmem>>) semaphore(%arg13 : memref<!tpu.dma_semaphore, #tpu.memory_space<semaphore_mem>>) {add = true}
      %gt3A = arith.constant 0 : i32
      %gt3A_244 = arith.cmpi sgt, %scan3A_229, %gt3A : i32
      %convert_element_type3A_245 = arith.extui %gt3A_244 : i1 to i32
      %cond3A_246 = arith.constant 0 : i32
      %cond3A_247 = arith.cmpi ne, %convert_element_type3A_245, %cond3A_246 : i32
      scf.if %cond3A_247 {
        %sub3A = arith.constant 1 : i32
        %sub3A_279 = arith.subi %mul3A_231, %sub3A : i32
        %dma_wait3A_280 = arith.constant 0 : i32
        %dma_wait3A_281 = tpu.memref_slice %arg8[%sub3A_279, %dma_wait3A_280] : memref<64x128xi32, #tpu.memory_space<vmem>> -> memref<1x128xi32, #tpu.memory_space<vmem>>
        %dma_wait3A_282 = tpu.memref_squeeze %dma_wait3A_281 : memref<1x128xi32, #tpu.memory_space<vmem>> -> memref<128xi32, #tpu.memory_space<vmem>>
        %dma_wait3A_283 = arith.constant 0 : i32
        %dma_wait3A_284 = arith.constant 0 : i32
        %dma_wait3A_285 = tpu.memref_slice %arg6[%dma_wait3A_283, %dma_wait3A_284] : memref<10112x128xf32, #tpu.memory_space<vmem_shared>> -> memref<10112x128xf32, #tpu.memory_space<vmem_shared>>
        tpu.wait_indirect_dma semaphore(%arg14 : memref<!tpu.dma_semaphore, #tpu.memory_space<semaphore_mem>>) src(%arg10 : memref<128x128xf32, #tpu.memory_space<vmem>>) dst(%dma_wait3A_285 : memref<10112x128xf32, #tpu.memory_space<vmem_shared>>)
      } else {
      }
      %add3A_248 = arith.constant 1 : i32
      %add3A_249 = arith.addi %mul3A_231, %add3A_248 : i32
      %dma_start3A_250 = arith.constant 0 : i32
      %dma_start3A_251 = tpu.memref_slice %arg7[%add3A_249, %dma_start3A_250] : memref<64x128xi32, #tpu.memory_space<vmem>> -> memref<1x128xi32, #tpu.memory_space<vmem>>
      %dma_start3A_252 = tpu.memref_squeeze %dma_start3A_251 : memref<1x128xi32, #tpu.memory_space<vmem>> -> memref<128xi32, #tpu.memory_space<vmem>>
      %dma_start3A_253 = arith.constant 0 : i32
      %dma_start3A_254 = arith.constant 0 : i32
      %dma_start3A_255 = tpu.memref_slice %arg2[%dma_start3A_253, %dma_start3A_254] : memref<20000x128xf32, #tpu.memory_space<hbm>> -> memref<20000x128xf32, #tpu.memory_space<hbm>>
      tpu.enqueue_indirect_dma source(%dma_start3A_255 : memref<20000x128xf32, #tpu.memory_space<hbm>>) target(%arg10 : memref<128x128xf32, #tpu.memory_space<vmem>>) offsets(%dma_start3A_252 : memref<128xi32, #tpu.memory_space<vmem>>) semaphore(%arg12 : memref<!tpu.dma_semaphore, #tpu.memory_space<semaphore_mem>>)
      %add3A_256 = arith.constant 2 : i32
      %add3A_257 = arith.addi %mul3A_231, %add3A_256 : i32
      %lt3A_258 = arith.constant 64 : i32
      %lt3A_259 = arith.cmpi slt, %add3A_257, %lt3A_258 : i32
      %convert_element_type3A_260 = arith.extui %lt3A_259 : i1 to i32
      %cond3A_261 = arith.constant 0 : i32
      %cond3A_262 = arith.cmpi ne, %convert_element_type3A_260, %cond3A_261 : i32
      scf.if %cond3A_262 {
        %dma_wait3A_279 = arith.constant 0 : i32
        %dma_wait3A_280 = tpu.memref_slice %arg8[%mul3A_231, %dma_wait3A_279] : memref<64x128xi32, #tpu.memory_space<vmem>> -> memref<1x128xi32, #tpu.memory_space<vmem>>
        %dma_wait3A_281 = tpu.memref_squeeze %dma_wait3A_280 : memref<1x128xi32, #tpu.memory_space<vmem>> -> memref<128xi32, #tpu.memory_space<vmem>>
        %dma_wait3A_282 = arith.constant 0 : i32
        %dma_wait3A_283 = arith.constant 0 : i32
        %dma_wait3A_284 = tpu.memref_slice %arg6[%dma_wait3A_282, %dma_wait3A_283] : memref<10112x128xf32, #tpu.memory_space<vmem_shared>> -> memref<10112x128xf32, #tpu.memory_space<vmem_shared>>
        tpu.wait_indirect_dma semaphore(%arg13 : memref<!tpu.dma_semaphore, #tpu.memory_space<semaphore_mem>>) src(%arg9 : memref<128x128xf32, #tpu.memory_space<vmem>>) dst(%dma_wait3A_284 : memref<10112x128xf32, #tpu.memory_space<vmem_shared>>)
        %add3A_285 = arith.constant 2 : i32
        %add3A_286 = arith.addi %mul3A_231, %add3A_285 : i32
        %dma_start3A_287 = arith.constant 0 : i32
        %dma_start3A_288 = tpu.memref_slice %arg7[%add3A_286, %dma_start3A_287] : memref<64x128xi32, #tpu.memory_space<vmem>> -> memref<1x128xi32, #tpu.memory_space<vmem>>
        %dma_start3A_289 = tpu.memref_squeeze %dma_start3A_288 : memref<1x128xi32, #tpu.memory_space<vmem>> -> memref<128xi32, #tpu.memory_space<vmem>>
        %dma_start3A_290 = arith.constant 0 : i32
        %dma_start3A_291 = arith.constant 0 : i32
        %dma_start3A_292 = tpu.memref_slice %arg2[%dma_start3A_290, %dma_start3A_291] : memref<20000x128xf32, #tpu.memory_space<hbm>> -> memref<20000x128xf32, #tpu.memory_space<hbm>>
        tpu.enqueue_indirect_dma source(%dma_start3A_292 : memref<20000x128xf32, #tpu.memory_space<hbm>>) target(%arg9 : memref<128x128xf32, #tpu.memory_space<vmem>>) offsets(%dma_start3A_289 : memref<128xi32, #tpu.memory_space<vmem>>) semaphore(%arg11 : memref<!tpu.dma_semaphore, #tpu.memory_space<semaphore_mem>>)
      } else {
      }
      %add3A_263 = arith.constant 1 : i32
      %add3A_264 = arith.addi %mul3A_231, %add3A_263 : i32
      %dma_wait3A_265 = arith.constant 0 : i32
      %dma_wait3A_266 = tpu.memref_slice %arg7[%add3A_264, %dma_wait3A_265] : memref<64x128xi32, #tpu.memory_space<vmem>> -> memref<1x128xi32, #tpu.memory_space<vmem>>
      %dma_wait3A_267 = tpu.memref_squeeze %dma_wait3A_266 : memref<1x128xi32, #tpu.memory_space<vmem>> -> memref<128xi32, #tpu.memory_space<vmem>>
      %dma_wait3A_268 = arith.constant 0 : i32
      %dma_wait3A_269 = arith.constant 0 : i32
      %dma_wait3A_270 = tpu.memref_slice %arg2[%dma_wait3A_268, %dma_wait3A_269] : memref<20000x128xf32, #tpu.memory_space<hbm>> -> memref<20000x128xf32, #tpu.memory_space<hbm>>
      tpu.wait_indirect_dma semaphore(%arg12 : memref<!tpu.dma_semaphore, #tpu.memory_space<semaphore_mem>>) src(%dma_wait3A_270 : memref<20000x128xf32, #tpu.memory_space<hbm>>) dst(%arg10 : memref<128x128xf32, #tpu.memory_space<vmem>>)
      %add3A_271 = arith.constant 1 : i32
      %add3A_272 = arith.addi %mul3A_231, %add3A_271 : i32
      %dma_start3A_273 = arith.constant 0 : i32
      %dma_start3A_274 = tpu.memref_slice %arg8[%add3A_272, %dma_start3A_273] : memref<64x128xi32, #tpu.memory_space<vmem>> -> memref<1x128xi32, #tpu.memory_space<vmem>>
      %dma_start3A_275 = tpu.memref_squeeze %dma_start3A_274 : memref<1x128xi32, #tpu.memory_space<vmem>> -> memref<128xi32, #tpu.memory_space<vmem>>
      %dma_start3A_276 = arith.constant 0 : i32
      %dma_start3A_277 = arith.constant 0 : i32
      %dma_start3A_278 = tpu.memref_slice %arg6[%dma_start3A_276, %dma_start3A_277] : memref<10112x128xf32, #tpu.memory_space<vmem_shared>> -> memref<10112x128xf32, #tpu.memory_space<vmem_shared>>
      tpu.enqueue_indirect_dma source(%arg10 : memref<128x128xf32, #tpu.memory_space<vmem>>) target(%dma_start3A_278 : memref<10112x128xf32, #tpu.memory_space<vmem_shared>>) offsets(%dma_start3A_275 : memref<128xi32, #tpu.memory_space<vmem>>) semaphore(%arg14 : memref<!tpu.dma_semaphore, #tpu.memory_space<semaphore_mem>>) {add = true}
    }
    %scan3A_67 = arith.constant 32 : i32
    %dma_wait3A_68 = arith.constant 62 : i32
    %dma_wait3A_69 = arith.constant 0 : i32
    %dma_wait3A_70 = tpu.memref_slice %arg8[%dma_wait3A_68, %dma_wait3A_69] : memref<64x128xi32, #tpu.memory_space<vmem>> -> memref<1x128xi32, #tpu.memory_space<vmem>>
    %dma_wait3A_71 = tpu.memref_squeeze %dma_wait3A_70 : memref<1x128xi32, #tpu.memory_space<vmem>> -> memref<128xi32, #tpu.memory_space<vmem>>
    %dma_wait3A_72 = arith.constant 0 : i32
    %dma_wait3A_73 = arith.constant 0 : i32
    %dma_wait3A_74 = tpu.memref_slice %arg6[%dma_wait3A_72, %dma_wait3A_73] : memref<10112x128xf32, #tpu.memory_space<vmem_shared>> -> memref<10112x128xf32, #tpu.memory_space<vmem_shared>>
    tpu.wait_indirect_dma semaphore(%arg13 : memref<!tpu.dma_semaphore, #tpu.memory_space<semaphore_mem>>) src(%arg9 : memref<128x128xf32, #tpu.memory_space<vmem>>) dst(%dma_wait3A_74 : memref<10112x128xf32, #tpu.memory_space<vmem_shared>>)
    %dma_wait3A_75 = arith.constant 63 : i32
    %dma_wait3A_76 = arith.constant 0 : i32
    %dma_wait3A_77 = tpu.memref_slice %arg8[%dma_wait3A_75, %dma_wait3A_76] : memref<64x128xi32, #tpu.memory_space<vmem>> -> memref<1x128xi32, #tpu.memory_space<vmem>>
    %dma_wait3A_78 = tpu.memref_squeeze %dma_wait3A_77 : memref<1x128xi32, #tpu.memory_space<vmem>> -> memref<128xi32, #tpu.memory_space<vmem>>
    %dma_wait3A_79 = arith.constant 0 : i32
    %dma_wait3A_80 = arith.constant 0 : i32
    %dma_wait3A_81 = tpu.memref_slice %arg6[%dma_wait3A_79, %dma_wait3A_80] : memref<10112x128xf32, #tpu.memory_space<vmem_shared>> -> memref<10112x128xf32, #tpu.memory_space<vmem_shared>>
    tpu.wait_indirect_dma semaphore(%arg14 : memref<!tpu.dma_semaphore, #tpu.memory_space<semaphore_mem>>) src(%arg10 : memref<128x128xf32, #tpu.memory_space<vmem>>) dst(%dma_wait3A_81 : memref<10112x128xf32, #tpu.memory_space<vmem_shared>>)
    %add3A_82 = arith.constant 64 : i32
    %add3A_83 = arith.addi %add3A, %add3A_82 : i32
    %dma_start3A_84 = arith.constant 0 : i32
    %dma_start3A_85 = arith.constant 0 : i32
    %dma_start3A_86 = tpu.memref_slice %arg7[%dma_start3A_84, %dma_start3A_85] : memref<64x128xi32, #tpu.memory_space<vmem>> -> memref<64x128xi32, #tpu.memory_space<vmem>>
    %dma_start3A_87 = arith.constant 0 : i32
    %dma_start3A_88 = tpu.memref_slice %arg3[%add3A_83, %dma_start3A_87] : memref<5120x128xi32, #tpu.memory_space<hbm>> -> memref<64x128xi32, #tpu.memory_space<hbm>>
    %dma_start3A_89 = arith.constant 0 : i32
    %dma_start3A_90 = arith.constant 0 : i32
    %dma_start3A_91 = tpu.memref_slice %arg7[%dma_start3A_89, %dma_start3A_90] : memref<64x128xi32, #tpu.memory_space<vmem>> -> memref<64x128xi32, #tpu.memory_space<vmem>>
    %dma_start3A_92 = arith.constant 0 : i32
    %dma_start3A_93 = tpu.memref_slice %arg3[%add3A_83, %dma_start3A_92] : memref<5120x128xi32, #tpu.memory_space<hbm>> -> memref<64x128xi32, #tpu.memory_space<hbm>>
    tpu.enqueue_dma source(%dma_start3A_93 : memref<64x128xi32, #tpu.memory_space<hbm>>) target(%dma_start3A_91 : memref<64x128xi32, #tpu.memory_space<vmem>>) target_semaphore(%arg15 : memref<!tpu.dma_semaphore, #tpu.memory_space<semaphore_mem>>)
    %dma_wait3A_94 = arith.constant 0 : i32
    %dma_wait3A_95 = arith.constant 0 : i32
    %dma_wait3A_96 = tpu.memref_slice %arg7[%dma_wait3A_94, %dma_wait3A_95] : memref<64x128xi32, #tpu.memory_space<vmem>> -> memref<64x128xi32, #tpu.memory_space<vmem>>
    %dma_wait3A_97 = arith.constant 0 : i32
    %dma_wait3A_98 = tpu.memref_slice %arg3[%add3A_83, %dma_wait3A_97] : memref<5120x128xi32, #tpu.memory_space<hbm>> -> memref<64x128xi32, #tpu.memory_space<hbm>>
    %dma_wait3A_99 = arith.constant 0 : i32
    %dma_wait3A_100 = arith.constant 0 : i32
    %dma_wait3A_101 = tpu.memref_slice %arg7[%dma_wait3A_99, %dma_wait3A_100] : memref<64x128xi32, #tpu.memory_space<vmem>> -> memref<64x128xi32, #tpu.memory_space<vmem>>
    %dma_wait3A_102 = arith.constant 0 : i32
    %dma_wait3A_103 = tpu.memref_slice %arg3[%add3A_83, %dma_wait3A_102] : memref<5120x128xi32, #tpu.memory_space<hbm>> -> memref<64x128xi32, #tpu.memory_space<hbm>>
    tpu.wait_dma2 semaphore(%arg15 : memref<!tpu.dma_semaphore, #tpu.memory_space<semaphore_mem>>) src(%dma_wait3A_103 : memref<64x128xi32, #tpu.memory_space<hbm>>) dst(%dma_wait3A_101 : memref<64x128xi32, #tpu.memory_space<vmem>>)
    %add3A_104 = arith.constant 64 : i32
    %add3A_105 = arith.addi %mul3A_4, %add3A_104 : i32
    %dma_start3A_106 = arith.constant 0 : i32
    %dma_start3A_107 = arith.constant 0 : i32
    %dma_start3A_108 = tpu.memref_slice %arg8[%dma_start3A_106, %dma_start3A_107] : memref<64x128xi32, #tpu.memory_space<vmem>> -> memref<64x128xi32, #tpu.memory_space<vmem>>
    %dma_start3A_109 = arith.constant 0 : i32
    %dma_start3A_110 = tpu.memref_slice %arg4[%add3A_105, %dma_start3A_109] : memref<2560x128xi32, #tpu.memory_space<hbm>> -> memref<64x128xi32, #tpu.memory_space<hbm>>
    %dma_start3A_111 = arith.constant 0 : i32
    %dma_start3A_112 = arith.constant 0 : i32
    %dma_start3A_113 = tpu.memref_slice %arg8[%dma_start3A_111, %dma_start3A_112] : memref<64x128xi32, #tpu.memory_space<vmem>> -> memref<64x128xi32, #tpu.memory_space<vmem>>
    %dma_start3A_114 = arith.constant 0 : i32
    %dma_start3A_115 = tpu.memref_slice %arg4[%add3A_105, %dma_start3A_114] : memref<2560x128xi32, #tpu.memory_space<hbm>> -> memref<64x128xi32, #tpu.memory_space<hbm>>
    tpu.enqueue_dma source(%dma_start3A_115 : memref<64x128xi32, #tpu.memory_space<hbm>>) target(%dma_start3A_113 : memref<64x128xi32, #tpu.memory_space<vmem>>) target_semaphore(%arg15 : memref<!tpu.dma_semaphore, #tpu.memory_space<semaphore_mem>>)
    %dma_wait3A_116 = arith.constant 0 : i32
    %dma_wait3A_117 = arith.constant 0 : i32
    %dma_wait3A_118 = tpu.memref_slice %arg8[%dma_wait3A_116, %dma_wait3A_117] : memref<64x128xi32, #tpu.memory_space<vmem>> -> memref<64x128xi32, #tpu.memory_space<vmem>>
    %dma_wait3A_119 = arith.constant 0 : i32
    %dma_wait3A_120 = tpu.memref_slice %arg4[%add3A_105, %dma_wait3A_119] : memref<2560x128xi32, #tpu.memory_space<hbm>> -> memref<64x128xi32, #tpu.memory_space<hbm>>
    %dma_wait3A_121 = arith.constant 0 : i32
    %dma_wait3A_122 = arith.constant 0 : i32
    %dma_wait3A_123 = tpu.memref_slice %arg8[%dma_wait3A_121, %dma_wait3A_122] : memref<64x128xi32, #tpu.memory_space<vmem>> -> memref<64x128xi32, #tpu.memory_space<vmem>>
    %dma_wait3A_124 = arith.constant 0 : i32
    %dma_wait3A_125 = tpu.memref_slice %arg4[%add3A_105, %dma_wait3A_124] : memref<2560x128xi32, #tpu.memory_space<hbm>> -> memref<64x128xi32, #tpu.memory_space<hbm>>
    tpu.wait_dma2 semaphore(%arg15 : memref<!tpu.dma_semaphore, #tpu.memory_space<semaphore_mem>>) src(%dma_wait3A_125 : memref<64x128xi32, #tpu.memory_space<hbm>>) dst(%dma_wait3A_123 : memref<64x128xi32, #tpu.memory_space<vmem>>)
    %dma_start3A_126 = arith.constant 0 : i32
    %dma_start3A_127 = arith.constant 0 : i32
    %dma_start3A_128 = tpu.memref_slice %arg7[%dma_start3A_126, %dma_start3A_127] : memref<64x128xi32, #tpu.memory_space<vmem>> -> memref<1x128xi32, #tpu.memory_space<vmem>>
    %dma_start3A_129 = tpu.memref_squeeze %dma_start3A_128 : memref<1x128xi32, #tpu.memory_space<vmem>> -> memref<128xi32, #tpu.memory_space<vmem>>
    %dma_start3A_130 = arith.constant 0 : i32
    %dma_start3A_131 = arith.constant 0 : i32
    %dma_start3A_132 = tpu.memref_slice %arg2[%dma_start3A_130, %dma_start3A_131] : memref<20000x128xf32, #tpu.memory_space<hbm>> -> memref<20000x128xf32, #tpu.memory_space<hbm>>
    tpu.enqueue_indirect_dma source(%dma_start3A_132 : memref<20000x128xf32, #tpu.memory_space<hbm>>) target(%arg9 : memref<128x128xf32, #tpu.memory_space<vmem>>) offsets(%dma_start3A_129 : memref<128xi32, #tpu.memory_space<vmem>>) semaphore(%arg11 : memref<!tpu.dma_semaphore, #tpu.memory_space<semaphore_mem>>)
    %scan3A_133 = arith.constant 0 : i32
    %scan3A_134 = arith.constant 32 : i32
    %scan3A_135 = arith.addi %scan3A_133, %scan3A_134 : i32
    %scan3A_136 = arith.constant 1 : i32
    scf.for %scan3A_229 = %scan3A_133 to %scan3A_135 step %scan3A_136  : i32 {
      %mul3A_230 = arith.constant 2 : i32
      %mul3A_231 = arith.muli %mul3A_230, %scan3A_229 : i32
      %dma_wait3A_232 = arith.constant 0 : i32
      %dma_wait3A_233 = tpu.memref_slice %arg7[%mul3A_231, %dma_wait3A_232] : memref<64x128xi32, #tpu.memory_space<vmem>> -> memref<1x128xi32, #tpu.memory_space<vmem>>
      %dma_wait3A_234 = tpu.memref_squeeze %dma_wait3A_233 : memref<1x128xi32, #tpu.memory_space<vmem>> -> memref<128xi32, #tpu.memory_space<vmem>>
      %dma_wait3A_235 = arith.constant 0 : i32
      %dma_wait3A_236 = arith.constant 0 : i32
      %dma_wait3A_237 = tpu.memref_slice %arg2[%dma_wait3A_235, %dma_wait3A_236] : memref<20000x128xf32, #tpu.memory_space<hbm>> -> memref<20000x128xf32, #tpu.memory_space<hbm>>
      tpu.wait_indirect_dma semaphore(%arg11 : memref<!tpu.dma_semaphore, #tpu.memory_space<semaphore_mem>>) src(%dma_wait3A_237 : memref<20000x128xf32, #tpu.memory_space<hbm>>) dst(%arg9 : memref<128x128xf32, #tpu.memory_space<vmem>>)
      %dma_start3A_238 = arith.constant 0 : i32
      %dma_start3A_239 = tpu.memref_slice %arg8[%mul3A_231, %dma_start3A_238] : memref<64x128xi32, #tpu.memory_space<vmem>> -> memref<1x128xi32, #tpu.memory_space<vmem>>
      %dma_start3A_240 = tpu.memref_squeeze %dma_start3A_239 : memref<1x128xi32, #tpu.memory_space<vmem>> -> memref<128xi32, #tpu.memory_space<vmem>>
      %dma_start3A_241 = arith.constant 0 : i32
      %dma_start3A_242 = arith.constant 0 : i32
      %dma_start3A_243 = tpu.memref_slice %arg6[%dma_start3A_241, %dma_start3A_242] : memref<10112x128xf32, #tpu.memory_space<vmem_shared>> -> memref<10112x128xf32, #tpu.memory_space<vmem_shared>>
      tpu.enqueue_indirect_dma source(%arg9 : memref<128x128xf32, #tpu.memory_space<vmem>>) target(%dma_start3A_243 : memref<10112x128xf32, #tpu.memory_space<vmem_shared>>) offsets(%dma_start3A_240 : memref<128xi32, #tpu.memory_space<vmem>>) semaphore(%arg13 : memref<!tpu.dma_semaphore, #tpu.memory_space<semaphore_mem>>) {add = true}
      %gt3A = arith.constant 0 : i32
      %gt3A_244 = arith.cmpi sgt, %scan3A_229, %gt3A : i32
      %convert_element_type3A_245 = arith.extui %gt3A_244 : i1 to i32
      %cond3A_246 = arith.constant 0 : i32
      %cond3A_247 = arith.cmpi ne, %convert_element_type3A_245, %cond3A_246 : i32
      scf.if %cond3A_247 {
        %sub3A = arith.constant 1 : i32
        %sub3A_279 = arith.subi %mul3A_231, %sub3A : i32
        %dma_wait3A_280 = arith.constant 0 : i32
        %dma_wait3A_281 = tpu.memref_slice %arg8[%sub3A_279, %dma_wait3A_280] : memref<64x128xi32, #tpu.memory_space<vmem>> -> memref<1x128xi32, #tpu.memory_space<vmem>>
        %dma_wait3A_282 = tpu.memref_squeeze %dma_wait3A_281 : memref<1x128xi32, #tpu.memory_space<vmem>> -> memref<128xi32, #tpu.memory_space<vmem>>
        %dma_wait3A_283 = arith.constant 0 : i32
        %dma_wait3A_284 = arith.constant 0 : i32
        %dma_wait3A_285 = tpu.memref_slice %arg6[%dma_wait3A_283, %dma_wait3A_284] : memref<10112x128xf32, #tpu.memory_space<vmem_shared>> -> memref<10112x128xf32, #tpu.memory_space<vmem_shared>>
        tpu.wait_indirect_dma semaphore(%arg14 : memref<!tpu.dma_semaphore, #tpu.memory_space<semaphore_mem>>) src(%arg10 : memref<128x128xf32, #tpu.memory_space<vmem>>) dst(%dma_wait3A_285 : memref<10112x128xf32, #tpu.memory_space<vmem_shared>>)
      } else {
      }
      %add3A_248 = arith.constant 1 : i32
      %add3A_249 = arith.addi %mul3A_231, %add3A_248 : i32
      %dma_start3A_250 = arith.constant 0 : i32
      %dma_start3A_251 = tpu.memref_slice %arg7[%add3A_249, %dma_start3A_250] : memref<64x128xi32, #tpu.memory_space<vmem>> -> memref<1x128xi32, #tpu.memory_space<vmem>>
      %dma_start3A_252 = tpu.memref_squeeze %dma_start3A_251 : memref<1x128xi32, #tpu.memory_space<vmem>> -> memref<128xi32, #tpu.memory_space<vmem>>
      %dma_start3A_253 = arith.constant 0 : i32
      %dma_start3A_254 = arith.constant 0 : i32
      %dma_start3A_255 = tpu.memref_slice %arg2[%dma_start3A_253, %dma_start3A_254] : memref<20000x128xf32, #tpu.memory_space<hbm>> -> memref<20000x128xf32, #tpu.memory_space<hbm>>
      tpu.enqueue_indirect_dma source(%dma_start3A_255 : memref<20000x128xf32, #tpu.memory_space<hbm>>) target(%arg10 : memref<128x128xf32, #tpu.memory_space<vmem>>) offsets(%dma_start3A_252 : memref<128xi32, #tpu.memory_space<vmem>>) semaphore(%arg12 : memref<!tpu.dma_semaphore, #tpu.memory_space<semaphore_mem>>)
      %add3A_256 = arith.constant 2 : i32
      %add3A_257 = arith.addi %mul3A_231, %add3A_256 : i32
      %lt3A_258 = arith.constant 64 : i32
      %lt3A_259 = arith.cmpi slt, %add3A_257, %lt3A_258 : i32
      %convert_element_type3A_260 = arith.extui %lt3A_259 : i1 to i32
      %cond3A_261 = arith.constant 0 : i32
      %cond3A_262 = arith.cmpi ne, %convert_element_type3A_260, %cond3A_261 : i32
      scf.if %cond3A_262 {
        %dma_wait3A_279 = arith.constant 0 : i32
        %dma_wait3A_280 = tpu.memref_slice %arg8[%mul3A_231, %dma_wait3A_279] : memref<64x128xi32, #tpu.memory_space<vmem>> -> memref<1x128xi32, #tpu.memory_space<vmem>>
        %dma_wait3A_281 = tpu.memref_squeeze %dma_wait3A_280 : memref<1x128xi32, #tpu.memory_space<vmem>> -> memref<128xi32, #tpu.memory_space<vmem>>
        %dma_wait3A_282 = arith.constant 0 : i32
        %dma_wait3A_283 = arith.constant 0 : i32
        %dma_wait3A_284 = tpu.memref_slice %arg6[%dma_wait3A_282, %dma_wait3A_283] : memref<10112x128xf32, #tpu.memory_space<vmem_shared>> -> memref<10112x128xf32, #tpu.memory_space<vmem_shared>>
        tpu.wait_indirect_dma semaphore(%arg13 : memref<!tpu.dma_semaphore, #tpu.memory_space<semaphore_mem>>) src(%arg9 : memref<128x128xf32, #tpu.memory_space<vmem>>) dst(%dma_wait3A_284 : memref<10112x128xf32, #tpu.memory_space<vmem_shared>>)
        %add3A_285 = arith.constant 2 : i32
        %add3A_286 = arith.addi %mul3A_231, %add3A_285 : i32
        %dma_start3A_287 = arith.constant 0 : i32
        %dma_start3A_288 = tpu.memref_slice %arg7[%add3A_286, %dma_start3A_287] : memref<64x128xi32, #tpu.memory_space<vmem>> -> memref<1x128xi32, #tpu.memory_space<vmem>>
        %dma_start3A_289 = tpu.memref_squeeze %dma_start3A_288 : memref<1x128xi32, #tpu.memory_space<vmem>> -> memref<128xi32, #tpu.memory_space<vmem>>
        %dma_start3A_290 = arith.constant 0 : i32
        %dma_start3A_291 = arith.constant 0 : i32
        %dma_start3A_292 = tpu.memref_slice %arg2[%dma_start3A_290, %dma_start3A_291] : memref<20000x128xf32, #tpu.memory_space<hbm>> -> memref<20000x128xf32, #tpu.memory_space<hbm>>
        tpu.enqueue_indirect_dma source(%dma_start3A_292 : memref<20000x128xf32, #tpu.memory_space<hbm>>) target(%arg9 : memref<128x128xf32, #tpu.memory_space<vmem>>) offsets(%dma_start3A_289 : memref<128xi32, #tpu.memory_space<vmem>>) semaphore(%arg11 : memref<!tpu.dma_semaphore, #tpu.memory_space<semaphore_mem>>)
      } else {
      }
      %add3A_263 = arith.constant 1 : i32
      %add3A_264 = arith.addi %mul3A_231, %add3A_263 : i32
      %dma_wait3A_265 = arith.constant 0 : i32
      %dma_wait3A_266 = tpu.memref_slice %arg7[%add3A_264, %dma_wait3A_265] : memref<64x128xi32, #tpu.memory_space<vmem>> -> memref<1x128xi32, #tpu.memory_space<vmem>>
      %dma_wait3A_267 = tpu.memref_squeeze %dma_wait3A_266 : memref<1x128xi32, #tpu.memory_space<vmem>> -> memref<128xi32, #tpu.memory_space<vmem>>
      %dma_wait3A_268 = arith.constant 0 : i32
      %dma_wait3A_269 = arith.constant 0 : i32
      %dma_wait3A_270 = tpu.memref_slice %arg2[%dma_wait3A_268, %dma_wait3A_269] : memref<20000x128xf32, #tpu.memory_space<hbm>> -> memref<20000x128xf32, #tpu.memory_space<hbm>>
      tpu.wait_indirect_dma semaphore(%arg12 : memref<!tpu.dma_semaphore, #tpu.memory_space<semaphore_mem>>) src(%dma_wait3A_270 : memref<20000x128xf32, #tpu.memory_space<hbm>>) dst(%arg10 : memref<128x128xf32, #tpu.memory_space<vmem>>)
      %add3A_271 = arith.constant 1 : i32
      %add3A_272 = arith.addi %mul3A_231, %add3A_271 : i32
      %dma_start3A_273 = arith.constant 0 : i32
      %dma_start3A_274 = tpu.memref_slice %arg8[%add3A_272, %dma_start3A_273] : memref<64x128xi32, #tpu.memory_space<vmem>> -> memref<1x128xi32, #tpu.memory_space<vmem>>
      %dma_start3A_275 = tpu.memref_squeeze %dma_start3A_274 : memref<1x128xi32, #tpu.memory_space<vmem>> -> memref<128xi32, #tpu.memory_space<vmem>>
      %dma_start3A_276 = arith.constant 0 : i32
      %dma_start3A_277 = arith.constant 0 : i32
      %dma_start3A_278 = tpu.memref_slice %arg6[%dma_start3A_276, %dma_start3A_277] : memref<10112x128xf32, #tpu.memory_space<vmem_shared>> -> memref<10112x128xf32, #tpu.memory_space<vmem_shared>>
      tpu.enqueue_indirect_dma source(%arg10 : memref<128x128xf32, #tpu.memory_space<vmem>>) target(%dma_start3A_278 : memref<10112x128xf32, #tpu.memory_space<vmem_shared>>) offsets(%dma_start3A_275 : memref<128xi32, #tpu.memory_space<vmem>>) semaphore(%arg14 : memref<!tpu.dma_semaphore, #tpu.memory_space<semaphore_mem>>) {add = true}
    }
    %scan3A_137 = arith.constant 32 : i32
    %dma_wait3A_138 = arith.constant 62 : i32
    %dma_wait3A_139 = arith.constant 0 : i32
    %dma_wait3A_140 = tpu.memref_slice %arg8[%dma_wait3A_138, %dma_wait3A_139] : memref<64x128xi32, #tpu.memory_space<vmem>> -> memref<1x128xi32, #tpu.memory_space<vmem>>
    %dma_wait3A_141 = tpu.memref_squeeze %dma_wait3A_140 : memref<1x128xi32, #tpu.memory_space<vmem>> -> memref<128xi32, #tpu.memory_space<vmem>>
    %dma_wait3A_142 = arith.constant 0 : i32
    %dma_wait3A_143 = arith.constant 0 : i32
    %dma_wait3A_144 = tpu.memref_slice %arg6[%dma_wait3A_142, %dma_wait3A_143] : memref<10112x128xf32, #tpu.memory_space<vmem_shared>> -> memref<10112x128xf32, #tpu.memory_space<vmem_shared>>
    tpu.wait_indirect_dma semaphore(%arg13 : memref<!tpu.dma_semaphore, #tpu.memory_space<semaphore_mem>>) src(%arg9 : memref<128x128xf32, #tpu.memory_space<vmem>>) dst(%dma_wait3A_144 : memref<10112x128xf32, #tpu.memory_space<vmem_shared>>)
    %dma_wait3A_145 = arith.constant 63 : i32
    %dma_wait3A_146 = arith.constant 0 : i32
    %dma_wait3A_147 = tpu.memref_slice %arg8[%dma_wait3A_145, %dma_wait3A_146] : memref<64x128xi32, #tpu.memory_space<vmem>> -> memref<1x128xi32, #tpu.memory_space<vmem>>
    %dma_wait3A_148 = tpu.memref_squeeze %dma_wait3A_147 : memref<1x128xi32, #tpu.memory_space<vmem>> -> memref<128xi32, #tpu.memory_space<vmem>>
    %dma_wait3A_149 = arith.constant 0 : i32
    %dma_wait3A_150 = arith.constant 0 : i32
    %dma_wait3A_151 = tpu.memref_slice %arg6[%dma_wait3A_149, %dma_wait3A_150] : memref<10112x128xf32, #tpu.memory_space<vmem_shared>> -> memref<10112x128xf32, #tpu.memory_space<vmem_shared>>
    tpu.wait_indirect_dma semaphore(%arg14 : memref<!tpu.dma_semaphore, #tpu.memory_space<semaphore_mem>>) src(%arg10 : memref<128x128xf32, #tpu.memory_space<vmem>>) dst(%dma_wait3A_151 : memref<10112x128xf32, #tpu.memory_space<vmem_shared>>)
    %add3A_152 = arith.constant 128 : i32
    %add3A_153 = arith.addi %add3A, %add3A_152 : i32
    %dma_start3A_154 = arith.constant 0 : i32
    %dma_start3A_155 = arith.constant 0 : i32
    %dma_start3A_156 = tpu.memref_slice %arg7[%dma_start3A_154, %dma_start3A_155] : memref<64x128xi32, #tpu.memory_space<vmem>> -> memref<32x128xi32, #tpu.memory_space<vmem>>
    %dma_start3A_157 = arith.constant 0 : i32
    %dma_start3A_158 = tpu.memref_slice %arg3[%add3A_153, %dma_start3A_157] : memref<5120x128xi32, #tpu.memory_space<hbm>> -> memref<32x128xi32, #tpu.memory_space<hbm>>
    %dma_start3A_159 = arith.constant 0 : i32
    %dma_start3A_160 = arith.constant 0 : i32
    %dma_start3A_161 = tpu.memref_slice %arg7[%dma_start3A_159, %dma_start3A_160] : memref<64x128xi32, #tpu.memory_space<vmem>> -> memref<32x128xi32, #tpu.memory_space<vmem>>
    %dma_start3A_162 = arith.constant 0 : i32
    %dma_start3A_163 = tpu.memref_slice %arg3[%add3A_153, %dma_start3A_162] : memref<5120x128xi32, #tpu.memory_space<hbm>> -> memref<32x128xi32, #tpu.memory_space<hbm>>
    tpu.enqueue_dma source(%dma_start3A_163 : memref<32x128xi32, #tpu.memory_space<hbm>>) target(%dma_start3A_161 : memref<32x128xi32, #tpu.memory_space<vmem>>) target_semaphore(%arg15 : memref<!tpu.dma_semaphore, #tpu.memory_space<semaphore_mem>>)
    %dma_wait3A_164 = arith.constant 0 : i32
    %dma_wait3A_165 = arith.constant 0 : i32
    %dma_wait3A_166 = tpu.memref_slice %arg7[%dma_wait3A_164, %dma_wait3A_165] : memref<64x128xi32, #tpu.memory_space<vmem>> -> memref<32x128xi32, #tpu.memory_space<vmem>>
    %dma_wait3A_167 = arith.constant 0 : i32
    %dma_wait3A_168 = tpu.memref_slice %arg3[%add3A_153, %dma_wait3A_167] : memref<5120x128xi32, #tpu.memory_space<hbm>> -> memref<32x128xi32, #tpu.memory_space<hbm>>
    %dma_wait3A_169 = arith.constant 0 : i32
    %dma_wait3A_170 = arith.constant 0 : i32
    %dma_wait3A_171 = tpu.memref_slice %arg7[%dma_wait3A_169, %dma_wait3A_170] : memref<64x128xi32, #tpu.memory_space<vmem>> -> memref<32x128xi32, #tpu.memory_space<vmem>>
    %dma_wait3A_172 = arith.constant 0 : i32
    %dma_wait3A_173 = tpu.memref_slice %arg3[%add3A_153, %dma_wait3A_172] : memref<5120x128xi32, #tpu.memory_space<hbm>> -> memref<32x128xi32, #tpu.memory_space<hbm>>
    tpu.wait_dma2 semaphore(%arg15 : memref<!tpu.dma_semaphore, #tpu.memory_space<semaphore_mem>>) src(%dma_wait3A_173 : memref<32x128xi32, #tpu.memory_space<hbm>>) dst(%dma_wait3A_171 : memref<32x128xi32, #tpu.memory_space<vmem>>)
    %add3A_174 = arith.constant 128 : i32
    %add3A_175 = arith.addi %mul3A_4, %add3A_174 : i32
    %dma_start3A_176 = arith.constant 0 : i32
    %dma_start3A_177 = arith.constant 0 : i32
    %dma_start3A_178 = tpu.memref_slice %arg8[%dma_start3A_176, %dma_start3A_177] : memref<64x128xi32, #tpu.memory_space<vmem>> -> memref<32x128xi32, #tpu.memory_space<vmem>>
    %dma_start3A_179 = arith.constant 0 : i32
    %dma_start3A_180 = tpu.memref_slice %arg4[%add3A_175, %dma_start3A_179] : memref<2560x128xi32, #tpu.memory_space<hbm>> -> memref<32x128xi32, #tpu.memory_space<hbm>>
    %dma_start3A_181 = arith.constant 0 : i32
    %dma_start3A_182 = arith.constant 0 : i32
    %dma_start3A_183 = tpu.memref_slice %arg8[%dma_start3A_181, %dma_start3A_182] : memref<64x128xi32, #tpu.memory_space<vmem>> -> memref<32x128xi32, #tpu.memory_space<vmem>>
    %dma_start3A_184 = arith.constant 0 : i32
    %dma_start3A_185 = tpu.memref_slice %arg4[%add3A_175, %dma_start3A_184] : memref<2560x128xi32, #tpu.memory_space<hbm>> -> memref<32x128xi32, #tpu.memory_space<hbm>>
    tpu.enqueue_dma source(%dma_start3A_185 : memref<32x128xi32, #tpu.memory_space<hbm>>) target(%dma_start3A_183 : memref<32x128xi32, #tpu.memory_space<vmem>>) target_semaphore(%arg15 : memref<!tpu.dma_semaphore, #tpu.memory_space<semaphore_mem>>)
    %dma_wait3A_186 = arith.constant 0 : i32
    %dma_wait3A_187 = arith.constant 0 : i32
    %dma_wait3A_188 = tpu.memref_slice %arg8[%dma_wait3A_186, %dma_wait3A_187] : memref<64x128xi32, #tpu.memory_space<vmem>> -> memref<32x128xi32, #tpu.memory_space<vmem>>
    %dma_wait3A_189 = arith.constant 0 : i32
    %dma_wait3A_190 = tpu.memref_slice %arg4[%add3A_175, %dma_wait3A_189] : memref<2560x128xi32, #tpu.memory_space<hbm>> -> memref<32x128xi32, #tpu.memory_space<hbm>>
    %dma_wait3A_191 = arith.constant 0 : i32
    %dma_wait3A_192 = arith.constant 0 : i32
    %dma_wait3A_193 = tpu.memref_slice %arg8[%dma_wait3A_191, %dma_wait3A_192] : memref<64x128xi32, #tpu.memory_space<vmem>> -> memref<32x128xi32, #tpu.memory_space<vmem>>
    %dma_wait3A_194 = arith.constant 0 : i32
    %dma_wait3A_195 = tpu.memref_slice %arg4[%add3A_175, %dma_wait3A_194] : memref<2560x128xi32, #tpu.memory_space<hbm>> -> memref<32x128xi32, #tpu.memory_space<hbm>>
    tpu.wait_dma2 semaphore(%arg15 : memref<!tpu.dma_semaphore, #tpu.memory_space<semaphore_mem>>) src(%dma_wait3A_195 : memref<32x128xi32, #tpu.memory_space<hbm>>) dst(%dma_wait3A_193 : memref<32x128xi32, #tpu.memory_space<vmem>>)
    %dma_start3A_196 = arith.constant 0 : i32
    %dma_start3A_197 = arith.constant 0 : i32
    %dma_start3A_198 = tpu.memref_slice %arg7[%dma_start3A_196, %dma_start3A_197] : memref<64x128xi32, #tpu.memory_space<vmem>> -> memref<1x128xi32, #tpu.memory_space<vmem>>
    %dma_start3A_199 = tpu.memref_squeeze %dma_start3A_198 : memref<1x128xi32, #tpu.memory_space<vmem>> -> memref<128xi32, #tpu.memory_space<vmem>>
    %dma_start3A_200 = arith.constant 0 : i32
    %dma_start3A_201 = arith.constant 0 : i32
    %dma_start3A_202 = tpu.memref_slice %arg2[%dma_start3A_200, %dma_start3A_201] : memref<20000x128xf32, #tpu.memory_space<hbm>> -> memref<20000x128xf32, #tpu.memory_space<hbm>>
    tpu.enqueue_indirect_dma source(%dma_start3A_202 : memref<20000x128xf32, #tpu.memory_space<hbm>>) target(%arg9 : memref<128x128xf32, #tpu.memory_space<vmem>>) offsets(%dma_start3A_199 : memref<128xi32, #tpu.memory_space<vmem>>) semaphore(%arg11 : memref<!tpu.dma_semaphore, #tpu.memory_space<semaphore_mem>>)
    %scan3A_203 = arith.constant 0 : i32
    %scan3A_204 = arith.constant 16 : i32
    %scan3A_205 = arith.addi %scan3A_203, %scan3A_204 : i32
    %scan3A_206 = arith.constant 1 : i32
    scf.for %scan3A_229 = %scan3A_203 to %scan3A_205 step %scan3A_206  : i32 {
      %mul3A_230 = arith.constant 2 : i32
      %mul3A_231 = arith.muli %mul3A_230, %scan3A_229 : i32
      %dma_wait3A_232 = arith.constant 0 : i32
      %dma_wait3A_233 = tpu.memref_slice %arg7[%mul3A_231, %dma_wait3A_232] : memref<64x128xi32, #tpu.memory_space<vmem>> -> memref<1x128xi32, #tpu.memory_space<vmem>>
      %dma_wait3A_234 = tpu.memref_squeeze %dma_wait3A_233 : memref<1x128xi32, #tpu.memory_space<vmem>> -> memref<128xi32, #tpu.memory_space<vmem>>
      %dma_wait3A_235 = arith.constant 0 : i32
      %dma_wait3A_236 = arith.constant 0 : i32
      %dma_wait3A_237 = tpu.memref_slice %arg2[%dma_wait3A_235, %dma_wait3A_236] : memref<20000x128xf32, #tpu.memory_space<hbm>> -> memref<20000x128xf32, #tpu.memory_space<hbm>>
      tpu.wait_indirect_dma semaphore(%arg11 : memref<!tpu.dma_semaphore, #tpu.memory_space<semaphore_mem>>) src(%dma_wait3A_237 : memref<20000x128xf32, #tpu.memory_space<hbm>>) dst(%arg9 : memref<128x128xf32, #tpu.memory_space<vmem>>)
      %dma_start3A_238 = arith.constant 0 : i32
      %dma_start3A_239 = tpu.memref_slice %arg8[%mul3A_231, %dma_start3A_238] : memref<64x128xi32, #tpu.memory_space<vmem>> -> memref<1x128xi32, #tpu.memory_space<vmem>>
      %dma_start3A_240 = tpu.memref_squeeze %dma_start3A_239 : memref<1x128xi32, #tpu.memory_space<vmem>> -> memref<128xi32, #tpu.memory_space<vmem>>
      %dma_start3A_241 = arith.constant 0 : i32
      %dma_start3A_242 = arith.constant 0 : i32
      %dma_start3A_243 = tpu.memref_slice %arg6[%dma_start3A_241, %dma_start3A_242] : memref<10112x128xf32, #tpu.memory_space<vmem_shared>> -> memref<10112x128xf32, #tpu.memory_space<vmem_shared>>
      tpu.enqueue_indirect_dma source(%arg9 : memref<128x128xf32, #tpu.memory_space<vmem>>) target(%dma_start3A_243 : memref<10112x128xf32, #tpu.memory_space<vmem_shared>>) offsets(%dma_start3A_240 : memref<128xi32, #tpu.memory_space<vmem>>) semaphore(%arg13 : memref<!tpu.dma_semaphore, #tpu.memory_space<semaphore_mem>>) {add = true}
      %gt3A = arith.constant 0 : i32
      %gt3A_244 = arith.cmpi sgt, %scan3A_229, %gt3A : i32
      %convert_element_type3A_245 = arith.extui %gt3A_244 : i1 to i32
      %cond3A_246 = arith.constant 0 : i32
      %cond3A_247 = arith.cmpi ne, %convert_element_type3A_245, %cond3A_246 : i32
      scf.if %cond3A_247 {
        %sub3A = arith.constant 1 : i32
        %sub3A_279 = arith.subi %mul3A_231, %sub3A : i32
        %dma_wait3A_280 = arith.constant 0 : i32
        %dma_wait3A_281 = tpu.memref_slice %arg8[%sub3A_279, %dma_wait3A_280] : memref<64x128xi32, #tpu.memory_space<vmem>> -> memref<1x128xi32, #tpu.memory_space<vmem>>
        %dma_wait3A_282 = tpu.memref_squeeze %dma_wait3A_281 : memref<1x128xi32, #tpu.memory_space<vmem>> -> memref<128xi32, #tpu.memory_space<vmem>>
        %dma_wait3A_283 = arith.constant 0 : i32
        %dma_wait3A_284 = arith.constant 0 : i32
        %dma_wait3A_285 = tpu.memref_slice %arg6[%dma_wait3A_283, %dma_wait3A_284] : memref<10112x128xf32, #tpu.memory_space<vmem_shared>> -> memref<10112x128xf32, #tpu.memory_space<vmem_shared>>
        tpu.wait_indirect_dma semaphore(%arg14 : memref<!tpu.dma_semaphore, #tpu.memory_space<semaphore_mem>>) src(%arg10 : memref<128x128xf32, #tpu.memory_space<vmem>>) dst(%dma_wait3A_285 : memref<10112x128xf32, #tpu.memory_space<vmem_shared>>)
      } else {
      }
      %add3A_248 = arith.constant 1 : i32
      %add3A_249 = arith.addi %mul3A_231, %add3A_248 : i32
      %dma_start3A_250 = arith.constant 0 : i32
      %dma_start3A_251 = tpu.memref_slice %arg7[%add3A_249, %dma_start3A_250] : memref<64x128xi32, #tpu.memory_space<vmem>> -> memref<1x128xi32, #tpu.memory_space<vmem>>
      %dma_start3A_252 = tpu.memref_squeeze %dma_start3A_251 : memref<1x128xi32, #tpu.memory_space<vmem>> -> memref<128xi32, #tpu.memory_space<vmem>>
      %dma_start3A_253 = arith.constant 0 : i32
      %dma_start3A_254 = arith.constant 0 : i32
      %dma_start3A_255 = tpu.memref_slice %arg2[%dma_start3A_253, %dma_start3A_254] : memref<20000x128xf32, #tpu.memory_space<hbm>> -> memref<20000x128xf32, #tpu.memory_space<hbm>>
      tpu.enqueue_indirect_dma source(%dma_start3A_255 : memref<20000x128xf32, #tpu.memory_space<hbm>>) target(%arg10 : memref<128x128xf32, #tpu.memory_space<vmem>>) offsets(%dma_start3A_252 : memref<128xi32, #tpu.memory_space<vmem>>) semaphore(%arg12 : memref<!tpu.dma_semaphore, #tpu.memory_space<semaphore_mem>>)
      %add3A_256 = arith.constant 2 : i32
      %add3A_257 = arith.addi %mul3A_231, %add3A_256 : i32
      %lt3A_258 = arith.constant 32 : i32
      %lt3A_259 = arith.cmpi slt, %add3A_257, %lt3A_258 : i32
      %convert_element_type3A_260 = arith.extui %lt3A_259 : i1 to i32
      %cond3A_261 = arith.constant 0 : i32
      %cond3A_262 = arith.cmpi ne, %convert_element_type3A_260, %cond3A_261 : i32
      scf.if %cond3A_262 {
        %dma_wait3A_279 = arith.constant 0 : i32
        %dma_wait3A_280 = tpu.memref_slice %arg8[%mul3A_231, %dma_wait3A_279] : memref<64x128xi32, #tpu.memory_space<vmem>> -> memref<1x128xi32, #tpu.memory_space<vmem>>
        %dma_wait3A_281 = tpu.memref_squeeze %dma_wait3A_280 : memref<1x128xi32, #tpu.memory_space<vmem>> -> memref<128xi32, #tpu.memory_space<vmem>>
        %dma_wait3A_282 = arith.constant 0 : i32
        %dma_wait3A_283 = arith.constant 0 : i32
        %dma_wait3A_284 = tpu.memref_slice %arg6[%dma_wait3A_282, %dma_wait3A_283] : memref<10112x128xf32, #tpu.memory_space<vmem_shared>> -> memref<10112x128xf32, #tpu.memory_space<vmem_shared>>
        tpu.wait_indirect_dma semaphore(%arg13 : memref<!tpu.dma_semaphore, #tpu.memory_space<semaphore_mem>>) src(%arg9 : memref<128x128xf32, #tpu.memory_space<vmem>>) dst(%dma_wait3A_284 : memref<10112x128xf32, #tpu.memory_space<vmem_shared>>)
        %add3A_285 = arith.constant 2 : i32
        %add3A_286 = arith.addi %mul3A_231, %add3A_285 : i32
        %dma_start3A_287 = arith.constant 0 : i32
        %dma_start3A_288 = tpu.memref_slice %arg7[%add3A_286, %dma_start3A_287] : memref<64x128xi32, #tpu.memory_space<vmem>> -> memref<1x128xi32, #tpu.memory_space<vmem>>
        %dma_start3A_289 = tpu.memref_squeeze %dma_start3A_288 : memref<1x128xi32, #tpu.memory_space<vmem>> -> memref<128xi32, #tpu.memory_space<vmem>>
        %dma_start3A_290 = arith.constant 0 : i32
        %dma_start3A_291 = arith.constant 0 : i32
        %dma_start3A_292 = tpu.memref_slice %arg2[%dma_start3A_290, %dma_start3A_291] : memref<20000x128xf32, #tpu.memory_space<hbm>> -> memref<20000x128xf32, #tpu.memory_space<hbm>>
        tpu.enqueue_indirect_dma source(%dma_start3A_292 : memref<20000x128xf32, #tpu.memory_space<hbm>>) target(%arg9 : memref<128x128xf32, #tpu.memory_space<vmem>>) offsets(%dma_start3A_289 : memref<128xi32, #tpu.memory_space<vmem>>) semaphore(%arg11 : memref<!tpu.dma_semaphore, #tpu.memory_space<semaphore_mem>>)
      } else {
      }
      %add3A_263 = arith.constant 1 : i32
      %add3A_264 = arith.addi %mul3A_231, %add3A_263 : i32
      %dma_wait3A_265 = arith.constant 0 : i32
      %dma_wait3A_266 = tpu.memref_slice %arg7[%add3A_264, %dma_wait3A_265] : memref<64x128xi32, #tpu.memory_space<vmem>> -> memref<1x128xi32, #tpu.memory_space<vmem>>
      %dma_wait3A_267 = tpu.memref_squeeze %dma_wait3A_266 : memref<1x128xi32, #tpu.memory_space<vmem>> -> memref<128xi32, #tpu.memory_space<vmem>>
      %dma_wait3A_268 = arith.constant 0 : i32
      %dma_wait3A_269 = arith.constant 0 : i32
      %dma_wait3A_270 = tpu.memref_slice %arg2[%dma_wait3A_268, %dma_wait3A_269] : memref<20000x128xf32, #tpu.memory_space<hbm>> -> memref<20000x128xf32, #tpu.memory_space<hbm>>
      tpu.wait_indirect_dma semaphore(%arg12 : memref<!tpu.dma_semaphore, #tpu.memory_space<semaphore_mem>>) src(%dma_wait3A_270 : memref<20000x128xf32, #tpu.memory_space<hbm>>) dst(%arg10 : memref<128x128xf32, #tpu.memory_space<vmem>>)
      %add3A_271 = arith.constant 1 : i32
      %add3A_272 = arith.addi %mul3A_231, %add3A_271 : i32
      %dma_start3A_273 = arith.constant 0 : i32
      %dma_start3A_274 = tpu.memref_slice %arg8[%add3A_272, %dma_start3A_273] : memref<64x128xi32, #tpu.memory_space<vmem>> -> memref<1x128xi32, #tpu.memory_space<vmem>>
      %dma_start3A_275 = tpu.memref_squeeze %dma_start3A_274 : memref<1x128xi32, #tpu.memory_space<vmem>> -> memref<128xi32, #tpu.memory_space<vmem>>
      %dma_start3A_276 = arith.constant 0 : i32
      %dma_start3A_277 = arith.constant 0 : i32
      %dma_start3A_278 = tpu.memref_slice %arg6[%dma_start3A_276, %dma_start3A_277] : memref<10112x128xf32, #tpu.memory_space<vmem_shared>> -> memref<10112x128xf32, #tpu.memory_space<vmem_shared>>
      tpu.enqueue_indirect_dma source(%arg10 : memref<128x128xf32, #tpu.memory_space<vmem>>) target(%dma_start3A_278 : memref<10112x128xf32, #tpu.memory_space<vmem_shared>>) offsets(%dma_start3A_275 : memref<128xi32, #tpu.memory_space<vmem>>) semaphore(%arg14 : memref<!tpu.dma_semaphore, #tpu.memory_space<semaphore_mem>>) {add = true}
    }
    %scan3A_207 = arith.constant 16 : i32
    %dma_wait3A_208 = arith.constant 30 : i32
    %dma_wait3A_209 = arith.constant 0 : i32
    %dma_wait3A_210 = tpu.memref_slice %arg8[%dma_wait3A_208, %dma_wait3A_209] : memref<64x128xi32, #tpu.memory_space<vmem>> -> memref<1x128xi32, #tpu.memory_space<vmem>>
    %dma_wait3A_211 = tpu.memref_squeeze %dma_wait3A_210 : memref<1x128xi32, #tpu.memory_space<vmem>> -> memref<128xi32, #tpu.memory_space<vmem>>
    %dma_wait3A_212 = arith.constant 0 : i32
    %dma_wait3A_213 = arith.constant 0 : i32
    %dma_wait3A_214 = tpu.memref_slice %arg6[%dma_wait3A_212, %dma_wait3A_213] : memref<10112x128xf32, #tpu.memory_space<vmem_shared>> -> memref<10112x128xf32, #tpu.memory_space<vmem_shared>>
    tpu.wait_indirect_dma semaphore(%arg13 : memref<!tpu.dma_semaphore, #tpu.memory_space<semaphore_mem>>) src(%arg9 : memref<128x128xf32, #tpu.memory_space<vmem>>) dst(%dma_wait3A_214 : memref<10112x128xf32, #tpu.memory_space<vmem_shared>>)
    %dma_wait3A_215 = arith.constant 31 : i32
    %dma_wait3A_216 = arith.constant 0 : i32
    %dma_wait3A_217 = tpu.memref_slice %arg8[%dma_wait3A_215, %dma_wait3A_216] : memref<64x128xi32, #tpu.memory_space<vmem>> -> memref<1x128xi32, #tpu.memory_space<vmem>>
    %dma_wait3A_218 = tpu.memref_squeeze %dma_wait3A_217 : memref<1x128xi32, #tpu.memory_space<vmem>> -> memref<128xi32, #tpu.memory_space<vmem>>
    %dma_wait3A_219 = arith.constant 0 : i32
    %dma_wait3A_220 = arith.constant 0 : i32
    %dma_wait3A_221 = tpu.memref_slice %arg6[%dma_wait3A_219, %dma_wait3A_220] : memref<10112x128xf32, #tpu.memory_space<vmem_shared>> -> memref<10112x128xf32, #tpu.memory_space<vmem_shared>>
    tpu.wait_indirect_dma semaphore(%arg14 : memref<!tpu.dma_semaphore, #tpu.memory_space<semaphore_mem>>) src(%arg10 : memref<128x128xf32, #tpu.memory_space<vmem>>) dst(%dma_wait3A_221 : memref<10112x128xf32, #tpu.memory_space<vmem_shared>>)
    %barrier3A_222 = arith.constant 0 : index
    tpu.barrier barrier_id(%barrier3A_222)
    %lt3A = arith.constant 15 : i32
    %lt3A_223 = arith.cmpi slt, %arg1, %lt3A : i32
    %convert_element_type3A = arith.extui %lt3A_223 : i1 to i32
    %cond3A = arith.constant 0 : i32
    %cond3A_224 = arith.cmpi ne, %convert_element_type3A, %cond3A : i32
    scf.if %cond3A_224 {
      %mul3A_229 = arith.constant 624 : i32
      %mul3A_230 = arith.muli %arg1, %mul3A_229 : i32
      %mul3A_231 = arith.constant 10000 : i32
      %mul3A_232 = arith.muli %arg0, %mul3A_231 : i32
      %mul3A_233 = arith.constant 624 : i32
      %mul3A_234 = arith.muli %arg1, %mul3A_233 : i32
      %add3A_235 = arith.addi %mul3A_232, %mul3A_234 : i32
      %dma_start3A_236 = arith.constant 0 : i32
      %dma_start3A_237 = tpu.memref_slice %arg5[%add3A_235, %dma_start3A_236] : memref<20000x128xf32, #tpu.memory_space<hbm>> -> memref<624x128xf32, #tpu.memory_space<hbm>>
      %dma_start3A_238 = arith.constant 0 : i32
      %dma_start3A_239 = tpu.memref_slice %arg6[%mul3A_230, %dma_start3A_238] : memref<10112x128xf32, #tpu.memory_space<vmem_shared>> -> memref<624x128xf32, #tpu.memory_space<vmem_shared>>
      tpu.enqueue_dma source(%dma_start3A_239 : memref<624x128xf32, #tpu.memory_space<vmem_shared>>) target(%dma_start3A_237 : memref<624x128xf32, #tpu.memory_space<hbm>>) target_semaphore(%arg15 : memref<!tpu.dma_semaphore, #tpu.memory_space<semaphore_mem>>)
      %dma_wait3A_240 = arith.constant 0 : i32
      %dma_wait3A_241 = tpu.memref_slice %arg5[%add3A_235, %dma_wait3A_240] : memref<20000x128xf32, #tpu.memory_space<hbm>> -> memref<624x128xf32, #tpu.memory_space<hbm>>
      %dma_wait3A_242 = arith.constant 0 : i32
      %dma_wait3A_243 = tpu.memref_slice %arg6[%mul3A_230, %dma_wait3A_242] : memref<10112x128xf32, #tpu.memory_space<vmem_shared>> -> memref<624x128xf32, #tpu.memory_space<vmem_shared>>
      tpu.wait_dma2 semaphore(%arg15 : memref<!tpu.dma_semaphore, #tpu.memory_space<semaphore_mem>>) src(%dma_wait3A_243 : memref<624x128xf32, #tpu.memory_space<vmem_shared>>) dst(%dma_wait3A_241 : memref<624x128xf32, #tpu.memory_space<hbm>>)
    } else {
    }
    %eq3A = arith.constant 15 : i32
    %eq3A_225 = arith.cmpi eq, %arg1, %eq3A : i32
    %convert_element_type3A_226 = arith.extui %eq3A_225 : i1 to i32
    %cond3A_227 = arith.constant 0 : i32
    %cond3A_228 = arith.cmpi ne, %convert_element_type3A_226, %cond3A_227 : i32
    scf.if %cond3A_228 {
      %mul3A_229 = arith.constant 10000 : i32
      %mul3A_230 = arith.muli %arg0, %mul3A_229 : i32
      %add3A_231 = arith.constant 9360 : i32
      %add3A_232 = arith.addi %mul3A_230, %add3A_231 : i32
      %dma_start3A_233 = arith.constant 0 : i32
      %dma_start3A_234 = tpu.memref_slice %arg5[%add3A_232, %dma_start3A_233] : memref<20000x128xf32, #tpu.memory_space<hbm>> -> memref<640x128xf32, #tpu.memory_space<hbm>>
      %dma_start3A_235 = arith.constant 9360 : i32
      %dma_start3A_236 = arith.constant 0 : i32
      %dma_start3A_237 = tpu.memref_slice %arg6[%dma_start3A_235, %dma_start3A_236] : memref<10112x128xf32, #tpu.memory_space<vmem_shared>> -> memref<640x128xf32, #tpu.memory_space<vmem_shared>>
      tpu.enqueue_dma source(%dma_start3A_237 : memref<640x128xf32, #tpu.memory_space<vmem_shared>>) target(%dma_start3A_234 : memref<640x128xf32, #tpu.memory_space<hbm>>) target_semaphore(%arg15 : memref<!tpu.dma_semaphore, #tpu.memory_space<semaphore_mem>>)
      %dma_wait3A_238 = arith.constant 0 : i32
      %dma_wait3A_239 = tpu.memref_slice %arg5[%add3A_232, %dma_wait3A_238] : memref<20000x128xf32, #tpu.memory_space<hbm>> -> memref<640x128xf32, #tpu.memory_space<hbm>>
      %dma_wait3A_240 = arith.constant 9360 : i32
      %dma_wait3A_241 = arith.constant 0 : i32
      %dma_wait3A_242 = tpu.memref_slice %arg6[%dma_wait3A_240, %dma_wait3A_241] : memref<10112x128xf32, #tpu.memory_space<vmem_shared>> -> memref<640x128xf32, #tpu.memory_space<vmem_shared>>
      tpu.wait_dma2 semaphore(%arg15 : memref<!tpu.dma_semaphore, #tpu.memory_space<semaphore_mem>>) src(%dma_wait3A_242 : memref<640x128xf32, #tpu.memory_space<vmem_shared>>) dst(%dma_wait3A_239 : memref<640x128xf32, #tpu.memory_space<hbm>>)
    } else {
    }
    return
  }
}

#map = affine_map<(d0, d1) -> (0, 0)>
module attributes {stable_mosaic.version = 14 : i64} {
  func.func @_sc_agg_body(%arg0: i32, %arg1: i32, %arg2: memref<10000x128xf32, #tpu.memory_space<hbm>>, %arg3: memref<5120x128xi32, #tpu.memory_space<hbm>>, %arg4: memref<2560x128xi32, #tpu.memory_space<hbm>>, %arg5: memref<20000x128xf32, #tpu.memory_space<hbm>>, %arg6: memref<10112x128xf32, #tpu.memory_space<vmem_shared>>, %arg7: memref<64x128xi32, #tpu.memory_space<vmem>>, %arg8: memref<64x128xi32, #tpu.memory_space<vmem>>, %arg9: memref<128x128xf32, #tpu.memory_space<vmem>>, %arg10: memref<128x128xf32, #tpu.memory_space<vmem>>, %arg11: memref<!tpu.dma_semaphore, #tpu.memory_space<semaphore_mem>>, %arg12: memref<!tpu.dma_semaphore, #tpu.memory_space<semaphore_mem>>, %arg13: memref<!tpu.dma_semaphore, #tpu.memory_space<semaphore_mem>>, %arg14: memref<!tpu.dma_semaphore, #tpu.memory_space<semaphore_mem>>, %arg15: memref<!tpu.dma_semaphore, #tpu.memory_space<semaphore_mem>>) attributes {dimension_semantics = [#tpu.dimension_semantics<core_parallel>, #tpu.dimension_semantics<subcore_parallel>], iteration_bounds = array<i64: 2, 16>, scalar_prefetch = 0 : i64, scratch_operands = 10 : i64, tpu.core_type = #tpu.core_type<sc_vector_subcore>, window_params = [{transform_indices = #map}, {transform_indices = #map}, {transform_indices = #map}, {transform_indices = #map}]} {
    %mul3A = arith.constant 2560 : i32
    %mul3A_0 = arith.muli %arg0, %mul3A : i32
    %mul3A_1 = arith.constant 16 : i32
    %mul3A_2 = arith.muli %arg0, %mul3A_1 : i32
    %add3A = arith.addi %mul3A_2, %arg1 : i32
    %mul3A_3 = arith.constant 80 : i32
    %mul3A_4 = arith.muli %add3A, %mul3A_3 : i32
    %add3A_5 = arith.addi %mul3A_0, %mul3A_4 : i32
    %mul3A_6 = arith.constant 16 : i32
    %mul3A_7 = arith.muli %arg0, %mul3A_6 : i32
    %add3A_8 = arith.addi %mul3A_7, %arg1 : i32
    %mul3A_9 = arith.constant 80 : i32
    %mul3A_10 = arith.muli %add3A_8, %mul3A_9 : i32
    %scan3A = arith.constant 0 : i32
    %scan3A_11 = arith.constant 1024 : i32
    %scan3A_12 = arith.addi %scan3A, %scan3A_11 : i32
    %scan3A_13 = arith.constant 1 : i32
    scf.for %scan3A_165 = %scan3A to %scan3A_12 step %scan3A_13  : i32 {
      %broadcast_in_dim3A = arith.constant 0.000000e+00 : f32
      %broadcast_in_dim3A_166 = vector.broadcast %broadcast_in_dim3A : f32 to vector<16xf32>
      %jit3A = arith.constant 8 : i32
      %div3A = arith.divsi %scan3A_165, %jit3A : i32
      %sign3A = arith.constant 0 : i32
      %sign3A_167 = arith.cmpi sgt, %scan3A_165, %sign3A : i32
      %sign3A_168 = arith.extui %sign3A_167 : i1 to i32
      %sign3A_169 = arith.constant 0 : i32
      %sign3A_170 = arith.cmpi slt, %scan3A_165, %sign3A_169 : i32
      %sign3A_171 = arith.extui %sign3A_170 : i1 to i32
      %sign3A_172 = arith.subi %sign3A_168, %sign3A_171 : i32
      %sign3A_173 = arith.constant 0 : i32
      %sign3A_174 = arith.cmpi sgt, %jit3A, %sign3A_173 : i32
      %sign3A_175 = arith.extui %sign3A_174 : i1 to i32
      %sign3A_176 = arith.constant 0 : i32
      %sign3A_177 = arith.cmpi slt, %jit3A, %sign3A_176 : i32
      %sign3A_178 = arith.extui %sign3A_177 : i1 to i32
      %sign3A_179 = arith.subi %sign3A_175, %sign3A_178 : i32
      %ne3A = arith.cmpi ne, %sign3A_172, %sign3A_179 : i32
      %rem3A = arith.remsi %scan3A_165, %jit3A : i32
      %ne3A_180 = arith.constant 0 : i32
      %ne3A_181 = arith.cmpi ne, %rem3A, %ne3A_180 : i32
      %and3A = arith.andi %ne3A, %ne3A_181 : i1
      %sub3A = arith.constant 1 : i32
      %sub3A_182 = arith.subi %div3A, %sub3A : i32
      %select_n3A = arith.select %and3A, %sub3A_182, %div3A : i32
      %jit3A_183 = arith.constant 8 : i32
      %eq3A_184 = arith.constant 0 : i32
      %eq3A_185 = arith.cmpi eq, %jit3A_183, %eq3A_184 : i32
      %jit3A_186 = arith.constant 1 : i32
      %select_n3A_187 = arith.select %eq3A_185, %jit3A_186, %jit3A_183 : i32
      %rem3A_188 = arith.remsi %scan3A_165, %select_n3A_187 : i32
      %ne3A_189 = arith.constant 0 : i32
      %ne3A_190 = arith.cmpi ne, %rem3A_188, %ne3A_189 : i32
      %lt3A_191 = arith.constant 0 : i32
      %lt3A_192 = arith.cmpi slt, %rem3A_188, %lt3A_191 : i32
      %lt3A_193 = arith.constant 0 : i32
      %lt3A_194 = arith.cmpi slt, %select_n3A_187, %lt3A_193 : i32
      %ne3A_195 = arith.xori %lt3A_192, %lt3A_194 : i1
      %and3A_196 = arith.andi %ne3A_195, %ne3A_190 : i1
      %add3A_197 = arith.addi %rem3A_188, %select_n3A_187 : i32
      %select_n3A_198 = arith.select %and3A_196, %add3A_197, %rem3A_188 : i32
      %mul3A_199 = arith.constant 16 : i32
      %mul3A_200 = arith.muli %select_n3A_198, %mul3A_199 : i32
      %swap3A = arith.index_cast %select_n3A : i32 to index
      %swap3A_201 = arith.index_cast %mul3A_200 : i32 to index
      %swap3A_202 = tpu.vector_load %arg9[%swap3A, %swap3A_201] {strides = array<i32>} : memref<128x128xf32, #tpu.memory_space<vmem>>, vector<1x16xf32>,
      %swap3A_203 = vector.shape_cast %swap3A_202 : vector<1x16xf32> to vector<16xf32>
      %swap3A_204 = vector.shape_cast %broadcast_in_dim3A_166 : vector<16xf32> to vector<1x16xf32>
      tpu.vector_store %arg9[%swap3A, %swap3A_201], %swap3A_204 {strides = array<i32>} : memref<128x128xf32, #tpu.memory_space<vmem>>, vector<1x16xf32>,
    }
    %scan3A_14 = arith.constant 1024 : i32
    %scan3A_15 = arith.constant 0 : i32
    %scan3A_16 = arith.constant 5 : i32
    %scan3A_17 = arith.addi %scan3A_15, %scan3A_16 : i32
    %scan3A_18 = arith.constant 1 : i32
    scf.for %scan3A_165 = %scan3A_15 to %scan3A_17 step %scan3A_18  : i32 {
      %mul3A_166 = arith.constant 16 : i32
      %mul3A_167 = arith.muli %mul3A_166, %scan3A_165 : i32
      %add3A_168 = arith.addi %arg1, %mul3A_167 : i32
      %lt3A_169 = arith.constant 79 : i32
      %lt3A_170 = arith.cmpi slt, %add3A_168, %lt3A_169 : i32
      %convert_element_type3A_171 = arith.extui %lt3A_170 : i1 to i32
      %cond3A_172 = arith.constant 0 : i32
      %cond3A_173 = arith.cmpi ne, %convert_element_type3A_171, %cond3A_172 : i32
      scf.if %cond3A_173 {
        %mul3A_174 = arith.constant 128 : i32
        %mul3A_175 = arith.muli %add3A_168, %mul3A_174 : i32
        "tpu.region"() ({
          %run_scoped3A = tpu.sem_alloc : memref<!tpu.dma_semaphore, #tpu.memory_space<semaphore_mem>>
          %dma_start3A_176 = arith.constant 0 : i32
          %dma_start3A_177 = tpu.memref_slice %arg6[%mul3A_175, %dma_start3A_176] : memref<10112x128xf32, #tpu.memory_space<vmem_shared>> -> memref<128x128xf32, #tpu.memory_space<vmem_shared>>
          %dma_start3A_178 = arith.constant 0 : i32
          %dma_start3A_179 = tpu.memref_slice %arg6[%mul3A_175, %dma_start3A_178] : memref<10112x128xf32, #tpu.memory_space<vmem_shared>> -> memref<128x128xf32, #tpu.memory_space<vmem_shared>>
          tpu.enqueue_dma source(%arg9 : memref<128x128xf32, #tpu.memory_space<vmem>>) target(%dma_start3A_179 : memref<128x128xf32, #tpu.memory_space<vmem_shared>>) target_semaphore(%run_scoped3A : memref<!tpu.dma_semaphore, #tpu.memory_space<semaphore_mem>>)
          %dma_wait3A_180 = arith.constant 0 : i32
          %dma_wait3A_181 = tpu.memref_slice %arg6[%mul3A_175, %dma_wait3A_180] : memref<10112x128xf32, #tpu.memory_space<vmem_shared>> -> memref<128x128xf32, #tpu.memory_space<vmem_shared>>
          %dma_wait3A_182 = arith.constant 0 : i32
          %dma_wait3A_183 = tpu.memref_slice %arg6[%mul3A_175, %dma_wait3A_182] : memref<10112x128xf32, #tpu.memory_space<vmem_shared>> -> memref<128x128xf32, #tpu.memory_space<vmem_shared>>
          tpu.wait_dma2 semaphore(%run_scoped3A : memref<!tpu.dma_semaphore, #tpu.memory_space<semaphore_mem>>) src(%arg9 : memref<128x128xf32, #tpu.memory_space<vmem>>) dst(%dma_wait3A_183 : memref<128x128xf32, #tpu.memory_space<vmem_shared>>)
          tpu.yield
        }) : () -> ()
      } else {
      }
    }
    %scan3A_19 = arith.constant 5 : i32
    %barrier3A = arith.constant 0 : index
    tpu.barrier barrier_id(%barrier3A)
    %add3A_20 = arith.constant 0 : i32
    %add3A_21 = arith.addi %add3A_5, %add3A_20 : i32
    %dma_start3A = arith.constant 0 : i32
    %dma_start3A_22 = arith.constant 0 : i32
    %dma_start3A_23 = tpu.memref_slice %arg7[%dma_start3A, %dma_start3A_22] : memref<64x128xi32, #tpu.memory_space<vmem>> -> memref<64x128xi32, #tpu.memory_space<vmem>>
    %dma_start3A_24 = arith.constant 0 : i32
    %dma_start3A_25 = tpu.memref_slice %arg3[%add3A_21, %dma_start3A_24] : memref<5120x128xi32, #tpu.memory_space<hbm>> -> memref<64x128xi32, #tpu.memory_space<hbm>>
    %dma_start3A_26 = arith.constant 0 : i32
    %dma_start3A_27 = arith.constant 0 : i32
    %dma_start3A_28 = tpu.memref_slice %arg7[%dma_start3A_26, %dma_start3A_27] : memref<64x128xi32, #tpu.memory_space<vmem>> -> memref<64x128xi32, #tpu.memory_space<vmem>>
    %dma_start3A_29 = arith.constant 0 : i32
    %dma_start3A_30 = tpu.memref_slice %arg3[%add3A_21, %dma_start3A_29] : memref<5120x128xi32, #tpu.memory_space<hbm>> -> memref<64x128xi32, #tpu.memory_space<hbm>>
    tpu.enqueue_dma source(%dma_start3A_30 : memref<64x128xi32, #tpu.memory_space<hbm>>) target(%dma_start3A_28 : memref<64x128xi32, #tpu.memory_space<vmem>>) target_semaphore(%arg15 : memref<!tpu.dma_semaphore, #tpu.memory_space<semaphore_mem>>)
    %dma_wait3A = arith.constant 0 : i32
    %dma_wait3A_31 = arith.constant 0 : i32
    %dma_wait3A_32 = tpu.memref_slice %arg7[%dma_wait3A, %dma_wait3A_31] : memref<64x128xi32, #tpu.memory_space<vmem>> -> memref<64x128xi32, #tpu.memory_space<vmem>>
    %dma_wait3A_33 = arith.constant 0 : i32
    %dma_wait3A_34 = tpu.memref_slice %arg3[%add3A_21, %dma_wait3A_33] : memref<5120x128xi32, #tpu.memory_space<hbm>> -> memref<64x128xi32, #tpu.memory_space<hbm>>
    %dma_wait3A_35 = arith.constant 0 : i32
    %dma_wait3A_36 = arith.constant 0 : i32
    %dma_wait3A_37 = tpu.memref_slice %arg7[%dma_wait3A_35, %dma_wait3A_36] : memref<64x128xi32, #tpu.memory_space<vmem>> -> memref<64x128xi32, #tpu.memory_space<vmem>>
    %dma_wait3A_38 = arith.constant 0 : i32
    %dma_wait3A_39 = tpu.memref_slice %arg3[%add3A_21, %dma_wait3A_38] : memref<5120x128xi32, #tpu.memory_space<hbm>> -> memref<64x128xi32, #tpu.memory_space<hbm>>
    tpu.wait_dma2 semaphore(%arg15 : memref<!tpu.dma_semaphore, #tpu.memory_space<semaphore_mem>>) src(%dma_wait3A_39 : memref<64x128xi32, #tpu.memory_space<hbm>>) dst(%dma_wait3A_37 : memref<64x128xi32, #tpu.memory_space<vmem>>)
    %add3A_40 = arith.constant 0 : i32
    %add3A_41 = arith.addi %mul3A_10, %add3A_40 : i32
    %dma_start3A_42 = arith.constant 0 : i32
    %dma_start3A_43 = arith.constant 0 : i32
    %dma_start3A_44 = tpu.memref_slice %arg8[%dma_start3A_42, %dma_start3A_43] : memref<64x128xi32, #tpu.memory_space<vmem>> -> memref<64x128xi32, #tpu.memory_space<vmem>>
    %dma_start3A_45 = arith.constant 0 : i32
    %dma_start3A_46 = tpu.memref_slice %arg4[%add3A_41, %dma_start3A_45] : memref<2560x128xi32, #tpu.memory_space<hbm>> -> memref<64x128xi32, #tpu.memory_space<hbm>>
    %dma_start3A_47 = arith.constant 0 : i32
    %dma_start3A_48 = arith.constant 0 : i32
    %dma_start3A_49 = tpu.memref_slice %arg8[%dma_start3A_47, %dma_start3A_48] : memref<64x128xi32, #tpu.memory_space<vmem>> -> memref<64x128xi32, #tpu.memory_space<vmem>>
    %dma_start3A_50 = arith.constant 0 : i32
    %dma_start3A_51 = tpu.memref_slice %arg4[%add3A_41, %dma_start3A_50] : memref<2560x128xi32, #tpu.memory_space<hbm>> -> memref<64x128xi32, #tpu.memory_space<hbm>>
    tpu.enqueue_dma source(%dma_start3A_51 : memref<64x128xi32, #tpu.memory_space<hbm>>) target(%dma_start3A_49 : memref<64x128xi32, #tpu.memory_space<vmem>>) target_semaphore(%arg15 : memref<!tpu.dma_semaphore, #tpu.memory_space<semaphore_mem>>)
    %dma_wait3A_52 = arith.constant 0 : i32
    %dma_wait3A_53 = arith.constant 0 : i32
    %dma_wait3A_54 = tpu.memref_slice %arg8[%dma_wait3A_52, %dma_wait3A_53] : memref<64x128xi32, #tpu.memory_space<vmem>> -> memref<64x128xi32, #tpu.memory_space<vmem>>
    %dma_wait3A_55 = arith.constant 0 : i32
    %dma_wait3A_56 = tpu.memref_slice %arg4[%add3A_41, %dma_wait3A_55] : memref<2560x128xi32, #tpu.memory_space<hbm>> -> memref<64x128xi32, #tpu.memory_space<hbm>>
    %dma_wait3A_57 = arith.constant 0 : i32
    %dma_wait3A_58 = arith.constant 0 : i32
    %dma_wait3A_59 = tpu.memref_slice %arg8[%dma_wait3A_57, %dma_wait3A_58] : memref<64x128xi32, #tpu.memory_space<vmem>> -> memref<64x128xi32, #tpu.memory_space<vmem>>
    %dma_wait3A_60 = arith.constant 0 : i32
    %dma_wait3A_61 = tpu.memref_slice %arg4[%add3A_41, %dma_wait3A_60] : memref<2560x128xi32, #tpu.memory_space<hbm>> -> memref<64x128xi32, #tpu.memory_space<hbm>>
    tpu.wait_dma2 semaphore(%arg15 : memref<!tpu.dma_semaphore, #tpu.memory_space<semaphore_mem>>) src(%dma_wait3A_61 : memref<64x128xi32, #tpu.memory_space<hbm>>) dst(%dma_wait3A_59 : memref<64x128xi32, #tpu.memory_space<vmem>>)
    %dma_start3A_62 = arith.constant 0 : i32
    %dma_start3A_63 = arith.constant 0 : i32
    %dma_start3A_64 = tpu.memref_slice %arg7[%dma_start3A_62, %dma_start3A_63] : memref<64x128xi32, #tpu.memory_space<vmem>> -> memref<1x128xi32, #tpu.memory_space<vmem>>
    %dma_start3A_65 = tpu.memref_squeeze %dma_start3A_64 : memref<1x128xi32, #tpu.memory_space<vmem>> -> memref<128xi32, #tpu.memory_space<vmem>>
    %dma_start3A_66 = arith.constant 0 : i32
    %dma_start3A_67 = arith.constant 0 : i32
    %dma_start3A_68 = tpu.memref_slice %arg2[%dma_start3A_66, %dma_start3A_67] : memref<10000x128xf32, #tpu.memory_space<hbm>> -> memref<10000x128xf32, #tpu.memory_space<hbm>>
    tpu.enqueue_indirect_dma source(%dma_start3A_68 : memref<10000x128xf32, #tpu.memory_space<hbm>>) target(%arg9 : memref<128x128xf32, #tpu.memory_space<vmem>>) offsets(%dma_start3A_65 : memref<128xi32, #tpu.memory_space<vmem>>) semaphore(%arg11 : memref<!tpu.dma_semaphore, #tpu.memory_space<semaphore_mem>>)
    %scan3A_69 = arith.constant 0 : i32
    %scan3A_70 = arith.constant 32 : i32
    %scan3A_71 = arith.addi %scan3A_69, %scan3A_70 : i32
    %scan3A_72 = arith.constant 1 : i32
    scf.for %scan3A_165 = %scan3A_69 to %scan3A_71 step %scan3A_72  : i32 {
      %mul3A_166 = arith.constant 2 : i32
      %mul3A_167 = arith.muli %mul3A_166, %scan3A_165 : i32
      %dma_wait3A_168 = arith.constant 0 : i32
      %dma_wait3A_169 = tpu.memref_slice %arg7[%mul3A_167, %dma_wait3A_168] : memref<64x128xi32, #tpu.memory_space<vmem>> -> memref<1x128xi32, #tpu.memory_space<vmem>>
      %dma_wait3A_170 = tpu.memref_squeeze %dma_wait3A_169 : memref<1x128xi32, #tpu.memory_space<vmem>> -> memref<128xi32, #tpu.memory_space<vmem>>
      %dma_wait3A_171 = arith.constant 0 : i32
      %dma_wait3A_172 = arith.constant 0 : i32
      %dma_wait3A_173 = tpu.memref_slice %arg2[%dma_wait3A_171, %dma_wait3A_172] : memref<10000x128xf32, #tpu.memory_space<hbm>> -> memref<10000x128xf32, #tpu.memory_space<hbm>>
      tpu.wait_indirect_dma semaphore(%arg11 : memref<!tpu.dma_semaphore, #tpu.memory_space<semaphore_mem>>) src(%dma_wait3A_173 : memref<10000x128xf32, #tpu.memory_space<hbm>>) dst(%arg9 : memref<128x128xf32, #tpu.memory_space<vmem>>)
      %dma_start3A_174 = arith.constant 0 : i32
      %dma_start3A_175 = tpu.memref_slice %arg8[%mul3A_167, %dma_start3A_174] : memref<64x128xi32, #tpu.memory_space<vmem>> -> memref<1x128xi32, #tpu.memory_space<vmem>>
      %dma_start3A_176 = tpu.memref_squeeze %dma_start3A_175 : memref<1x128xi32, #tpu.memory_space<vmem>> -> memref<128xi32, #tpu.memory_space<vmem>>
      %dma_start3A_177 = arith.constant 0 : i32
      %dma_start3A_178 = arith.constant 0 : i32
      %dma_start3A_179 = tpu.memref_slice %arg6[%dma_start3A_177, %dma_start3A_178] : memref<10112x128xf32, #tpu.memory_space<vmem_shared>> -> memref<10112x128xf32, #tpu.memory_space<vmem_shared>>
      tpu.enqueue_indirect_dma source(%arg9 : memref<128x128xf32, #tpu.memory_space<vmem>>) target(%dma_start3A_179 : memref<10112x128xf32, #tpu.memory_space<vmem_shared>>) offsets(%dma_start3A_176 : memref<128xi32, #tpu.memory_space<vmem>>) semaphore(%arg13 : memref<!tpu.dma_semaphore, #tpu.memory_space<semaphore_mem>>) {add = true}
      %gt3A = arith.constant 0 : i32
      %gt3A_180 = arith.cmpi sgt, %scan3A_165, %gt3A : i32
      %convert_element_type3A_181 = arith.extui %gt3A_180 : i1 to i32
      %cond3A_182 = arith.constant 0 : i32
      %cond3A_183 = arith.cmpi ne, %convert_element_type3A_181, %cond3A_182 : i32
      scf.if %cond3A_183 {
        %sub3A = arith.constant 1 : i32
        %sub3A_215 = arith.subi %mul3A_167, %sub3A : i32
        %dma_wait3A_216 = arith.constant 0 : i32
        %dma_wait3A_217 = tpu.memref_slice %arg8[%sub3A_215, %dma_wait3A_216] : memref<64x128xi32, #tpu.memory_space<vmem>> -> memref<1x128xi32, #tpu.memory_space<vmem>>
        %dma_wait3A_218 = tpu.memref_squeeze %dma_wait3A_217 : memref<1x128xi32, #tpu.memory_space<vmem>> -> memref<128xi32, #tpu.memory_space<vmem>>
        %dma_wait3A_219 = arith.constant 0 : i32
        %dma_wait3A_220 = arith.constant 0 : i32
        %dma_wait3A_221 = tpu.memref_slice %arg6[%dma_wait3A_219, %dma_wait3A_220] : memref<10112x128xf32, #tpu.memory_space<vmem_shared>> -> memref<10112x128xf32, #tpu.memory_space<vmem_shared>>
        tpu.wait_indirect_dma semaphore(%arg14 : memref<!tpu.dma_semaphore, #tpu.memory_space<semaphore_mem>>) src(%arg10 : memref<128x128xf32, #tpu.memory_space<vmem>>) dst(%dma_wait3A_221 : memref<10112x128xf32, #tpu.memory_space<vmem_shared>>)
      } else {
      }
      %add3A_184 = arith.constant 1 : i32
      %add3A_185 = arith.addi %mul3A_167, %add3A_184 : i32
      %dma_start3A_186 = arith.constant 0 : i32
      %dma_start3A_187 = tpu.memref_slice %arg7[%add3A_185, %dma_start3A_186] : memref<64x128xi32, #tpu.memory_space<vmem>> -> memref<1x128xi32, #tpu.memory_space<vmem>>
      %dma_start3A_188 = tpu.memref_squeeze %dma_start3A_187 : memref<1x128xi32, #tpu.memory_space<vmem>> -> memref<128xi32, #tpu.memory_space<vmem>>
      %dma_start3A_189 = arith.constant 0 : i32
      %dma_start3A_190 = arith.constant 0 : i32
      %dma_start3A_191 = tpu.memref_slice %arg2[%dma_start3A_189, %dma_start3A_190] : memref<10000x128xf32, #tpu.memory_space<hbm>> -> memref<10000x128xf32, #tpu.memory_space<hbm>>
      tpu.enqueue_indirect_dma source(%dma_start3A_191 : memref<10000x128xf32, #tpu.memory_space<hbm>>) target(%arg10 : memref<128x128xf32, #tpu.memory_space<vmem>>) offsets(%dma_start3A_188 : memref<128xi32, #tpu.memory_space<vmem>>) semaphore(%arg12 : memref<!tpu.dma_semaphore, #tpu.memory_space<semaphore_mem>>)
      %add3A_192 = arith.constant 2 : i32
      %add3A_193 = arith.addi %mul3A_167, %add3A_192 : i32
      %lt3A_194 = arith.constant 64 : i32
      %lt3A_195 = arith.cmpi slt, %add3A_193, %lt3A_194 : i32
      %convert_element_type3A_196 = arith.extui %lt3A_195 : i1 to i32
      %cond3A_197 = arith.constant 0 : i32
      %cond3A_198 = arith.cmpi ne, %convert_element_type3A_196, %cond3A_197 : i32
      scf.if %cond3A_198 {
        %dma_wait3A_215 = arith.constant 0 : i32
        %dma_wait3A_216 = tpu.memref_slice %arg8[%mul3A_167, %dma_wait3A_215] : memref<64x128xi32, #tpu.memory_space<vmem>> -> memref<1x128xi32, #tpu.memory_space<vmem>>
        %dma_wait3A_217 = tpu.memref_squeeze %dma_wait3A_216 : memref<1x128xi32, #tpu.memory_space<vmem>> -> memref<128xi32, #tpu.memory_space<vmem>>
        %dma_wait3A_218 = arith.constant 0 : i32
        %dma_wait3A_219 = arith.constant 0 : i32
        %dma_wait3A_220 = tpu.memref_slice %arg6[%dma_wait3A_218, %dma_wait3A_219] : memref<10112x128xf32, #tpu.memory_space<vmem_shared>> -> memref<10112x128xf32, #tpu.memory_space<vmem_shared>>
        tpu.wait_indirect_dma semaphore(%arg13 : memref<!tpu.dma_semaphore, #tpu.memory_space<semaphore_mem>>) src(%arg9 : memref<128x128xf32, #tpu.memory_space<vmem>>) dst(%dma_wait3A_220 : memref<10112x128xf32, #tpu.memory_space<vmem_shared>>)
        %add3A_221 = arith.constant 2 : i32
        %add3A_222 = arith.addi %mul3A_167, %add3A_221 : i32
        %dma_start3A_223 = arith.constant 0 : i32
        %dma_start3A_224 = tpu.memref_slice %arg7[%add3A_222, %dma_start3A_223] : memref<64x128xi32, #tpu.memory_space<vmem>> -> memref<1x128xi32, #tpu.memory_space<vmem>>
        %dma_start3A_225 = tpu.memref_squeeze %dma_start3A_224 : memref<1x128xi32, #tpu.memory_space<vmem>> -> memref<128xi32, #tpu.memory_space<vmem>>
        %dma_start3A_226 = arith.constant 0 : i32
        %dma_start3A_227 = arith.constant 0 : i32
        %dma_start3A_228 = tpu.memref_slice %arg2[%dma_start3A_226, %dma_start3A_227] : memref<10000x128xf32, #tpu.memory_space<hbm>> -> memref<10000x128xf32, #tpu.memory_space<hbm>>
        tpu.enqueue_indirect_dma source(%dma_start3A_228 : memref<10000x128xf32, #tpu.memory_space<hbm>>) target(%arg9 : memref<128x128xf32, #tpu.memory_space<vmem>>) offsets(%dma_start3A_225 : memref<128xi32, #tpu.memory_space<vmem>>) semaphore(%arg11 : memref<!tpu.dma_semaphore, #tpu.memory_space<semaphore_mem>>)
      } else {
      }
      %add3A_199 = arith.constant 1 : i32
      %add3A_200 = arith.addi %mul3A_167, %add3A_199 : i32
      %dma_wait3A_201 = arith.constant 0 : i32
      %dma_wait3A_202 = tpu.memref_slice %arg7[%add3A_200, %dma_wait3A_201] : memref<64x128xi32, #tpu.memory_space<vmem>> -> memref<1x128xi32, #tpu.memory_space<vmem>>
      %dma_wait3A_203 = tpu.memref_squeeze %dma_wait3A_202 : memref<1x128xi32, #tpu.memory_space<vmem>> -> memref<128xi32, #tpu.memory_space<vmem>>
      %dma_wait3A_204 = arith.constant 0 : i32
      %dma_wait3A_205 = arith.constant 0 : i32
      %dma_wait3A_206 = tpu.memref_slice %arg2[%dma_wait3A_204, %dma_wait3A_205] : memref<10000x128xf32, #tpu.memory_space<hbm>> -> memref<10000x128xf32, #tpu.memory_space<hbm>>
      tpu.wait_indirect_dma semaphore(%arg12 : memref<!tpu.dma_semaphore, #tpu.memory_space<semaphore_mem>>) src(%dma_wait3A_206 : memref<10000x128xf32, #tpu.memory_space<hbm>>) dst(%arg10 : memref<128x128xf32, #tpu.memory_space<vmem>>)
      %add3A_207 = arith.constant 1 : i32
      %add3A_208 = arith.addi %mul3A_167, %add3A_207 : i32
      %dma_start3A_209 = arith.constant 0 : i32
      %dma_start3A_210 = tpu.memref_slice %arg8[%add3A_208, %dma_start3A_209] : memref<64x128xi32, #tpu.memory_space<vmem>> -> memref<1x128xi32, #tpu.memory_space<vmem>>
      %dma_start3A_211 = tpu.memref_squeeze %dma_start3A_210 : memref<1x128xi32, #tpu.memory_space<vmem>> -> memref<128xi32, #tpu.memory_space<vmem>>
      %dma_start3A_212 = arith.constant 0 : i32
      %dma_start3A_213 = arith.constant 0 : i32
      %dma_start3A_214 = tpu.memref_slice %arg6[%dma_start3A_212, %dma_start3A_213] : memref<10112x128xf32, #tpu.memory_space<vmem_shared>> -> memref<10112x128xf32, #tpu.memory_space<vmem_shared>>
      tpu.enqueue_indirect_dma source(%arg10 : memref<128x128xf32, #tpu.memory_space<vmem>>) target(%dma_start3A_214 : memref<10112x128xf32, #tpu.memory_space<vmem_shared>>) offsets(%dma_start3A_211 : memref<128xi32, #tpu.memory_space<vmem>>) semaphore(%arg14 : memref<!tpu.dma_semaphore, #tpu.memory_space<semaphore_mem>>) {add = true}
    }
    %scan3A_73 = arith.constant 32 : i32
    %dma_wait3A_74 = arith.constant 62 : i32
    %dma_wait3A_75 = arith.constant 0 : i32
    %dma_wait3A_76 = tpu.memref_slice %arg8[%dma_wait3A_74, %dma_wait3A_75] : memref<64x128xi32, #tpu.memory_space<vmem>> -> memref<1x128xi32, #tpu.memory_space<vmem>>
    %dma_wait3A_77 = tpu.memref_squeeze %dma_wait3A_76 : memref<1x128xi32, #tpu.memory_space<vmem>> -> memref<128xi32, #tpu.memory_space<vmem>>
    %dma_wait3A_78 = arith.constant 0 : i32
    %dma_wait3A_79 = arith.constant 0 : i32
    %dma_wait3A_80 = tpu.memref_slice %arg6[%dma_wait3A_78, %dma_wait3A_79] : memref<10112x128xf32, #tpu.memory_space<vmem_shared>> -> memref<10112x128xf32, #tpu.memory_space<vmem_shared>>
    tpu.wait_indirect_dma semaphore(%arg13 : memref<!tpu.dma_semaphore, #tpu.memory_space<semaphore_mem>>) src(%arg9 : memref<128x128xf32, #tpu.memory_space<vmem>>) dst(%dma_wait3A_80 : memref<10112x128xf32, #tpu.memory_space<vmem_shared>>)
    %dma_wait3A_81 = arith.constant 63 : i32
    %dma_wait3A_82 = arith.constant 0 : i32
    %dma_wait3A_83 = tpu.memref_slice %arg8[%dma_wait3A_81, %dma_wait3A_82] : memref<64x128xi32, #tpu.memory_space<vmem>> -> memref<1x128xi32, #tpu.memory_space<vmem>>
    %dma_wait3A_84 = tpu.memref_squeeze %dma_wait3A_83 : memref<1x128xi32, #tpu.memory_space<vmem>> -> memref<128xi32, #tpu.memory_space<vmem>>
    %dma_wait3A_85 = arith.constant 0 : i32
    %dma_wait3A_86 = arith.constant 0 : i32
    %dma_wait3A_87 = tpu.memref_slice %arg6[%dma_wait3A_85, %dma_wait3A_86] : memref<10112x128xf32, #tpu.memory_space<vmem_shared>> -> memref<10112x128xf32, #tpu.memory_space<vmem_shared>>
    tpu.wait_indirect_dma semaphore(%arg14 : memref<!tpu.dma_semaphore, #tpu.memory_space<semaphore_mem>>) src(%arg10 : memref<128x128xf32, #tpu.memory_space<vmem>>) dst(%dma_wait3A_87 : memref<10112x128xf32, #tpu.memory_space<vmem_shared>>)
    %add3A_88 = arith.constant 64 : i32
    %add3A_89 = arith.addi %add3A_5, %add3A_88 : i32
    %dma_start3A_90 = arith.constant 0 : i32
    %dma_start3A_91 = arith.constant 0 : i32
    %dma_start3A_92 = tpu.memref_slice %arg7[%dma_start3A_90, %dma_start3A_91] : memref<64x128xi32, #tpu.memory_space<vmem>> -> memref<16x128xi32, #tpu.memory_space<vmem>>
    %dma_start3A_93 = arith.constant 0 : i32
    %dma_start3A_94 = tpu.memref_slice %arg3[%add3A_89, %dma_start3A_93] : memref<5120x128xi32, #tpu.memory_space<hbm>> -> memref<16x128xi32, #tpu.memory_space<hbm>>
    %dma_start3A_95 = arith.constant 0 : i32
    %dma_start3A_96 = arith.constant 0 : i32
    %dma_start3A_97 = tpu.memref_slice %arg7[%dma_start3A_95, %dma_start3A_96] : memref<64x128xi32, #tpu.memory_space<vmem>> -> memref<16x128xi32, #tpu.memory_space<vmem>>
    %dma_start3A_98 = arith.constant 0 : i32
    %dma_start3A_99 = tpu.memref_slice %arg3[%add3A_89, %dma_start3A_98] : memref<5120x128xi32, #tpu.memory_space<hbm>> -> memref<16x128xi32, #tpu.memory_space<hbm>>
    tpu.enqueue_dma source(%dma_start3A_99 : memref<16x128xi32, #tpu.memory_space<hbm>>) target(%dma_start3A_97 : memref<16x128xi32, #tpu.memory_space<vmem>>) target_semaphore(%arg15 : memref<!tpu.dma_semaphore, #tpu.memory_space<semaphore_mem>>)
    %dma_wait3A_100 = arith.constant 0 : i32
    %dma_wait3A_101 = arith.constant 0 : i32
    %dma_wait3A_102 = tpu.memref_slice %arg7[%dma_wait3A_100, %dma_wait3A_101] : memref<64x128xi32, #tpu.memory_space<vmem>> -> memref<16x128xi32, #tpu.memory_space<vmem>>
    %dma_wait3A_103 = arith.constant 0 : i32
    %dma_wait3A_104 = tpu.memref_slice %arg3[%add3A_89, %dma_wait3A_103] : memref<5120x128xi32, #tpu.memory_space<hbm>> -> memref<16x128xi32, #tpu.memory_space<hbm>>
    %dma_wait3A_105 = arith.constant 0 : i32
    %dma_wait3A_106 = arith.constant 0 : i32
    %dma_wait3A_107 = tpu.memref_slice %arg7[%dma_wait3A_105, %dma_wait3A_106] : memref<64x128xi32, #tpu.memory_space<vmem>> -> memref<16x128xi32, #tpu.memory_space<vmem>>
    %dma_wait3A_108 = arith.constant 0 : i32
    %dma_wait3A_109 = tpu.memref_slice %arg3[%add3A_89, %dma_wait3A_108] : memref<5120x128xi32, #tpu.memory_space<hbm>> -> memref<16x128xi32, #tpu.memory_space<hbm>>
    tpu.wait_dma2 semaphore(%arg15 : memref<!tpu.dma_semaphore, #tpu.memory_space<semaphore_mem>>) src(%dma_wait3A_109 : memref<16x128xi32, #tpu.memory_space<hbm>>) dst(%dma_wait3A_107 : memref<16x128xi32, #tpu.memory_space<vmem>>)
    %add3A_110 = arith.constant 64 : i32
    %add3A_111 = arith.addi %mul3A_10, %add3A_110 : i32
    %dma_start3A_112 = arith.constant 0 : i32
    %dma_start3A_113 = arith.constant 0 : i32
    %dma_start3A_114 = tpu.memref_slice %arg8[%dma_start3A_112, %dma_start3A_113] : memref<64x128xi32, #tpu.memory_space<vmem>> -> memref<16x128xi32, #tpu.memory_space<vmem>>
    %dma_start3A_115 = arith.constant 0 : i32
    %dma_start3A_116 = tpu.memref_slice %arg4[%add3A_111, %dma_start3A_115] : memref<2560x128xi32, #tpu.memory_space<hbm>> -> memref<16x128xi32, #tpu.memory_space<hbm>>
    %dma_start3A_117 = arith.constant 0 : i32
    %dma_start3A_118 = arith.constant 0 : i32
    %dma_start3A_119 = tpu.memref_slice %arg8[%dma_start3A_117, %dma_start3A_118] : memref<64x128xi32, #tpu.memory_space<vmem>> -> memref<16x128xi32, #tpu.memory_space<vmem>>
    %dma_start3A_120 = arith.constant 0 : i32
    %dma_start3A_121 = tpu.memref_slice %arg4[%add3A_111, %dma_start3A_120] : memref<2560x128xi32, #tpu.memory_space<hbm>> -> memref<16x128xi32, #tpu.memory_space<hbm>>
    tpu.enqueue_dma source(%dma_start3A_121 : memref<16x128xi32, #tpu.memory_space<hbm>>) target(%dma_start3A_119 : memref<16x128xi32, #tpu.memory_space<vmem>>) target_semaphore(%arg15 : memref<!tpu.dma_semaphore, #tpu.memory_space<semaphore_mem>>)
    %dma_wait3A_122 = arith.constant 0 : i32
    %dma_wait3A_123 = arith.constant 0 : i32
    %dma_wait3A_124 = tpu.memref_slice %arg8[%dma_wait3A_122, %dma_wait3A_123] : memref<64x128xi32, #tpu.memory_space<vmem>> -> memref<16x128xi32, #tpu.memory_space<vmem>>
    %dma_wait3A_125 = arith.constant 0 : i32
    %dma_wait3A_126 = tpu.memref_slice %arg4[%add3A_111, %dma_wait3A_125] : memref<2560x128xi32, #tpu.memory_space<hbm>> -> memref<16x128xi32, #tpu.memory_space<hbm>>
    %dma_wait3A_127 = arith.constant 0 : i32
    %dma_wait3A_128 = arith.constant 0 : i32
    %dma_wait3A_129 = tpu.memref_slice %arg8[%dma_wait3A_127, %dma_wait3A_128] : memref<64x128xi32, #tpu.memory_space<vmem>> -> memref<16x128xi32, #tpu.memory_space<vmem>>
    %dma_wait3A_130 = arith.constant 0 : i32
    %dma_wait3A_131 = tpu.memref_slice %arg4[%add3A_111, %dma_wait3A_130] : memref<2560x128xi32, #tpu.memory_space<hbm>> -> memref<16x128xi32, #tpu.memory_space<hbm>>
    tpu.wait_dma2 semaphore(%arg15 : memref<!tpu.dma_semaphore, #tpu.memory_space<semaphore_mem>>) src(%dma_wait3A_131 : memref<16x128xi32, #tpu.memory_space<hbm>>) dst(%dma_wait3A_129 : memref<16x128xi32, #tpu.memory_space<vmem>>)
    %dma_start3A_132 = arith.constant 0 : i32
    %dma_start3A_133 = arith.constant 0 : i32
    %dma_start3A_134 = tpu.memref_slice %arg7[%dma_start3A_132, %dma_start3A_133] : memref<64x128xi32, #tpu.memory_space<vmem>> -> memref<1x128xi32, #tpu.memory_space<vmem>>
    %dma_start3A_135 = tpu.memref_squeeze %dma_start3A_134 : memref<1x128xi32, #tpu.memory_space<vmem>> -> memref<128xi32, #tpu.memory_space<vmem>>
    %dma_start3A_136 = arith.constant 0 : i32
    %dma_start3A_137 = arith.constant 0 : i32
    %dma_start3A_138 = tpu.memref_slice %arg2[%dma_start3A_136, %dma_start3A_137] : memref<10000x128xf32, #tpu.memory_space<hbm>> -> memref<10000x128xf32, #tpu.memory_space<hbm>>
    tpu.enqueue_indirect_dma source(%dma_start3A_138 : memref<10000x128xf32, #tpu.memory_space<hbm>>) target(%arg9 : memref<128x128xf32, #tpu.memory_space<vmem>>) offsets(%dma_start3A_135 : memref<128xi32, #tpu.memory_space<vmem>>) semaphore(%arg11 : memref<!tpu.dma_semaphore, #tpu.memory_space<semaphore_mem>>)
    %scan3A_139 = arith.constant 0 : i32
    %scan3A_140 = arith.constant 8 : i32
    %scan3A_141 = arith.addi %scan3A_139, %scan3A_140 : i32
    %scan3A_142 = arith.constant 1 : i32
    scf.for %scan3A_165 = %scan3A_139 to %scan3A_141 step %scan3A_142  : i32 {
      %mul3A_166 = arith.constant 2 : i32
      %mul3A_167 = arith.muli %mul3A_166, %scan3A_165 : i32
      %dma_wait3A_168 = arith.constant 0 : i32
      %dma_wait3A_169 = tpu.memref_slice %arg7[%mul3A_167, %dma_wait3A_168] : memref<64x128xi32, #tpu.memory_space<vmem>> -> memref<1x128xi32, #tpu.memory_space<vmem>>
      %dma_wait3A_170 = tpu.memref_squeeze %dma_wait3A_169 : memref<1x128xi32, #tpu.memory_space<vmem>> -> memref<128xi32, #tpu.memory_space<vmem>>
      %dma_wait3A_171 = arith.constant 0 : i32
      %dma_wait3A_172 = arith.constant 0 : i32
      %dma_wait3A_173 = tpu.memref_slice %arg2[%dma_wait3A_171, %dma_wait3A_172] : memref<10000x128xf32, #tpu.memory_space<hbm>> -> memref<10000x128xf32, #tpu.memory_space<hbm>>
      tpu.wait_indirect_dma semaphore(%arg11 : memref<!tpu.dma_semaphore, #tpu.memory_space<semaphore_mem>>) src(%dma_wait3A_173 : memref<10000x128xf32, #tpu.memory_space<hbm>>) dst(%arg9 : memref<128x128xf32, #tpu.memory_space<vmem>>)
      %dma_start3A_174 = arith.constant 0 : i32
      %dma_start3A_175 = tpu.memref_slice %arg8[%mul3A_167, %dma_start3A_174] : memref<64x128xi32, #tpu.memory_space<vmem>> -> memref<1x128xi32, #tpu.memory_space<vmem>>
      %dma_start3A_176 = tpu.memref_squeeze %dma_start3A_175 : memref<1x128xi32, #tpu.memory_space<vmem>> -> memref<128xi32, #tpu.memory_space<vmem>>
      %dma_start3A_177 = arith.constant 0 : i32
      %dma_start3A_178 = arith.constant 0 : i32
      %dma_start3A_179 = tpu.memref_slice %arg6[%dma_start3A_177, %dma_start3A_178] : memref<10112x128xf32, #tpu.memory_space<vmem_shared>> -> memref<10112x128xf32, #tpu.memory_space<vmem_shared>>
      tpu.enqueue_indirect_dma source(%arg9 : memref<128x128xf32, #tpu.memory_space<vmem>>) target(%dma_start3A_179 : memref<10112x128xf32, #tpu.memory_space<vmem_shared>>) offsets(%dma_start3A_176 : memref<128xi32, #tpu.memory_space<vmem>>) semaphore(%arg13 : memref<!tpu.dma_semaphore, #tpu.memory_space<semaphore_mem>>) {add = true}
      %gt3A = arith.constant 0 : i32
      %gt3A_180 = arith.cmpi sgt, %scan3A_165, %gt3A : i32
      %convert_element_type3A_181 = arith.extui %gt3A_180 : i1 to i32
      %cond3A_182 = arith.constant 0 : i32
      %cond3A_183 = arith.cmpi ne, %convert_element_type3A_181, %cond3A_182 : i32
      scf.if %cond3A_183 {
        %sub3A = arith.constant 1 : i32
        %sub3A_215 = arith.subi %mul3A_167, %sub3A : i32
        %dma_wait3A_216 = arith.constant 0 : i32
        %dma_wait3A_217 = tpu.memref_slice %arg8[%sub3A_215, %dma_wait3A_216] : memref<64x128xi32, #tpu.memory_space<vmem>> -> memref<1x128xi32, #tpu.memory_space<vmem>>
        %dma_wait3A_218 = tpu.memref_squeeze %dma_wait3A_217 : memref<1x128xi32, #tpu.memory_space<vmem>> -> memref<128xi32, #tpu.memory_space<vmem>>
        %dma_wait3A_219 = arith.constant 0 : i32
        %dma_wait3A_220 = arith.constant 0 : i32
        %dma_wait3A_221 = tpu.memref_slice %arg6[%dma_wait3A_219, %dma_wait3A_220] : memref<10112x128xf32, #tpu.memory_space<vmem_shared>> -> memref<10112x128xf32, #tpu.memory_space<vmem_shared>>
        tpu.wait_indirect_dma semaphore(%arg14 : memref<!tpu.dma_semaphore, #tpu.memory_space<semaphore_mem>>) src(%arg10 : memref<128x128xf32, #tpu.memory_space<vmem>>) dst(%dma_wait3A_221 : memref<10112x128xf32, #tpu.memory_space<vmem_shared>>)
      } else {
      }
      %add3A_184 = arith.constant 1 : i32
      %add3A_185 = arith.addi %mul3A_167, %add3A_184 : i32
      %dma_start3A_186 = arith.constant 0 : i32
      %dma_start3A_187 = tpu.memref_slice %arg7[%add3A_185, %dma_start3A_186] : memref<64x128xi32, #tpu.memory_space<vmem>> -> memref<1x128xi32, #tpu.memory_space<vmem>>
      %dma_start3A_188 = tpu.memref_squeeze %dma_start3A_187 : memref<1x128xi32, #tpu.memory_space<vmem>> -> memref<128xi32, #tpu.memory_space<vmem>>
      %dma_start3A_189 = arith.constant 0 : i32
      %dma_start3A_190 = arith.constant 0 : i32
      %dma_start3A_191 = tpu.memref_slice %arg2[%dma_start3A_189, %dma_start3A_190] : memref<10000x128xf32, #tpu.memory_space<hbm>> -> memref<10000x128xf32, #tpu.memory_space<hbm>>
      tpu.enqueue_indirect_dma source(%dma_start3A_191 : memref<10000x128xf32, #tpu.memory_space<hbm>>) target(%arg10 : memref<128x128xf32, #tpu.memory_space<vmem>>) offsets(%dma_start3A_188 : memref<128xi32, #tpu.memory_space<vmem>>) semaphore(%arg12 : memref<!tpu.dma_semaphore, #tpu.memory_space<semaphore_mem>>)
      %add3A_192 = arith.constant 2 : i32
      %add3A_193 = arith.addi %mul3A_167, %add3A_192 : i32
      %lt3A_194 = arith.constant 16 : i32
      %lt3A_195 = arith.cmpi slt, %add3A_193, %lt3A_194 : i32
      %convert_element_type3A_196 = arith.extui %lt3A_195 : i1 to i32
      %cond3A_197 = arith.constant 0 : i32
      %cond3A_198 = arith.cmpi ne, %convert_element_type3A_196, %cond3A_197 : i32
      scf.if %cond3A_198 {
        %dma_wait3A_215 = arith.constant 0 : i32
        %dma_wait3A_216 = tpu.memref_slice %arg8[%mul3A_167, %dma_wait3A_215] : memref<64x128xi32, #tpu.memory_space<vmem>> -> memref<1x128xi32, #tpu.memory_space<vmem>>
        %dma_wait3A_217 = tpu.memref_squeeze %dma_wait3A_216 : memref<1x128xi32, #tpu.memory_space<vmem>> -> memref<128xi32, #tpu.memory_space<vmem>>
        %dma_wait3A_218 = arith.constant 0 : i32
        %dma_wait3A_219 = arith.constant 0 : i32
        %dma_wait3A_220 = tpu.memref_slice %arg6[%dma_wait3A_218, %dma_wait3A_219] : memref<10112x128xf32, #tpu.memory_space<vmem_shared>> -> memref<10112x128xf32, #tpu.memory_space<vmem_shared>>
        tpu.wait_indirect_dma semaphore(%arg13 : memref<!tpu.dma_semaphore, #tpu.memory_space<semaphore_mem>>) src(%arg9 : memref<128x128xf32, #tpu.memory_space<vmem>>) dst(%dma_wait3A_220 : memref<10112x128xf32, #tpu.memory_space<vmem_shared>>)
        %add3A_221 = arith.constant 2 : i32
        %add3A_222 = arith.addi %mul3A_167, %add3A_221 : i32
        %dma_start3A_223 = arith.constant 0 : i32
        %dma_start3A_224 = tpu.memref_slice %arg7[%add3A_222, %dma_start3A_223] : memref<64x128xi32, #tpu.memory_space<vmem>> -> memref<1x128xi32, #tpu.memory_space<vmem>>
        %dma_start3A_225 = tpu.memref_squeeze %dma_start3A_224 : memref<1x128xi32, #tpu.memory_space<vmem>> -> memref<128xi32, #tpu.memory_space<vmem>>
        %dma_start3A_226 = arith.constant 0 : i32
        %dma_start3A_227 = arith.constant 0 : i32
        %dma_start3A_228 = tpu.memref_slice %arg2[%dma_start3A_226, %dma_start3A_227] : memref<10000x128xf32, #tpu.memory_space<hbm>> -> memref<10000x128xf32, #tpu.memory_space<hbm>>
        tpu.enqueue_indirect_dma source(%dma_start3A_228 : memref<10000x128xf32, #tpu.memory_space<hbm>>) target(%arg9 : memref<128x128xf32, #tpu.memory_space<vmem>>) offsets(%dma_start3A_225 : memref<128xi32, #tpu.memory_space<vmem>>) semaphore(%arg11 : memref<!tpu.dma_semaphore, #tpu.memory_space<semaphore_mem>>)
      } else {
      }
      %add3A_199 = arith.constant 1 : i32
      %add3A_200 = arith.addi %mul3A_167, %add3A_199 : i32
      %dma_wait3A_201 = arith.constant 0 : i32
      %dma_wait3A_202 = tpu.memref_slice %arg7[%add3A_200, %dma_wait3A_201] : memref<64x128xi32, #tpu.memory_space<vmem>> -> memref<1x128xi32, #tpu.memory_space<vmem>>
      %dma_wait3A_203 = tpu.memref_squeeze %dma_wait3A_202 : memref<1x128xi32, #tpu.memory_space<vmem>> -> memref<128xi32, #tpu.memory_space<vmem>>
      %dma_wait3A_204 = arith.constant 0 : i32
      %dma_wait3A_205 = arith.constant 0 : i32
      %dma_wait3A_206 = tpu.memref_slice %arg2[%dma_wait3A_204, %dma_wait3A_205] : memref<10000x128xf32, #tpu.memory_space<hbm>> -> memref<10000x128xf32, #tpu.memory_space<hbm>>
      tpu.wait_indirect_dma semaphore(%arg12 : memref<!tpu.dma_semaphore, #tpu.memory_space<semaphore_mem>>) src(%dma_wait3A_206 : memref<10000x128xf32, #tpu.memory_space<hbm>>) dst(%arg10 : memref<128x128xf32, #tpu.memory_space<vmem>>)
      %add3A_207 = arith.constant 1 : i32
      %add3A_208 = arith.addi %mul3A_167, %add3A_207 : i32
      %dma_start3A_209 = arith.constant 0 : i32
      %dma_start3A_210 = tpu.memref_slice %arg8[%add3A_208, %dma_start3A_209] : memref<64x128xi32, #tpu.memory_space<vmem>> -> memref<1x128xi32, #tpu.memory_space<vmem>>
      %dma_start3A_211 = tpu.memref_squeeze %dma_start3A_210 : memref<1x128xi32, #tpu.memory_space<vmem>> -> memref<128xi32, #tpu.memory_space<vmem>>
      %dma_start3A_212 = arith.constant 0 : i32
      %dma_start3A_213 = arith.constant 0 : i32
      %dma_start3A_214 = tpu.memref_slice %arg6[%dma_start3A_212, %dma_start3A_213] : memref<10112x128xf32, #tpu.memory_space<vmem_shared>> -> memref<10112x128xf32, #tpu.memory_space<vmem_shared>>
      tpu.enqueue_indirect_dma source(%arg10 : memref<128x128xf32, #tpu.memory_space<vmem>>) target(%dma_start3A_214 : memref<10112x128xf32, #tpu.memory_space<vmem_shared>>) offsets(%dma_start3A_211 : memref<128xi32, #tpu.memory_space<vmem>>) semaphore(%arg14 : memref<!tpu.dma_semaphore, #tpu.memory_space<semaphore_mem>>) {add = true}
    }
    %scan3A_143 = arith.constant 8 : i32
    %dma_wait3A_144 = arith.constant 14 : i32
    %dma_wait3A_145 = arith.constant 0 : i32
    %dma_wait3A_146 = tpu.memref_slice %arg8[%dma_wait3A_144, %dma_wait3A_145] : memref<64x128xi32, #tpu.memory_space<vmem>> -> memref<1x128xi32, #tpu.memory_space<vmem>>
    %dma_wait3A_147 = tpu.memref_squeeze %dma_wait3A_146 : memref<1x128xi32, #tpu.memory_space<vmem>> -> memref<128xi32, #tpu.memory_space<vmem>>
    %dma_wait3A_148 = arith.constant 0 : i32
    %dma_wait3A_149 = arith.constant 0 : i32
    %dma_wait3A_150 = tpu.memref_slice %arg6[%dma_wait3A_148, %dma_wait3A_149] : memref<10112x128xf32, #tpu.memory_space<vmem_shared>> -> memref<10112x128xf32, #tpu.memory_space<vmem_shared>>
    tpu.wait_indirect_dma semaphore(%arg13 : memref<!tpu.dma_semaphore, #tpu.memory_space<semaphore_mem>>) src(%arg9 : memref<128x128xf32, #tpu.memory_space<vmem>>) dst(%dma_wait3A_150 : memref<10112x128xf32, #tpu.memory_space<vmem_shared>>)
    %dma_wait3A_151 = arith.constant 15 : i32
    %dma_wait3A_152 = arith.constant 0 : i32
    %dma_wait3A_153 = tpu.memref_slice %arg8[%dma_wait3A_151, %dma_wait3A_152] : memref<64x128xi32, #tpu.memory_space<vmem>> -> memref<1x128xi32, #tpu.memory_space<vmem>>
    %dma_wait3A_154 = tpu.memref_squeeze %dma_wait3A_153 : memref<1x128xi32, #tpu.memory_space<vmem>> -> memref<128xi32, #tpu.memory_space<vmem>>
    %dma_wait3A_155 = arith.constant 0 : i32
    %dma_wait3A_156 = arith.constant 0 : i32
    %dma_wait3A_157 = tpu.memref_slice %arg6[%dma_wait3A_155, %dma_wait3A_156] : memref<10112x128xf32, #tpu.memory_space<vmem_shared>> -> memref<10112x128xf32, #tpu.memory_space<vmem_shared>>
    tpu.wait_indirect_dma semaphore(%arg14 : memref<!tpu.dma_semaphore, #tpu.memory_space<semaphore_mem>>) src(%arg10 : memref<128x128xf32, #tpu.memory_space<vmem>>) dst(%dma_wait3A_157 : memref<10112x128xf32, #tpu.memory_space<vmem_shared>>)
    %barrier3A_158 = arith.constant 0 : index
    tpu.barrier barrier_id(%barrier3A_158)
    %lt3A = arith.constant 15 : i32
    %lt3A_159 = arith.cmpi slt, %arg1, %lt3A : i32
    %convert_element_type3A = arith.extui %lt3A_159 : i1 to i32
    %cond3A = arith.constant 0 : i32
    %cond3A_160 = arith.cmpi ne, %convert_element_type3A, %cond3A : i32
    scf.if %cond3A_160 {
      %mul3A_165 = arith.constant 624 : i32
      %mul3A_166 = arith.muli %arg1, %mul3A_165 : i32
      %mul3A_167 = arith.constant 10000 : i32
      %mul3A_168 = arith.muli %arg0, %mul3A_167 : i32
      %mul3A_169 = arith.constant 624 : i32
      %mul3A_170 = arith.muli %arg1, %mul3A_169 : i32
      %add3A_171 = arith.addi %mul3A_168, %mul3A_170 : i32
      %dma_start3A_172 = arith.constant 0 : i32
      %dma_start3A_173 = tpu.memref_slice %arg5[%add3A_171, %dma_start3A_172] : memref<20000x128xf32, #tpu.memory_space<hbm>> -> memref<624x128xf32, #tpu.memory_space<hbm>>
      %dma_start3A_174 = arith.constant 0 : i32
      %dma_start3A_175 = tpu.memref_slice %arg6[%mul3A_166, %dma_start3A_174] : memref<10112x128xf32, #tpu.memory_space<vmem_shared>> -> memref<624x128xf32, #tpu.memory_space<vmem_shared>>
      tpu.enqueue_dma source(%dma_start3A_175 : memref<624x128xf32, #tpu.memory_space<vmem_shared>>) target(%dma_start3A_173 : memref<624x128xf32, #tpu.memory_space<hbm>>) target_semaphore(%arg15 : memref<!tpu.dma_semaphore, #tpu.memory_space<semaphore_mem>>)
      %dma_wait3A_176 = arith.constant 0 : i32
      %dma_wait3A_177 = tpu.memref_slice %arg5[%add3A_171, %dma_wait3A_176] : memref<20000x128xf32, #tpu.memory_space<hbm>> -> memref<624x128xf32, #tpu.memory_space<hbm>>
      %dma_wait3A_178 = arith.constant 0 : i32
      %dma_wait3A_179 = tpu.memref_slice %arg6[%mul3A_166, %dma_wait3A_178] : memref<10112x128xf32, #tpu.memory_space<vmem_shared>> -> memref<624x128xf32, #tpu.memory_space<vmem_shared>>
      tpu.wait_dma2 semaphore(%arg15 : memref<!tpu.dma_semaphore, #tpu.memory_space<semaphore_mem>>) src(%dma_wait3A_179 : memref<624x128xf32, #tpu.memory_space<vmem_shared>>) dst(%dma_wait3A_177 : memref<624x128xf32, #tpu.memory_space<hbm>>)
    } else {
    }
    %eq3A = arith.constant 15 : i32
    %eq3A_161 = arith.cmpi eq, %arg1, %eq3A : i32
    %convert_element_type3A_162 = arith.extui %eq3A_161 : i1 to i32
    %cond3A_163 = arith.constant 0 : i32
    %cond3A_164 = arith.cmpi ne, %convert_element_type3A_162, %cond3A_163 : i32
    scf.if %cond3A_164 {
      %mul3A_165 = arith.constant 10000 : i32
      %mul3A_166 = arith.muli %arg0, %mul3A_165 : i32
      %add3A_167 = arith.constant 9360 : i32
      %add3A_168 = arith.addi %mul3A_166, %add3A_167 : i32
      %dma_start3A_169 = arith.constant 0 : i32
      %dma_start3A_170 = tpu.memref_slice %arg5[%add3A_168, %dma_start3A_169] : memref<20000x128xf32, #tpu.memory_space<hbm>> -> memref<640x128xf32, #tpu.memory_space<hbm>>
      %dma_start3A_171 = arith.constant 9360 : i32
      %dma_start3A_172 = arith.constant 0 : i32
      %dma_start3A_173 = tpu.memref_slice %arg6[%dma_start3A_171, %dma_start3A_172] : memref<10112x128xf32, #tpu.memory_space<vmem_shared>> -> memref<640x128xf32, #tpu.memory_space<vmem_shared>>
      tpu.enqueue_dma source(%dma_start3A_173 : memref<640x128xf32, #tpu.memory_space<vmem_shared>>) target(%dma_start3A_170 : memref<640x128xf32, #tpu.memory_space<hbm>>) target_semaphore(%arg15 : memref<!tpu.dma_semaphore, #tpu.memory_space<semaphore_mem>>)
      %dma_wait3A_174 = arith.constant 0 : i32
      %dma_wait3A_175 = tpu.memref_slice %arg5[%add3A_168, %dma_wait3A_174] : memref<20000x128xf32, #tpu.memory_space<hbm>> -> memref<640x128xf32, #tpu.memory_space<hbm>>
      %dma_wait3A_176 = arith.constant 9360 : i32
      %dma_wait3A_177 = arith.constant 0 : i32
      %dma_wait3A_178 = tpu.memref_slice %arg6[%dma_wait3A_176, %dma_wait3A_177] : memref<10112x128xf32, #tpu.memory_space<vmem_shared>> -> memref<640x128xf32, #tpu.memory_space<vmem_shared>>
      tpu.wait_dma2 semaphore(%arg15 : memref<!tpu.dma_semaphore, #tpu.memory_space<semaphore_mem>>) src(%dma_wait3A_178 : memref<640x128xf32, #tpu.memory_space<vmem_shared>>) dst(%dma_wait3A_175 : memref<640x128xf32, #tpu.memory_space<hbm>>)
    } else {
    }
    return
  }
}

module attributes {stable_mosaic.version = 14 : i64} {
  func.func @_mlp_body(%arg0: i32, %arg1: memref<400x128xf32, #tpu.memory_space<vmem>>, %arg2: memref<2x400x128xf32, #tpu.memory_space<vmem>>, %arg3: memref<128x256xf32, #tpu.memory_space<vmem>>, %arg4: memref<1x256xf32, #tpu.memory_space<vmem>>, %arg5: memref<1x256xf32, #tpu.memory_space<vmem>>, %arg6: memref<1x256xf32, #tpu.memory_space<vmem>>, %arg7: memref<1x256xf32, #tpu.memory_space<vmem>>, %arg8: memref<1x256xf32, #tpu.memory_space<vmem>>, %arg9: memref<256x256xf32, #tpu.memory_space<vmem>>, %arg10: memref<1x256xf32, #tpu.memory_space<vmem>>, %arg11: memref<256x1xf32, #tpu.memory_space<vmem>>, %arg12: memref<1x1xf32, #tpu.memory_space<vmem>>, %arg13: memref<400x256xf32, #tpu.memory_space<vmem>>, %arg14: memref<400x1xf32, #tpu.memory_space<vmem>>) attributes {dimension_semantics = [#tpu.dimension_semantics<arbitrary>], iteration_bounds = array<i64: 25>, scalar_prefetch = 0 : i64, scratch_operands = 0 : i64, tpu.core_type = #tpu.core_type<tc>, window_params = [{transform_indices = @transform_0, window_bounds = array<i64: 400, 128>}, {transform_indices = @transform_1, window_bounds = array<i64: 2, 400, 128>}, {pipeline_mode = #tpu.pipeline_mode<synchronous>, transform_indices = @transform_2, window_bounds = array<i64: 128, 256>}, {pipeline_mode = #tpu.pipeline_mode<synchronous>, transform_indices = @transform_3, window_bounds = array<i64: 1, 256>}, {pipeline_mode = #tpu.pipeline_mode<synchronous>, transform_indices = @transform_4, window_bounds = array<i64: 1, 256>}, {pipeline_mode = #tpu.pipeline_mode<synchronous>, transform_indices = @transform_5, window_bounds = array<i64: 1, 256>}, {pipeline_mode = #tpu.pipeline_mode<synchronous>, transform_indices = @transform_6, window_bounds = array<i64: 1, 256>}, {pipeline_mode = #tpu.pipeline_mode<synchronous>, transform_indices = @transform_7, window_bounds = array<i64: 1, 256>}, {pipeline_mode = #tpu.pipeline_mode<synchronous>, transform_indices = @transform_8, window_bounds = array<i64: 256, 256>}, {pipeline_mode = #tpu.pipeline_mode<synchronous>, transform_indices = @transform_9, window_bounds = array<i64: 1, 256>}, {pipeline_mode = #tpu.pipeline_mode<synchronous>, transform_indices = @transform_10, window_bounds = array<i64: 256, 1>}, {pipeline_mode = #tpu.pipeline_mode<synchronous>, transform_indices = @transform_11, window_bounds = array<i64: 1, 1>}, {transform_indices = @transform_12, window_bounds = array<i64: 400, 256>}, {transform_indices = @transform_13, window_bounds = array<i64: 400, 1>}]} {
    %get3A = arith.constant 0 : index
    %get3A_0 = arith.constant 0 : index
    %get3A_1 = vector.load %arg1[%get3A, %get3A_0] : memref<400x128xf32, #tpu.memory_space<vmem>>, vector<400x128xf32>
    %get3A_2 = arith.constant 0 : index
    %get3A_3 = arith.constant 0 : index
    %get3A_4 = arith.constant 0 : index
    %get3A_5 = vector.load %arg2[%get3A_2, %get3A_3, %get3A_4] : memref<2x400x128xf32, #tpu.memory_space<vmem>>, vector<1x400x128xf32>
    %get3A_6 = vector.shape_cast %get3A_5 : vector<1x400x128xf32> to vector<400x128xf32>
    %add3A = arith.addf %get3A_1, %get3A_6 : vector<400x128xf32>
    %get3A_7 = arith.constant 1 : index
    %get3A_8 = arith.constant 0 : index
    %get3A_9 = arith.constant 0 : index
    %get3A_10 = vector.load %arg2[%get3A_7, %get3A_8, %get3A_9] : memref<2x400x128xf32, #tpu.memory_space<vmem>>, vector<1x400x128xf32>
    %get3A_11 = vector.shape_cast %get3A_10 : vector<1x400x128xf32> to vector<400x128xf32>
    %add3A_12 = arith.addf %add3A, %get3A_11 : vector<400x128xf32>
    %get3A_13 = arith.constant 0 : index
    %get3A_14 = arith.constant 0 : index
    %get3A_15 = vector.load %arg3[%get3A_13, %get3A_14] : memref<128x256xf32, #tpu.memory_space<vmem>>, vector<128x256xf32>
    %dot_general3A = arith.constant dense<0.000000e+00> : vector<400x256xf32>
    %dot_general3A_16 = tpu.matmul %add3A_12, %get3A_15, %dot_general3A {dimension_numbers = #tpu.dot_dimension_numbers<[1], [0], [0], [1], [0, 0, 1, 1], [], []>, transpose_lhs_hint = false} : vector<400x128xf32>, vector<128x256xf32>, vector<400x256xf32> -> vector<400x256xf32>
    %get3A_17 = arith.constant 0 : index
    %get3A_18 = arith.constant 0 : index
    %get3A_19 = vector.load %arg4[%get3A_17, %get3A_18] : memref<1x256xf32, #tpu.memory_space<vmem>>, vector<1x256xf32>
    %add3A_20 = vector.broadcast %get3A_19 : vector<1x256xf32> to vector<400x256xf32>
    %add3A_21 = arith.addf %dot_general3A_16, %add3A_20 : vector<400x256xf32>
    %gt3A = arith.constant 0.000000e+00 : f32
    %gt3A_22 = vector.broadcast %gt3A : f32 to vector<400x256xf32>
    %gt3A_23 = arith.cmpf ogt, %add3A_21, %gt3A_22 : vector<400x256xf32>
    %mul3A = arith.constant 2.000000e-01 : f32
    %mul3A_24 = vector.broadcast %mul3A : f32 to vector<400x256xf32>
    %mul3A_25 = arith.mulf %mul3A_24, %add3A_21 : vector<400x256xf32>
    %select_n3A = arith.select %gt3A_23, %add3A_21, %mul3A_25 : vector<400x256xi1>, vector<400x256xf32>
    %get3A_26 = arith.constant 0 : index
    %get3A_27 = arith.constant 0 : index
    %get3A_28 = vector.load %arg7[%get3A_26, %get3A_27] : memref<1x256xf32, #tpu.memory_space<vmem>>, vector<1x256xf32>
    %sub3A = vector.broadcast %get3A_28 : vector<1x256xf32> to vector<400x256xf32>
    %sub3A_29 = arith.subf %select_n3A, %sub3A : vector<400x256xf32>
    %get3A_30 = arith.constant 0 : index
    %get3A_31 = arith.constant 0 : index
    %get3A_32 = vector.load %arg8[%get3A_30, %get3A_31] : memref<1x256xf32, #tpu.memory_space<vmem>>, vector<1x256xf32>
    %add3A_33 = arith.constant 9.99999974E-6 : f32
    %add3A_34 = vector.broadcast %add3A_33 : f32 to vector<1x256xf32>
    %add3A_35 = arith.addf %get3A_32, %add3A_34 : vector<1x256xf32>
    %sqrt3A = math.sqrt %add3A_35 : vector<1x256xf32>
    %div3A = vector.broadcast %sqrt3A : vector<1x256xf32> to vector<400x256xf32>
    %div3A_36 = arith.divf %sub3A_29, %div3A : vector<400x256xf32>
    %get3A_37 = arith.constant 0 : index
    %get3A_38 = arith.constant 0 : index
    %get3A_39 = vector.load %arg5[%get3A_37, %get3A_38] : memref<1x256xf32, #tpu.memory_space<vmem>>, vector<1x256xf32>
    %mul3A_40 = vector.broadcast %get3A_39 : vector<1x256xf32> to vector<400x256xf32>
    %mul3A_41 = arith.mulf %div3A_36, %mul3A_40 : vector<400x256xf32>
    %get3A_42 = arith.constant 0 : index
    %get3A_43 = arith.constant 0 : index
    %get3A_44 = vector.load %arg6[%get3A_42, %get3A_43] : memref<1x256xf32, #tpu.memory_space<vmem>>, vector<1x256xf32>
    %add3A_45 = vector.broadcast %get3A_44 : vector<1x256xf32> to vector<400x256xf32>
    %add3A_46 = arith.addf %mul3A_41, %add3A_45 : vector<400x256xf32>
    %get3A_47 = arith.constant 0 : index
    %get3A_48 = arith.constant 0 : index
    %get3A_49 = vector.load %arg9[%get3A_47, %get3A_48] : memref<256x256xf32, #tpu.memory_space<vmem>>, vector<256x256xf32>
    %dot_general3A_50 = arith.constant dense<0.000000e+00> : vector<400x256xf32>
    %dot_general3A_51 = tpu.matmul %add3A_46, %get3A_49, %dot_general3A_50 {dimension_numbers = #tpu.dot_dimension_numbers<[1], [0], [0], [1], [0, 0, 1, 1], [], []>, transpose_lhs_hint = false} : vector<400x256xf32>, vector<256x256xf32>, vector<400x256xf32> -> vector<400x256xf32>
    %get3A_52 = arith.constant 0 : index
    %get3A_53 = arith.constant 0 : index
    %get3A_54 = vector.load %arg10[%get3A_52, %get3A_53] : memref<1x256xf32, #tpu.memory_space<vmem>>, vector<1x256xf32>
    %add3A_55 = vector.broadcast %get3A_54 : vector<1x256xf32> to vector<400x256xf32>
    %add3A_56 = arith.addf %dot_general3A_51, %add3A_55 : vector<400x256xf32>
    %gt3A_57 = arith.constant 0.000000e+00 : f32
    %gt3A_58 = vector.broadcast %gt3A_57 : f32 to vector<400x256xf32>
    %gt3A_59 = arith.cmpf ogt, %add3A_56, %gt3A_58 : vector<400x256xf32>
    %mul3A_60 = arith.constant 2.000000e-01 : f32
    %mul3A_61 = vector.broadcast %mul3A_60 : f32 to vector<400x256xf32>
    %mul3A_62 = arith.mulf %mul3A_61, %add3A_56 : vector<400x256xf32>
    %select_n3A_63 = arith.select %gt3A_59, %add3A_56, %mul3A_62 : vector<400x256xi1>, vector<400x256xf32>
    %swap3A = arith.constant 0 : index
    %swap3A_64 = arith.constant 0 : index
    %swap3A_65 = vector.load %arg13[%swap3A, %swap3A_64] : memref<400x256xf32, #tpu.memory_space<vmem>>, vector<400x256xf32>
    tpu.vector_store %arg13[%swap3A, %swap3A_64], %select_n3A_63 {strides = array<i32>} : memref<400x256xf32, #tpu.memory_space<vmem>>, vector<400x256xf32>,
    %get3A_66 = arith.constant 0 : index
    %get3A_67 = arith.constant 0 : index
    %get3A_68 = vector.load %arg11[%get3A_66, %get3A_67] : memref<256x1xf32, #tpu.memory_space<vmem>>, vector<256x1xf32>
    %dot_general3A_69 = arith.constant dense<0.000000e+00> : vector<400x1xf32>
    %dot_general3A_70 = tpu.matmul %select_n3A_63, %get3A_68, %dot_general3A_69 {dimension_numbers = #tpu.dot_dimension_numbers<[1], [0], [0], [1], [0, 0, 1, 1], [], []>, transpose_lhs_hint = false} : vector<400x256xf32>, vector<256x1xf32>, vector<400x1xf32> -> vector<400x1xf32>
    %get3A_71 = arith.constant 0 : index
    %get3A_72 = arith.constant 0 : index
    %get3A_73 = vector.load %arg12[%get3A_71, %get3A_72] : memref<1x1xf32, #tpu.memory_space<vmem>>, vector<1x1xf32>
    %div3A_74 = vector.broadcast %get3A_73 : vector<1x1xf32> to vector<400x1xf32>
    %div3A_75 = arith.divf %dot_general3A_70, %div3A_74 : vector<400x1xf32>
    %tanh3A = math.tanh %div3A_75 : vector<400x1xf32>
    %swap3A_76 = arith.constant 0 : index
    %swap3A_77 = arith.constant 0 : index
    %swap3A_78 = vector.load %arg14[%swap3A_76, %swap3A_77] : memref<400x1xf32, #tpu.memory_space<vmem>>, vector<400x1xf32>
    tpu.vector_store %arg14[%swap3A_76, %swap3A_77], %tanh3A {strides = array<i32>} : memref<400x1xf32, #tpu.memory_space<vmem>>, vector<400x1xf32>,
    return
  }
  func.func @transform_0(%arg0: i32) -> (i32, i32) {
    %c0_i32 = arith.constant 0 : i32
    %c0_i32_0 = arith.constant 0 : i32
    return %arg0, %c0_i32 : i32, i32
  }
  func.func @transform_1(%arg0: i32) -> (i32, i32, i32) {
    %c0_i32 = arith.constant 0 : i32
    %c0_i32_0 = arith.constant 0 : i32
    %c0_i32_1 = arith.constant 0 : i32
    return %c0_i32, %arg0, %c0_i32_0 : i32, i32, i32
  }
  func.func @transform_2(%arg0: i32) -> (i32, i32) {
    %c0_i32 = arith.constant 0 : i32
    %c0_i32_0 = arith.constant 0 : i32
    %c0_i32_1 = arith.constant 0 : i32
    return %c0_i32, %c0_i32_0 : i32, i32
  }
  func.func @transform_3(%arg0: i32) -> (i32, i32) {
    %c0_i32 = arith.constant 0 : i32
    %c0_i32_0 = arith.constant 0 : i32
    %c0_i32_1 = arith.constant 0 : i32
    return %c0_i32, %c0_i32_0 : i32, i32
  }
  func.func @transform_4(%arg0: i32) -> (i32, i32) {
    %c0_i32 = arith.constant 0 : i32
    %c0_i32_0 = arith.constant 0 : i32
    %c0_i32_1 = arith.constant 0 : i32
    return %c0_i32, %c0_i32_0 : i32, i32
  }
  func.func @transform_5(%arg0: i32) -> (i32, i32) {
    %c0_i32 = arith.constant 0 : i32
    %c0_i32_0 = arith.constant 0 : i32
    %c0_i32_1 = arith.constant 0 : i32
    return %c0_i32, %c0_i32_0 : i32, i32
  }
  func.func @transform_6(%arg0: i32) -> (i32, i32) {
    %c0_i32 = arith.constant 0 : i32
    %c0_i32_0 = arith.constant 0 : i32
    %c0_i32_1 = arith.constant 0 : i32
    return %c0_i32, %c0_i32_0 : i32, i32
  }
  func.func @transform_7(%arg0: i32) -> (i32, i32) {
    %c0_i32 = arith.constant 0 : i32
    %c0_i32_0 = arith.constant 0 : i32
    %c0_i32_1 = arith.constant 0 : i32
    return %c0_i32, %c0_i32_0 : i32, i32
  }
  func.func @transform_8(%arg0: i32) -> (i32, i32) {
    %c0_i32 = arith.constant 0 : i32
    %c0_i32_0 = arith.constant 0 : i32
    %c0_i32_1 = arith.constant 0 : i32
    return %c0_i32, %c0_i32_0 : i32, i32
  }
  func.func @transform_9(%arg0: i32) -> (i32, i32) {
    %c0_i32 = arith.constant 0 : i32
    %c0_i32_0 = arith.constant 0 : i32
    %c0_i32_1 = arith.constant 0 : i32
    return %c0_i32, %c0_i32_0 : i32, i32
  }
  func.func @transform_10(%arg0: i32) -> (i32, i32) {
    %c0_i32 = arith.constant 0 : i32
    %c0_i32_0 = arith.constant 0 : i32
    %c0_i32_1 = arith.constant 0 : i32
    return %c0_i32, %c0_i32_0 : i32, i32
  }
  func.func @transform_11(%arg0: i32) -> (i32, i32) {
    %c0_i32 = arith.constant 0 : i32
    %c0_i32_0 = arith.constant 0 : i32
    %c0_i32_1 = arith.constant 0 : i32
    return %c0_i32, %c0_i32_0 : i32, i32
  }
  func.func @transform_12(%arg0: i32) -> (i32, i32) {
    %c0_i32 = arith.constant 0 : i32
    %c0_i32_0 = arith.constant 0 : i32
    return %arg0, %c0_i32 : i32, i32
  }
  func.func @transform_13(%arg0: i32) -> (i32, i32) {
    %c0_i32 = arith.constant 0 : i32
    %c0_i32_0 = arith.constant 0 : i32
    return %arg0, %c0_i32 : i32, i32
  }
}

module attributes {stable_mosaic.version = 14 : i64} {
  func.func @_topk_body(%arg0: i32, %arg1: memref<80x128xf32, #tpu.memory_space<vmem>>, %arg2: memref<80x128xi32, #tpu.memory_space<vmem>>, %arg3: memref<80x128xi32, #tpu.memory_space<vmem>>, %arg4: memref<80x128xi32, #tpu.memory_space<vmem>>) attributes {dimension_semantics = [#tpu.dimension_semantics<arbitrary>], iteration_bounds = array<i64: 1>, scalar_prefetch = 0 : i64, scratch_operands = 0 : i64, tpu.core_type = #tpu.core_type<tc>, window_params = [{pipeline_mode = #tpu.pipeline_mode<synchronous>, transform_indices = @transform_0, window_bounds = array<i64: 80, 128>}, {pipeline_mode = #tpu.pipeline_mode<synchronous>, transform_indices = @transform_1, window_bounds = array<i64: 80, 128>}, {pipeline_mode = #tpu.pipeline_mode<synchronous>, transform_indices = @transform_2, window_bounds = array<i64: 80, 128>}, {pipeline_mode = #tpu.pipeline_mode<synchronous>, transform_indices = @transform_3, window_bounds = array<i64: 80, 128>}]} {
    %get3A = arith.constant 0 : index
    %get3A_0 = arith.constant 0 : index
    %get3A_1 = vector.load %arg1[%get3A, %get3A_0] : memref<80x128xf32, #tpu.memory_space<vmem>>, vector<80x128xf32>
    %get3A_2 = arith.constant 0 : index
    %get3A_3 = arith.constant 0 : index
    %get3A_4 = vector.load %arg2[%get3A_2, %get3A_3] : memref<80x128xi32, #tpu.memory_space<vmem>>, vector<80x128xi32>
    %ne3A = arith.constant 0 : i32
    %ne3A_5 = vector.broadcast %ne3A : i32 to vector<80x128xi32>
    %ne3A_6 = arith.cmpi ne, %get3A_4, %ne3A_5 : vector<80x128xi32>
    %bitcast_convert_type3A = tpu.bitcast %get3A_1 : vector<80x128xf32> -> vector<80x128xi32>
    %shift_right_logical3A = arith.constant 31 : i32
    %shift_right_logical3A_7 = vector.broadcast %shift_right_logical3A : i32 to vector<80x128xi32>
    %shift_right_logical3A_8 = arith.shrui %bitcast_convert_type3A, %shift_right_logical3A_7 : vector<80x128xi32>
    %eq3A = arith.constant 1 : i32
    %eq3A_9 = vector.broadcast %eq3A : i32 to vector<80x128xi32>
    %eq3A_10 = arith.cmpi eq, %shift_right_logical3A_8, %eq3A_9 : vector<80x128xi32>
    %not3A = arith.constant dense<-1> : vector<80x128xi32>
    %not3A_11 = arith.xori %bitcast_convert_type3A, %not3A : vector<80x128xi32>
    %or3A = arith.constant -2147483648 : i32
    %or3A_12 = vector.broadcast %or3A : i32 to vector<80x128xi32>
    %or3A_13 = arith.ori %bitcast_convert_type3A, %or3A_12 : vector<80x128xi32>
    %select_n3A = arith.select %eq3A_10, %not3A_11, %or3A_13 : vector<80x128xi1>, vector<80x128xi32>
    %jit3A = arith.constant 0 : i32
    %broadcast_in_dim3A = vector.broadcast %jit3A : i32 to vector<80x128xi32>
    %select_n3A_14 = arith.select %ne3A_6, %select_n3A, %broadcast_in_dim3A : vector<80x128xi1>, vector<80x128xi32>
    %swap3A = arith.constant 0 : index
    %swap3A_15 = arith.constant 0 : index
    %swap3A_16 = vector.load %arg4[%swap3A, %swap3A_15] : memref<80x128xi32, #tpu.memory_space<vmem>>, vector<80x128xi32>
    tpu.vector_store %arg4[%swap3A, %swap3A_15], %select_n3A_14 {strides = array<i32>} : memref<80x128xi32, #tpu.memory_space<vmem>>, vector<80x128xi32>,
    %iota3A = tpu.iota {dimensions = array<i32: 0>} : vector<80x128xi32>
    %mul3A = arith.constant 128 : i32
    %mul3A_17 = vector.broadcast %mul3A : i32 to vector<80x128xi32>
    %mul3A_18 = arith.muli %iota3A, %mul3A_17 : vector<80x128xi32>
    %iota3A_19 = tpu.iota {dimensions = array<i32: 1>} : vector<80x128xi32>
    %add3A = arith.addi %mul3A_18, %iota3A_19 : vector<80x128xi32>
    %sub3A = arith.constant -1 : i32
    %sub3A_20 = vector.broadcast %sub3A : i32 to vector<80x128xi32>
    %sub3A_21 = arith.subi %sub3A_20, %add3A : vector<80x128xi32>
    %broadcast_in_dim3A_22 = arith.constant false
    %broadcast_in_dim3A_23 = vector.broadcast %broadcast_in_dim3A_22 : i1 to vector<80x128xi1>
    %jit3A_24 = arith.constant 0 : i32
    %broadcast_in_dim3A_25 = vector.broadcast %jit3A_24 : i32 to vector<80x128xi32>
    %select_n3A_26 = arith.select %ne3A_6, %select_n3A_14, %broadcast_in_dim3A_25 : vector<80x128xi1>, vector<80x128xi32>
    %scan3A = arith.constant 8000 : i32
    %scan3A_27 = arith.constant 0 : i32
    %scan3A_28 = arith.constant 0 : i32
    %scan3A_29 = arith.constant 32 : i32
    %scan3A_30 = arith.addi %scan3A_28, %scan3A_29 : i32
    %scan3A_31 = arith.constant 1 : i32
    %scan3A_32 = scf.for %scan3A_62 = %scan3A_28 to %scan3A_30 step %scan3A_31 iter_args(%scan3A_63 = %scan3A_27) -> (i32)  : i32 {
      %sub3A_64 = arith.constant 31 : i32
      %sub3A_65 = arith.subi %sub3A_64, %scan3A_62 : i32
      %shift_left3A = arith.constant 1 : i32
      %shift_left3A_66 = arith.shli %shift_left3A, %sub3A_65 : i32
      %or3A_67 = arith.ori %scan3A_63, %shift_left3A_66 : i32
      %ge3A_68 = vector.broadcast %or3A_67 : i32 to vector<80x128xi32>
      %ge3A_69 = arith.cmpi uge, %select_n3A_26, %ge3A_68 : vector<80x128xi32>
      %convert_element_type3A_70 = arith.extui %ge3A_69 : vector<80x128xi1> to vector<80x128xi32>
      %reduce_sum3A_71 = vector.shape_cast %convert_element_type3A_70 : vector<80x128xi32> to vector<1x80x128xi32>
      %reduce_sum3A_72 = arith.constant dense<0> : vector<1xi32>
      %reduce_sum3A_73 = vector.multi_reduction <add>, %reduce_sum3A_71, %reduce_sum3A_72 [1, 2] : vector<1x80x128xi32> to vector<1xi32>
      %reduce_sum3A_74 = vector.shape_cast %reduce_sum3A_73 : vector<1xi32> to vector<1x1x1xi32>
      %reduce_sum3A_75 = vector.extract %reduce_sum3A_74[0, 0, 0] : i32 from vector<1x1x1xi32>
      %ge3A_76 = arith.cmpi sge, %reduce_sum3A_75, %scan3A : i32
      %select_n3A_77 = arith.select %ge3A_76, %or3A_67, %scan3A_63 : i32
      scf.yield %select_n3A_77 : i32
    }
    %scan3A_33 = arith.constant 32 : i32
    %gt3A = vector.broadcast %scan3A_32 : i32 to vector<80x128xi32>
    %gt3A_34 = arith.cmpi ugt, %select_n3A_14, %gt3A : vector<80x128xi32>
    %and3A = arith.andi %ne3A_6, %gt3A_34 : vector<80x128xi1>
    %or3A_35 = arith.ori %broadcast_in_dim3A_23, %and3A : vector<80x128xi1>
    %convert_element_type3A = arith.extui %and3A : vector<80x128xi1> to vector<80x128xi32>
    %reduce_sum3A = vector.shape_cast %convert_element_type3A : vector<80x128xi32> to vector<1x80x128xi32>
    %reduce_sum3A_36 = arith.constant dense<0> : vector<1xi32>
    %reduce_sum3A_37 = vector.multi_reduction <add>, %reduce_sum3A, %reduce_sum3A_36 [1, 2] : vector<1x80x128xi32> to vector<1xi32>
    %reduce_sum3A_38 = vector.shape_cast %reduce_sum3A_37 : vector<1xi32> to vector<1x1x1xi32>
    %reduce_sum3A_39 = vector.extract %reduce_sum3A_38[0, 0, 0] : i32 from vector<1x1x1xi32>
    %sub3A_40 = arith.constant 8000 : i32
    %sub3A_41 = arith.subi %sub3A_40, %reduce_sum3A_39 : i32
    %eq3A_42 = vector.broadcast %scan3A_32 : i32 to vector<80x128xi32>
    %eq3A_43 = arith.cmpi eq, %select_n3A_14, %eq3A_42 : vector<80x128xi32>
    %and3A_44 = arith.andi %ne3A_6, %eq3A_43 : vector<80x128xi1>
    %jit3A_45 = arith.constant 0 : i32
    %broadcast_in_dim3A_46 = vector.broadcast %jit3A_45 : i32 to vector<80x128xi32>
    %select_n3A_47 = arith.select %and3A_44, %sub3A_21, %broadcast_in_dim3A_46 : vector<80x128xi1>, vector<80x128xi32>
    %scan3A_48 = arith.constant -16384 : i32
    %scan3A_49 = arith.constant 0 : i32
    %scan3A_50 = arith.constant 14 : i32
    %scan3A_51 = arith.addi %scan3A_49, %scan3A_50 : i32
    %scan3A_52 = arith.constant 1 : i32
    %scan3A_53 = scf.for %scan3A_62 = %scan3A_49 to %scan3A_51 step %scan3A_52 iter_args(%scan3A_63 = %scan3A_48) -> (i32)  : i32 {
      %sub3A_64 = arith.constant 13 : i32
      %sub3A_65 = arith.subi %sub3A_64, %scan3A_62 : i32
      %shift_left3A = arith.constant 1 : i32
      %shift_left3A_66 = arith.shli %shift_left3A, %sub3A_65 : i32
      %or3A_67 = arith.ori %scan3A_63, %shift_left3A_66 : i32
      %ge3A_68 = vector.broadcast %or3A_67 : i32 to vector<80x128xi32>
      %ge3A_69 = arith.cmpi uge, %select_n3A_47, %ge3A_68 : vector<80x128xi32>
      %convert_element_type3A_70 = arith.extui %ge3A_69 : vector<80x128xi1> to vector<80x128xi32>
      %reduce_sum3A_71 = vector.shape_cast %convert_element_type3A_70 : vector<80x128xi32> to vector<1x80x128xi32>
      %reduce_sum3A_72 = arith.constant dense<0> : vector<1xi32>
      %reduce_sum3A_73 = vector.multi_reduction <add>, %reduce_sum3A_71, %reduce_sum3A_72 [1, 2] : vector<1x80x128xi32> to vector<1xi32>
      %reduce_sum3A_74 = vector.shape_cast %reduce_sum3A_73 : vector<1xi32> to vector<1x1x1xi32>
      %reduce_sum3A_75 = vector.extract %reduce_sum3A_74[0, 0, 0] : i32 from vector<1x1x1xi32>
      %ge3A_76 = arith.cmpi sge, %reduce_sum3A_75, %sub3A_41 : i32
      %select_n3A_77 = arith.select %ge3A_76, %or3A_67, %scan3A_63 : i32
      scf.yield %select_n3A_77 : i32
    }
    %scan3A_54 = arith.constant 14 : i32
    %ge3A = vector.broadcast %scan3A_53 : i32 to vector<80x128xi32>
    %ge3A_55 = arith.cmpi uge, %sub3A_21, %ge3A : vector<80x128xi32>
    %and3A_56 = arith.andi %and3A_44, %ge3A_55 : vector<80x128xi1>
    %or3A_57 = arith.ori %or3A_35, %and3A_56 : vector<80x128xi1>
    %convert_element_type3A_58 = arith.extui %or3A_57 : vector<80x128xi1> to vector<80x128xi32>
    %swap3A_59 = arith.constant 0 : index
    %swap3A_60 = arith.constant 0 : index
    %swap3A_61 = vector.load %arg3[%swap3A_59, %swap3A_60] : memref<80x128xi32, #tpu.memory_space<vmem>>, vector<80x128xi32>
    tpu.vector_store %arg3[%swap3A_59, %swap3A_60], %convert_element_type3A_58 {strides = array<i32>} : memref<80x128xi32, #tpu.memory_space<vmem>>, vector<80x128xi32>,
    return
  }
  func.func @transform_0(%arg0: i32) -> (i32, i32) {
    %c0_i32 = arith.constant 0 : i32
    %c0_i32_0 = arith.constant 0 : i32
    %c0_i32_1 = arith.constant 0 : i32
    return %c0_i32, %c0_i32_0 : i32, i32
  }
  func.func @transform_1(%arg0: i32) -> (i32, i32) {
    %c0_i32 = arith.constant 0 : i32
    %c0_i32_0 = arith.constant 0 : i32
    %c0_i32_1 = arith.constant 0 : i32
    return %c0_i32, %c0_i32_0 : i32, i32
  }
  func.func @transform_2(%arg0: i32) -> (i32, i32) {
    %c0_i32 = arith.constant 0 : i32
    %c0_i32_0 = arith.constant 0 : i32
    %c0_i32_1 = arith.constant 0 : i32
    return %c0_i32, %c0_i32_0 : i32, i32
  }
  func.func @transform_3(%arg0: i32) -> (i32, i32) {
    %c0_i32 = arith.constant 0 : i32
    %c0_i32_0 = arith.constant 0 : i32
    %c0_i32_1 = arith.constant 0 : i32
    return %c0_i32, %c0_i32_0 : i32, i32
  }
}

module attributes {stable_mosaic.version = 14 : i64} {
  func.func @_xupd_body(%arg0: i32, %arg1: memref<400x256xf32, #tpu.memory_space<vmem>>, %arg2: memref<400x1xf32, #tpu.memory_space<vmem>>, %arg3: memref<400x1xf32, #tpu.memory_space<vmem>>, %arg4: memref<2x400x128xf32, #tpu.memory_space<vmem>>) attributes {dimension_semantics = [#tpu.dimension_semantics<arbitrary>], iteration_bounds = array<i64: 25>, scalar_prefetch = 0 : i64, scratch_operands = 0 : i64, tpu.core_type = #tpu.core_type<tc>, window_params = [{transform_indices = @transform_0, window_bounds = array<i64: 400, 256>}, {transform_indices = @transform_1, window_bounds = array<i64: 400, 1>}, {transform_indices = @transform_2, window_bounds = array<i64: 400, 1>}, {transform_indices = @transform_3, window_bounds = array<i64: 2, 400, 128>}]} {
    %get3A = arith.constant 0 : index
    %get3A_0 = arith.constant 0 : index
    %get3A_1 = vector.load %arg2[%get3A, %get3A_0] : memref<400x1xf32, #tpu.memory_space<vmem>>, vector<400x1xf32>
    %get3A_2 = arith.constant 0 : index
    %get3A_3 = arith.constant 0 : index
    %get3A_4 = vector.load %arg3[%get3A_2, %get3A_3] : memref<400x1xf32, #tpu.memory_space<vmem>>, vector<400x1xf32>
    %mul3A = arith.mulf %get3A_1, %get3A_4 : vector<400x1xf32>
    %get3A_5 = arith.constant 0 : index
    %get3A_6 = arith.constant 0 : index
    %get3A_7 = vector.load %arg1[%get3A_5, %get3A_6] : memref<400x256xf32, #tpu.memory_space<vmem>>, vector<400x256xf32>
    %slice3A = vector.extract_strided_slice %get3A_7 {offsets = [0, 0], sizes = [400, 128], strides = [1, 1]} : vector<400x256xf32> to vector<400x128xf32>
    %mul3A_8 = vector.broadcast %mul3A : vector<400x1xf32> to vector<400x128xf32>
    %mul3A_9 = arith.mulf %slice3A, %mul3A_8 : vector<400x128xf32>
    %swap3A = arith.constant 0 : index
    %swap3A_10 = arith.constant 0 : index
    %swap3A_11 = arith.constant 0 : index
    %swap3A_12 = vector.load %arg4[%swap3A, %swap3A_10, %swap3A_11] : memref<2x400x128xf32, #tpu.memory_space<vmem>>, vector<1x400x128xf32>
    %swap3A_13 = vector.shape_cast %swap3A_12 : vector<1x400x128xf32> to vector<400x128xf32>
    %swap3A_14 = vector.shape_cast %mul3A_9 : vector<400x128xf32> to vector<1x400x128xf32>
    tpu.vector_store %arg4[%swap3A, %swap3A_10, %swap3A_11], %swap3A_14 {strides = array<i32>} : memref<2x400x128xf32, #tpu.memory_space<vmem>>, vector<1x400x128xf32>,
    %slice3A_15 = vector.extract_strided_slice %get3A_7 {offsets = [0, 128], sizes = [400, 128], strides = [1, 1]} : vector<400x256xf32> to vector<400x128xf32>
    %mul3A_16 = vector.broadcast %mul3A : vector<400x1xf32> to vector<400x128xf32>
    %mul3A_17 = arith.mulf %slice3A_15, %mul3A_16 : vector<400x128xf32>
    %swap3A_18 = arith.constant 1 : index
    %swap3A_19 = arith.constant 0 : index
    %swap3A_20 = arith.constant 0 : index
    %swap3A_21 = vector.load %arg4[%swap3A_18, %swap3A_19, %swap3A_20] : memref<2x400x128xf32, #tpu.memory_space<vmem>>, vector<1x400x128xf32>
    %swap3A_22 = vector.shape_cast %swap3A_21 : vector<1x400x128xf32> to vector<400x128xf32>
    %swap3A_23 = vector.shape_cast %mul3A_17 : vector<400x128xf32> to vector<1x400x128xf32>
    tpu.vector_store %arg4[%swap3A_18, %swap3A_19, %swap3A_20], %swap3A_23 {strides = array<i32>} : memref<2x400x128xf32, #tpu.memory_space<vmem>>, vector<1x400x128xf32>,
    return
  }
  func.func @transform_0(%arg0: i32) -> (i32, i32) {
    %c0_i32 = arith.constant 0 : i32
    %c0_i32_0 = arith.constant 0 : i32
    return %arg0, %c0_i32 : i32, i32
  }
  func.func @transform_1(%arg0: i32) -> (i32, i32) {
    %c0_i32 = arith.constant 0 : i32
    %c0_i32_0 = arith.constant 0 : i32
    return %arg0, %c0_i32 : i32, i32
  }
  func.func @transform_2(%arg0: i32) -> (i32, i32) {
    %c0_i32 = arith.constant 0 : i32
    %c0_i32_0 = arith.constant 0 : i32
    return %arg0, %c0_i32 : i32, i32
  }
  func.func @transform_3(%arg0: i32) -> (i32, i32, i32) {
    %c0_i32 = arith.constant 0 : i32
    %c0_i32_0 = arith.constant 0 : i32
    %c0_i32_1 = arith.constant 0 : i32
    return %c0_i32, %arg0, %c0_i32_0 : i32, i32, i32
  }
}

module attributes {stable_mosaic.version = 14 : i64} {
  func.func @_mlp_body(%arg0: i32, %arg1: memref<2x400x128xf32, #tpu.memory_space<vmem>>, %arg2: memref<2x400x128xf32, #tpu.memory_space<vmem>>, %arg3: memref<256x256xf32, #tpu.memory_space<vmem>>, %arg4: memref<1x256xf32, #tpu.memory_space<vmem>>, %arg5: memref<1x256xf32, #tpu.memory_space<vmem>>, %arg6: memref<1x256xf32, #tpu.memory_space<vmem>>, %arg7: memref<1x256xf32, #tpu.memory_space<vmem>>, %arg8: memref<1x256xf32, #tpu.memory_space<vmem>>, %arg9: memref<256x256xf32, #tpu.memory_space<vmem>>, %arg10: memref<1x256xf32, #tpu.memory_space<vmem>>, %arg11: memref<256x1xf32, #tpu.memory_space<vmem>>, %arg12: memref<1x1xf32, #tpu.memory_space<vmem>>, %arg13: memref<400x256xf32, #tpu.memory_space<vmem>>, %arg14: memref<400x1xf32, #tpu.memory_space<vmem>>) attributes {dimension_semantics = [#tpu.dimension_semantics<arbitrary>], iteration_bounds = array<i64: 25>, scalar_prefetch = 0 : i64, scratch_operands = 0 : i64, tpu.core_type = #tpu.core_type<tc>, window_params = [{transform_indices = @transform_0, window_bounds = array<i64: 2, 400, 128>}, {transform_indices = @transform_1, window_bounds = array<i64: 2, 400, 128>}, {pipeline_mode = #tpu.pipeline_mode<synchronous>, transform_indices = @transform_2, window_bounds = array<i64: 256, 256>}, {pipeline_mode = #tpu.pipeline_mode<synchronous>, transform_indices = @transform_3, window_bounds = array<i64: 1, 256>}, {pipeline_mode = #tpu.pipeline_mode<synchronous>, transform_indices = @transform_4, window_bounds = array<i64: 1, 256>}, {pipeline_mode = #tpu.pipeline_mode<synchronous>, transform_indices = @transform_5, window_bounds = array<i64: 1, 256>}, {pipeline_mode = #tpu.pipeline_mode<synchronous>, transform_indices = @transform_6, window_bounds = array<i64: 1, 256>}, {pipeline_mode = #tpu.pipeline_mode<synchronous>, transform_indices = @transform_7, window_bounds = array<i64: 1, 256>}, {pipeline_mode = #tpu.pipeline_mode<synchronous>, transform_indices = @transform_8, window_bounds = array<i64: 256, 256>}, {pipeline_mode = #tpu.pipeline_mode<synchronous>, transform_indices = @transform_9, window_bounds = array<i64: 1, 256>}, {pipeline_mode = #tpu.pipeline_mode<synchronous>, transform_indices = @transform_10, window_bounds = array<i64: 256, 1>}, {pipeline_mode = #tpu.pipeline_mode<synchronous>, transform_indices = @transform_11, window_bounds = array<i64: 1, 1>}, {transform_indices = @transform_12, window_bounds = array<i64: 400, 256>}, {transform_indices = @transform_13, window_bounds = array<i64: 400, 1>}]} {
    %get3A = arith.constant 0 : index
    %get3A_0 = arith.constant 0 : index
    %get3A_1 = arith.constant 0 : index
    %get3A_2 = vector.load %arg1[%get3A, %get3A_0, %get3A_1] : memref<2x400x128xf32, #tpu.memory_space<vmem>>, vector<1x400x128xf32>
    %get3A_3 = vector.shape_cast %get3A_2 : vector<1x400x128xf32> to vector<400x128xf32>
    %get3A_4 = arith.constant 0 : index
    %get3A_5 = arith.constant 0 : index
    %get3A_6 = arith.constant 0 : index
    %get3A_7 = vector.load %arg2[%get3A_4, %get3A_5, %get3A_6] : memref<2x400x128xf32, #tpu.memory_space<vmem>>, vector<1x400x128xf32>
    %get3A_8 = vector.shape_cast %get3A_7 : vector<1x400x128xf32> to vector<400x128xf32>
    %add3A = arith.addf %get3A_3, %get3A_8 : vector<400x128xf32>
    %get3A_9 = arith.constant 1 : index
    %get3A_10 = arith.constant 0 : index
    %get3A_11 = arith.constant 0 : index
    %get3A_12 = vector.load %arg1[%get3A_9, %get3A_10, %get3A_11] : memref<2x400x128xf32, #tpu.memory_space<vmem>>, vector<1x400x128xf32>
    %get3A_13 = vector.shape_cast %get3A_12 : vector<1x400x128xf32> to vector<400x128xf32>
    %get3A_14 = arith.constant 1 : index
    %get3A_15 = arith.constant 0 : index
    %get3A_16 = arith.constant 0 : index
    %get3A_17 = vector.load %arg2[%get3A_14, %get3A_15, %get3A_16] : memref<2x400x128xf32, #tpu.memory_space<vmem>>, vector<1x400x128xf32>
    %get3A_18 = vector.shape_cast %get3A_17 : vector<1x400x128xf32> to vector<400x128xf32>
    %add3A_19 = arith.addf %get3A_13, %get3A_18 : vector<400x128xf32>
    %concatenate3A = tpu.concatenate %add3A, %add3A_19 in 1 : vector<400x128xf32>, vector<400x128xf32> -> vector<400x256xf32>
    %get3A_20 = arith.constant 0 : index
    %get3A_21 = arith.constant 0 : index
    %get3A_22 = vector.load %arg3[%get3A_20, %get3A_21] : memref<256x256xf32, #tpu.memory_space<vmem>>, vector<256x256xf32>
    %dot_general3A = arith.constant dense<0.000000e+00> : vector<400x256xf32>
    %dot_general3A_23 = tpu.matmul %concatenate3A, %get3A_22, %dot_general3A {dimension_numbers = #tpu.dot_dimension_numbers<[1], [0], [0], [1], [0, 0, 1, 1], [], []>, transpose_lhs_hint = false} : vector<400x256xf32>, vector<256x256xf32>, vector<400x256xf32> -> vector<400x256xf32>
    %get3A_24 = arith.constant 0 : index
    %get3A_25 = arith.constant 0 : index
    %get3A_26 = vector.load %arg4[%get3A_24, %get3A_25] : memref<1x256xf32, #tpu.memory_space<vmem>>, vector<1x256xf32>
    %add3A_27 = vector.broadcast %get3A_26 : vector<1x256xf32> to vector<400x256xf32>
    %add3A_28 = arith.addf %dot_general3A_23, %add3A_27 : vector<400x256xf32>
    %gt3A = arith.constant 0.000000e+00 : f32
    %gt3A_29 = vector.broadcast %gt3A : f32 to vector<400x256xf32>
    %gt3A_30 = arith.cmpf ogt, %add3A_28, %gt3A_29 : vector<400x256xf32>
    %mul3A = arith.constant 2.000000e-01 : f32
    %mul3A_31 = vector.broadcast %mul3A : f32 to vector<400x256xf32>
    %mul3A_32 = arith.mulf %mul3A_31, %add3A_28 : vector<400x256xf32>
    %select_n3A = arith.select %gt3A_30, %add3A_28, %mul3A_32 : vector<400x256xi1>, vector<400x256xf32>
    %get3A_33 = arith.constant 0 : index
    %get3A_34 = arith.constant 0 : index
    %get3A_35 = vector.load %arg7[%get3A_33, %get3A_34] : memref<1x256xf32, #tpu.memory_space<vmem>>, vector<1x256xf32>
    %sub3A = vector.broadcast %get3A_35 : vector<1x256xf32> to vector<400x256xf32>
    %sub3A_36 = arith.subf %select_n3A, %sub3A : vector<400x256xf32>
    %get3A_37 = arith.constant 0 : index
    %get3A_38 = arith.constant 0 : index
    %get3A_39 = vector.load %arg8[%get3A_37, %get3A_38] : memref<1x256xf32, #tpu.memory_space<vmem>>, vector<1x256xf32>
    %add3A_40 = arith.constant 9.99999974E-6 : f32
    %add3A_41 = vector.broadcast %add3A_40 : f32 to vector<1x256xf32>
    %add3A_42 = arith.addf %get3A_39, %add3A_41 : vector<1x256xf32>
    %sqrt3A = math.sqrt %add3A_42 : vector<1x256xf32>
    %div3A = vector.broadcast %sqrt3A : vector<1x256xf32> to vector<400x256xf32>
    %div3A_43 = arith.divf %sub3A_36, %div3A : vector<400x256xf32>
    %get3A_44 = arith.constant 0 : index
    %get3A_45 = arith.constant 0 : index
    %get3A_46 = vector.load %arg5[%get3A_44, %get3A_45] : memref<1x256xf32, #tpu.memory_space<vmem>>, vector<1x256xf32>
    %mul3A_47 = vector.broadcast %get3A_46 : vector<1x256xf32> to vector<400x256xf32>
    %mul3A_48 = arith.mulf %div3A_43, %mul3A_47 : vector<400x256xf32>
    %get3A_49 = arith.constant 0 : index
    %get3A_50 = arith.constant 0 : index
    %get3A_51 = vector.load %arg6[%get3A_49, %get3A_50] : memref<1x256xf32, #tpu.memory_space<vmem>>, vector<1x256xf32>
    %add3A_52 = vector.broadcast %get3A_51 : vector<1x256xf32> to vector<400x256xf32>
    %add3A_53 = arith.addf %mul3A_48, %add3A_52 : vector<400x256xf32>
    %get3A_54 = arith.constant 0 : index
    %get3A_55 = arith.constant 0 : index
    %get3A_56 = vector.load %arg9[%get3A_54, %get3A_55] : memref<256x256xf32, #tpu.memory_space<vmem>>, vector<256x256xf32>
    %dot_general3A_57 = arith.constant dense<0.000000e+00> : vector<400x256xf32>
    %dot_general3A_58 = tpu.matmul %add3A_53, %get3A_56, %dot_general3A_57 {dimension_numbers = #tpu.dot_dimension_numbers<[1], [0], [0], [1], [0, 0, 1, 1], [], []>, transpose_lhs_hint = false} : vector<400x256xf32>, vector<256x256xf32>, vector<400x256xf32> -> vector<400x256xf32>
    %get3A_59 = arith.constant 0 : index
    %get3A_60 = arith.constant 0 : index
    %get3A_61 = vector.load %arg10[%get3A_59, %get3A_60] : memref<1x256xf32, #tpu.memory_space<vmem>>, vector<1x256xf32>
    %add3A_62 = vector.broadcast %get3A_61 : vector<1x256xf32> to vector<400x256xf32>
    %add3A_63 = arith.addf %dot_general3A_58, %add3A_62 : vector<400x256xf32>
    %gt3A_64 = arith.constant 0.000000e+00 : f32
    %gt3A_65 = vector.broadcast %gt3A_64 : f32 to vector<400x256xf32>
    %gt3A_66 = arith.cmpf ogt, %add3A_63, %gt3A_65 : vector<400x256xf32>
    %mul3A_67 = arith.constant 2.000000e-01 : f32
    %mul3A_68 = vector.broadcast %mul3A_67 : f32 to vector<400x256xf32>
    %mul3A_69 = arith.mulf %mul3A_68, %add3A_63 : vector<400x256xf32>
    %select_n3A_70 = arith.select %gt3A_66, %add3A_63, %mul3A_69 : vector<400x256xi1>, vector<400x256xf32>
    %swap3A = arith.constant 0 : index
    %swap3A_71 = arith.constant 0 : index
    %swap3A_72 = vector.load %arg13[%swap3A, %swap3A_71] : memref<400x256xf32, #tpu.memory_space<vmem>>, vector<400x256xf32>
    tpu.vector_store %arg13[%swap3A, %swap3A_71], %select_n3A_70 {strides = array<i32>} : memref<400x256xf32, #tpu.memory_space<vmem>>, vector<400x256xf32>,
    %get3A_73 = arith.constant 0 : index
    %get3A_74 = arith.constant 0 : index
    %get3A_75 = vector.load %arg11[%get3A_73, %get3A_74] : memref<256x1xf32, #tpu.memory_space<vmem>>, vector<256x1xf32>
    %dot_general3A_76 = arith.constant dense<0.000000e+00> : vector<400x1xf32>
    %dot_general3A_77 = tpu.matmul %select_n3A_70, %get3A_75, %dot_general3A_76 {dimension_numbers = #tpu.dot_dimension_numbers<[1], [0], [0], [1], [0, 0, 1, 1], [], []>, transpose_lhs_hint = false} : vector<400x256xf32>, vector<256x1xf32>, vector<400x1xf32> -> vector<400x1xf32>
    %get3A_78 = arith.constant 0 : index
    %get3A_79 = arith.constant 0 : index
    %get3A_80 = vector.load %arg12[%get3A_78, %get3A_79] : memref<1x1xf32, #tpu.memory_space<vmem>>, vector<1x1xf32>
    %div3A_81 = vector.broadcast %get3A_80 : vector<1x1xf32> to vector<400x1xf32>
    %div3A_82 = arith.divf %dot_general3A_77, %div3A_81 : vector<400x1xf32>
    %tanh3A = math.tanh %div3A_82 : vector<400x1xf32>
    %swap3A_83 = arith.constant 0 : index
    %swap3A_84 = arith.constant 0 : index
    %swap3A_85 = vector.load %arg14[%swap3A_83, %swap3A_84] : memref<400x1xf32, #tpu.memory_space<vmem>>, vector<400x1xf32>
    tpu.vector_store %arg14[%swap3A_83, %swap3A_84], %tanh3A {strides = array<i32>} : memref<400x1xf32, #tpu.memory_space<vmem>>, vector<400x1xf32>,
    return
  }
  func.func @transform_0(%arg0: i32) -> (i32, i32, i32) {
    %c0_i32 = arith.constant 0 : i32
    %c0_i32_0 = arith.constant 0 : i32
    %c0_i32_1 = arith.constant 0 : i32
    return %c0_i32, %arg0, %c0_i32_0 : i32, i32, i32
  }
  func.func @transform_1(%arg0: i32) -> (i32, i32, i32) {
    %c0_i32 = arith.constant 0 : i32
    %c0_i32_0 = arith.constant 0 : i32
    %c0_i32_1 = arith.constant 0 : i32
    return %c0_i32, %arg0, %c0_i32_0 : i32, i32, i32
  }
  func.func @transform_2(%arg0: i32) -> (i32, i32) {
    %c0_i32 = arith.constant 0 : i32
    %c0_i32_0 = arith.constant 0 : i32
    %c0_i32_1 = arith.constant 0 : i32
    return %c0_i32, %c0_i32_0 : i32, i32
  }
  func.func @transform_3(%arg0: i32) -> (i32, i32) {
    %c0_i32 = arith.constant 0 : i32
    %c0_i32_0 = arith.constant 0 : i32
    %c0_i32_1 = arith.constant 0 : i32
    return %c0_i32, %c0_i32_0 : i32, i32
  }
  func.func @transform_4(%arg0: i32) -> (i32, i32) {
    %c0_i32 = arith.constant 0 : i32
    %c0_i32_0 = arith.constant 0 : i32
    %c0_i32_1 = arith.constant 0 : i32
    return %c0_i32, %c0_i32_0 : i32, i32
  }
  func.func @transform_5(%arg0: i32) -> (i32, i32) {
    %c0_i32 = arith.constant 0 : i32
    %c0_i32_0 = arith.constant 0 : i32
    %c0_i32_1 = arith.constant 0 : i32
    return %c0_i32, %c0_i32_0 : i32, i32
  }
  func.func @transform_6(%arg0: i32) -> (i32, i32) {
    %c0_i32 = arith.constant 0 : i32
    %c0_i32_0 = arith.constant 0 : i32
    %c0_i32_1 = arith.constant 0 : i32
    return %c0_i32, %c0_i32_0 : i32, i32
  }
  func.func @transform_7(%arg0: i32) -> (i32, i32) {
    %c0_i32 = arith.constant 0 : i32
    %c0_i32_0 = arith.constant 0 : i32
    %c0_i32_1 = arith.constant 0 : i32
    return %c0_i32, %c0_i32_0 : i32, i32
  }
  func.func @transform_8(%arg0: i32) -> (i32, i32) {
    %c0_i32 = arith.constant 0 : i32
    %c0_i32_0 = arith.constant 0 : i32
    %c0_i32_1 = arith.constant 0 : i32
    return %c0_i32, %c0_i32_0 : i32, i32
  }
  func.func @transform_9(%arg0: i32) -> (i32, i32) {
    %c0_i32 = arith.constant 0 : i32
    %c0_i32_0 = arith.constant 0 : i32
    %c0_i32_1 = arith.constant 0 : i32
    return %c0_i32, %c0_i32_0 : i32, i32
  }
  func.func @transform_10(%arg0: i32) -> (i32, i32) {
    %c0_i32 = arith.constant 0 : i32
    %c0_i32_0 = arith.constant 0 : i32
    %c0_i32_1 = arith.constant 0 : i32
    return %c0_i32, %c0_i32_0 : i32, i32
  }
  func.func @transform_11(%arg0: i32) -> (i32, i32) {
    %c0_i32 = arith.constant 0 : i32
    %c0_i32_0 = arith.constant 0 : i32
    %c0_i32_1 = arith.constant 0 : i32
    return %c0_i32, %c0_i32_0 : i32, i32
  }
  func.func @transform_12(%arg0: i32) -> (i32, i32) {
    %c0_i32 = arith.constant 0 : i32
    %c0_i32_0 = arith.constant 0 : i32
    return %arg0, %c0_i32 : i32, i32
  }
  func.func @transform_13(%arg0: i32) -> (i32, i32) {
    %c0_i32 = arith.constant 0 : i32
    %c0_i32_0 = arith.constant 0 : i32
    return %arg0, %c0_i32 : i32, i32
  }
}

module attributes {stable_mosaic.version = 14 : i64} {
  func.func @_topk_body(%arg0: i32, %arg1: memref<80x128xf32, #tpu.memory_space<vmem>>, %arg2: memref<80x128xi32, #tpu.memory_space<vmem>>, %arg3: memref<80x128xi32, #tpu.memory_space<vmem>>, %arg4: memref<80x128xi32, #tpu.memory_space<vmem>>, %arg5: memref<80x128xi32, #tpu.memory_space<vmem>>) attributes {dimension_semantics = [#tpu.dimension_semantics<arbitrary>], iteration_bounds = array<i64: 1>, scalar_prefetch = 0 : i64, scratch_operands = 0 : i64, tpu.core_type = #tpu.core_type<tc>, window_params = [{pipeline_mode = #tpu.pipeline_mode<synchronous>, transform_indices = @transform_0, window_bounds = array<i64: 80, 128>}, {pipeline_mode = #tpu.pipeline_mode<synchronous>, transform_indices = @transform_1, window_bounds = array<i64: 80, 128>}, {pipeline_mode = #tpu.pipeline_mode<synchronous>, transform_indices = @transform_2, window_bounds = array<i64: 80, 128>}, {pipeline_mode = #tpu.pipeline_mode<synchronous>, transform_indices = @transform_3, window_bounds = array<i64: 80, 128>}, {pipeline_mode = #tpu.pipeline_mode<synchronous>, transform_indices = @transform_4, window_bounds = array<i64: 80, 128>}]} {
    %get3A = arith.constant 0 : index
    %get3A_0 = arith.constant 0 : index
    %get3A_1 = vector.load %arg1[%get3A, %get3A_0] : memref<80x128xf32, #tpu.memory_space<vmem>>, vector<80x128xf32>
    %get3A_2 = arith.constant 0 : index
    %get3A_3 = arith.constant 0 : index
    %get3A_4 = vector.load %arg2[%get3A_2, %get3A_3] : memref<80x128xi32, #tpu.memory_space<vmem>>, vector<80x128xi32>
    %ne3A = arith.constant 0 : i32
    %ne3A_5 = vector.broadcast %ne3A : i32 to vector<80x128xi32>
    %ne3A_6 = arith.cmpi ne, %get3A_4, %ne3A_5 : vector<80x128xi32>
    %bitcast_convert_type3A = tpu.bitcast %get3A_1 : vector<80x128xf32> -> vector<80x128xi32>
    %shift_right_logical3A = arith.constant 31 : i32
    %shift_right_logical3A_7 = vector.broadcast %shift_right_logical3A : i32 to vector<80x128xi32>
    %shift_right_logical3A_8 = arith.shrui %bitcast_convert_type3A, %shift_right_logical3A_7 : vector<80x128xi32>
    %eq3A = arith.constant 1 : i32
    %eq3A_9 = vector.broadcast %eq3A : i32 to vector<80x128xi32>
    %eq3A_10 = arith.cmpi eq, %shift_right_logical3A_8, %eq3A_9 : vector<80x128xi32>
    %not3A = arith.constant dense<-1> : vector<80x128xi32>
    %not3A_11 = arith.xori %bitcast_convert_type3A, %not3A : vector<80x128xi32>
    %or3A = arith.constant -2147483648 : i32
    %or3A_12 = vector.broadcast %or3A : i32 to vector<80x128xi32>
    %or3A_13 = arith.ori %bitcast_convert_type3A, %or3A_12 : vector<80x128xi32>
    %select_n3A = arith.select %eq3A_10, %not3A_11, %or3A_13 : vector<80x128xi1>, vector<80x128xi32>
    %jit3A = arith.constant 0 : i32
    %broadcast_in_dim3A = vector.broadcast %jit3A : i32 to vector<80x128xi32>
    %select_n3A_14 = arith.select %ne3A_6, %select_n3A, %broadcast_in_dim3A : vector<80x128xi1>, vector<80x128xi32>
    %swap3A = arith.constant 0 : index
    %swap3A_15 = arith.constant 0 : index
    %swap3A_16 = vector.load %arg5[%swap3A, %swap3A_15] : memref<80x128xi32, #tpu.memory_space<vmem>>, vector<80x128xi32>
    tpu.vector_store %arg5[%swap3A, %swap3A_15], %select_n3A_14 {strides = array<i32>} : memref<80x128xi32, #tpu.memory_space<vmem>>, vector<80x128xi32>,
    %iota3A = tpu.iota {dimensions = array<i32: 0>} : vector<80x128xi32>
    %mul3A = arith.constant 128 : i32
    %mul3A_17 = vector.broadcast %mul3A : i32 to vector<80x128xi32>
    %mul3A_18 = arith.muli %iota3A, %mul3A_17 : vector<80x128xi32>
    %iota3A_19 = tpu.iota {dimensions = array<i32: 1>} : vector<80x128xi32>
    %add3A = arith.addi %mul3A_18, %iota3A_19 : vector<80x128xi32>
    %sub3A = arith.constant -1 : i32
    %sub3A_20 = vector.broadcast %sub3A : i32 to vector<80x128xi32>
    %sub3A_21 = arith.subi %sub3A_20, %add3A : vector<80x128xi32>
    %get3A_22 = arith.constant 0 : index
    %get3A_23 = arith.constant 0 : index
    %get3A_24 = vector.load %arg3[%get3A_22, %get3A_23] : memref<80x128xi32, #tpu.memory_space<vmem>>, vector<80x128xi32>
    %broadcast_in_dim3A_25 = arith.constant false
    %broadcast_in_dim3A_26 = vector.broadcast %broadcast_in_dim3A_25 : i1 to vector<80x128xi1>
    %jit3A_27 = arith.constant 0 : i32
    %broadcast_in_dim3A_28 = vector.broadcast %jit3A_27 : i32 to vector<80x128xi32>
    %select_n3A_29 = arith.select %ne3A_6, %select_n3A_14, %broadcast_in_dim3A_28 : vector<80x128xi1>, vector<80x128xi32>
    %scan3A = arith.constant 6400 : i32
    %scan3A_30 = arith.constant 0 : i32
    %scan3A_31 = arith.constant 0 : i32
    %scan3A_32 = arith.constant 32 : i32
    %scan3A_33 = arith.addi %scan3A_31, %scan3A_32 : i32
    %scan3A_34 = arith.constant 1 : i32
    %scan3A_35 = scf.for %scan3A_89 = %scan3A_31 to %scan3A_33 step %scan3A_34 iter_args(%scan3A_90 = %scan3A_30) -> (i32)  : i32 {
      %sub3A_91 = arith.constant 31 : i32
      %sub3A_92 = arith.subi %sub3A_91, %scan3A_89 : i32
      %shift_left3A = arith.constant 1 : i32
      %shift_left3A_93 = arith.shli %shift_left3A, %sub3A_92 : i32
      %or3A_94 = arith.ori %scan3A_90, %shift_left3A_93 : i32
      %ge3A_95 = vector.broadcast %or3A_94 : i32 to vector<80x128xi32>
      %ge3A_96 = arith.cmpi uge, %select_n3A_29, %ge3A_95 : vector<80x128xi32>
      %convert_element_type3A_97 = arith.extui %ge3A_96 : vector<80x128xi1> to vector<80x128xi32>
      %reduce_sum3A_98 = vector.shape_cast %convert_element_type3A_97 : vector<80x128xi32> to vector<1x80x128xi32>
      %reduce_sum3A_99 = arith.constant dense<0> : vector<1xi32>
      %reduce_sum3A_100 = vector.multi_reduction <add>, %reduce_sum3A_98, %reduce_sum3A_99 [1, 2] : vector<1x80x128xi32> to vector<1xi32>
      %reduce_sum3A_101 = vector.shape_cast %reduce_sum3A_100 : vector<1xi32> to vector<1x1x1xi32>
      %reduce_sum3A_102 = vector.extract %reduce_sum3A_101[0, 0, 0] : i32 from vector<1x1x1xi32>
      %ge3A_103 = arith.cmpi sge, %reduce_sum3A_102, %scan3A : i32
      %select_n3A_104 = arith.select %ge3A_103, %or3A_94, %scan3A_90 : i32
      scf.yield %select_n3A_104 : i32
    }
    %scan3A_36 = arith.constant 32 : i32
    %gt3A = vector.broadcast %scan3A_35 : i32 to vector<80x128xi32>
    %gt3A_37 = arith.cmpi ugt, %select_n3A_14, %gt3A : vector<80x128xi32>
    %and3A = arith.andi %ne3A_6, %gt3A_37 : vector<80x128xi1>
    %or3A_38 = arith.ori %broadcast_in_dim3A_26, %and3A : vector<80x128xi1>
    %convert_element_type3A = arith.extui %and3A : vector<80x128xi1> to vector<80x128xi32>
    %reduce_sum3A = vector.shape_cast %convert_element_type3A : vector<80x128xi32> to vector<1x80x128xi32>
    %reduce_sum3A_39 = arith.constant dense<0> : vector<1xi32>
    %reduce_sum3A_40 = vector.multi_reduction <add>, %reduce_sum3A, %reduce_sum3A_39 [1, 2] : vector<1x80x128xi32> to vector<1xi32>
    %reduce_sum3A_41 = vector.shape_cast %reduce_sum3A_40 : vector<1xi32> to vector<1x1x1xi32>
    %reduce_sum3A_42 = vector.extract %reduce_sum3A_41[0, 0, 0] : i32 from vector<1x1x1xi32>
    %sub3A_43 = arith.constant 6400 : i32
    %sub3A_44 = arith.subi %sub3A_43, %reduce_sum3A_42 : i32
    %eq3A_45 = vector.broadcast %scan3A_35 : i32 to vector<80x128xi32>
    %eq3A_46 = arith.cmpi eq, %select_n3A_14, %eq3A_45 : vector<80x128xi32>
    %and3A_47 = arith.andi %ne3A_6, %eq3A_46 : vector<80x128xi1>
    %jit3A_48 = arith.constant 0 : i32
    %broadcast_in_dim3A_49 = vector.broadcast %jit3A_48 : i32 to vector<80x128xi32>
    %select_n3A_50 = arith.select %and3A_47, %get3A_24, %broadcast_in_dim3A_49 : vector<80x128xi1>, vector<80x128xi32>
    %scan3A_51 = arith.constant 0 : i32
    %scan3A_52 = arith.constant 0 : i32
    %scan3A_53 = arith.constant 32 : i32
    %scan3A_54 = arith.addi %scan3A_52, %scan3A_53 : i32
    %scan3A_55 = arith.constant 1 : i32
    %scan3A_56 = scf.for %scan3A_89 = %scan3A_52 to %scan3A_54 step %scan3A_55 iter_args(%scan3A_90 = %scan3A_51) -> (i32)  : i32 {
      %sub3A_91 = arith.constant 31 : i32
      %sub3A_92 = arith.subi %sub3A_91, %scan3A_89 : i32
      %shift_left3A = arith.constant 1 : i32
      %shift_left3A_93 = arith.shli %shift_left3A, %sub3A_92 : i32
      %or3A_94 = arith.ori %scan3A_90, %shift_left3A_93 : i32
      %ge3A_95 = vector.broadcast %or3A_94 : i32 to vector<80x128xi32>
      %ge3A_96 = arith.cmpi uge, %select_n3A_50, %ge3A_95 : vector<80x128xi32>
      %convert_element_type3A_97 = arith.extui %ge3A_96 : vector<80x128xi1> to vector<80x128xi32>
      %reduce_sum3A_98 = vector.shape_cast %convert_element_type3A_97 : vector<80x128xi32> to vector<1x80x128xi32>
      %reduce_sum3A_99 = arith.constant dense<0> : vector<1xi32>
      %reduce_sum3A_100 = vector.multi_reduction <add>, %reduce_sum3A_98, %reduce_sum3A_99 [1, 2] : vector<1x80x128xi32> to vector<1xi32>
      %reduce_sum3A_101 = vector.shape_cast %reduce_sum3A_100 : vector<1xi32> to vector<1x1x1xi32>
      %reduce_sum3A_102 = vector.extract %reduce_sum3A_101[0, 0, 0] : i32 from vector<1x1x1xi32>
      %ge3A_103 = arith.cmpi sge, %reduce_sum3A_102, %sub3A_44 : i32
      %select_n3A_104 = arith.select %ge3A_103, %or3A_94, %scan3A_90 : i32
      scf.yield %select_n3A_104 : i32
    }
    %scan3A_57 = arith.constant 32 : i32
    %gt3A_58 = vector.broadcast %scan3A_56 : i32 to vector<80x128xi32>
    %gt3A_59 = arith.cmpi ugt, %get3A_24, %gt3A_58 : vector<80x128xi32>
    %and3A_60 = arith.andi %and3A_47, %gt3A_59 : vector<80x128xi1>
    %or3A_61 = arith.ori %or3A_38, %and3A_60 : vector<80x128xi1>
    %convert_element_type3A_62 = arith.extui %and3A_60 : vector<80x128xi1> to vector<80x128xi32>
    %reduce_sum3A_63 = vector.shape_cast %convert_element_type3A_62 : vector<80x128xi32> to vector<1x80x128xi32>
    %reduce_sum3A_64 = arith.constant dense<0> : vector<1xi32>
    %reduce_sum3A_65 = vector.multi_reduction <add>, %reduce_sum3A_63, %reduce_sum3A_64 [1, 2] : vector<1x80x128xi32> to vector<1xi32>
    %reduce_sum3A_66 = vector.shape_cast %reduce_sum3A_65 : vector<1xi32> to vector<1x1x1xi32>
    %reduce_sum3A_67 = vector.extract %reduce_sum3A_66[0, 0, 0] : i32 from vector<1x1x1xi32>
    %sub3A_68 = arith.subi %sub3A_44, %reduce_sum3A_67 : i32
    %eq3A_69 = vector.broadcast %scan3A_56 : i32 to vector<80x128xi32>
    %eq3A_70 = arith.cmpi eq, %get3A_24, %eq3A_69 : vector<80x128xi32>
    %and3A_71 = arith.andi %and3A_47, %eq3A_70 : vector<80x128xi1>
    %jit3A_72 = arith.constant 0 : i32
    %broadcast_in_dim3A_73 = vector.broadcast %jit3A_72 : i32 to vector<80x128xi32>
    %select_n3A_74 = arith.select %and3A_71, %sub3A_21, %broadcast_in_dim3A_73 : vector<80x128xi1>, vector<80x128xi32>
    %scan3A_75 = arith.constant -16384 : i32
    %scan3A_76 = arith.constant 0 : i32
    %scan3A_77 = arith.constant 14 : i32
    %scan3A_78 = arith.addi %scan3A_76, %scan3A_77 : i32
    %scan3A_79 = arith.constant 1 : i32
    %scan3A_80 = scf.for %scan3A_89 = %scan3A_76 to %scan3A_78 step %scan3A_79 iter_args(%scan3A_90 = %scan3A_75) -> (i32)  : i32 {
      %sub3A_91 = arith.constant 13 : i32
      %sub3A_92 = arith.subi %sub3A_91, %scan3A_89 : i32
      %shift_left3A = arith.constant 1 : i32
      %shift_left3A_93 = arith.shli %shift_left3A, %sub3A_92 : i32
      %or3A_94 = arith.ori %scan3A_90, %shift_left3A_93 : i32
      %ge3A_95 = vector.broadcast %or3A_94 : i32 to vector<80x128xi32>
      %ge3A_96 = arith.cmpi uge, %select_n3A_74, %ge3A_95 : vector<80x128xi32>
      %convert_element_type3A_97 = arith.extui %ge3A_96 : vector<80x128xi1> to vector<80x128xi32>
      %reduce_sum3A_98 = vector.shape_cast %convert_element_type3A_97 : vector<80x128xi32> to vector<1x80x128xi32>
      %reduce_sum3A_99 = arith.constant dense<0> : vector<1xi32>
      %reduce_sum3A_100 = vector.multi_reduction <add>, %reduce_sum3A_98, %reduce_sum3A_99 [1, 2] : vector<1x80x128xi32> to vector<1xi32>
      %reduce_sum3A_101 = vector.shape_cast %reduce_sum3A_100 : vector<1xi32> to vector<1x1x1xi32>
      %reduce_sum3A_102 = vector.extract %reduce_sum3A_101[0, 0, 0] : i32 from vector<1x1x1xi32>
      %ge3A_103 = arith.cmpi sge, %reduce_sum3A_102, %sub3A_68 : i32
      %select_n3A_104 = arith.select %ge3A_103, %or3A_94, %scan3A_90 : i32
      scf.yield %select_n3A_104 : i32
    }
    %scan3A_81 = arith.constant 14 : i32
    %ge3A = vector.broadcast %scan3A_80 : i32 to vector<80x128xi32>
    %ge3A_82 = arith.cmpi uge, %sub3A_21, %ge3A : vector<80x128xi32>
    %and3A_83 = arith.andi %and3A_71, %ge3A_82 : vector<80x128xi1>
    %or3A_84 = arith.ori %or3A_61, %and3A_83 : vector<80x128xi1>
    %convert_element_type3A_85 = arith.extui %or3A_84 : vector<80x128xi1> to vector<80x128xi32>
    %swap3A_86 = arith.constant 0 : index
    %swap3A_87 = arith.constant 0 : index
    %swap3A_88 = vector.load %arg4[%swap3A_86, %swap3A_87] : memref<80x128xi32, #tpu.memory_space<vmem>>, vector<80x128xi32>
    tpu.vector_store %arg4[%swap3A_86, %swap3A_87], %convert_element_type3A_85 {strides = array<i32>} : memref<80x128xi32, #tpu.memory_space<vmem>>, vector<80x128xi32>,
    return
  }
  func.func @transform_0(%arg0: i32) -> (i32, i32) {
    %c0_i32 = arith.constant 0 : i32
    %c0_i32_0 = arith.constant 0 : i32
    %c0_i32_1 = arith.constant 0 : i32
    return %c0_i32, %c0_i32_0 : i32, i32
  }
  func.func @transform_1(%arg0: i32) -> (i32, i32) {
    %c0_i32 = arith.constant 0 : i32
    %c0_i32_0 = arith.constant 0 : i32
    %c0_i32_1 = arith.constant 0 : i32
    return %c0_i32, %c0_i32_0 : i32, i32
  }
  func.func @transform_2(%arg0: i32) -> (i32, i32) {
    %c0_i32 = arith.constant 0 : i32
    %c0_i32_0 = arith.constant 0 : i32
    %c0_i32_1 = arith.constant 0 : i32
    return %c0_i32, %c0_i32_0 : i32, i32
  }
  func.func @transform_3(%arg0: i32) -> (i32, i32) {
    %c0_i32 = arith.constant 0 : i32
    %c0_i32_0 = arith.constant 0 : i32
    %c0_i32_1 = arith.constant 0 : i32
    return %c0_i32, %c0_i32_0 : i32, i32
  }
  func.func @transform_4(%arg0: i32) -> (i32, i32) {
    %c0_i32 = arith.constant 0 : i32
    %c0_i32_0 = arith.constant 0 : i32
    %c0_i32_1 = arith.constant 0 : i32
    return %c0_i32, %c0_i32_0 : i32, i32
  }
}

module attributes {stable_mosaic.version = 14 : i64} {
  func.func @_topk_body(%arg0: i32, %arg1: memref<80x128xf32, #tpu.memory_space<vmem>>, %arg2: memref<80x128xi32, #tpu.memory_space<vmem>>, %arg3: memref<80x128xi32, #tpu.memory_space<vmem>>, %arg4: memref<80x128xi32, #tpu.memory_space<vmem>>, %arg5: memref<80x128xi32, #tpu.memory_space<vmem>>, %arg6: memref<80x128xi32, #tpu.memory_space<vmem>>) attributes {dimension_semantics = [#tpu.dimension_semantics<arbitrary>], iteration_bounds = array<i64: 1>, scalar_prefetch = 0 : i64, scratch_operands = 0 : i64, tpu.core_type = #tpu.core_type<tc>, window_params = [{pipeline_mode = #tpu.pipeline_mode<synchronous>, transform_indices = @transform_0, window_bounds = array<i64: 80, 128>}, {pipeline_mode = #tpu.pipeline_mode<synchronous>, transform_indices = @transform_1, window_bounds = array<i64: 80, 128>}, {pipeline_mode = #tpu.pipeline_mode<synchronous>, transform_indices = @transform_2, window_bounds = array<i64: 80, 128>}, {pipeline_mode = #tpu.pipeline_mode<synchronous>, transform_indices = @transform_3, window_bounds = array<i64: 80, 128>}, {pipeline_mode = #tpu.pipeline_mode<synchronous>, transform_indices = @transform_4, window_bounds = array<i64: 80, 128>}, {pipeline_mode = #tpu.pipeline_mode<synchronous>, transform_indices = @transform_5, window_bounds = array<i64: 80, 128>}]} {
    %get3A = arith.constant 0 : index
    %get3A_0 = arith.constant 0 : index
    %get3A_1 = vector.load %arg1[%get3A, %get3A_0] : memref<80x128xf32, #tpu.memory_space<vmem>>, vector<80x128xf32>
    %get3A_2 = arith.constant 0 : index
    %get3A_3 = arith.constant 0 : index
    %get3A_4 = vector.load %arg2[%get3A_2, %get3A_3] : memref<80x128xi32, #tpu.memory_space<vmem>>, vector<80x128xi32>
    %ne3A = arith.constant 0 : i32
    %ne3A_5 = vector.broadcast %ne3A : i32 to vector<80x128xi32>
    %ne3A_6 = arith.cmpi ne, %get3A_4, %ne3A_5 : vector<80x128xi32>
    %bitcast_convert_type3A = tpu.bitcast %get3A_1 : vector<80x128xf32> -> vector<80x128xi32>
    %shift_right_logical3A = arith.constant 31 : i32
    %shift_right_logical3A_7 = vector.broadcast %shift_right_logical3A : i32 to vector<80x128xi32>
    %shift_right_logical3A_8 = arith.shrui %bitcast_convert_type3A, %shift_right_logical3A_7 : vector<80x128xi32>
    %eq3A = arith.constant 1 : i32
    %eq3A_9 = vector.broadcast %eq3A : i32 to vector<80x128xi32>
    %eq3A_10 = arith.cmpi eq, %shift_right_logical3A_8, %eq3A_9 : vector<80x128xi32>
    %not3A = arith.constant dense<-1> : vector<80x128xi32>
    %not3A_11 = arith.xori %bitcast_convert_type3A, %not3A : vector<80x128xi32>
    %or3A = arith.constant -2147483648 : i32
    %or3A_12 = vector.broadcast %or3A : i32 to vector<80x128xi32>
    %or3A_13 = arith.ori %bitcast_convert_type3A, %or3A_12 : vector<80x128xi32>
    %select_n3A = arith.select %eq3A_10, %not3A_11, %or3A_13 : vector<80x128xi1>, vector<80x128xi32>
    %jit3A = arith.constant 0 : i32
    %broadcast_in_dim3A = vector.broadcast %jit3A : i32 to vector<80x128xi32>
    %select_n3A_14 = arith.select %ne3A_6, %select_n3A, %broadcast_in_dim3A : vector<80x128xi1>, vector<80x128xi32>
    %swap3A = arith.constant 0 : index
    %swap3A_15 = arith.constant 0 : index
    %swap3A_16 = vector.load %arg6[%swap3A, %swap3A_15] : memref<80x128xi32, #tpu.memory_space<vmem>>, vector<80x128xi32>
    tpu.vector_store %arg6[%swap3A, %swap3A_15], %select_n3A_14 {strides = array<i32>} : memref<80x128xi32, #tpu.memory_space<vmem>>, vector<80x128xi32>,
    %iota3A = tpu.iota {dimensions = array<i32: 0>} : vector<80x128xi32>
    %mul3A = arith.constant 128 : i32
    %mul3A_17 = vector.broadcast %mul3A : i32 to vector<80x128xi32>
    %mul3A_18 = arith.muli %iota3A, %mul3A_17 : vector<80x128xi32>
    %iota3A_19 = tpu.iota {dimensions = array<i32: 1>} : vector<80x128xi32>
    %add3A = arith.addi %mul3A_18, %iota3A_19 : vector<80x128xi32>
    %sub3A = arith.constant -1 : i32
    %sub3A_20 = vector.broadcast %sub3A : i32 to vector<80x128xi32>
    %sub3A_21 = arith.subi %sub3A_20, %add3A : vector<80x128xi32>
    %get3A_22 = arith.constant 0 : index
    %get3A_23 = arith.constant 0 : index
    %get3A_24 = vector.load %arg3[%get3A_22, %get3A_23] : memref<80x128xi32, #tpu.memory_space<vmem>>, vector<80x128xi32>
    %get3A_25 = arith.constant 0 : index
    %get3A_26 = arith.constant 0 : index
    %get3A_27 = vector.load %arg4[%get3A_25, %get3A_26] : memref<80x128xi32, #tpu.memory_space<vmem>>, vector<80x128xi32>
    %broadcast_in_dim3A_28 = arith.constant false
    %broadcast_in_dim3A_29 = vector.broadcast %broadcast_in_dim3A_28 : i1 to vector<80x128xi1>
    %jit3A_30 = arith.constant 0 : i32
    %broadcast_in_dim3A_31 = vector.broadcast %jit3A_30 : i32 to vector<80x128xi32>
    %select_n3A_32 = arith.select %ne3A_6, %select_n3A_14, %broadcast_in_dim3A_31 : vector<80x128xi1>, vector<80x128xi32>
    %scan3A = arith.constant 5120 : i32
    %scan3A_33 = arith.constant 0 : i32
    %scan3A_34 = arith.constant 0 : i32
    %scan3A_35 = arith.constant 32 : i32
    %scan3A_36 = arith.addi %scan3A_34, %scan3A_35 : i32
    %scan3A_37 = arith.constant 1 : i32
    %scan3A_38 = scf.for %scan3A_116 = %scan3A_34 to %scan3A_36 step %scan3A_37 iter_args(%scan3A_117 = %scan3A_33) -> (i32)  : i32 {
      %sub3A_118 = arith.constant 31 : i32
      %sub3A_119 = arith.subi %sub3A_118, %scan3A_116 : i32
      %shift_left3A = arith.constant 1 : i32
      %shift_left3A_120 = arith.shli %shift_left3A, %sub3A_119 : i32
      %or3A_121 = arith.ori %scan3A_117, %shift_left3A_120 : i32
      %ge3A_122 = vector.broadcast %or3A_121 : i32 to vector<80x128xi32>
      %ge3A_123 = arith.cmpi uge, %select_n3A_32, %ge3A_122 : vector<80x128xi32>
      %convert_element_type3A_124 = arith.extui %ge3A_123 : vector<80x128xi1> to vector<80x128xi32>
      %reduce_sum3A_125 = vector.shape_cast %convert_element_type3A_124 : vector<80x128xi32> to vector<1x80x128xi32>
      %reduce_sum3A_126 = arith.constant dense<0> : vector<1xi32>
      %reduce_sum3A_127 = vector.multi_reduction <add>, %reduce_sum3A_125, %reduce_sum3A_126 [1, 2] : vector<1x80x128xi32> to vector<1xi32>
      %reduce_sum3A_128 = vector.shape_cast %reduce_sum3A_127 : vector<1xi32> to vector<1x1x1xi32>
      %reduce_sum3A_129 = vector.extract %reduce_sum3A_128[0, 0, 0] : i32 from vector<1x1x1xi32>
      %ge3A_130 = arith.cmpi sge, %reduce_sum3A_129, %scan3A : i32
      %select_n3A_131 = arith.select %ge3A_130, %or3A_121, %scan3A_117 : i32
      scf.yield %select_n3A_131 : i32
    }
    %scan3A_39 = arith.constant 32 : i32
    %gt3A = vector.broadcast %scan3A_38 : i32 to vector<80x128xi32>
    %gt3A_40 = arith.cmpi ugt, %select_n3A_14, %gt3A : vector<80x128xi32>
    %and3A = arith.andi %ne3A_6, %gt3A_40 : vector<80x128xi1>
    %or3A_41 = arith.ori %broadcast_in_dim3A_29, %and3A : vector<80x128xi1>
    %convert_element_type3A = arith.extui %and3A : vector<80x128xi1> to vector<80x128xi32>
    %reduce_sum3A = vector.shape_cast %convert_element_type3A : vector<80x128xi32> to vector<1x80x128xi32>
    %reduce_sum3A_42 = arith.constant dense<0> : vector<1xi32>
    %reduce_sum3A_43 = vector.multi_reduction <add>, %reduce_sum3A, %reduce_sum3A_42 [1, 2] : vector<1x80x128xi32> to vector<1xi32>
    %reduce_sum3A_44 = vector.shape_cast %reduce_sum3A_43 : vector<1xi32> to vector<1x1x1xi32>
    %reduce_sum3A_45 = vector.extract %reduce_sum3A_44[0, 0, 0] : i32 from vector<1x1x1xi32>
    %sub3A_46 = arith.constant 5120 : i32
    %sub3A_47 = arith.subi %sub3A_46, %reduce_sum3A_45 : i32
    %eq3A_48 = vector.broadcast %scan3A_38 : i32 to vector<80x128xi32>
    %eq3A_49 = arith.cmpi eq, %select_n3A_14, %eq3A_48 : vector<80x128xi32>
    %and3A_50 = arith.andi %ne3A_6, %eq3A_49 : vector<80x128xi1>
    %jit3A_51 = arith.constant 0 : i32
    %broadcast_in_dim3A_52 = vector.broadcast %jit3A_51 : i32 to vector<80x128xi32>
    %select_n3A_53 = arith.select %and3A_50, %get3A_24, %broadcast_in_dim3A_52 : vector<80x128xi1>, vector<80x128xi32>
    %scan3A_54 = arith.constant 0 : i32
    %scan3A_55 = arith.constant 0 : i32
    %scan3A_56 = arith.constant 32 : i32
    %scan3A_57 = arith.addi %scan3A_55, %scan3A_56 : i32
    %scan3A_58 = arith.constant 1 : i32
    %scan3A_59 = scf.for %scan3A_116 = %scan3A_55 to %scan3A_57 step %scan3A_58 iter_args(%scan3A_117 = %scan3A_54) -> (i32)  : i32 {
      %sub3A_118 = arith.constant 31 : i32
      %sub3A_119 = arith.subi %sub3A_118, %scan3A_116 : i32
      %shift_left3A = arith.constant 1 : i32
      %shift_left3A_120 = arith.shli %shift_left3A, %sub3A_119 : i32
      %or3A_121 = arith.ori %scan3A_117, %shift_left3A_120 : i32
      %ge3A_122 = vector.broadcast %or3A_121 : i32 to vector<80x128xi32>
      %ge3A_123 = arith.cmpi uge, %select_n3A_53, %ge3A_122 : vector<80x128xi32>
      %convert_element_type3A_124 = arith.extui %ge3A_123 : vector<80x128xi1> to vector<80x128xi32>
      %reduce_sum3A_125 = vector.shape_cast %convert_element_type3A_124 : vector<80x128xi32> to vector<1x80x128xi32>
      %reduce_sum3A_126 = arith.constant dense<0> : vector<1xi32>
      %reduce_sum3A_127 = vector.multi_reduction <add>, %reduce_sum3A_125, %reduce_sum3A_126 [1, 2] : vector<1x80x128xi32> to vector<1xi32>
      %reduce_sum3A_128 = vector.shape_cast %reduce_sum3A_127 : vector<1xi32> to vector<1x1x1xi32>
      %reduce_sum3A_129 = vector.extract %reduce_sum3A_128[0, 0, 0] : i32 from vector<1x1x1xi32>
      %ge3A_130 = arith.cmpi sge, %reduce_sum3A_129, %sub3A_47 : i32
      %select_n3A_131 = arith.select %ge3A_130, %or3A_121, %scan3A_117 : i32
      scf.yield %select_n3A_131 : i32
    }
    %scan3A_60 = arith.constant 32 : i32
    %gt3A_61 = vector.broadcast %scan3A_59 : i32 to vector<80x128xi32>
    %gt3A_62 = arith.cmpi ugt, %get3A_24, %gt3A_61 : vector<80x128xi32>
    %and3A_63 = arith.andi %and3A_50, %gt3A_62 : vector<80x128xi1>
    %or3A_64 = arith.ori %or3A_41, %and3A_63 : vector<80x128xi1>
    %convert_element_type3A_65 = arith.extui %and3A_63 : vector<80x128xi1> to vector<80x128xi32>
    %reduce_sum3A_66 = vector.shape_cast %convert_element_type3A_65 : vector<80x128xi32> to vector<1x80x128xi32>
    %reduce_sum3A_67 = arith.constant dense<0> : vector<1xi32>
    %reduce_sum3A_68 = vector.multi_reduction <add>, %reduce_sum3A_66, %reduce_sum3A_67 [1, 2] : vector<1x80x128xi32> to vector<1xi32>
    %reduce_sum3A_69 = vector.shape_cast %reduce_sum3A_68 : vector<1xi32> to vector<1x1x1xi32>
    %reduce_sum3A_70 = vector.extract %reduce_sum3A_69[0, 0, 0] : i32 from vector<1x1x1xi32>
    %sub3A_71 = arith.subi %sub3A_47, %reduce_sum3A_70 : i32
    %eq3A_72 = vector.broadcast %scan3A_59 : i32 to vector<80x128xi32>
    %eq3A_73 = arith.cmpi eq, %get3A_24, %eq3A_72 : vector<80x128xi32>
    %and3A_74 = arith.andi %and3A_50, %eq3A_73 : vector<80x128xi1>
    %jit3A_75 = arith.constant 0 : i32
    %broadcast_in_dim3A_76 = vector.broadcast %jit3A_75 : i32 to vector<80x128xi32>
    %select_n3A_77 = arith.select %and3A_74, %get3A_27, %broadcast_in_dim3A_76 : vector<80x128xi1>, vector<80x128xi32>
    %scan3A_78 = arith.constant 0 : i32
    %scan3A_79 = arith.constant 0 : i32
    %scan3A_80 = arith.constant 32 : i32
    %scan3A_81 = arith.addi %scan3A_79, %scan3A_80 : i32
    %scan3A_82 = arith.constant 1 : i32
    %scan3A_83 = scf.for %scan3A_116 = %scan3A_79 to %scan3A_81 step %scan3A_82 iter_args(%scan3A_117 = %scan3A_78) -> (i32)  : i32 {
      %sub3A_118 = arith.constant 31 : i32
      %sub3A_119 = arith.subi %sub3A_118, %scan3A_116 : i32
      %shift_left3A = arith.constant 1 : i32
      %shift_left3A_120 = arith.shli %shift_left3A, %sub3A_119 : i32
      %or3A_121 = arith.ori %scan3A_117, %shift_left3A_120 : i32
      %ge3A_122 = vector.broadcast %or3A_121 : i32 to vector<80x128xi32>
      %ge3A_123 = arith.cmpi uge, %select_n3A_77, %ge3A_122 : vector<80x128xi32>
      %convert_element_type3A_124 = arith.extui %ge3A_123 : vector<80x128xi1> to vector<80x128xi32>
      %reduce_sum3A_125 = vector.shape_cast %convert_element_type3A_124 : vector<80x128xi32> to vector<1x80x128xi32>
      %reduce_sum3A_126 = arith.constant dense<0> : vector<1xi32>
      %reduce_sum3A_127 = vector.multi_reduction <add>, %reduce_sum3A_125, %reduce_sum3A_126 [1, 2] : vector<1x80x128xi32> to vector<1xi32>
      %reduce_sum3A_128 = vector.shape_cast %reduce_sum3A_127 : vector<1xi32> to vector<1x1x1xi32>
      %reduce_sum3A_129 = vector.extract %reduce_sum3A_128[0, 0, 0] : i32 from vector<1x1x1xi32>
      %ge3A_130 = arith.cmpi sge, %reduce_sum3A_129, %sub3A_71 : i32
      %select_n3A_131 = arith.select %ge3A_130, %or3A_121, %scan3A_117 : i32
      scf.yield %select_n3A_131 : i32
    }
    %scan3A_84 = arith.constant 32 : i32
    %gt3A_85 = vector.broadcast %scan3A_83 : i32 to vector<80x128xi32>
    %gt3A_86 = arith.cmpi ugt, %get3A_27, %gt3A_85 : vector<80x128xi32>
    %and3A_87 = arith.andi %and3A_74, %gt3A_86 : vector<80x128xi1>
    %or3A_88 = arith.ori %or3A_64, %and3A_87 : vector<80x128xi1>
    %convert_element_type3A_89 = arith.extui %and3A_87 : vector<80x128xi1> to vector<80x128xi32>
    %reduce_sum3A_90 = vector.shape_cast %convert_element_type3A_89 : vector<80x128xi32> to vector<1x80x128xi32>
    %reduce_sum3A_91 = arith.constant dense<0> : vector<1xi32>
    %reduce_sum3A_92 = vector.multi_reduction <add>, %reduce_sum3A_90, %reduce_sum3A_91 [1, 2] : vector<1x80x128xi32> to vector<1xi32>
    %reduce_sum3A_93 = vector.shape_cast %reduce_sum3A_92 : vector<1xi32> to vector<1x1x1xi32>
    %reduce_sum3A_94 = vector.extract %reduce_sum3A_93[0, 0, 0] : i32 from vector<1x1x1xi32>
    %sub3A_95 = arith.subi %sub3A_71, %reduce_sum3A_94 : i32
    %eq3A_96 = vector.broadcast %scan3A_83 : i32 to vector<80x128xi32>
    %eq3A_97 = arith.cmpi eq, %get3A_27, %eq3A_96 : vector<80x128xi32>
    %and3A_98 = arith.andi %and3A_74, %eq3A_97 : vector<80x128xi1>
    %jit3A_99 = arith.constant 0 : i32
    %broadcast_in_dim3A_100 = vector.broadcast %jit3A_99 : i32 to vector<80x128xi32>
    %select_n3A_101 = arith.select %and3A_98, %sub3A_21, %broadcast_in_dim3A_100 : vector<80x128xi1>, vector<80x128xi32>
    %scan3A_102 = arith.constant -16384 : i32
    %scan3A_103 = arith.constant 0 : i32
    %scan3A_104 = arith.constant 14 : i32
    %scan3A_105 = arith.addi %scan3A_103, %scan3A_104 : i32
    %scan3A_106 = arith.constant 1 : i32
    %scan3A_107 = scf.for %scan3A_116 = %scan3A_103 to %scan3A_105 step %scan3A_106 iter_args(%scan3A_117 = %scan3A_102) -> (i32)  : i32 {
      %sub3A_118 = arith.constant 13 : i32
      %sub3A_119 = arith.subi %sub3A_118, %scan3A_116 : i32
      %shift_left3A = arith.constant 1 : i32
      %shift_left3A_120 = arith.shli %shift_left3A, %sub3A_119 : i32
      %or3A_121 = arith.ori %scan3A_117, %shift_left3A_120 : i32
      %ge3A_122 = vector.broadcast %or3A_121 : i32 to vector<80x128xi32>
      %ge3A_123 = arith.cmpi uge, %select_n3A_101, %ge3A_122 : vector<80x128xi32>
      %convert_element_type3A_124 = arith.extui %ge3A_123 : vector<80x128xi1> to vector<80x128xi32>
      %reduce_sum3A_125 = vector.shape_cast %convert_element_type3A_124 : vector<80x128xi32> to vector<1x80x128xi32>
      %reduce_sum3A_126 = arith.constant dense<0> : vector<1xi32>
      %reduce_sum3A_127 = vector.multi_reduction <add>, %reduce_sum3A_125, %reduce_sum3A_126 [1, 2] : vector<1x80x128xi32> to vector<1xi32>
      %reduce_sum3A_128 = vector.shape_cast %reduce_sum3A_127 : vector<1xi32> to vector<1x1x1xi32>
      %reduce_sum3A_129 = vector.extract %reduce_sum3A_128[0, 0, 0] : i32 from vector<1x1x1xi32>
      %ge3A_130 = arith.cmpi sge, %reduce_sum3A_129, %sub3A_95 : i32
      %select_n3A_131 = arith.select %ge3A_130, %or3A_121, %scan3A_117 : i32
      scf.yield %select_n3A_131 : i32
    }
    %scan3A_108 = arith.constant 14 : i32
    %ge3A = vector.broadcast %scan3A_107 : i32 to vector<80x128xi32>
    %ge3A_109 = arith.cmpi uge, %sub3A_21, %ge3A : vector<80x128xi32>
    %and3A_110 = arith.andi %and3A_98, %ge3A_109 : vector<80x128xi1>
    %or3A_111 = arith.ori %or3A_88, %and3A_110 : vector<80x128xi1>
    %convert_element_type3A_112 = arith.extui %or3A_111 : vector<80x128xi1> to vector<80x128xi32>
    %swap3A_113 = arith.constant 0 : index
    %swap3A_114 = arith.constant 0 : index
    %swap3A_115 = vector.load %arg5[%swap3A_113, %swap3A_114] : memref<80x128xi32, #tpu.memory_space<vmem>>, vector<80x128xi32>
    tpu.vector_store %arg5[%swap3A_113, %swap3A_114], %convert_element_type3A_112 {strides = array<i32>} : memref<80x128xi32, #tpu.memory_space<vmem>>, vector<80x128xi32>,
    return
  }
  func.func @transform_0(%arg0: i32) -> (i32, i32) {
    %c0_i32 = arith.constant 0 : i32
    %c0_i32_0 = arith.constant 0 : i32
    %c0_i32_1 = arith.constant 0 : i32
    return %c0_i32, %c0_i32_0 : i32, i32
  }
  func.func @transform_1(%arg0: i32) -> (i32, i32) {
    %c0_i32 = arith.constant 0 : i32
    %c0_i32_0 = arith.constant 0 : i32
    %c0_i32_1 = arith.constant 0 : i32
    return %c0_i32, %c0_i32_0 : i32, i32
  }
  func.func @transform_2(%arg0: i32) -> (i32, i32) {
    %c0_i32 = arith.constant 0 : i32
    %c0_i32_0 = arith.constant 0 : i32
    %c0_i32_1 = arith.constant 0 : i32
    return %c0_i32, %c0_i32_0 : i32, i32
  }
  func.func @transform_3(%arg0: i32) -> (i32, i32) {
    %c0_i32 = arith.constant 0 : i32
    %c0_i32_0 = arith.constant 0 : i32
    %c0_i32_1 = arith.constant 0 : i32
    return %c0_i32, %c0_i32_0 : i32, i32
  }
  func.func @transform_4(%arg0: i32) -> (i32, i32) {
    %c0_i32 = arith.constant 0 : i32
    %c0_i32_0 = arith.constant 0 : i32
    %c0_i32_1 = arith.constant 0 : i32
    return %c0_i32, %c0_i32_0 : i32, i32
  }
  func.func @transform_5(%arg0: i32) -> (i32, i32) {
    %c0_i32 = arith.constant 0 : i32
    %c0_i32_0 = arith.constant 0 : i32
    %c0_i32_1 = arith.constant 0 : i32
    return %c0_i32, %c0_i32_0 : i32, i32
  }
}

module attributes {stable_mosaic.version = 14 : i64} {
  func.func @_readout_body(%arg0: memref<10000x256xf32, #tpu.memory_space<vmem>>, %arg1: memref<10000x1xf32, #tpu.memory_space<vmem>>, %arg2: memref<10000x1xf32, #tpu.memory_space<vmem>>, %arg3: memref<256x128xf32, #tpu.memory_space<vmem>>, %arg4: memref<1x128xf32, #tpu.memory_space<vmem>>, %arg5: memref<1x128xf32, #tpu.memory_space<vmem>>) attributes {dimension_semantics = [], scalar_prefetch = 0 : i64, scratch_operands = 0 : i64, tpu.core_type = #tpu.core_type<tc>} {
    %get3A = arith.constant 0 : index
    %get3A_0 = arith.constant 0 : index
    %get3A_1 = vector.load %arg1[%get3A, %get3A_0] : memref<10000x1xf32, #tpu.memory_space<vmem>>, vector<10000x1xf32>
    %get3A_2 = arith.constant 0 : index
    %get3A_3 = arith.constant 0 : index
    %get3A_4 = vector.load %arg2[%get3A_2, %get3A_3] : memref<10000x1xf32, #tpu.memory_space<vmem>>, vector<10000x1xf32>
    %mul3A = arith.mulf %get3A_1, %get3A_4 : vector<10000x1xf32>
    %get3A_5 = arith.constant 0 : index
    %get3A_6 = arith.constant 0 : index
    %get3A_7 = vector.load %arg0[%get3A_5, %get3A_6] : memref<10000x256xf32, #tpu.memory_space<vmem>>, vector<10000x256xf32>
    %mul3A_8 = vector.broadcast %mul3A : vector<10000x1xf32> to vector<10000x256xf32>
    %mul3A_9 = arith.mulf %get3A_7, %mul3A_8 : vector<10000x256xf32>
    %reduce_sum3A = arith.constant dense<0.000000e+00> : vector<256xf32>
    %reduce_sum3A_10 = vector.multi_reduction <add>, %mul3A_9, %reduce_sum3A [0] : vector<10000x256xf32> to vector<256xf32>
    %broadcast_in_dim3A = vector.shape_cast %reduce_sum3A_10 : vector<256xf32> to vector<1x256xf32>
    %div3A = arith.constant 5.120000e+03 : f32
    %div3A_11 = vector.broadcast %div3A : f32 to vector<1x256xf32>
    %div3A_12 = arith.divf %broadcast_in_dim3A, %div3A_11 : vector<1x256xf32>
    %get3A_13 = arith.constant 0 : index
    %get3A_14 = arith.constant 0 : index
    %get3A_15 = vector.load %arg3[%get3A_13, %get3A_14] : memref<256x128xf32, #tpu.memory_space<vmem>>, vector<256x128xf32>
    %dot_general3A = arith.constant dense<0.000000e+00> : vector<1x128xf32>
    %dot_general3A_16 = tpu.matmul %div3A_12, %get3A_15, %dot_general3A {dimension_numbers = #tpu.dot_dimension_numbers<[1], [0], [0], [1], [0, 0, 1, 1], [], []>, transpose_lhs_hint = false} : vector<1x256xf32>, vector<256x128xf32>, vector<1x128xf32> -> vector<1x128xf32>
    %get3A_17 = arith.constant 0 : index
    %get3A_18 = arith.constant 0 : index
    %get3A_19 = vector.load %arg4[%get3A_17, %get3A_18] : memref<1x128xf32, #tpu.memory_space<vmem>>, vector<1x128xf32>
    %add3A = arith.addf %dot_general3A_16, %get3A_19 : vector<1x128xf32>
    %swap3A = arith.constant 0 : index
    %swap3A_20 = arith.constant 0 : index
    %swap3A_21 = vector.load %arg5[%swap3A, %swap3A_20] : memref<1x128xf32, #tpu.memory_space<vmem>>, vector<1x128xf32>
    tpu.vector_store %arg5[%swap3A, %swap3A_20], %add3A {strides = array<i32>} : memref<1x128xf32, #tpu.memory_space<vmem>>, vector<1x128xf32>,
    return
  }
}

</mosaic_0001>

<sc_bundles>
// kernel: kernel.14.cloned.1.call-start
scs
__scs_entry_jumppad:
0x0: {  	(pc) =	sbr.rel $0x88, $3  }
0x1: {  	(tag) =	ssettag $0x0;
	lr =	simm.s32 $0x1  }
0x2: {  	[smem:$0x3F92] =	sst lr;
	_ =	strace $0xD0000000  }
0x3: {  	_ = 	snop  }
0x4: {  	_ = 	snop  }
0x5: {  	_ = 	snop  }
0x6: {  	_ = 	snop  }
0x7: {  	_ = 	snop  }
__scs_overlays_trampoline_lowered:
0x8: {  	[smem:$0x3FA1] =	sst s0  }
0x9: {  	[smem:$0x3FA2] =	sst s1  }
0xa: {  	[smem:$0x3FA3] =	sst s2  }
0xb: {  	[smem:$0x3FA4] =	sst s3  }
0xc: {  	[smem:$0x3FA5] =	sst s4  }
0xd: {  	[smem:$0x3FA6] =	sst s5  }
0xe: {  	[smem:$0x3FA7] =	sst s6  }
0xf: {  	[smem:$0x3FA8] =	sst s7  }
0x10: {  	[smem:$0x3FA9] =	sst s8  }
0x11: {  	[smem:$0x3FAA] =	sst s9;
	s0 =	simm.s32 @!p0 $0x0  }
0x12: {  	s1 =	sld [smem:$0x3F90];
	s0 =	simm.s32 @p0 $0x1  }
0x13: {  	[smem:$0x3FAB] =	sst s0;
	s0 =	simm.s32 @!p1 $0x0  }
0x14: {  	s2 =	sld [smem:$0x3F8F];
	s0 =	simm.s32 @p1 $0x1  }
0x15: {  	[smem:$0x3FAC] =	sst s0;
	s0 =	simm.s32 @!p2 $0x0  }
0x16: {  	s3 =	sld [smem:$0x3FDB];
	s0 =	simm.s32 @p2 $0x1  }
0x17: {  	s4 =	simm.s32 $0x1BF5;
	[smem:$0x3FAE] =	sst s0  }
0x18: {  	s0 =	sld [smem:$0x3F91];
	_ =	swait.ge [sflag:s4], $0x0  }
0x19: {  	s7 =	sld [smem:$0x3F92]  }
0x1a: {  	s8 =	sadd.s32 $0xFFFFE003, lr  }
0x1b: {  	s9 =	sadd.s32 $0xFFFFFEF7, lr;
	s5 =	simm.s32 $0xFFFFFFFF;
	p2 =	slt.u32 s8, $0xFFFFF086  }
0x1c: {  	p1 =	slt.u32 s9, $0xF7A;
	s5 =	simm.s32 @!p2 $0x0  }
0x1d: {  	s5 =	simm.s32 @p1 $0x1;
	p0 =	seq.s32 s7, s2  }
0x1e: {  	s7 =	smul.u32 @!p0 $0xF7A, s2;
	p2 =	seq.s32 @!p0 s5, $0x0  }
0x1f: {  	s9 =	smul.u32 $0xF7A, s1;
	s8 =	simm.s32 @!p0 $0x1BF5;
	p2 =	por !p2, p0  }
0x20: {  	[sflag:s8] =	ssyncset.s32 @!p0 $0xFFFFF086;
	s6 =	sadd.s32 @!p0 s3, s7;
	s7 =	simm.s32 @!p0 $0x108  }
0x21: {  	s3 =	sadd.s32 s3, s9;
	s6 =	sadd.s32 @!p0 $0x88, s6;
	s7 =	simm.s32 @p2 $0x1082  }
0x22: {  	[simem:s7], [sflag:s8] =	dma.local @!p0 [hbm:s6], $0xF7A  }
0x23: {  	s9 =	sor.u32 $0xD0000000, s2;
	s6 =	simm.s32 $0x108;
	_ =	swait.ge @!p0 [sflag:s8], $0x0  }
0x24: {  	s3 =	sadd.s32 $0x88, s3;
	s6 =	simm.s32 @!p1 $0x1082;
	[sflag:s4] =	ssyncset.s32 $0xFFFFF086  }
0x25: {  	[simem:s6], [sflag:s4] =	dma.local [hbm:s3], $0xF7A  }
0x26: {  	[smem:$0x3F92] =	sst s1;
	(tag) =	ssettag s2;
	_ =	strace s9  }
0x27: {  	s1 =	sld [smem:$0x3FA2]  }
0x28: {  	s2 =	sld [smem:$0x3FA3]  }
0x29: {  	s4 =	sld [smem:$0x3FA5]  }
0x2a: {  	p0 =	seq.s32 s5, $0x0;
	s5 =	sld [smem:$0x3FA6]  }
0x2b: {  	s6 =	sld [smem:$0x3FA7]  }
0x2c: {  	s7 =	sld [smem:$0x3FA8]  }
0x2d: {  	s3 =	simm.s32 $0x108;
	s8 =	sld [smem:$0x3FA9]  }
0x2e: {  	s3 =	simm.s32 @!p0 $0x1082;
	s9 =	sld [smem:$0x3FAA]  }
0x2f: {  	lr =	sadd.s32 s0, s3;
	s0 =	sld [smem:$0x3FA1]  }
0x30: {  	s3 =	sld [smem:$0x3FA4]  }
0x31: {  	[smem:$0x3FAD] =	sst s10  }
0x32: {  	s10 =	sld [smem:$0x3FAB];
	_ =	sdelay $0x3  }
0x33: {  	p0 =	seq.s32 s10, $0x1;
	s10 =	sld [smem:$0x3FAD];
	_ =	sdelay $0x3  }
0x34: {  	[smem:$0x3FAD] =	sst s10  }
0x35: {  	s10 =	sld [smem:$0x3FAC];
	_ =	sdelay $0x3  }
0x36: {  	p1 =	seq.s32 s10, $0x1;
	s10 =	sld [smem:$0x3FAD];
	_ =	sdelay $0x3  }
0x37: {  	[smem:$0x3FAD] =	sst s10  }
0x38: {  	s10 =	sld [smem:$0x3FAE]  }
0x39: {  	_ = 	snop;
	(pc) =	sbr.ind lr, $3  }
0x3a: {  	_ = 	snop  }
0x3b: {  	_ = 	snop  }
0x3c: {  	p2 =	seq.s32 s10, $0x1;
	s10 =	sld [smem:$0x3FAD]  }
0x3d: {  	_ =	shalt  }
0x3e: {  	_ =	shalt  }
0x3f: {  	_ =	shalt  }
0x40: {  	_ =	shalt  }
0x41: {  	_ =	shalt  }
0x42: {  	_ =	shalt  }
0x43: {  	_ =	shalt  }
0x44: {  	_ =	shalt  }
0x45: {  	_ =	shalt  }
0x46: {  	_ =	shalt  }
0x47: {  	_ =	shalt  }
0x48: {  	_ =	shalt  }
0x49: {  	_ =	shalt  }
0x4a: {  	_ =	shalt  }
0x4b: {  	_ =	shalt  }
0x4c: {  	_ =	shalt  }
0x4d: {  	_ =	shalt  }
0x4e: {  	_ =	shalt  }
0x4f: {  	_ =	shalt  }
0x50: {  	_ =	shalt  }
0x51: {  	_ =	shalt  }
0x52: {  	_ =	shalt  }
0x53: {  	_ =	shalt  }
0x54: {  	_ =	shalt  }
0x55: {  	_ =	shalt  }
0x56: {  	_ =	shalt  }
0x57: {  	_ =	shalt  }
0x58: {  	_ =	shalt  }
0x59: {  	_ =	shalt  }
0x5a: {  	_ =	shalt  }
0x5b: {  	_ =	shalt  }
0x5c: {  	_ =	shalt  }
0x5d: {  	_ =	shalt  }
0x5e: {  	_ =	shalt  }
0x5f: {  	_ =	shalt  }
0x60: {  	_ =	shalt  }
0x61: {  	_ =	shalt  }
0x62: {  	_ =	shalt  }
0x63: {  	_ =	shalt  }
0x64: {  	_ =	shalt  }
0x65: {  	_ =	shalt  }
0x66: {  	_ =	shalt  }
0x67: {  	_ =	shalt  }
0x68: {  	_ =	shalt  }
0x69: {  	_ =	shalt  }
0x6a: {  	_ =	shalt  }
0x6b: {  	_ =	shalt  }
0x6c: {  	_ =	shalt  }
0x6d: {  	_ =	shalt  }
0x6e: {  	_ =	shalt  }
0x6f: {  	_ =	shalt  }
0x70: {  	_ =	shalt  }
0x71: {  	_ =	shalt  }
0x72: {  	_ =	shalt  }
0x73: {  	_ =	shalt  }
0x74: {  	_ =	shalt  }
0x75: {  	_ =	shalt  }
0x76: {  	_ =	shalt  }
0x77: {  	_ =	shalt  }
0x78: {  	_ =	shalt  }
0x79: {  	_ =	shalt  }
0x7a: {  	_ =	shalt  }
0x7b: {  	_ =	shalt  }
0x7c: {  	_ =	shalt  }
0x7d: {  	_ =	shalt  }
0x7e: {  	_ =	shalt  }
0x7f: {  	_ =	shalt  }
0x80: {  	_ =	shalt  }
0x81: {  	_ =	shalt  }
0x82: {  	_ =	shalt  }
0x83: {  	_ =	shalt  }
0x84: {  	_ =	shalt  }
0x85: {  	_ =	shalt  }
0x86: {  	_ =	shalt  }
0x87: {  	_ =	shalt  }
.Lfunc_end0:
.L_simem_size_0:
called_computation_lowered:
.L_overlay_start_0:
0x88: {  	s2 =	sld [smem:$0x3FD9]  }
0x89: {  	s3 =	sld [smem:$0x3FFE];
	_ =	sdelay $0x1  }
0x8a: {  	s1 =	srdreg.scid  }
0x8b: {  	s0 =	sand.u32 $0x1, s1  }
0x8c: {  	s17 =	sshll.u32 s0, $0xA;
	s2 =	sadd.s32 s3, s2  }
0x8d: {  	s2 =	sadd.s32 s2, s17  }
0x8e: {  	[smem:$0x3FB9] =	sst s2  }
0x8f: {  	_ = 	snop  }
0x90: {  	s2 =	sld [smem:$0x3FC9];
	(tm) =	ssettm $0x1  }
0x91: {  	s18 =	sld [smem:$0x3FFB];
	_ =	sdelay $0x3  }
0x92: {  	_ =	strace s18  }
0x93: {  	s3 =	sld [smem:$0x3FFC];
	_ =	sdelay $0x3  }
0x94: {  	_ =	strace s3  }
0x95: {  	s3 =	sld [smem:$0x3FFD];
	_ =	sdelay $0x3  }
0x96: {  	_ =	strace s3  }
0x97: {  	_ =	strace $0x8FFFFFFF  }
0x98: {  	s19 =	sld [smem:$0x3FDB];
	_ =	sdelay $0x1  }
0x99: {  	s4 =	simm.s32 $_scs_section_size  }
0x9a: {  	s5 =	simm.s32 $_size__tile_overlayer_lowered;
	s6 =	simm.s32 $_tile_overlayer_lowered  }
0x9b: {  	s22 =	simm.s32 $0x1BFF;
	s21 =	sshll.u32 s6, $0x1;
	s3 =	sadd.s32 s4, s19  }
0x9c: {  	s7 =	simm.s32 $0x0;
	s20 =	sshll.u32 s5, $0x1;
	s5 =	sadd.s32 s21, s3  }
0x9d: {  	[timem:s7], [sflag:s22] =	dma.local [hbm:s5], s20  }
0x9e: {  	_ =	swait.ge [sflag:s22], s20  }
0x9f: {  	s4 =	ssub.s32 $0x0, s20;
	[sflag:s22] =	ssyncset.done $0x0  }
0xa0: {  	[sflag:s22] =	ssyncadd.s32 s4;
	_ =	sdelay $0x1  }
0xa1: {  	s23 =	simm.s32 $0x1B8B  }
0xa2: {  	_ =	swait.ge [sflag:s23], $0x1  }
0xa3: {  	[sflag:s23] =	ssyncset.done $0x0  }
0xa4: {  	s25 =	simm.s32 $0x1B8E;
	s24 =	sld [smem:$0x3FFE];
	[sflag:s23] =	ssyncadd.s32 $0xFFFFFFFF  }
0xa5: {  	s26 =	simm.s32 $execute0_lowered;
	[smem:$0x3FD2] =	sst s25  }
0xa6: {  	s5 =	sshll.u32 s26, $0x1;
	_ =	strace $0x80000046;
	[dreg:$0x1] =	wrdreg $0xFFFFFFFF  }
0xa7: {  	s28 =	simm.s32 $_size_execute0_lowered;
	s3 =	sadd.s32 s3, s5;
	[dreg:$0x0] =	wrdreg $0x0  }
0xa8: {  	s5 =	sshll.u32 s28, $0x1;
	[dreg:$0x2] =	wrdreg s3  }
0xa9: {  	[dreg:$0x3] =	wrdreg s5  }
0xaa: {  	[dreg:$0x4] =	wrdreg $0xC0  }
0xab: {  	_ =	task [dreg:s7], $0x5FFFF  }
0xac: {  	[dreg:$0x1] =	wrdreg $0xFFFFFFFF  }
0xad: {  	[dreg:$0x0] =	wrdreg $0x60  }
0xae: {  	[dreg:$0x2] =	wrdreg s2  }
0xaf: {  	[dreg:$0x3] =	wrdreg s24  }
0xb0: {  	[dreg:$0x4] =	wrdreg $0x0  }
0xb1: {  	[dreg:$0x5] =	wrdreg $0x9  }
0xb2: {  	_ =	task.clear_ibuf [dreg:s7], $0x6FFFF;
	_ =	strace $0x90000046  }
0xb3: {  	s29 =	simm.s32 $0x9;
	_ =	strace $0x80000048  }
0xb4: {  	_ =	swait.ge [sflag:s29], $0x1  }
0xb5: {  	[sflag:s29] =	ssyncadd.s32 $0xFFFFFFFF  }
0xb6: {  	_ =	strace $0x90000048  }
0xb7: {  	_ =	sfence  }
0xb8: {  	s30 =	sld [smem:$0x0];
	_ =	sdelay $0x2  }
0xb9: {  	s31 =	sshll.u32 s1, $0xD;
	s1 =	sshrl.u32 s1, $0x2  }
0xba: {  	s3 =	sand.u32 $0x4000, s31;
	s1 =	sadd.s32 s1, s30  }
0xbb: {  	s0 =	sor.u32 s3, s0;
	s1 =	sshll.u32 s1, $0x11  }
0xbc: {  	s0 =	sor.u32 s1, s0  }
0xbd: {  	s0 =	sadd.s32 $0x8F2B, s0  }
0xbe: {  	[sflag:s0] =	ssyncadd.remote.s32 $0x1  }
0xbf: {  	_ =	sfence.sel $0xFFFF  }
0xc0: {  	[dreg:$0x0] =	wrdreg $0xFFFFFFFF;
	(pc) =	sbr.abs _section_cstart, $3  }
0xc1: {  	[dreg:$0x1] =	wrdreg $0xFFFFFFFF  }
0xc2: {  	_ =	task.clear_ibuf [dreg:s7], $0x2FFFF;
	_ =	strace $0x9FFFFFFF  }
0xc3: {  	(tm) =	ssettm $0x7FFFFFFF  }
tec
execute0_lowered:
.L_overlay_start_1:
0x0: {  	(tag) =	ssettag $0x1  }
0x1: {  	s1 =	rddreg [dreg:$0x0]  }
0x2: {  	s0 =	srdreg.scid;
	s5 =	rddreg [dreg:$0x1]  }
0x3: {  	s17 =	stileid.u32;
	s3 =	rddreg [dreg:$0x2]  }
0x4: {  	s4 =	simm.s32 $0x0;
	s18 =	simm.s32 $0x6;
	s19 =	simm.s32 $0x13C00  }
0x5: {  	s20 =	simm.s32 $0x5;
	s28 =	simm.s32 $0x1BC00;
	s29 =	simm.s32 $0x3  }
0x6: {  	s30 =	simm.s32 $0x13D00;
	s31 =	simm.s32 $0x2;
	s22 =	smul.u32 $0x4E000, s17  }
0x7: {  	s0 =	sand.u32 $0x1, s0;
	[smem:$0x7FF] =	sst s4;
	s24 =	smul.u32 $0x2700, s17  }
0x8: {  	s9 =	sadd.s32 $0x2BE00, s5;
	s26 =	sshll.u32 s17, $0xE;
	s6 =	smul.u32 $0xA00, s0  }
0x9: {  	p0 =	seq.s32 s17, $0xF;
	s2 =	sshll.u32 s0, $0x4;
	s23 =	smul.u32 $0x27100, s0  }
0xa: {  	s21 =	ssub.s32 $0x2, s0;
	s0 =	smul.u32 $0x138800, s0;
	s2 =	sor.u32 s17, s2  }
0xb: {  	_ =	strace $0x80000047;
	s10 =	sshrl.u32 s21, $0x1;
	s7 =	smul.u32 $0x50, s2  }
0xc: {  	s25 =	sshrl.u32 s22, $0x2;
	s17 =	simm.s32 $0x17C00;
	s8 =	smul.u32 $0x500, s2  }
0xd: {  	s22 =	simm.s32 $0x80;
	s2 =	smul.u32 $0x2800, s2;
	s0 =	sshrl.u32 s0, $0x3  }
0xe: {  	s6 =	sadd.s32 s6, s7;
	s7 =	ssub.s32 s21, s10;
	s8 =	sadd.s32 s9, s8  }
0xf: {  	s2 =	sshrl.u32 s2, $0x3;
	s10 =	sadd.s32 s26, s3;
	s21 =	simm.s32 $0x15C00  }
0x10: {  	s26 =	simm.s32 $0x13C80;
	s6 =	sshll.u32 s6, $0x4;
	[dreg:$0x5] =	wrdreg s8  }
0x11: {  	s2 =	sadd.s32 s9, s2;
	s8 =	sadd.s32 $0x124800, s3;
	s12 =	smax.u32 s7, $0x1  }
0x12: {  	s13 =	sadd.s32 $0x40000, s10;
	s14 =	sadd.s32 $0x80000, s10;
	s15 =	sadd.s32 $0xC0000, s10  }
0x13: {  	s16 =	sadd.s32 $0x100000, s10;
	s6 =	sadd.s32 s6, s5;
	s2 =	sadd.s32 $0x400, s2  }
0x14: {  	s5 =	sadd.s32 $0x35E00, s5;
	s11 =	sadd.s32 $0x3E00, s6;
	[dreg:$0x7] =	wrdreg s2  }
0x15: {  	s6 =	sadd.s32 $0x4200, s6;
	s2 =	sadd.s32 s25, s3;
	[dreg:$0x4] =	wrdreg s11  }
0x16: {  	s0 =	sadd.s32 s5, s0;
	[dreg:$0x6] =	wrdreg s6;
	s6 =	sadd.s32 s24, s23  }
0x17: {  	s11 =	sadd.s32 $0x24900, s0;
	s23 =	simm.s32 $0x1;
	s24 =	sshrl.u32 @p0 s8, $0x3  }
0x18: {  	s25 =	sshrl.u32 @!p0 s2, $0x3;
	s2 =	simm.s32 $0x15C80;
	s6 =	sadd.s32 s5, s6  }
0x19: {  	v0 =	vimm.f32 $0.0e+00;
	s0 =	simm.s32 $0x4;
	s5 =	simm.s32 $0x0;
	[dreg:$0x8] =	wrdreg s6  }
.LBB2_1:
0x1a: {  	s6 =	sand.u32 $0xFE00, s4  }
0x1b: {  	s7 =	sand.u32 $0x70, s4;
	s8 =	sshrl.u32 s6, $0x2  }
0x1c: {  	s6 =	simm.s32 $0x40;
	s8 =	sor.u32 s7, s8;
	s7 =	simm.s32 $0x0  }
.LBB2_2:
0x1d: {  	p1 =	sne.s32 s6, $0xFFC0  }
0x1e: {  	[tilespmem:s8+$0x17C00] =	vst v0;
	s7 =	sadd.s32 $0x10, s7;
	s8 =	smov.u32 s6;
	s6 =	sadd.s32 $0x40, s6  }
.Ltmp0:
0x1f: {  	(pc) =	sbr.rel @p1 .LBB2_2-.Ltmp0, $4  }
0x20: {  	_ = 	snop  }
0x21: {  	s8 =	sand.u32 $0xFE00, s8  }
0x22: {  	s9 =	sand.u32 $0x70, s7;
	s8 =	sshrl.u32 s8, $0x2  }
0x23: {  	s8 =	sor.u32 s9, s8  }
0x24: {  	[tilespmem:s8+$0x17C00] =	vst v0  }
0x25: {  	[spmem:s10] =	stream.linear.scatter [tilespmem:s17], [sflag:$0x6], $0x4000, $0x38;
	[tilespmem:$0x1FC00] =	vst v63  }
0x26: {  	_ =	swait.ge [sflag:s18], $0x4000  }
0x27: {  	[sflag:s18] =	ssyncset.done $0x0  }
0x28: {  	[sflag:s18] =	ssyncadd.s32 $0xFFFFC000  }
0x29: {  	[spmem:s13] =	stream.linear.scatter [tilespmem:s17], [sflag:$0x6], $0x4000, $0x38;
	[tilespmem:$0x1FC00] =	vst v63  }
0x2a: {  	_ =	swait.ge [sflag:s18], $0x4000  }
0x2b: {  	[sflag:s18] =	ssyncset.done $0x0  }
0x2c: {  	[sflag:s18] =	ssyncadd.s32 $0xFFFFC000  }
0x2d: {  	[spmem:s14] =	stream.linear.scatter [tilespmem:s17], [sflag:$0x6], $0x4000, $0x38;
	[tilespmem:$0x1FC00] =	vst v63  }
0x2e: {  	_ =	swait.ge [sflag:s18], $0x4000  }
0x2f: {  	[sflag:s18] =	ssyncset.done $0x0  }
0x30: {  	[sflag:s18] =	ssyncadd.s32 $0xFFFFC000  }
0x31: {  	[spmem:s15] =	stream.linear.scatter [tilespmem:s17], [sflag:$0x6], $0x4000, $0x38;
	[tilespmem:$0x1FC00] =	vst v63  }
0x32: {  	_ =	swait.ge [sflag:s18], $0x4000  }
0x33: {  	[sflag:s18] =	ssyncset.done $0x0  }
0x34: {  	s6 =	simm.s32 @!p0 $0x17C00;
	[sflag:s18] =	ssyncadd.s32 $0xFFFFC000  }
0x35: {  	[spmem:s16] =	stream.linear.scatter @!p0 [tilespmem:s6], [sflag:$0x6], $0x4000, $0x38;
	[tilespmem:$0x1FC00] =	vst v63  }
0x36: {  	s6 =	simm.s32 @!p0 $0x6  }
0x37: {  	_ =	swait.ge @!p0 [sflag:s6], $0x4000  }
0x38: {  	[sflag:s6] =	ssyncset.done @!p0 $0x0  }
0x39: {  	[sflag:s6] =	ssyncadd.s32 @!p0 $0xFFFFC000  }
0x3a: {  	[bflag:$0x0] =	sbarrier.arrive $0xFFFF  }
0x3b: {  	s8 =	rddreg [dreg:$0x4]  }
0x3c: {  	[tilespmem:s19], [sflag:$0x5] =	stream.linear.gather [hbm4b:s8+s4], $0x2000, $0x38;
	[tilespmem:$0x1FC00] =	vst v63  }
0x3d: {  	_ =	swait.ge [sflag:s20], $0x2000  }
0x3e: {  	[sflag:s20] =	ssyncset.done $0x0  }
0x3f: {  	s9 =	rddreg [dreg:$0x5];
	[sflag:s20] =	ssyncadd.s32 $0xFFFFE000  }
0x40: {  	[tilespmem:s21], [sflag:$0x5] =	stream.linear.gather [hbm4b:s9+s4], $0x2000, $0x38;
	[tilespmem:$0x1FC00] =	vst v63  }
0x41: {  	_ =	swait.ge [sflag:s20], $0x2000  }
0x42: {  	[sflag:s20] =	ssyncset.done $0x0  }
0x43: {  	[sflag:s20] =	ssyncadd.s32 $0xFFFFE000  }
0x44: {  	[tilespmem:s17], [sflag:$0x1] =	stream.indirect.gather [hbm4b:s1+s22], $0x80, s19, s22, $0xb8;
	[tilespmem:$0x1FC00] =	vst v63  }
0x45: {  	_ =	swait.ge [sflag:s23], $0x4000  }
0x46: {  	[sflag:s23] =	ssyncset.done $0x0  }
0x47: {  	[sflag:s23] =	ssyncadd.s32 $0xFFFFC000  }
0x48: {  	[spmem:s3] =	stream.indirect.scatter.add.f32 [tilespmem:s17], [sflag:$0x3], $0x80, s21, s22, $0xb8;
	[tilespmem:$0x1FC00] =	vst v63  }
0x49: {  	_ = 	snop  }
0x4a: {  	[tilespmem:s28], [sflag:$0x2] =	stream.indirect.gather [hbm4b:s1+s22], $0x80, s26, s22, $0xb8;
	[tilespmem:$0x1FC00] =	vst v63  }
0x4b: {  	_ =	swait.ge [sflag:s29], $0x4000  }
0x4c: {  	[sflag:s29] =	ssyncset.done $0x0  }
0x4d: {  	[sflag:s29] =	ssyncadd.s32 $0xFFFFC000  }
0x4e: {  	[tilespmem:s17], [sflag:$0x1] =	stream.indirect.gather [hbm4b:s1+s22], $0x80, s30, s22, $0xb8;
	[tilespmem:$0x1FC00] =	vst v63  }
0x4f: {  	_ =	swait.ge [sflag:s31], $0x4000  }
0x50: {  	[sflag:s31] =	ssyncset.done $0x0  }
0x51: {  	[sflag:s31] =	ssyncadd.s32 $0xFFFFC000  }
0x52: {  	[spmem:s3] =	stream.indirect.scatter.add.f32 [tilespmem:s28], [sflag:$0x4], $0x80, s2, s22, $0xb8;
	[tilespmem:$0x1FC00] =	vst v63  }
0x53: {  	_ =	swait.ge [sflag:s23], $0x4000  }
0x54: {  	[sflag:s23] =	ssyncset.done $0x0  }
0x55: {  	s7 =	simm.s32 $0x15D00;
	[sflag:s23] =	ssyncadd.s32 $0xFFFFC000  }
0x56: {  	[spmem:s3] =	stream.indirect.scatter.add.f32 [tilespmem:s17], [sflag:$0x3], $0x80, s7, s22, $0xb8;
	[tilespmem:$0x1FC00] =	vst v63  }
0x57: {  	_ =	swait.ge [sflag:s0], $0x4000  }
0x58: {  	[sflag:s0] =	ssyncset.done $0x0  }
0x59: {  	s8 =	simm.s32 $0x13D80;
	[sflag:s0] =	ssyncadd.s32 $0xFFFFC000  }
0x5a: {  	[tilespmem:s28], [sflag:$0x2] =	stream.indirect.gather [hbm4b:s1+s22], $0x80, s8, s22, $0xb8;
	[tilespmem:$0x1FC00] =	vst v63  }
0x5b: {  	_ =	swait.ge [sflag:s29], $0x4000  }
0x5c: {  	[sflag:s29] =	ssyncset.done $0x0  }
0x5d: {  	s9 =	simm.s32 $0x13E00;
	[sflag:s29] =	ssyncadd.s32 $0xFFFFC000  }
0x5e: {  	[tilespmem:s17], [sflag:$0x1] =	stream.indirect.gather [hbm4b:s1+s22], $0x80, s9, s22, $0xb8;
	[tilespmem:$0x1FC00] =	vst v63  }
0x5f: {  	_ =	swait.ge [sflag:s31], $0x4000  }
0x60: {  	[sflag:s31] =	ssyncset.done $0x0  }
0x61: {  	s6 =	simm.s32 $0xFFFF8C00;
	s7 =	simm.s32 $0x15D80;
	[sflag:s31] =	ssyncadd.s32 $0xFFFFC000  }
.LBB2_4:
0x62: {  	[spmem:s3] =	stream.indirect.scatter.add.f32 [tilespmem:s28], [sflag:$0x4], $0x80, s7, s22, $0xb8;
	[tilespmem:$0x1FC00] =	vst v63  }
0x63: {  	s7 =	smov.u32 s6  }
0x64: {  	p1 =	sne.s32 s6, $0xFFFFFC00;
	s6 =	sadd.s32 $0x400, s6;
	_ =	swait.ge [sflag:s23], $0x4000  }
0x65: {  	s7 =	sshra.s32 s7, $0x2;
	[sflag:s23] =	ssyncset.done $0x0  }
0x66: {  	s8 =	sadd.s32 $0x17B00, s7;
	[sflag:s23] =	ssyncadd.s32 $0xFFFFC000  }
0x67: {  	[spmem:s3] =	stream.indirect.scatter.add.f32 [tilespmem:s17], [sflag:$0x3], $0x80, s8, s22, $0xb8;
	[tilespmem:$0x1FC00] =	vst v63  }
0x68: {  	_ =	swait.ge [sflag:s0], $0x4000  }
0x69: {  	[sflag:s0] =	ssyncset.done $0x0  }
0x6a: {  	s8 =	sadd.s32 $0x15B80, s7;
	[sflag:s0] =	ssyncadd.s32 $0xFFFFC000  }
0x6b: {  	[tilespmem:s28], [sflag:$0x2] =	stream.indirect.gather [hbm4b:s1+s22], $0x80, s8, s22, $0xb8;
	[tilespmem:$0x1FC00] =	vst v63  }
0x6c: {  	_ =	swait.ge [sflag:s29], $0x4000  }
0x6d: {  	[sflag:s29] =	ssyncset.done $0x0  }
.Ltmp1:
0x6e: {  	s8 =	sadd.s32 $0x15C00, s7;
	[sflag:s29] =	ssyncadd.s32 $0xFFFFC000;
	(pc) =	sbr.rel @p1 .LBB2_4-.Ltmp1, $4  }
0x6f: {  	[tilespmem:s17], [sflag:$0x1] =	stream.indirect.gather [hbm4b:s1+s22], $0x80, s8, s22, $0xb8;
	[tilespmem:$0x1FC00] =	vst v63  }
0x70: {  	_ =	swait.ge [sflag:s31], $0x4000  }
0x71: {  	[sflag:s31] =	ssyncset.done $0x0  }
0x72: {  	s7 =	sadd.s32 $0x17B80, s7;
	[sflag:s31] =	ssyncadd.s32 $0xFFFFC000  }
0x73: {  	[spmem:s3] =	stream.indirect.scatter.add.f32 [tilespmem:s28], [sflag:$0x4], $0x80, s7, s22, $0xb8;
	[tilespmem:$0x1FC00] =	vst v63  }
0x74: {  	_ =	swait.ge [sflag:s23], $0x4000  }
0x75: {  	[sflag:s23] =	ssyncset.done $0x0  }
0x76: {  	s6 =	simm.s32 $0x17B00;
	[sflag:s23] =	ssyncadd.s32 $0xFFFFC000  }
0x77: {  	[spmem:s3] =	stream.indirect.scatter.add.f32 [tilespmem:s17], [sflag:$0x3], $0x80, s6, s22, $0xb8;
	[tilespmem:$0x1FC00] =	vst v63  }
0x78: {  	_ =	swait.ge [sflag:s0], $0x4000  }
0x79: {  	[sflag:s0] =	ssyncset.done $0x0  }
0x7a: {  	s9 =	simm.s32 $0x15B80;
	[sflag:s0] =	ssyncadd.s32 $0xFFFFC000  }
0x7b: {  	[tilespmem:s28], [sflag:$0x2] =	stream.indirect.gather [hbm4b:s1+s22], $0x80, s9, s22, $0xb8;
	[tilespmem:$0x1FC00] =	vst v63  }
0x7c: {  	_ =	swait.ge [sflag:s31], $0x4000  }
0x7d: {  	[sflag:s31] =	ssyncset.done $0x0  }
0x7e: {  	s7 =	simm.s32 $0x17B80;
	[sflag:s31] =	ssyncadd.s32 $0xFFFFC000  }
0x7f: {  	[spmem:s3] =	stream.indirect.scatter.add.f32 [tilespmem:s28], [sflag:$0x4], $0x80, s7, s22, $0xb8;
	[tilespmem:$0x1FC00] =	vst v63  }
0x80: {  	_ =	swait.ge [sflag:s29], $0x4000  }
0x81: {  	[sflag:s29] =	ssyncset.done $0x0  }
0x82: {  	[sflag:s29] =	ssyncadd.s32 $0xFFFFC000  }
0x83: {  	_ =	swait.ge [sflag:s0], $0x4000  }
0x84: {  	[sflag:s0] =	ssyncset.done $0x0  }
0x85: {  	s8 =	rddreg [dreg:$0x6];
	[sflag:s0] =	ssyncadd.s32 $0xFFFFC000  }
0x86: {  	[tilespmem:s19], [sflag:$0x5] =	stream.linear.gather [hbm4b:s8+s4], $0x800, $0x38;
	[tilespmem:$0x1FC00] =	vst v63  }
0x87: {  	_ =	swait.ge [sflag:s20], $0x800  }
0x88: {  	[sflag:s20] =	ssyncset.done $0x0  }
0x89: {  	s9 =	rddreg [dreg:$0x7];
	[sflag:s20] =	ssyncadd.s32 $0xFFFFF800  }
0x8a: {  	[tilespmem:s21], [sflag:$0x5] =	stream.linear.gather [hbm4b:s9+s4], $0x800, $0x38;
	[tilespmem:$0x1FC00] =	vst v63  }
0x8b: {  	_ =	swait.ge [sflag:s20], $0x800  }
0x8c: {  	[sflag:s20] =	ssyncset.done $0x0  }
0x8d: {  	[sflag:s20] =	ssyncadd.s32 $0xFFFFF800  }
0x8e: {  	[tilespmem:s17], [sflag:$0x1] =	stream.indirect.gather [hbm4b:s1+s22], $0x80, s19, s22, $0xb8;
	[tilespmem:$0x1FC00] =	vst v63  }
0x8f: {  	_ =	swait.ge [sflag:s23], $0x4000  }
0x90: {  	[sflag:s23] =	ssyncset.done $0x0  }
0x91: {  	[sflag:s23] =	ssyncadd.s32 $0xFFFFC000  }
0x92: {  	[spmem:s3] =	stream.indirect.scatter.add.f32 [tilespmem:s17], [sflag:$0x3], $0x80, s21, s22, $0xb8;
	[tilespmem:$0x1FC00] =	vst v63  }
0x93: {  	_ = 	snop  }
0x94: {  	[tilespmem:s28], [sflag:$0x2] =	stream.indirect.gather [hbm4b:s1+s22], $0x80, s26, s22, $0xb8;
	[tilespmem:$0x1FC00] =	vst v63  }
0x95: {  	_ =	swait.ge [sflag:s29], $0x4000  }
0x96: {  	[sflag:s29] =	ssyncset.done $0x0  }
0x97: {  	[sflag:s29] =	ssyncadd.s32 $0xFFFFC000  }
0x98: {  	[tilespmem:s17], [sflag:$0x1] =	stream.indirect.gather [hbm4b:s1+s22], $0x80, s30, s22, $0xb8;
	[tilespmem:$0x1FC00] =	vst v63  }
0x99: {  	_ =	swait.ge [sflag:s31], $0x4000  }
0x9a: {  	[sflag:s31] =	ssyncset.done $0x0  }
0x9b: {  	[sflag:s31] =	ssyncadd.s32 $0xFFFFC000  }
0x9c: {  	[spmem:s3] =	stream.indirect.scatter.add.f32 [tilespmem:s28], [sflag:$0x4], $0x80, s2, s22, $0xb8;
	[tilespmem:$0x1FC00] =	vst v63  }
0x9d: {  	_ =	swait.ge [sflag:s23], $0x4000  }
0x9e: {  	[sflag:s23] =	ssyncset.done $0x0  }
0x9f: {  	s7 =	simm.s32 $0x15D00;
	[sflag:s23] =	ssyncadd.s32 $0xFFFFC000  }
0xa0: {  	[spmem:s3] =	stream.indirect.scatter.add.f32 [tilespmem:s17], [sflag:$0x3], $0x80, s7, s22, $0xb8;
	[tilespmem:$0x1FC00] =	vst v63  }
0xa1: {  	_ =	swait.ge [sflag:s0], $0x4000  }
0xa2: {  	[sflag:s0] =	ssyncset.done $0x0  }
0xa3: {  	s8 =	simm.s32 $0x13D80;
	[sflag:s0] =	ssyncadd.s32 $0xFFFFC000  }
0xa4: {  	[tilespmem:s28], [sflag:$0x2] =	stream.indirect.gather [hbm4b:s1+s22], $0x80, s8, s22, $0xb8;
	[tilespmem:$0x1FC00] =	vst v63  }
0xa5: {  	_ =	swait.ge [sflag:s29], $0x4000  }
0xa6: {  	[sflag:s29] =	ssyncset.done $0x0  }
0xa7: {  	s9 =	simm.s32 $0x13E00;
	[sflag:s29] =	ssyncadd.s32 $0xFFFFC000  }
0xa8: {  	[tilespmem:s17], [sflag:$0x1] =	stream.indirect.gather [hbm4b:s1+s22], $0x80, s9, s22, $0xb8;
	[tilespmem:$0x1FC00] =	vst v63  }
0xa9: {  	_ =	swait.ge [sflag:s31], $0x4000  }
0xaa: {  	[sflag:s31] =	ssyncset.done $0x0  }
0xab: {  	s7 =	simm.s32 $0x15D80;
	[sflag:s31] =	ssyncadd.s32 $0xFFFFC000  }
0xac: {  	[spmem:s3] =	stream.indirect.scatter.add.f32 [tilespmem:s28], [sflag:$0x4], $0x80, s7, s22, $0xb8;
	[tilespmem:$0x1FC00] =	vst v63  }
0xad: {  	_ =	swait.ge [sflag:s23], $0x4000  }
0xae: {  	[sflag:s23] =	ssyncset.done $0x0  }
0xaf: {  	s8 =	simm.s32 $0x15E00;
	[sflag:s23] =	ssyncadd.s32 $0xFFFFC000  }
0xb0: {  	[spmem:s3] =	stream.indirect.scatter.add.f32 [tilespmem:s17], [sflag:$0x3], $0x80, s8, s22, $0xb8;
	[tilespmem:$0x1FC00] =	vst v63  }
0xb1: {  	_ =	swait.ge [sflag:s0], $0x4000  }
0xb2: {  	[sflag:s0] =	ssyncset.done $0x0  }
0xb3: {  	s9 =	simm.s32 $0x13E80;
	[sflag:s0] =	ssyncadd.s32 $0xFFFFC000  }
0xb4: {  	[tilespmem:s28], [sflag:$0x2] =	stream.indirect.gather [hbm4b:s1+s22], $0x80, s9, s22, $0xb8;
	[tilespmem:$0x1FC00] =	vst v63  }
0xb5: {  	_ =	swait.ge [sflag:s29], $0x4000  }
0xb6: {  	[sflag:s29] =	ssyncset.done $0x0  }
0xb7: {  	s7 =	simm.s32 $0x13F00;
	[sflag:s29] =	ssyncadd.s32 $0xFFFFC000  }
0xb8: {  	[tilespmem:s17], [sflag:$0x1] =	stream.indirect.gather [hbm4b:s1+s22], $0x80, s7, s22, $0xb8;
	[tilespmem:$0x1FC00] =	vst v63  }
0xb9: {  	_ =	swait.ge [sflag:s31], $0x4000  }
0xba: {  	[sflag:s31] =	ssyncset.done $0x0  }
0xbb: {  	s8 =	simm.s32 $0x15E80;
	[sflag:s31] =	ssyncadd.s32 $0xFFFFC000  }
0xbc: {  	[spmem:s3] =	stream.indirect.scatter.add.f32 [tilespmem:s28], [sflag:$0x4], $0x80, s8, s22, $0xb8;
	[tilespmem:$0x1FC00] =	vst v63  }
0xbd: {  	_ =	swait.ge [sflag:s23], $0x4000  }
0xbe: {  	[sflag:s23] =	ssyncset.done $0x0  }
0xbf: {  	s9 =	simm.s32 $0x15F00;
	[sflag:s23] =	ssyncadd.s32 $0xFFFFC000  }
0xc0: {  	[spmem:s3] =	stream.indirect.scatter.add.f32 [tilespmem:s17], [sflag:$0x3], $0x80, s9, s22, $0xb8;
	[tilespmem:$0x1FC00] =	vst v63  }
0xc1: {  	_ =	swait.ge [sflag:s0], $0x4000  }
0xc2: {  	[sflag:s0] =	ssyncset.done $0x0  }
0xc3: {  	s7 =	simm.s32 $0x13F80;
	[sflag:s0] =	ssyncadd.s32 $0xFFFFC000  }
0xc4: {  	[tilespmem:s28], [sflag:$0x2] =	stream.indirect.gather [hbm4b:s1+s22], $0x80, s7, s22, $0xb8;
	[tilespmem:$0x1FC00] =	vst v63  }
0xc5: {  	_ =	swait.ge [sflag:s29], $0x4000  }
0xc6: {  	[sflag:s29] =	ssyncset.done $0x0  }
0xc7: {  	s8 =	simm.s32 $0x14000;
	[sflag:s29] =	ssyncadd.s32 $0xFFFFC000  }
0xc8: {  	[tilespmem:s17], [sflag:$0x1] =	stream.indirect.gather [hbm4b:s1+s22], $0x80, s8, s22, $0xb8;
	[tilespmem:$0x1FC00] =	vst v63  }
0xc9: {  	_ =	swait.ge [sflag:s31], $0x4000  }
0xca: {  	[sflag:s31] =	ssyncset.done $0x0  }
0xcb: {  	s9 =	simm.s32 $0x15F80;
	[sflag:s31] =	ssyncadd.s32 $0xFFFFC000  }
0xcc: {  	[spmem:s3] =	stream.indirect.scatter.add.f32 [tilespmem:s28], [sflag:$0x4], $0x80, s9, s22, $0xb8;
	[tilespmem:$0x1FC00] =	vst v63  }
0xcd: {  	_ =	swait.ge [sflag:s23], $0x4000  }
0xce: {  	[sflag:s23] =	ssyncset.done $0x0  }
0xcf: {  	s7 =	simm.s32 $0x16000;
	[sflag:s23] =	ssyncadd.s32 $0xFFFFC000  }
0xd0: {  	[spmem:s3] =	stream.indirect.scatter.add.f32 [tilespmem:s17], [sflag:$0x3], $0x80, s7, s22, $0xb8;
	[tilespmem:$0x1FC00] =	vst v63  }
0xd1: {  	_ =	swait.ge [sflag:s0], $0x4000  }
0xd2: {  	[sflag:s0] =	ssyncset.done $0x0  }
0xd3: {  	s8 =	simm.s32 $0x14080;
	[sflag:s0] =	ssyncadd.s32 $0xFFFFC000  }
0xd4: {  	[tilespmem:s28], [sflag:$0x2] =	stream.indirect.gather [hbm4b:s1+s22], $0x80, s8, s22, $0xb8;
	[tilespmem:$0x1FC00] =	vst v63  }
0xd5: {  	_ =	swait.ge [sflag:s29], $0x4000  }
0xd6: {  	[sflag:s29] =	ssyncset.done $0x0  }
0xd7: {  	s9 =	simm.s32 $0x14100;
	[sflag:s29] =	ssyncadd.s32 $0xFFFFC000  }
0xd8: {  	[tilespmem:s17], [sflag:$0x1] =	stream.indirect.gather [hbm4b:s1+s22], $0x80, s9, s22, $0xb8;
	[tilespmem:$0x1FC00] =	vst v63  }
0xd9: {  	_ =	swait.ge [sflag:s31], $0x4000  }
0xda: {  	[sflag:s31] =	ssyncset.done $0x0  }
0xdb: {  	s7 =	simm.s32 $0x16080;
	[sflag:s31] =	ssyncadd.s32 $0xFFFFC000  }
0xdc: {  	[spmem:s3] =	stream.indirect.scatter.add.f32 [tilespmem:s28], [sflag:$0x4], $0x80, s7, s22, $0xb8;
	[tilespmem:$0x1FC00] =	vst v63  }
0xdd: {  	_ =	swait.ge [sflag:s23], $0x4000  }
0xde: {  	[sflag:s23] =	ssyncset.done $0x0  }
0xdf: {  	s8 =	simm.s32 $0x16100;
	[sflag:s23] =	ssyncadd.s32 $0xFFFFC000  }
0xe0: {  	[spmem:s3] =	stream.indirect.scatter.add.f32 [tilespmem:s17], [sflag:$0x3], $0x80, s8, s22, $0xb8;
	[tilespmem:$0x1FC00] =	vst v63  }
0xe1: {  	_ =	swait.ge [sflag:s0], $0x4000  }
0xe2: {  	[sflag:s0] =	ssyncset.done $0x0  }
0xe3: {  	s9 =	simm.s32 $0x14180;
	[sflag:s0] =	ssyncadd.s32 $0xFFFFC000  }
0xe4: {  	[tilespmem:s28], [sflag:$0x2] =	stream.indirect.gather [hbm4b:s1+s22], $0x80, s9, s22, $0xb8;
	[tilespmem:$0x1FC00] =	vst v63  }
0xe5: {  	_ =	swait.ge [sflag:s29], $0x4000  }
0xe6: {  	[sflag:s29] =	ssyncset.done $0x0  }
0xe7: {  	s7 =	simm.s32 $0x14200;
	[sflag:s29] =	ssyncadd.s32 $0xFFFFC000  }
0xe8: {  	[tilespmem:s17], [sflag:$0x1] =	stream.indirect.gather [hbm4b:s1+s22], $0x80, s7, s22, $0xb8;
	[tilespmem:$0x1FC00] =	vst v63  }
0xe9: {  	_ =	swait.ge [sflag:s31], $0x4000  }
0xea: {  	[sflag:s31] =	ssyncset.done $0x0  }
0xeb: {  	s8 =	simm.s32 $0x16180;
	[sflag:s31] =	ssyncadd.s32 $0xFFFFC000  }
0xec: {  	[spmem:s3] =	stream.indirect.scatter.add.f32 [tilespmem:s28], [sflag:$0x4], $0x80, s8, s22, $0xb8;
	[tilespmem:$0x1FC00] =	vst v63  }
0xed: {  	_ =	swait.ge [sflag:s23], $0x4000  }
0xee: {  	[sflag:s23] =	ssyncset.done $0x0  }
0xef: {  	s9 =	simm.s32 $0x16200;
	[sflag:s23] =	ssyncadd.s32 $0xFFFFC000  }
0xf0: {  	[spmem:s3] =	stream.indirect.scatter.add.f32 [tilespmem:s17], [sflag:$0x3], $0x80, s9, s22, $0xb8;
	[tilespmem:$0x1FC00] =	vst v63  }
0xf1: {  	_ =	swait.ge [sflag:s0], $0x4000  }
0xf2: {  	[sflag:s0] =	ssyncset.done $0x0  }
0xf3: {  	s7 =	simm.s32 $0x14280;
	[sflag:s0] =	ssyncadd.s32 $0xFFFFC000  }
0xf4: {  	[tilespmem:s28], [sflag:$0x2] =	stream.indirect.gather [hbm4b:s1+s22], $0x80, s7, s22, $0xb8;
	[tilespmem:$0x1FC00] =	vst v63  }
0xf5: {  	_ =	swait.ge [sflag:s29], $0x4000  }
0xf6: {  	[sflag:s29] =	ssyncset.done $0x0  }
0xf7: {  	s8 =	simm.s32 $0x14300;
	[sflag:s29] =	ssyncadd.s32 $0xFFFFC000  }
0xf8: {  	[tilespmem:s17], [sflag:$0x1] =	stream.indirect.gather [hbm4b:s1+s22], $0x80, s8, s22, $0xb8;
	[tilespmem:$0x1FC00] =	vst v63  }
0xf9: {  	_ =	swait.ge [sflag:s31], $0x4000  }
0xfa: {  	[sflag:s31] =	ssyncset.done $0x0  }
0xfb: {  	s9 =	simm.s32 $0x16280;
	[sflag:s31] =	ssyncadd.s32 $0xFFFFC000  }
0xfc: {  	[spmem:s3] =	stream.indirect.scatter.add.f32 [tilespmem:s28], [sflag:$0x4], $0x80, s9, s22, $0xb8;
	[tilespmem:$0x1FC00] =	vst v63  }
0xfd: {  	_ =	swait.ge [sflag:s23], $0x4000  }
0xfe: {  	[sflag:s23] =	ssyncset.done $0x0  }
0xff: {  	s7 =	simm.s32 $0x16300;
	[sflag:s23] =	ssyncadd.s32 $0xFFFFC000  }
0x100: {  	[spmem:s3] =	stream.indirect.scatter.add.f32 [tilespmem:s17], [sflag:$0x3], $0x80, s7, s22, $0xb8;
	[tilespmem:$0x1FC00] =	vst v63  }
0x101: {  	_ =	swait.ge [sflag:s0], $0x4000  }
0x102: {  	[sflag:s0] =	ssyncset.done $0x0  }
0x103: {  	s8 =	simm.s32 $0x14380;
	[sflag:s0] =	ssyncadd.s32 $0xFFFFC000  }
0x104: {  	[tilespmem:s28], [sflag:$0x2] =	stream.indirect.gather [hbm4b:s1+s22], $0x80, s8, s22, $0xb8;
	[tilespmem:$0x1FC00] =	vst v63  }
0x105: {  	_ =	swait.ge [sflag:s31], $0x4000  }
0x106: {  	[sflag:s31] =	ssyncset.done $0x0  }
0x107: {  	s9 =	simm.s32 $0x16380;
	[sflag:s31] =	ssyncadd.s32 $0xFFFFC000  }
0x108: {  	[spmem:s3] =	stream.indirect.scatter.add.f32 [tilespmem:s28], [sflag:$0x4], $0x80, s9, s22, $0xb8;
	[tilespmem:$0x1FC00] =	vst v63  }
0x109: {  	_ =	swait.ge [sflag:s29], $0x4000  }
0x10a: {  	[sflag:s29] =	ssyncset.done $0x0  }
0x10b: {  	[sflag:s29] =	ssyncadd.s32 $0xFFFFC000  }
0x10c: {  	_ =	swait.ge [sflag:s0], $0x4000  }
0x10d: {  	[sflag:s0] =	ssyncset.done $0x0  }
0x10e: {  	[sflag:s0] =	ssyncadd.s32 $0xFFFFC000  }
0x10f: {  	s6 =	simm.s32 @p0 $0x1FC5;
	[bflag:$0x0] =	sbarrier.arrive $0xFFFF  }
0x110: {  	[hbm:s11], [sflag:s6] =	dma.local @p0 [spmem:s24], $0x2800  }
0x111: {  	s6 =	simm.s32 @p0 $0x5  }
0x112: {  	s5 =	sadd.s32 $0x1, s5;
	s7 =	stileid.u32;
	_ =	swait.ge @p0 [sflag:s6], $0x2800  }
0x113: {  	p1 =	sne.s32 s5, s12;
	s7 =	sshll.u32 @!p0 s7, $0x6;
	[sflag:s6] =	ssyncset.done @p0 $0x0  }
0x114: {  	[sflag:s6] =	ssyncadd.s32 @p0 $0xFFFFD800;
	s6 =	sor.u32 @!p0 $0x1C05, s7;
	s7 =	rddreg [dreg:$0x8]  }
0x115: {  	[hbm:s7], [sflag:s6] =	dma.local @!p0 [spmem:s25], $0x2700  }
.Ltmp2:
0x116: {  	_ = 	snop;
	(pc) =	sbr.rel @p1 .LBB2_1-.Ltmp2, $4  }
0x117: {  	s6 =	simm.s32 @!p0 $0x5  }
0x118: {  	_ =	swait.ge @!p0 [sflag:s6], $0x2700  }
0x119: {  	[sflag:s6] =	ssyncset.done @!p0 $0x0  }
0x11a: {  	[sflag:s6] =	ssyncadd.s32 @!p0 $0xFFFFD900  }
0x11b: {  	_ =	sfence.sel $0x180000  }
0x11c: {  	[bflag:$0x0] =	sbarrier.arrive $0xFFFF  }
0x11d: {  	_ =	strace $0x90000047  }
0x11e: {  	s0 =	stileid.u32;
	[bflag:$0x2] =	sbarrier.arrive $0xFFFF  }
0x11f: {  	p0 =	sne.s32 s0, $0x0;
	s0 =	rddreg [dreg:$0x3]  }
0x120: {  	s0 =	sadd.s32 @!p0 $0x100000, s0  }
0x121: {  	[sflag:s0] =	ssyncadd.tile.s32 @!p0 $0x1;
	_ =	shalt  }
.Lfunc_end2:
_tile_overlayer_lowered:
.L_overlay_start_2:
0x122: {  	(tag) =	ssettag $0x2  }
0x123: {  	s0 =	rddreg [dreg:$0x0];
	s2 =	stileid.u32  }
0x124: {  	s1 =	rddreg [dreg:$0x1];
	p0 =	sne.s32 s2, $0x0  }
0x125: {  	s3 =	rddreg [dreg:$0x2];
	[bflag:$0x3] =	sbarrier.arrive $0xFFFF;
	s2 =	simm.s32 @!p0 $0x1C06  }
0x126: {  	[timem:s3], [sflag:s2] =	dma.local @!p0 [hbm:s0], s1  }
0x127: {  	s0 =	simm.s32 @!p0 $0x6  }
0x128: {  	_ =	swait.ge @!p0 [sflag:s0], s1  }
0x129: {  	s1 =	ssub.s32 @!p0 $0x0, s1;
	[sflag:s0] =	ssyncset.done @!p0 $0x0  }
0x12a: {  	[sflag:s0] =	ssyncadd.s32 @!p0 s1  }
0x12b: {  	[bflag:$0x3] =	sbarrier.arrive $0xFFFF  }
0x12c: {  	_ =	shalt  }

// kernel: kernel.17.cloned.1.call-start
scs
__scs_entry_jumppad:
0x0: {  	(pc) =	sbr.rel $0x88, $3  }
0x1: {  	(tag) =	ssettag $0x0;
	lr =	simm.s32 $0x1  }
0x2: {  	[smem:$0x3F92] =	sst lr;
	_ =	strace $0xD0000000  }
0x3: {  	_ = 	snop  }
0x4: {  	_ = 	snop  }
0x5: {  	_ = 	snop  }
0x6: {  	_ = 	snop  }
0x7: {  	_ = 	snop  }
__scs_overlays_trampoline_lowered:
0x8: {  	[smem:$0x3FA1] =	sst s0  }
0x9: {  	[smem:$0x3FA2] =	sst s1  }
0xa: {  	[smem:$0x3FA3] =	sst s2  }
0xb: {  	[smem:$0x3FA4] =	sst s3  }
0xc: {  	[smem:$0x3FA5] =	sst s4  }
0xd: {  	[smem:$0x3FA6] =	sst s5  }
0xe: {  	[smem:$0x3FA7] =	sst s6  }
0xf: {  	[smem:$0x3FA8] =	sst s7  }
0x10: {  	[smem:$0x3FA9] =	sst s8  }
0x11: {  	[smem:$0x3FAA] =	sst s9;
	s0 =	simm.s32 @!p0 $0x0  }
0x12: {  	s1 =	sld [smem:$0x3F90];
	s0 =	simm.s32 @p0 $0x1  }
0x13: {  	[smem:$0x3FAB] =	sst s0;
	s0 =	simm.s32 @!p1 $0x0  }
0x14: {  	s2 =	sld [smem:$0x3F8F];
	s0 =	simm.s32 @p1 $0x1  }
0x15: {  	[smem:$0x3FAC] =	sst s0;
	s0 =	simm.s32 @!p2 $0x0  }
0x16: {  	s3 =	sld [smem:$0x3FDB];
	s0 =	simm.s32 @p2 $0x1  }
0x17: {  	s4 =	simm.s32 $0x1BF5;
	[smem:$0x3FAE] =	sst s0  }
0x18: {  	s0 =	sld [smem:$0x3F91];
	_ =	swait.ge [sflag:s4], $0x0  }
0x19: {  	s7 =	sld [smem:$0x3F92]  }
0x1a: {  	s8 =	sadd.s32 $0xFFFFE003, lr  }
0x1b: {  	s9 =	sadd.s32 $0xFFFFFEF7, lr;
	s5 =	simm.s32 $0xFFFFFFFF;
	p2 =	slt.u32 s8, $0xFFFFF086  }
0x1c: {  	p1 =	slt.u32 s9, $0xF7A;
	s5 =	simm.s32 @!p2 $0x0  }
0x1d: {  	s5 =	simm.s32 @p1 $0x1;
	p0 =	seq.s32 s7, s2  }
0x1e: {  	s7 =	smul.u32 @!p0 $0xF7A, s2;
	p2 =	seq.s32 @!p0 s5, $0x0  }
0x1f: {  	s9 =	smul.u32 $0xF7A, s1;
	s8 =	simm.s32 @!p0 $0x1BF5;
	p2 =	por !p2, p0  }
0x20: {  	[sflag:s8] =	ssyncset.s32 @!p0 $0xFFFFF086;
	s6 =	sadd.s32 @!p0 s3, s7;
	s7 =	simm.s32 @!p0 $0x108  }
0x21: {  	s3 =	sadd.s32 s3, s9;
	s6 =	sadd.s32 @!p0 $0x88, s6;
	s7 =	simm.s32 @p2 $0x1082  }
0x22: {  	[simem:s7], [sflag:s8] =	dma.local @!p0 [hbm:s6], $0xF7A  }
0x23: {  	s9 =	sor.u32 $0xD0000000, s2;
	s6 =	simm.s32 $0x108;
	_ =	swait.ge @!p0 [sflag:s8], $0x0  }
0x24: {  	s3 =	sadd.s32 $0x88, s3;
	s6 =	simm.s32 @!p1 $0x1082;
	[sflag:s4] =	ssyncset.s32 $0xFFFFF086  }
0x25: {  	[simem:s6], [sflag:s4] =	dma.local [hbm:s3], $0xF7A  }
0x26: {  	[smem:$0x3F92] =	sst s1;
	(tag) =	ssettag s2;
	_ =	strace s9  }
0x27: {  	s1 =	sld [smem:$0x3FA2]  }
0x28: {  	s2 =	sld [smem:$0x3FA3]  }
0x29: {  	s4 =	sld [smem:$0x3FA5]  }
0x2a: {  	p0 =	seq.s32 s5, $0x0;
	s5 =	sld [smem:$0x3FA6]  }
0x2b: {  	s6 =	sld [smem:$0x3FA7]  }
0x2c: {  	s7 =	sld [smem:$0x3FA8]  }
0x2d: {  	s3 =	simm.s32 $0x108;
	s8 =	sld [smem:$0x3FA9]  }
0x2e: {  	s3 =	simm.s32 @!p0 $0x1082;
	s9 =	sld [smem:$0x3FAA]  }
0x2f: {  	lr =	sadd.s32 s0, s3;
	s0 =	sld [smem:$0x3FA1]  }
0x30: {  	s3 =	sld [smem:$0x3FA4]  }
0x31: {  	[smem:$0x3FAD] =	sst s10  }
0x32: {  	s10 =	sld [smem:$0x3FAB];
	_ =	sdelay $0x3  }
0x33: {  	p0 =	seq.s32 s10, $0x1;
	s10 =	sld [smem:$0x3FAD];
	_ =	sdelay $0x3  }
0x34: {  	[smem:$0x3FAD] =	sst s10  }
0x35: {  	s10 =	sld [smem:$0x3FAC];
	_ =	sdelay $0x3  }
0x36: {  	p1 =	seq.s32 s10, $0x1;
	s10 =	sld [smem:$0x3FAD];
	_ =	sdelay $0x3  }
0x37: {  	[smem:$0x3FAD] =	sst s10  }
0x38: {  	s10 =	sld [smem:$0x3FAE]  }
0x39: {  	_ = 	snop;
	(pc) =	sbr.ind lr, $3  }
0x3a: {  	_ = 	snop  }
0x3b: {  	_ = 	snop  }
0x3c: {  	p2 =	seq.s32 s10, $0x1;
	s10 =	sld [smem:$0x3FAD]  }
0x3d: {  	_ =	shalt  }
0x3e: {  	_ =	shalt  }
0x3f: {  	_ =	shalt  }
0x40: {  	_ =	shalt  }
0x41: {  	_ =	shalt  }
0x42: {  	_ =	shalt  }
0x43: {  	_ =	shalt  }
0x44: {  	_ =	shalt  }
0x45: {  	_ =	shalt  }
0x46: {  	_ =	shalt  }
0x47: {  	_ =	shalt  }
0x48: {  	_ =	shalt  }
0x49: {  	_ =	shalt  }
0x4a: {  	_ =	shalt  }
0x4b: {  	_ =	shalt  }
0x4c: {  	_ =	shalt  }
0x4d: {  	_ =	shalt  }
0x4e: {  	_ =	shalt  }
0x4f: {  	_ =	shalt  }
0x50: {  	_ =	shalt  }
0x51: {  	_ =	shalt  }
0x52: {  	_ =	shalt  }
0x53: {  	_ =	shalt  }
0x54: {  	_ =	shalt  }
0x55: {  	_ =	shalt  }
0x56: {  	_ =	shalt  }
0x57: {  	_ =	shalt  }
0x58: {  	_ =	shalt  }
0x59: {  	_ =	shalt  }
0x5a: {  	_ =	shalt  }
0x5b: {  	_ =	shalt  }
0x5c: {  	_ =	shalt  }
0x5d: {  	_ =	shalt  }
0x5e: {  	_ =	shalt  }
0x5f: {  	_ =	shalt  }
0x60: {  	_ =	shalt  }
0x61: {  	_ =	shalt  }
0x62: {  	_ =	shalt  }
0x63: {  	_ =	shalt  }
0x64: {  	_ =	shalt  }
0x65: {  	_ =	shalt  }
0x66: {  	_ =	shalt  }
0x67: {  	_ =	shalt  }
0x68: {  	_ =	shalt  }
0x69: {  	_ =	shalt  }
0x6a: {  	_ =	shalt  }
0x6b: {  	_ =	shalt  }
0x6c: {  	_ =	shalt  }
0x6d: {  	_ =	shalt  }
0x6e: {  	_ =	shalt  }
0x6f: {  	_ =	shalt  }
0x70: {  	_ =	shalt  }
0x71: {  	_ =	shalt  }
0x72: {  	_ =	shalt  }
0x73: {  	_ =	shalt  }
0x74: {  	_ =	shalt  }
0x75: {  	_ =	shalt  }
0x76: {  	_ =	shalt  }
0x77: {  	_ =	shalt  }
0x78: {  	_ =	shalt  }
0x79: {  	_ =	shalt  }
0x7a: {  	_ =	shalt  }
0x7b: {  	_ =	shalt  }
0x7c: {  	_ =	shalt  }
0x7d: {  	_ =	shalt  }
0x7e: {  	_ =	shalt  }
0x7f: {  	_ =	shalt  }
0x80: {  	_ =	shalt  }
0x81: {  	_ =	shalt  }
0x82: {  	_ =	shalt  }
0x83: {  	_ =	shalt  }
0x84: {  	_ =	shalt  }
0x85: {  	_ =	shalt  }
0x86: {  	_ =	shalt  }
0x87: {  	_ =	shalt  }
.Lfunc_end0:
.L_simem_size_0:
called_computation.1_lowered:
.L_overlay_start_0:
0x88: {  	s2 =	sld [smem:$0x3FD9]  }
0x89: {  	s3 =	sld [smem:$0x3FFE];
	_ =	sdelay $0x1  }
0x8a: {  	s1 =	srdreg.scid  }
0x8b: {  	s0 =	sand.u32 $0x1, s1  }
0x8c: {  	s16 =	sshll.u32 s0, $0xA;
	s2 =	sadd.s32 s3, s2  }
0x8d: {  	s2 =	sadd.s32 s2, s16  }
0x8e: {  	[smem:$0x3FB9] =	sst s2  }
0x8f: {  	_ = 	snop  }
0x90: {  	(tm) =	ssettm $0x1  }
0x91: {  	s17 =	sld [smem:$0x3FFB];
	_ =	sdelay $0x3  }
0x92: {  	_ =	strace s17  }
0x93: {  	s2 =	sld [smem:$0x3FFC];
	_ =	sdelay $0x3  }
0x94: {  	_ =	strace s2  }
0x95: {  	s2 =	sld [smem:$0x3FFD];
	_ =	sdelay $0x3  }
0x96: {  	_ =	strace s2  }
0x97: {  	_ =	strace $0x8FFFFFFF  }
0x98: {  	s18 =	sld [smem:$0x3FDB];
	_ =	sdelay $0x1  }
0x99: {  	s19 =	simm.s32 $_scs_section_size  }
0x9a: {  	s4 =	simm.s32 $_size__tile_overlayer_lowered;
	s5 =	simm.s32 $_tile_overlayer_lowered  }
0x9b: {  	s22 =	simm.s32 $0x1BFF;
	s21 =	sshll.u32 s5, $0x1;
	s2 =	sadd.s32 s19, s18  }
0x9c: {  	s6 =	simm.s32 $0x0;
	s20 =	sshll.u32 s4, $0x1;
	s4 =	sadd.s32 s21, s2  }
0x9d: {  	[timem:s6], [sflag:s22] =	dma.local [hbm:s4], s20  }
0x9e: {  	_ =	swait.ge [sflag:s22], s20  }
0x9f: {  	s3 =	ssub.s32 $0x0, s20;
	[sflag:s22] =	ssyncset.done $0x0  }
0xa0: {  	[sflag:s22] =	ssyncadd.s32 s3;
	_ =	sdelay $0x1  }
0xa1: {  	s23 =	simm.s32 $0x1B8B  }
0xa2: {  	_ =	swait.ge [sflag:s23], $0x1  }
0xa3: {  	[sflag:s23] =	ssyncset.done $0x0  }
0xa4: {  	s25 =	simm.s32 $0x1B8E;
	s24 =	sld [smem:$0x3FFE];
	[sflag:s23] =	ssyncadd.s32 $0xFFFFFFFF  }
0xa5: {  	s26 =	simm.s32 $execute0_lowered;
	[smem:$0x3FD2] =	sst s25  }
0xa6: {  	s4 =	sshll.u32 s26, $0x1;
	_ =	strace $0x80000049;
	[dreg:$0x1] =	wrdreg $0xFFFFFFFF  }
0xa7: {  	s28 =	simm.s32 $_size_execute0_lowered;
	s2 =	sadd.s32 s2, s4;
	[dreg:$0x0] =	wrdreg $0x0  }
0xa8: {  	s4 =	sshll.u32 s28, $0x1;
	[dreg:$0x2] =	wrdreg s2  }
0xa9: {  	[dreg:$0x3] =	wrdreg s4  }
0xaa: {  	[dreg:$0x4] =	wrdreg $0xC0  }
0xab: {  	_ =	task [dreg:s6], $0x5FFFF  }
0xac: {  	[dreg:$0x1] =	wrdreg $0xFFFFFFFF  }
0xad: {  	[dreg:$0x0] =	wrdreg $0x60  }
0xae: {  	[dreg:$0x2] =	wrdreg s24  }
0xaf: {  	[dreg:$0x3] =	wrdreg $0x0  }
0xb0: {  	[dreg:$0x4] =	wrdreg $0x9  }
0xb1: {  	_ =	task.clear_ibuf [dreg:s6], $0x5FFFF;
	_ =	strace $0x90000049  }
0xb2: {  	s29 =	simm.s32 $0x9;
	_ =	strace $0x8000004B  }
0xb3: {  	_ =	swait.ge [sflag:s29], $0x1  }
0xb4: {  	[sflag:s29] =	ssyncadd.s32 $0xFFFFFFFF  }
0xb5: {  	_ =	strace $0x9000004B  }
0xb6: {  	_ =	sfence  }
0xb7: {  	s30 =	sld [smem:$0x0];
	_ =	sdelay $0x2  }
0xb8: {  	s31 =	sshll.u32 s1, $0xD;
	s1 =	sshrl.u32 s1, $0x2  }
0xb9: {  	s3 =	sand.u32 $0x4000, s31;
	s1 =	sadd.s32 s1, s30  }
0xba: {  	s0 =	sor.u32 s3, s0;
	s1 =	sshll.u32 s1, $0x11  }
0xbb: {  	s0 =	sor.u32 s1, s0  }
0xbc: {  	s0 =	sadd.s32 $0x8F2B, s0  }
0xbd: {  	[sflag:s0] =	ssyncadd.remote.s32 $0x1  }
0xbe: {  	_ =	sfence.sel $0xFFFF  }
0xbf: {  	[dreg:$0x0] =	wrdreg $0xFFFFFFFF;
	(pc) =	sbr.abs _section_cstart, $3  }
0xc0: {  	[dreg:$0x1] =	wrdreg $0xFFFFFFFF  }
0xc1: {  	_ =	task.clear_ibuf [dreg:s6], $0x2FFFF;
	_ =	strace $0x9FFFFFFF  }
0xc2: {  	(tm) =	ssettm $0x7FFFFFFF  }
0xc3: {  	_ =	shalt  }
tec
execute0_lowered:
.L_overlay_start_1:
0x0: {  	(tag) =	ssettag $0x1  }
0x1: {  	s0 =	srdreg.scid;
	s11 =	stileid.u32  }
0x2: {  	s1 =	rddreg [dreg:$0x0];
	s5 =	smul.u32 $0xA0, s11  }
0x3: {  	s2 =	rddreg [dreg:$0x1];
	s3 =	simm.s32 $0x0;
	s9 =	smul.u32 $0x5000, s11  }
0x4: {  	s28 =	simm.s32 $0x1;
	s29 =	simm.s32 $0x13C80;
	s16 =	smul.u32 $0xA00, s11  }
0x5: {  	s30 =	simm.s32 $0x1BC00;
	s31 =	simm.s32 $0x3;
	s17 =	smul.u32 $0x4E000, s11  }
0x6: {  	s0 =	sand.u32 $0x1, s0;
	[smem:$0x7FF] =	sst s3;
	s21 =	smul.u32 $0x2700, s11  }
0x7: {  	s7 =	sadd.s32 $0x2BE00, s1;
	s24 =	sshll.u32 s11, $0xE;
	s4 =	smul.u32 $0xA00, s0  }
0x8: {  	p0 =	seq.s32 s11, $0xF;
	_ =	strace $0x8000004A;
	s18 =	smul.u32 $0x27100, s0  }
0x9: {  	s6 =	ssub.s32 $0x2, s0;
	s0 =	smul.u32 $0x138800, s0;
	s12 =	sadd.s32 s24, s2  }
0xa: {  	s8 =	sshrl.u32 s6, $0x1;
	s9 =	sshrl.u32 s9, $0x3;
	s22 =	sshrl.u32 s17, $0x2  }
0xb: {  	s26 =	sadd.s32 $0x40000, s12;
	s17 =	sadd.s32 $0xC0000, s12;
	s4 =	sadd.s32 s5, s4  }
0xc: {  	s6 =	ssub.s32 s6, s8;
	s8 =	sadd.s32 s7, s16;
	s7 =	sadd.s32 s7, s9  }
0xd: {  	s23 =	sadd.s32 s21, s18;
	s0 =	sshrl.u32 s0, $0x3;
	[dreg:$0xc] =	wrdreg s26  }
0xe: {  	s16 =	sadd.s32 $0x80000, s12;
	s18 =	sadd.s32 $0x100000, s12;
	s21 =	simm.s32 $0x13C00  }
0xf: {  	s26 =	simm.s32 $0x80;
	s9 =	simm.s32 $0x17B80;
	s5 =	sshll.u32 s4, $0x4  }
0x10: {  	s4 =	sadd.s32 $0x35E00, s1;
	[dreg:$0x4] =	wrdreg s8;
	s20 =	sadd.s32 $0x400, s7  }
0x11: {  	s7 =	sadd.s32 $0x800, s7;
	s8 =	sadd.s32 $0x124800, s2;
	[dreg:$0x6] =	wrdreg s20  }
0x12: {  	s25 =	smax.u32 s6, $0x1;
	s6 =	simm.s32 $0x4;
	[dreg:$0x8] =	wrdreg s7  }
0x13: {  	s5 =	sadd.s32 s5, s1;
	s1 =	sadd.s32 $0x84400, s1;
	[dreg:$0xb] =	wrdreg s25  }
0x14: {  	s20 =	simm.s32 $0x6;
	s24 =	sshrl.u32 @p0 s8, $0x3;
	s10 =	sadd.s32 $0x17E00, s5  }
0x15: {  	s8 =	simm.s32 $0x15B80;
	s19 =	sadd.s32 $0x18200, s5;
	[dreg:$0x3] =	wrdreg s10  }
0x16: {  	s5 =	sadd.s32 $0x18600, s5;
	s7 =	sadd.s32 s1, s23;
	[dreg:$0x5] =	wrdreg s19  }
0x17: {  	s0 =	sadd.s32 s1, s0;
	s23 =	simm.s32 $0x15C00;
	[dreg:$0x7] =	wrdreg s5  }
0x18: {  	s1 =	simm.s32 $0x13D00;
	s5 =	sadd.s32 s22, s2;
	[dreg:$0x9] =	wrdreg s7  }
0x19: {  	s0 =	sadd.s32 $0x24900, s0;
	s19 =	simm.s32 $0x17C00;
	s22 =	simm.s32 $0x5  }
0x1a: {  	s7 =	simm.s32 $0x17B00;
	s10 =	simm.s32 $0x0;
	[dreg:$0xa] =	wrdreg s0  }
0x1b: {  	v0 =	vimm.f32 $0.0e+00;
	s25 =	sshrl.u32 @!p0 s5, $0x3;
	s0 =	simm.s32 $0x2;
	s5 =	simm.s32 $0x15C80  }
.LBB2_1:
0x1c: {  	s11 =	sand.u32 $0xFE00, s3  }
0x1d: {  	s13 =	sand.u32 $0x70, s3;
	s14 =	sshrl.u32 s11, $0x2  }
0x1e: {  	s11 =	simm.s32 $0x40;
	s14 =	sor.u32 s13, s14;
	s13 =	simm.s32 $0x0  }
.LBB2_2:
0x1f: {  	p1 =	sne.s32 s11, $0xFFC0  }
0x20: {  	[tilespmem:s14+$0x17C00] =	vst v0;
	s13 =	sadd.s32 $0x10, s13;
	s14 =	smov.u32 s11;
	s11 =	sadd.s32 $0x40, s11  }
.Ltmp0:
0x21: {  	(pc) =	sbr.rel @p1 .LBB2_2-.Ltmp0, $4  }
0x22: {  	_ = 	snop  }
0x23: {  	s14 =	sand.u32 $0xFE00, s14  }
0x24: {  	s15 =	sand.u32 $0x70, s13;
	s14 =	sshrl.u32 s14, $0x2  }
0x25: {  	s14 =	sor.u32 s15, s14  }
0x26: {  	[tilespmem:s14+$0x17C00] =	vst v0  }
0x27: {  	[spmem:s12] =	stream.linear.scatter [tilespmem:s19], [sflag:$0x6], $0x4000, $0x38;
	[tilespmem:$0x1FC00] =	vst v63  }
0x28: {  	_ =	swait.ge [sflag:s20], $0x4000  }
0x29: {  	[sflag:s20] =	ssyncset.done $0x0  }
0x2a: {  	s11 =	rddreg [dreg:$0xc];
	[sflag:s20] =	ssyncadd.s32 $0xFFFFC000  }
0x2b: {  	[spmem:s11] =	stream.linear.scatter [tilespmem:s19], [sflag:$0x6], $0x4000, $0x38;
	[tilespmem:$0x1FC00] =	vst v63  }
0x2c: {  	_ =	swait.ge [sflag:s20], $0x4000  }
0x2d: {  	[sflag:s20] =	ssyncset.done $0x0  }
0x2e: {  	[sflag:s20] =	ssyncadd.s32 $0xFFFFC000  }
0x2f: {  	[spmem:s16] =	stream.linear.scatter [tilespmem:s19], [sflag:$0x6], $0x4000, $0x38;
	[tilespmem:$0x1FC00] =	vst v63  }
0x30: {  	_ =	swait.ge [sflag:s20], $0x4000  }
0x31: {  	[sflag:s20] =	ssyncset.done $0x0  }
0x32: {  	[sflag:s20] =	ssyncadd.s32 $0xFFFFC000  }
0x33: {  	[spmem:s17] =	stream.linear.scatter [tilespmem:s19], [sflag:$0x6], $0x4000, $0x38;
	[tilespmem:$0x1FC00] =	vst v63  }
0x34: {  	_ =	swait.ge [sflag:s20], $0x4000  }
0x35: {  	[sflag:s20] =	ssyncset.done $0x0  }
0x36: {  	s11 =	simm.s32 @!p0 $0x17C00;
	[sflag:s20] =	ssyncadd.s32 $0xFFFFC000  }
0x37: {  	[spmem:s18] =	stream.linear.scatter @!p0 [tilespmem:s11], [sflag:$0x6], $0x4000, $0x38;
	[tilespmem:$0x1FC00] =	vst v63  }
0x38: {  	s11 =	simm.s32 @!p0 $0x6  }
0x39: {  	_ =	swait.ge @!p0 [sflag:s11], $0x4000  }
0x3a: {  	[sflag:s11] =	ssyncset.done @!p0 $0x0  }
0x3b: {  	[sflag:s11] =	ssyncadd.s32 @!p0 $0xFFFFC000  }
0x3c: {  	[bflag:$0x0] =	sbarrier.arrive $0xFFFF  }
0x3d: {  	s14 =	rddreg [dreg:$0x3]  }
0x3e: {  	[tilespmem:s21], [sflag:$0x5] =	stream.linear.gather [hbm4b:s14+s3], $0x2000, $0x38;
	[tilespmem:$0x1FC00] =	vst v63  }
0x3f: {  	_ =	swait.ge [sflag:s22], $0x2000  }
0x40: {  	[sflag:s22] =	ssyncset.done $0x0  }
0x41: {  	s15 =	rddreg [dreg:$0x4];
	[sflag:s22] =	ssyncadd.s32 $0xFFFFE000  }
0x42: {  	[tilespmem:s23], [sflag:$0x5] =	stream.linear.gather [hbm4b:s15+s3], $0x2000, $0x38;
	[tilespmem:$0x1FC00] =	vst v63  }
0x43: {  	_ =	swait.ge [sflag:s22], $0x2000  }
0x44: {  	[sflag:s22] =	ssyncset.done $0x0  }
0x45: {  	[sflag:s22] =	ssyncadd.s32 $0xFFFFE000  }
0x46: {  	[tilespmem:s19], [sflag:$0x1] =	stream.indirect.gather [hbm4b:s4+s26], $0x80, s21, s26, $0xb8;
	[tilespmem:$0x1FC00] =	vst v63  }
0x47: {  	_ =	swait.ge [sflag:s28], $0x4000  }
0x48: {  	[sflag:s28] =	ssyncset.done $0x0  }
0x49: {  	[sflag:s28] =	ssyncadd.s32 $0xFFFFC000  }
0x4a: {  	[spmem:s2] =	stream.indirect.scatter.add.f32 [tilespmem:s19], [sflag:$0x3], $0x80, s23, s26, $0xb8;
	[tilespmem:$0x1FC00] =	vst v63  }
0x4b: {  	_ = 	snop  }
0x4c: {  	[tilespmem:s30], [sflag:$0x2] =	stream.indirect.gather [hbm4b:s4+s26], $0x80, s29, s26, $0xb8;
	[tilespmem:$0x1FC00] =	vst v63  }
0x4d: {  	_ =	swait.ge [sflag:s31], $0x4000  }
0x4e: {  	[sflag:s31] =	ssyncset.done $0x0  }
0x4f: {  	[sflag:s31] =	ssyncadd.s32 $0xFFFFC000  }
0x50: {  	[tilespmem:s19], [sflag:$0x1] =	stream.indirect.gather [hbm4b:s4+s26], $0x80, s1, s26, $0xb8;
	[tilespmem:$0x1FC00] =	vst v63  }
0x51: {  	_ =	swait.ge [sflag:s0], $0x4000  }
0x52: {  	[sflag:s0] =	ssyncset.done $0x0  }
0x53: {  	[sflag:s0] =	ssyncadd.s32 $0xFFFFC000  }
0x54: {  	[spmem:s2] =	stream.indirect.scatter.add.f32 [tilespmem:s30], [sflag:$0x4], $0x80, s5, s26, $0xb8;
	[tilespmem:$0x1FC00] =	vst v63  }
0x55: {  	_ =	swait.ge [sflag:s28], $0x4000  }
0x56: {  	[sflag:s28] =	ssyncset.done $0x0  }
0x57: {  	s13 =	simm.s32 $0x15D00;
	[sflag:s28] =	ssyncadd.s32 $0xFFFFC000  }
0x58: {  	[spmem:s2] =	stream.indirect.scatter.add.f32 [tilespmem:s19], [sflag:$0x3], $0x80, s13, s26, $0xb8;
	[tilespmem:$0x1FC00] =	vst v63  }
0x59: {  	_ =	swait.ge [sflag:s6], $0x4000  }
0x5a: {  	[sflag:s6] =	ssyncset.done $0x0  }
0x5b: {  	s14 =	simm.s32 $0x13D80;
	[sflag:s6] =	ssyncadd.s32 $0xFFFFC000  }
0x5c: {  	[tilespmem:s30], [sflag:$0x2] =	stream.indirect.gather [hbm4b:s4+s26], $0x80, s14, s26, $0xb8;
	[tilespmem:$0x1FC00] =	vst v63  }
0x5d: {  	_ =	swait.ge [sflag:s31], $0x4000  }
0x5e: {  	[sflag:s31] =	ssyncset.done $0x0  }
0x5f: {  	s15 =	simm.s32 $0x13E00;
	[sflag:s31] =	ssyncadd.s32 $0xFFFFC000  }
0x60: {  	[tilespmem:s19], [sflag:$0x1] =	stream.indirect.gather [hbm4b:s4+s26], $0x80, s15, s26, $0xb8;
	[tilespmem:$0x1FC00] =	vst v63  }
0x61: {  	_ =	swait.ge [sflag:s0], $0x4000  }
0x62: {  	[sflag:s0] =	ssyncset.done $0x0  }
0x63: {  	s11 =	simm.s32 $0xFFFF8C00;
	s13 =	simm.s32 $0x15D80;
	[sflag:s0] =	ssyncadd.s32 $0xFFFFC000  }
.LBB2_4:
0x64: {  	[spmem:s2] =	stream.indirect.scatter.add.f32 [tilespmem:s30], [sflag:$0x4], $0x80, s13, s26, $0xb8;
	[tilespmem:$0x1FC00] =	vst v63  }
0x65: {  	s13 =	smov.u32 s11  }
0x66: {  	p1 =	sne.s32 s11, $0xFFFFFC00;
	s11 =	sadd.s32 $0x400, s11;
	_ =	swait.ge [sflag:s28], $0x4000  }
0x67: {  	s13 =	sshra.s32 s13, $0x2;
	[sflag:s28] =	ssyncset.done $0x0  }
0x68: {  	s14 =	sadd.s32 $0x17B00, s13;
	[sflag:s28] =	ssyncadd.s32 $0xFFFFC000  }
0x69: {  	[spmem:s2] =	stream.indirect.scatter.add.f32 [tilespmem:s19], [sflag:$0x3], $0x80, s14, s26, $0xb8;
	[tilespmem:$0x1FC00] =	vst v63  }
0x6a: {  	_ =	swait.ge [sflag:s6], $0x4000  }
0x6b: {  	[sflag:s6] =	ssyncset.done $0x0  }
0x6c: {  	s14 =	sadd.s32 $0x15B80, s13;
	[sflag:s6] =	ssyncadd.s32 $0xFFFFC000  }
0x6d: {  	[tilespmem:s30], [sflag:$0x2] =	stream.indirect.gather [hbm4b:s4+s26], $0x80, s14, s26, $0xb8;
	[tilespmem:$0x1FC00] =	vst v63  }
0x6e: {  	_ =	swait.ge [sflag:s31], $0x4000  }
0x6f: {  	[sflag:s31] =	ssyncset.done $0x0  }
.Ltmp1:
0x70: {  	s14 =	sadd.s32 $0x15C00, s13;
	[sflag:s31] =	ssyncadd.s32 $0xFFFFC000;
	(pc) =	sbr.rel @p1 .LBB2_4-.Ltmp1, $4  }
0x71: {  	[tilespmem:s19], [sflag:$0x1] =	stream.indirect.gather [hbm4b:s4+s26], $0x80, s14, s26, $0xb8;
	[tilespmem:$0x1FC00] =	vst v63  }
0x72: {  	_ =	swait.ge [sflag:s0], $0x4000  }
0x73: {  	[sflag:s0] =	ssyncset.done $0x0  }
0x74: {  	s13 =	sadd.s32 $0x17B80, s13;
	[sflag:s0] =	ssyncadd.s32 $0xFFFFC000  }
0x75: {  	[spmem:s2] =	stream.indirect.scatter.add.f32 [tilespmem:s30], [sflag:$0x4], $0x80, s13, s26, $0xb8;
	[tilespmem:$0x1FC00] =	vst v63  }
0x76: {  	_ =	swait.ge [sflag:s28], $0x4000  }
0x77: {  	[sflag:s28] =	ssyncset.done $0x0  }
0x78: {  	[sflag:s28] =	ssyncadd.s32 $0xFFFFC000  }
0x79: {  	[spmem:s2] =	stream.indirect.scatter.add.f32 [tilespmem:s19], [sflag:$0x3], $0x80, s7, s26, $0xb8;
	[tilespmem:$0x1FC00] =	vst v63  }
0x7a: {  	_ =	swait.ge [sflag:s6], $0x4000  }
0x7b: {  	[sflag:s6] =	ssyncset.done $0x0  }
0x7c: {  	[sflag:s6] =	ssyncadd.s32 $0xFFFFC000  }
0x7d: {  	[tilespmem:s30], [sflag:$0x2] =	stream.indirect.gather [hbm4b:s4+s26], $0x80, s8, s26, $0xb8;
	[tilespmem:$0x1FC00] =	vst v63  }
0x7e: {  	_ =	swait.ge [sflag:s0], $0x4000  }
0x7f: {  	[sflag:s0] =	ssyncset.done $0x0  }
0x80: {  	[sflag:s0] =	ssyncadd.s32 $0xFFFFC000  }
0x81: {  	[spmem:s2] =	stream.indirect.scatter.add.f32 [tilespmem:s30], [sflag:$0x4], $0x80, s9, s26, $0xb8;
	[tilespmem:$0x1FC00] =	vst v63  }
0x82: {  	_ =	swait.ge [sflag:s31], $0x4000  }
0x83: {  	[sflag:s31] =	ssyncset.done $0x0  }
0x84: {  	[sflag:s31] =	ssyncadd.s32 $0xFFFFC000  }
0x85: {  	_ =	swait.ge [sflag:s6], $0x4000  }
0x86: {  	[sflag:s6] =	ssyncset.done $0x0  }
0x87: {  	s11 =	rddreg [dreg:$0x5];
	[sflag:s6] =	ssyncadd.s32 $0xFFFFC000  }
0x88: {  	[tilespmem:s21], [sflag:$0x5] =	stream.linear.gather [hbm4b:s11+s3], $0x2000, $0x38;
	[tilespmem:$0x1FC00] =	vst v63  }
0x89: {  	_ =	swait.ge [sflag:s22], $0x2000  }
0x8a: {  	[sflag:s22] =	ssyncset.done $0x0  }
0x8b: {  	s15 =	rddreg [dreg:$0x6];
	[sflag:s22] =	ssyncadd.s32 $0xFFFFE000  }
0x8c: {  	[tilespmem:s23], [sflag:$0x5] =	stream.linear.gather [hbm4b:s15+s3], $0x2000, $0x38;
	[tilespmem:$0x1FC00] =	vst v63  }
0x8d: {  	_ =	swait.ge [sflag:s22], $0x2000  }
0x8e: {  	[sflag:s22] =	ssyncset.done $0x0  }
0x8f: {  	[sflag:s22] =	ssyncadd.s32 $0xFFFFE000  }
0x90: {  	[tilespmem:s19], [sflag:$0x1] =	stream.indirect.gather [hbm4b:s4+s26], $0x80, s21, s26, $0xb8;
	[tilespmem:$0x1FC00] =	vst v63  }
0x91: {  	_ =	swait.ge [sflag:s28], $0x4000  }
0x92: {  	[sflag:s28] =	ssyncset.done $0x0  }
0x93: {  	[sflag:s28] =	ssyncadd.s32 $0xFFFFC000  }
0x94: {  	[spmem:s2] =	stream.indirect.scatter.add.f32 [tilespmem:s19], [sflag:$0x3], $0x80, s23, s26, $0xb8;
	[tilespmem:$0x1FC00] =	vst v63  }
0x95: {  	_ = 	snop  }
0x96: {  	[tilespmem:s30], [sflag:$0x2] =	stream.indirect.gather [hbm4b:s4+s26], $0x80, s29, s26, $0xb8;
	[tilespmem:$0x1FC00] =	vst v63  }
0x97: {  	_ =	swait.ge [sflag:s31], $0x4000  }
0x98: {  	[sflag:s31] =	ssyncset.done $0x0  }
0x99: {  	[sflag:s31] =	ssyncadd.s32 $0xFFFFC000  }
0x9a: {  	[tilespmem:s19], [sflag:$0x1] =	stream.indirect.gather [hbm4b:s4+s26], $0x80, s1, s26, $0xb8;
	[tilespmem:$0x1FC00] =	vst v63  }
0x9b: {  	_ =	swait.ge [sflag:s0], $0x4000  }
0x9c: {  	[sflag:s0] =	ssyncset.done $0x0  }
0x9d: {  	[sflag:s0] =	ssyncadd.s32 $0xFFFFC000  }
0x9e: {  	[spmem:s2] =	stream.indirect.scatter.add.f32 [tilespmem:s30], [sflag:$0x4], $0x80, s5, s26, $0xb8;
	[tilespmem:$0x1FC00] =	vst v63  }
0x9f: {  	_ =	swait.ge [sflag:s28], $0x4000  }
0xa0: {  	[sflag:s28] =	ssyncset.done $0x0  }
0xa1: {  	s13 =	simm.s32 $0x15D00;
	[sflag:s28] =	ssyncadd.s32 $0xFFFFC000  }
0xa2: {  	[spmem:s2] =	stream.indirect.scatter.add.f32 [tilespmem:s19], [sflag:$0x3], $0x80, s13, s26, $0xb8;
	[tilespmem:$0x1FC00] =	vst v63  }
0xa3: {  	_ =	swait.ge [sflag:s6], $0x4000  }
0xa4: {  	[sflag:s6] =	ssyncset.done $0x0  }
0xa5: {  	s14 =	simm.s32 $0x13D80;
	[sflag:s6] =	ssyncadd.s32 $0xFFFFC000  }
0xa6: {  	[tilespmem:s30], [sflag:$0x2] =	stream.indirect.gather [hbm4b:s4+s26], $0x80, s14, s26, $0xb8;
	[tilespmem:$0x1FC00] =	vst v63  }
0xa7: {  	_ =	swait.ge [sflag:s31], $0x4000  }
0xa8: {  	[sflag:s31] =	ssyncset.done $0x0  }
0xa9: {  	s15 =	simm.s32 $0x13E00;
	[sflag:s31] =	ssyncadd.s32 $0xFFFFC000  }
0xaa: {  	[tilespmem:s19], [sflag:$0x1] =	stream.indirect.gather [hbm4b:s4+s26], $0x80, s15, s26, $0xb8;
	[tilespmem:$0x1FC00] =	vst v63  }
0xab: {  	_ =	swait.ge [sflag:s0], $0x4000  }
0xac: {  	[sflag:s0] =	ssyncset.done $0x0  }
0xad: {  	s11 =	simm.s32 $0xFFFF8C00;
	s13 =	simm.s32 $0x15D80;
	[sflag:s0] =	ssyncadd.s32 $0xFFFFC000  }
.LBB2_6:
0xae: {  	[spmem:s2] =	stream.indirect.scatter.add.f32 [tilespmem:s30], [sflag:$0x4], $0x80, s13, s26, $0xb8;
	[tilespmem:$0x1FC00] =	vst v63  }
0xaf: {  	s13 =	smov.u32 s11  }
0xb0: {  	p1 =	sne.s32 s11, $0xFFFFFC00;
	s11 =	sadd.s32 $0x400, s11;
	_ =	swait.ge [sflag:s28], $0x4000  }
0xb1: {  	s13 =	sshra.s32 s13, $0x2;
	[sflag:s28] =	ssyncset.done $0x0  }
0xb2: {  	s14 =	sadd.s32 $0x17B00, s13;
	[sflag:s28] =	ssyncadd.s32 $0xFFFFC000  }
0xb3: {  	[spmem:s2] =	stream.indirect.scatter.add.f32 [tilespmem:s19], [sflag:$0x3], $0x80, s14, s26, $0xb8;
	[tilespmem:$0x1FC00] =	vst v63  }
0xb4: {  	_ =	swait.ge [sflag:s6], $0x4000  }
0xb5: {  	[sflag:s6] =	ssyncset.done $0x0  }
0xb6: {  	s14 =	sadd.s32 $0x15B80, s13;
	[sflag:s6] =	ssyncadd.s32 $0xFFFFC000  }
0xb7: {  	[tilespmem:s30], [sflag:$0x2] =	stream.indirect.gather [hbm4b:s4+s26], $0x80, s14, s26, $0xb8;
	[tilespmem:$0x1FC00] =	vst v63  }
0xb8: {  	_ =	swait.ge [sflag:s31], $0x4000  }
0xb9: {  	[sflag:s31] =	ssyncset.done $0x0  }
.Ltmp2:
0xba: {  	s14 =	sadd.s32 $0x15C00, s13;
	[sflag:s31] =	ssyncadd.s32 $0xFFFFC000;
	(pc) =	sbr.rel @p1 .LBB2_6-.Ltmp2, $4  }
0xbb: {  	[tilespmem:s19], [sflag:$0x1] =	stream.indirect.gather [hbm4b:s4+s26], $0x80, s14, s26, $0xb8;
	[tilespmem:$0x1FC00] =	vst v63  }
0xbc: {  	_ =	swait.ge [sflag:s0], $0x4000  }
0xbd: {  	[sflag:s0] =	ssyncset.done $0x0  }
0xbe: {  	s13 =	sadd.s32 $0x17B80, s13;
	[sflag:s0] =	ssyncadd.s32 $0xFFFFC000  }
0xbf: {  	[spmem:s2] =	stream.indirect.scatter.add.f32 [tilespmem:s30], [sflag:$0x4], $0x80, s13, s26, $0xb8;
	[tilespmem:$0x1FC00] =	vst v63  }
0xc0: {  	_ =	swait.ge [sflag:s28], $0x4000  }
0xc1: {  	[sflag:s28] =	ssyncset.done $0x0  }
0xc2: {  	[sflag:s28] =	ssyncadd.s32 $0xFFFFC000  }
0xc3: {  	[spmem:s2] =	stream.indirect.scatter.add.f32 [tilespmem:s19], [sflag:$0x3], $0x80, s7, s26, $0xb8;
	[tilespmem:$0x1FC00] =	vst v63  }
0xc4: {  	_ =	swait.ge [sflag:s6], $0x4000  }
0xc5: {  	[sflag:s6] =	ssyncset.done $0x0  }
0xc6: {  	[sflag:s6] =	ssyncadd.s32 $0xFFFFC000  }
0xc7: {  	[tilespmem:s30], [sflag:$0x2] =	stream.indirect.gather [hbm4b:s4+s26], $0x80, s8, s26, $0xb8;
	[tilespmem:$0x1FC00] =	vst v63  }
0xc8: {  	_ =	swait.ge [sflag:s0], $0x4000  }
0xc9: {  	[sflag:s0] =	ssyncset.done $0x0  }
0xca: {  	[sflag:s0] =	ssyncadd.s32 $0xFFFFC000  }
0xcb: {  	[spmem:s2] =	stream.indirect.scatter.add.f32 [tilespmem:s30], [sflag:$0x4], $0x80, s9, s26, $0xb8;
	[tilespmem:$0x1FC00] =	vst v63  }
0xcc: {  	_ =	swait.ge [sflag:s31], $0x4000  }
0xcd: {  	[sflag:s31] =	ssyncset.done $0x0  }
0xce: {  	[sflag:s31] =	ssyncadd.s32 $0xFFFFC000  }
0xcf: {  	_ =	swait.ge [sflag:s6], $0x4000  }
0xd0: {  	[sflag:s6] =	ssyncset.done $0x0  }
0xd1: {  	s11 =	rddreg [dreg:$0x7];
	[sflag:s6] =	ssyncadd.s32 $0xFFFFC000  }
0xd2: {  	[tilespmem:s21], [sflag:$0x5] =	stream.linear.gather [hbm4b:s11+s3], $0x1000, $0x38;
	[tilespmem:$0x1FC00] =	vst v63  }
0xd3: {  	_ =	swait.ge [sflag:s22], $0x1000  }
0xd4: {  	[sflag:s22] =	ssyncset.done $0x0  }
0xd5: {  	s15 =	rddreg [dreg:$0x8];
	[sflag:s22] =	ssyncadd.s32 $0xFFFFF000  }
0xd6: {  	[tilespmem:s23], [sflag:$0x5] =	stream.linear.gather [hbm4b:s15+s3], $0x1000, $0x38;
	[tilespmem:$0x1FC00] =	vst v63  }
0xd7: {  	_ =	swait.ge [sflag:s22], $0x1000  }
0xd8: {  	[sflag:s22] =	ssyncset.done $0x0  }
0xd9: {  	[sflag:s22] =	ssyncadd.s32 $0xFFFFF000  }
0xda: {  	[tilespmem:s19], [sflag:$0x1] =	stream.indirect.gather [hbm4b:s4+s26], $0x80, s21, s26, $0xb8;
	[tilespmem:$0x1FC00] =	vst v63  }
0xdb: {  	_ =	swait.ge [sflag:s28], $0x4000  }
0xdc: {  	[sflag:s28] =	ssyncset.done $0x0  }
0xdd: {  	[sflag:s28] =	ssyncadd.s32 $0xFFFFC000  }
0xde: {  	[spmem:s2] =	stream.indirect.scatter.add.f32 [tilespmem:s19], [sflag:$0x3], $0x80, s23, s26, $0xb8;
	[tilespmem:$0x1FC00] =	vst v63  }
0xdf: {  	_ = 	snop  }
0xe0: {  	[tilespmem:s30], [sflag:$0x2] =	stream.indirect.gather [hbm4b:s4+s26], $0x80, s29, s26, $0xb8;
	[tilespmem:$0x1FC00] =	vst v63  }
0xe1: {  	_ =	swait.ge [sflag:s31], $0x4000  }
0xe2: {  	[sflag:s31] =	ssyncset.done $0x0  }
0xe3: {  	[sflag:s31] =	ssyncadd.s32 $0xFFFFC000  }
0xe4: {  	[tilespmem:s19], [sflag:$0x1] =	stream.indirect.gather [hbm4b:s4+s26], $0x80, s1, s26, $0xb8;
	[tilespmem:$0x1FC00] =	vst v63  }
0xe5: {  	_ =	swait.ge [sflag:s0], $0x4000  }
0xe6: {  	[sflag:s0] =	ssyncset.done $0x0  }
0xe7: {  	[sflag:s0] =	ssyncadd.s32 $0xFFFFC000  }
0xe8: {  	[spmem:s2] =	stream.indirect.scatter.add.f32 [tilespmem:s30], [sflag:$0x4], $0x80, s5, s26, $0xb8;
	[tilespmem:$0x1FC00] =	vst v63  }
0xe9: {  	_ =	swait.ge [sflag:s28], $0x4000  }
0xea: {  	[sflag:s28] =	ssyncset.done $0x0  }
0xeb: {  	s13 =	simm.s32 $0x15D00;
	[sflag:s28] =	ssyncadd.s32 $0xFFFFC000  }
0xec: {  	[spmem:s2] =	stream.indirect.scatter.add.f32 [tilespmem:s19], [sflag:$0x3], $0x80, s13, s26, $0xb8;
	[tilespmem:$0x1FC00] =	vst v63  }
0xed: {  	_ =	swait.ge [sflag:s6], $0x4000  }
0xee: {  	[sflag:s6] =	ssyncset.done $0x0  }
0xef: {  	s14 =	simm.s32 $0x13D80;
	[sflag:s6] =	ssyncadd.s32 $0xFFFFC000  }
0xf0: {  	[tilespmem:s30], [sflag:$0x2] =	stream.indirect.gather [hbm4b:s4+s26], $0x80, s14, s26, $0xb8;
	[tilespmem:$0x1FC00] =	vst v63  }
0xf1: {  	_ =	swait.ge [sflag:s31], $0x4000  }
0xf2: {  	[sflag:s31] =	ssyncset.done $0x0  }
0xf3: {  	s15 =	simm.s32 $0x13E00;
	[sflag:s31] =	ssyncadd.s32 $0xFFFFC000  }
0xf4: {  	[tilespmem:s19], [sflag:$0x1] =	stream.indirect.gather [hbm4b:s4+s26], $0x80, s15, s26, $0xb8;
	[tilespmem:$0x1FC00] =	vst v63  }
0xf5: {  	_ =	swait.ge [sflag:s0], $0x4000  }
0xf6: {  	[sflag:s0] =	ssyncset.done $0x0  }
0xf7: {  	s11 =	simm.s32 $0xFFFFCC00;
	s13 =	simm.s32 $0x15D80;
	[sflag:s0] =	ssyncadd.s32 $0xFFFFC000  }
.LBB2_8:
0xf8: {  	[spmem:s2] =	stream.indirect.scatter.add.f32 [tilespmem:s30], [sflag:$0x4], $0x80, s13, s26, $0xb8;
	[tilespmem:$0x1FC00] =	vst v63  }
0xf9: {  	s13 =	smov.u32 s11  }
0xfa: {  	p1 =	sne.s32 s11, $0xFFFFFC00;
	s11 =	sadd.s32 $0x400, s11;
	_ =	swait.ge [sflag:s28], $0x4000  }
0xfb: {  	s13 =	sshra.s32 s13, $0x2;
	[sflag:s28] =	ssyncset.done $0x0  }
0xfc: {  	s14 =	sadd.s32 $0x16B00, s13;
	[sflag:s28] =	ssyncadd.s32 $0xFFFFC000  }
0xfd: {  	[spmem:s2] =	stream.indirect.scatter.add.f32 [tilespmem:s19], [sflag:$0x3], $0x80, s14, s26, $0xb8;
	[tilespmem:$0x1FC00] =	vst v63  }
0xfe: {  	_ =	swait.ge [sflag:s6], $0x4000  }
0xff: {  	[sflag:s6] =	ssyncset.done $0x0  }
0x100: {  	s14 =	sadd.s32 $0x14B80, s13;
	[sflag:s6] =	ssyncadd.s32 $0xFFFFC000  }
0x101: {  	[tilespmem:s30], [sflag:$0x2] =	stream.indirect.gather [hbm4b:s4+s26], $0x80, s14, s26, $0xb8;
	[tilespmem:$0x1FC00] =	vst v63  }
0x102: {  	_ =	swait.ge [sflag:s31], $0x4000  }
0x103: {  	[sflag:s31] =	ssyncset.done $0x0  }
.Ltmp3:
0x104: {  	s14 =	sadd.s32 $0x14C00, s13;
	[sflag:s31] =	ssyncadd.s32 $0xFFFFC000;
	(pc) =	sbr.rel @p1 .LBB2_8-.Ltmp3, $4  }
0x105: {  	[tilespmem:s19], [sflag:$0x1] =	stream.indirect.gather [hbm4b:s4+s26], $0x80, s14, s26, $0xb8;
	[tilespmem:$0x1FC00] =	vst v63  }
0x106: {  	_ =	swait.ge [sflag:s0], $0x4000  }
0x107: {  	[sflag:s0] =	ssyncset.done $0x0  }
0x108: {  	s13 =	sadd.s32 $0x16B80, s13;
	[sflag:s0] =	ssyncadd.s32 $0xFFFFC000  }
0x109: {  	[spmem:s2] =	stream.indirect.scatter.add.f32 [tilespmem:s30], [sflag:$0x4], $0x80, s13, s26, $0xb8;
	[tilespmem:$0x1FC00] =	vst v63  }
0x10a: {  	_ =	swait.ge [sflag:s28], $0x4000  }
0x10b: {  	[sflag:s28] =	ssyncset.done $0x0  }
0x10c: {  	s11 =	simm.s32 $0x16B00;
	[sflag:s28] =	ssyncadd.s32 $0xFFFFC000  }
0x10d: {  	[spmem:s2] =	stream.indirect.scatter.add.f32 [tilespmem:s19], [sflag:$0x3], $0x80, s11, s26, $0xb8;
	[tilespmem:$0x1FC00] =	vst v63  }
0x10e: {  	_ =	swait.ge [sflag:s6], $0x4000  }
0x10f: {  	[sflag:s6] =	ssyncset.done $0x0  }
0x110: {  	s13 =	simm.s32 $0x14B80;
	[sflag:s6] =	ssyncadd.s32 $0xFFFFC000  }
0x111: {  	[tilespmem:s30], [sflag:$0x2] =	stream.indirect.gather [hbm4b:s4+s26], $0x80, s13, s26, $0xb8;
	[tilespmem:$0x1FC00] =	vst v63  }
0x112: {  	_ =	swait.ge [sflag:s0], $0x4000  }
0x113: {  	[sflag:s0] =	ssyncset.done $0x0  }
0x114: {  	s14 =	simm.s32 $0x16B80;
	[sflag:s0] =	ssyncadd.s32 $0xFFFFC000  }
0x115: {  	[spmem:s2] =	stream.indirect.scatter.add.f32 [tilespmem:s30], [sflag:$0x4], $0x80, s14, s26, $0xb8;
	[tilespmem:$0x1FC00] =	vst v63  }
0x116: {  	_ =	swait.ge [sflag:s31], $0x4000  }
0x117: {  	[sflag:s31] =	ssyncset.done $0x0  }
0x118: {  	[sflag:s31] =	ssyncadd.s32 $0xFFFFC000  }
0x119: {  	_ =	swait.ge [sflag:s6], $0x4000  }
0x11a: {  	[sflag:s6] =	ssyncset.done $0x0  }
0x11b: {  	[sflag:s6] =	ssyncadd.s32 $0xFFFFC000  }
0x11c: {  	[bflag:$0x0] =	sbarrier.arrive $0xFFFF  }
0x11d: {  	s11 =	simm.s32 @p0 $0x1FC5;
	s13 =	rddreg [dreg:$0xa]  }
0x11e: {  	[hbm:s13], [sflag:s11] =	dma.local @p0 [spmem:s24], $0x2800  }
0x11f: {  	s11 =	simm.s32 @p0 $0x5  }
0x120: {  	s13 =	stileid.u32;
	_ =	swait.ge @p0 [sflag:s11], $0x2800  }
0x121: {  	s13 =	sshll.u32 @!p0 s13, $0x6;
	[sflag:s11] =	ssyncset.done @p0 $0x0  }
0x122: {  	[sflag:s11] =	ssyncadd.s32 @p0 $0xFFFFD800;
	s11 =	sor.u32 @!p0 $0x1C05, s13;
	s13 =	rddreg [dreg:$0x9]  }
0x123: {  	[hbm:s13], [sflag:s11] =	dma.local @!p0 [spmem:s25], $0x2700  }
0x124: {  	s11 =	simm.s32 @!p0 $0x5  }
0x125: {  	_ =	swait.ge @!p0 [sflag:s11], $0x2700  }
0x126: {  	s10 =	sadd.s32 $0x1, s10;
	s15 =	rddreg [dreg:$0xb]  }
0x127: {  	p1 =	sne.s32 s10, s15  }
.Ltmp4:
0x128: {  	_ = 	snop;
	(pc) =	sbr.rel @p1 .LBB2_1-.Ltmp4, $3  }
0x129: {  	_ =	sdelay $0x1  }
0x12a: {  	[sflag:s11] =	ssyncset.done @!p0 $0x0  }
0x12b: {  	[sflag:s11] =	ssyncadd.s32 @!p0 $0xFFFFD900  }
0x12c: {  	_ =	sfence.sel $0x180000  }
0x12d: {  	[bflag:$0x0] =	sbarrier.arrive $0xFFFF  }
0x12e: {  	_ =	strace $0x9000004A  }
0x12f: {  	s0 =	stileid.u32;
	[bflag:$0x2] =	sbarrier.arrive $0xFFFF  }
0x130: {  	p0 =	sne.s32 s0, $0x0;
	s0 =	rddreg [dreg:$0x2]  }
0x131: {  	s0 =	sadd.s32 @!p0 $0x100000, s0  }
0x132: {  	[sflag:s0] =	ssyncadd.tile.s32 @!p0 $0x1;
	_ =	shalt  }
.Lfunc_end2:
_tile_overlayer_lowered:
.L_overlay_start_2:
0x133: {  	(tag) =	ssettag $0x2  }
0x134: {  	s0 =	rddreg [dreg:$0x0];
	s2 =	stileid.u32  }
0x135: {  	s1 =	rddreg [dreg:$0x1];
	p0 =	sne.s32 s2, $0x0  }
0x136: {  	s3 =	rddreg [dreg:$0x2];
	[bflag:$0x3] =	sbarrier.arrive $0xFFFF;
	s2 =	simm.s32 @!p0 $0x1C06  }
0x137: {  	[timem:s3], [sflag:s2] =	dma.local @!p0 [hbm:s0], s1  }
0x138: {  	s0 =	simm.s32 @!p0 $0x6  }
0x139: {  	_ =	swait.ge @!p0 [sflag:s0], s1  }
0x13a: {  	s1 =	ssub.s32 @!p0 $0x0, s1;
	[sflag:s0] =	ssyncset.done @!p0 $0x0  }
0x13b: {  	[sflag:s0] =	ssyncadd.s32 @!p0 s1  }
0x13c: {  	[bflag:$0x3] =	sbarrier.arrive $0xFFFF  }
0x13d: {  	_ =	shalt  }

// kernel: kernel.20.cloned.1.call-start
scs
__scs_entry_jumppad:
0x0: {  	(pc) =	sbr.rel $0x88, $3  }
0x1: {  	(tag) =	ssettag $0x0;
	lr =	simm.s32 $0x1  }
0x2: {  	[smem:$0x3F92] =	sst lr;
	_ =	strace $0xD0000000  }
0x3: {  	_ = 	snop  }
0x4: {  	_ = 	snop  }
0x5: {  	_ = 	snop  }
0x6: {  	_ = 	snop  }
0x7: {  	_ = 	snop  }
__scs_overlays_trampoline_lowered:
0x8: {  	[smem:$0x3FA1] =	sst s0  }
0x9: {  	[smem:$0x3FA2] =	sst s1  }
0xa: {  	[smem:$0x3FA3] =	sst s2  }
0xb: {  	[smem:$0x3FA4] =	sst s3  }
0xc: {  	[smem:$0x3FA5] =	sst s4  }
0xd: {  	[smem:$0x3FA6] =	sst s5  }
0xe: {  	[smem:$0x3FA7] =	sst s6  }
0xf: {  	[smem:$0x3FA8] =	sst s7  }
0x10: {  	[smem:$0x3FA9] =	sst s8  }
0x11: {  	[smem:$0x3FAA] =	sst s9;
	s0 =	simm.s32 @!p0 $0x0  }
0x12: {  	s1 =	sld [smem:$0x3F90];
	s0 =	simm.s32 @p0 $0x1  }
0x13: {  	[smem:$0x3FAB] =	sst s0;
	s0 =	simm.s32 @!p1 $0x0  }
0x14: {  	s2 =	sld [smem:$0x3F8F];
	s0 =	simm.s32 @p1 $0x1  }
0x15: {  	[smem:$0x3FAC] =	sst s0;
	s0 =	simm.s32 @!p2 $0x0  }
0x16: {  	s3 =	sld [smem:$0x3FDB];
	s0 =	simm.s32 @p2 $0x1  }
0x17: {  	s4 =	simm.s32 $0x1BF5;
	[smem:$0x3FAE] =	sst s0  }
0x18: {  	s0 =	sld [smem:$0x3F91];
	_ =	swait.ge [sflag:s4], $0x0  }
0x19: {  	s7 =	sld [smem:$0x3F92]  }
0x1a: {  	s8 =	sadd.s32 $0xFFFFE003, lr  }
0x1b: {  	s9 =	sadd.s32 $0xFFFFFEF7, lr;
	s5 =	simm.s32 $0xFFFFFFFF;
	p2 =	slt.u32 s8, $0xFFFFF086  }
0x1c: {  	p1 =	slt.u32 s9, $0xF7A;
	s5 =	simm.s32 @!p2 $0x0  }
0x1d: {  	s5 =	simm.s32 @p1 $0x1;
	p0 =	seq.s32 s7, s2  }
0x1e: {  	s7 =	smul.u32 @!p0 $0xF7A, s2;
	p2 =	seq.s32 @!p0 s5, $0x0  }
0x1f: {  	s9 =	smul.u32 $0xF7A, s1;
	s8 =	simm.s32 @!p0 $0x1BF5;
	p2 =	por !p2, p0  }
0x20: {  	[sflag:s8] =	ssyncset.s32 @!p0 $0xFFFFF086;
	s6 =	sadd.s32 @!p0 s3, s7;
	s7 =	simm.s32 @!p0 $0x108  }
0x21: {  	s3 =	sadd.s32 s3, s9;
	s6 =	sadd.s32 @!p0 $0x88, s6;
	s7 =	simm.s32 @p2 $0x1082  }
0x22: {  	[simem:s7], [sflag:s8] =	dma.local @!p0 [hbm:s6], $0xF7A  }
0x23: {  	s9 =	sor.u32 $0xD0000000, s2;
	s6 =	simm.s32 $0x108;
	_ =	swait.ge @!p0 [sflag:s8], $0x0  }
0x24: {  	s3 =	sadd.s32 $0x88, s3;
	s6 =	simm.s32 @!p1 $0x1082;
	[sflag:s4] =	ssyncset.s32 $0xFFFFF086  }
0x25: {  	[simem:s6], [sflag:s4] =	dma.local [hbm:s3], $0xF7A  }
0x26: {  	[smem:$0x3F92] =	sst s1;
	(tag) =	ssettag s2;
	_ =	strace s9  }
0x27: {  	s1 =	sld [smem:$0x3FA2]  }
0x28: {  	s2 =	sld [smem:$0x3FA3]  }
0x29: {  	s4 =	sld [smem:$0x3FA5]  }
0x2a: {  	p0 =	seq.s32 s5, $0x0;
	s5 =	sld [smem:$0x3FA6]  }
0x2b: {  	s6 =	sld [smem:$0x3FA7]  }
0x2c: {  	s7 =	sld [smem:$0x3FA8]  }
0x2d: {  	s3 =	simm.s32 $0x108;
	s8 =	sld [smem:$0x3FA9]  }
0x2e: {  	s3 =	simm.s32 @!p0 $0x1082;
	s9 =	sld [smem:$0x3FAA]  }
0x2f: {  	lr =	sadd.s32 s0, s3;
	s0 =	sld [smem:$0x3FA1]  }
0x30: {  	s3 =	sld [smem:$0x3FA4]  }
0x31: {  	[smem:$0x3FAD] =	sst s10  }
0x32: {  	s10 =	sld [smem:$0x3FAB];
	_ =	sdelay $0x3  }
0x33: {  	p0 =	seq.s32 s10, $0x1;
	s10 =	sld [smem:$0x3FAD];
	_ =	sdelay $0x3  }
0x34: {  	[smem:$0x3FAD] =	sst s10  }
0x35: {  	s10 =	sld [smem:$0x3FAC];
	_ =	sdelay $0x3  }
0x36: {  	p1 =	seq.s32 s10, $0x1;
	s10 =	sld [smem:$0x3FAD];
	_ =	sdelay $0x3  }
0x37: {  	[smem:$0x3FAD] =	sst s10  }
0x38: {  	s10 =	sld [smem:$0x3FAE]  }
0x39: {  	_ = 	snop;
	(pc) =	sbr.ind lr, $3  }
0x3a: {  	_ = 	snop  }
0x3b: {  	_ = 	snop  }
0x3c: {  	p2 =	seq.s32 s10, $0x1;
	s10 =	sld [smem:$0x3FAD]  }
0x3d: {  	_ =	shalt  }
0x3e: {  	_ =	shalt  }
0x3f: {  	_ =	shalt  }
0x40: {  	_ =	shalt  }
0x41: {  	_ =	shalt  }
0x42: {  	_ =	shalt  }
0x43: {  	_ =	shalt  }
0x44: {  	_ =	shalt  }
0x45: {  	_ =	shalt  }
0x46: {  	_ =	shalt  }
0x47: {  	_ =	shalt  }
0x48: {  	_ =	shalt  }
0x49: {  	_ =	shalt  }
0x4a: {  	_ =	shalt  }
0x4b: {  	_ =	shalt  }
0x4c: {  	_ =	shalt  }
0x4d: {  	_ =	shalt  }
0x4e: {  	_ =	shalt  }
0x4f: {  	_ =	shalt  }
0x50: {  	_ =	shalt  }
0x51: {  	_ =	shalt  }
0x52: {  	_ =	shalt  }
0x53: {  	_ =	shalt  }
0x54: {  	_ =	shalt  }
0x55: {  	_ =	shalt  }
0x56: {  	_ =	shalt  }
0x57: {  	_ =	shalt  }
0x58: {  	_ =	shalt  }
0x59: {  	_ =	shalt  }
0x5a: {  	_ =	shalt  }
0x5b: {  	_ =	shalt  }
0x5c: {  	_ =	shalt  }
0x5d: {  	_ =	shalt  }
0x5e: {  	_ =	shalt  }
0x5f: {  	_ =	shalt  }
0x60: {  	_ =	shalt  }
0x61: {  	_ =	shalt  }
0x62: {  	_ =	shalt  }
0x63: {  	_ =	shalt  }
0x64: {  	_ =	shalt  }
0x65: {  	_ =	shalt  }
0x66: {  	_ =	shalt  }
0x67: {  	_ =	shalt  }
0x68: {  	_ =	shalt  }
0x69: {  	_ =	shalt  }
0x6a: {  	_ =	shalt  }
0x6b: {  	_ =	shalt  }
0x6c: {  	_ =	shalt  }
0x6d: {  	_ =	shalt  }
0x6e: {  	_ =	shalt  }
0x6f: {  	_ =	shalt  }
0x70: {  	_ =	shalt  }
0x71: {  	_ =	shalt  }
0x72: {  	_ =	shalt  }
0x73: {  	_ =	shalt  }
0x74: {  	_ =	shalt  }
0x75: {  	_ =	shalt  }
0x76: {  	_ =	shalt  }
0x77: {  	_ =	shalt  }
0x78: {  	_ =	shalt  }
0x79: {  	_ =	shalt  }
0x7a: {  	_ =	shalt  }
0x7b: {  	_ =	shalt  }
0x7c: {  	_ =	shalt  }
0x7d: {  	_ =	shalt  }
0x7e: {  	_ =	shalt  }
0x7f: {  	_ =	shalt  }
0x80: {  	_ =	shalt  }
0x81: {  	_ =	shalt  }
0x82: {  	_ =	shalt  }
0x83: {  	_ =	shalt  }
0x84: {  	_ =	shalt  }
0x85: {  	_ =	shalt  }
0x86: {  	_ =	shalt  }
0x87: {  	_ =	shalt  }
.Lfunc_end0:
.L_simem_size_0:
called_computation.2_lowered:
.L_overlay_start_0:
0x88: {  	s2 =	sld [smem:$0x3FD9]  }
0x89: {  	s3 =	sld [smem:$0x3FFE];
	_ =	sdelay $0x1  }
0x8a: {  	s1 =	srdreg.scid  }
0x8b: {  	s0 =	sand.u32 $0x1, s1  }
0x8c: {  	s16 =	sshll.u32 s0, $0xA;
	s2 =	sadd.s32 s3, s2  }
0x8d: {  	s2 =	sadd.s32 s2, s16  }
0x8e: {  	[smem:$0x3FB9] =	sst s2  }
0x8f: {  	_ = 	snop  }
0x90: {  	(tm) =	ssettm $0x1  }
0x91: {  	s17 =	sld [smem:$0x3FFB];
	_ =	sdelay $0x3  }
0x92: {  	_ =	strace s17  }
0x93: {  	s2 =	sld [smem:$0x3FFC];
	_ =	sdelay $0x3  }
0x94: {  	_ =	strace s2  }
0x95: {  	s2 =	sld [smem:$0x3FFD];
	_ =	sdelay $0x3  }
0x96: {  	_ =	strace s2  }
0x97: {  	_ =	strace $0x8FFFFFFF  }
0x98: {  	s18 =	sld [smem:$0x3FDB];
	_ =	sdelay $0x1  }
0x99: {  	s19 =	simm.s32 $_scs_section_size  }
0x9a: {  	s4 =	simm.s32 $_size__tile_overlayer_lowered;
	s5 =	simm.s32 $_tile_overlayer_lowered  }
0x9b: {  	s22 =	simm.s32 $0x1BFF;
	s21 =	sshll.u32 s5, $0x1;
	s2 =	sadd.s32 s19, s18  }
0x9c: {  	s6 =	simm.s32 $0x0;
	s20 =	sshll.u32 s4, $0x1;
	s4 =	sadd.s32 s21, s2  }
0x9d: {  	[timem:s6], [sflag:s22] =	dma.local [hbm:s4], s20  }
0x9e: {  	_ =	swait.ge [sflag:s22], s20  }
0x9f: {  	s3 =	ssub.s32 $0x0, s20;
	[sflag:s22] =	ssyncset.done $0x0  }
0xa0: {  	[sflag:s22] =	ssyncadd.s32 s3;
	_ =	sdelay $0x1  }
0xa1: {  	s23 =	simm.s32 $0x1B8B  }
0xa2: {  	_ =	swait.ge [sflag:s23], $0x1  }
0xa3: {  	[sflag:s23] =	ssyncset.done $0x0  }
0xa4: {  	s25 =	simm.s32 $0x1B8E;
	s24 =	sld [smem:$0x3FFE];
	[sflag:s23] =	ssyncadd.s32 $0xFFFFFFFF  }
0xa5: {  	s26 =	simm.s32 $execute0_lowered;
	[smem:$0x3FD2] =	sst s25  }
0xa6: {  	s4 =	sshll.u32 s26, $0x1;
	_ =	strace $0x8000004C;
	[dreg:$0x1] =	wrdreg $0xFFFFFFFF  }
0xa7: {  	s28 =	simm.s32 $_size_execute0_lowered;
	s2 =	sadd.s32 s2, s4;
	[dreg:$0x0] =	wrdreg $0x0  }
0xa8: {  	s4 =	sshll.u32 s28, $0x1;
	[dreg:$0x2] =	wrdreg s2  }
0xa9: {  	[dreg:$0x3] =	wrdreg s4  }
0xaa: {  	[dreg:$0x4] =	wrdreg $0xC0  }
0xab: {  	_ =	task [dreg:s6], $0x5FFFF  }
0xac: {  	[dreg:$0x1] =	wrdreg $0xFFFFFFFF  }
0xad: {  	[dreg:$0x0] =	wrdreg $0x60  }
0xae: {  	[dreg:$0x2] =	wrdreg s24  }
0xaf: {  	[dreg:$0x3] =	wrdreg $0x0  }
0xb0: {  	[dreg:$0x4] =	wrdreg $0x9  }
0xb1: {  	_ =	task.clear_ibuf [dreg:s6], $0x5FFFF;
	_ =	strace $0x9000004C  }
0xb2: {  	s29 =	simm.s32 $0x9;
	_ =	strace $0x8000004E  }
0xb3: {  	_ =	swait.ge [sflag:s29], $0x1  }
0xb4: {  	[sflag:s29] =	ssyncadd.s32 $0xFFFFFFFF  }
0xb5: {  	_ =	strace $0x9000004E  }
0xb6: {  	_ =	sfence  }
0xb7: {  	s30 =	sld [smem:$0x0];
	_ =	sdelay $0x2  }
0xb8: {  	s31 =	sshll.u32 s1, $0xD;
	s1 =	sshrl.u32 s1, $0x2  }
0xb9: {  	s3 =	sand.u32 $0x4000, s31;
	s1 =	sadd.s32 s1, s30  }
0xba: {  	s0 =	sor.u32 s3, s0;
	s1 =	sshll.u32 s1, $0x11  }
0xbb: {  	s0 =	sor.u32 s1, s0  }
0xbc: {  	s0 =	sadd.s32 $0x8F2B, s0  }
0xbd: {  	[sflag:s0] =	ssyncadd.remote.s32 $0x1  }
0xbe: {  	_ =	sfence.sel $0xFFFF  }
0xbf: {  	[dreg:$0x0] =	wrdreg $0xFFFFFFFF;
	(pc) =	sbr.abs _section_cstart, $3  }
0xc0: {  	[dreg:$0x1] =	wrdreg $0xFFFFFFFF  }
0xc1: {  	_ =	task.clear_ibuf [dreg:s6], $0x2FFFF;
	_ =	strace $0x9FFFFFFF  }
0xc2: {  	(tm) =	ssettm $0x7FFFFFFF  }
0xc3: {  	_ =	shalt  }
tec
execute0_lowered:
.L_overlay_start_1:
0x0: {  	(tag) =	ssettag $0x1  }
0x1: {  	s0 =	srdreg.scid;
	s11 =	stileid.u32  }
0x2: {  	s1 =	rddreg [dreg:$0x0];
	s5 =	smul.u32 $0xA0, s11  }
0x3: {  	s2 =	rddreg [dreg:$0x1];
	s3 =	simm.s32 $0x0;
	s9 =	smul.u32 $0x5000, s11  }
0x4: {  	s28 =	simm.s32 $0x1;
	s29 =	simm.s32 $0x13C80;
	s16 =	smul.u32 $0xA00, s11  }
0x5: {  	s30 =	simm.s32 $0x1BC00;
	s31 =	simm.s32 $0x3;
	s17 =	smul.u32 $0x4E000, s11  }
0x6: {  	s0 =	sand.u32 $0x1, s0;
	[smem:$0x7FF] =	sst s3;
	s21 =	smul.u32 $0x2700, s11  }
0x7: {  	s7 =	sadd.s32 $0x2BE00, s1;
	s24 =	sshll.u32 s11, $0xE;
	s4 =	smul.u32 $0xA00, s0  }
0x8: {  	p0 =	seq.s32 s11, $0xF;
	_ =	strace $0x8000004D;
	s18 =	smul.u32 $0x27100, s0  }
0x9: {  	s6 =	ssub.s32 $0x2, s0;
	s0 =	smul.u32 $0x138800, s0;
	s12 =	sadd.s32 s24, s2  }
0xa: {  	s8 =	sshrl.u32 s6, $0x1;
	s9 =	sshrl.u32 s9, $0x3;
	s22 =	sshrl.u32 s17, $0x2  }
0xb: {  	s26 =	sadd.s32 $0x40000, s12;
	s17 =	sadd.s32 $0xC0000, s12;
	s4 =	sadd.s32 s5, s4  }
0xc: {  	s6 =	ssub.s32 s6, s8;
	s8 =	sadd.s32 s7, s16;
	s7 =	sadd.s32 s7, s9  }
0xd: {  	s23 =	sadd.s32 s21, s18;
	s0 =	sshrl.u32 s0, $0x3;
	[dreg:$0xc] =	wrdreg s26  }
0xe: {  	s16 =	sadd.s32 $0x80000, s12;
	s18 =	sadd.s32 $0x100000, s12;
	s21 =	simm.s32 $0x13C00  }
0xf: {  	s26 =	simm.s32 $0x80;
	s9 =	simm.s32 $0x17B80;
	s5 =	sshll.u32 s4, $0x4  }
0x10: {  	s4 =	sadd.s32 $0x35E00, s1;
	[dreg:$0x4] =	wrdreg s8;
	s20 =	sadd.s32 $0x400, s7  }
0x11: {  	s7 =	sadd.s32 $0x800, s7;
	s8 =	sadd.s32 $0x124800, s2;
	[dreg:$0x6] =	wrdreg s20  }
0x12: {  	s25 =	smax.u32 s6, $0x1;
	s6 =	simm.s32 $0x4;
	[dreg:$0x8] =	wrdreg s7  }
0x13: {  	s5 =	sadd.s32 s5, s1;
	s1 =	sadd.s32 $0x84000, s1;
	[dreg:$0xb] =	wrdreg s25  }
0x14: {  	s20 =	simm.s32 $0x6;
	s24 =	sshrl.u32 @p0 s8, $0x3;
	s10 =	sadd.s32 $0x17E00, s5  }
0x15: {  	s8 =	simm.s32 $0x15B80;
	s19 =	sadd.s32 $0x18200, s5;
	[dreg:$0x3] =	wrdreg s10  }
0x16: {  	s5 =	sadd.s32 $0x18600, s5;
	s7 =	sadd.s32 s1, s23;
	[dreg:$0x5] =	wrdreg s19  }
0x17: {  	s0 =	sadd.s32 s1, s0;
	s23 =	simm.s32 $0x15C00;
	[dreg:$0x7] =	wrdreg s5  }
0x18: {  	s1 =	simm.s32 $0x13D00;
	s5 =	sadd.s32 s22, s2;
	[dreg:$0x9] =	wrdreg s7  }
0x19: {  	s0 =	sadd.s32 $0x24900, s0;
	s19 =	simm.s32 $0x17C00;
	s22 =	simm.s32 $0x5  }
0x1a: {  	s7 =	simm.s32 $0x17B00;
	s10 =	simm.s32 $0x0;
	[dreg:$0xa] =	wrdreg s0  }
0x1b: {  	v0 =	vimm.f32 $0.0e+00;
	s25 =	sshrl.u32 @!p0 s5, $0x3;
	s0 =	simm.s32 $0x2;
	s5 =	simm.s32 $0x15C80  }
.LBB2_1:
0x1c: {  	s11 =	sand.u32 $0xFE00, s3  }
0x1d: {  	s13 =	sand.u32 $0x70, s3;
	s14 =	sshrl.u32 s11, $0x2  }
0x1e: {  	s11 =	simm.s32 $0x40;
	s14 =	sor.u32 s13, s14;
	s13 =	simm.s32 $0x0  }
.LBB2_2:
0x1f: {  	p1 =	sne.s32 s11, $0xFFC0  }
0x20: {  	[tilespmem:s14+$0x17C00] =	vst v0;
	s13 =	sadd.s32 $0x10, s13;
	s14 =	smov.u32 s11;
	s11 =	sadd.s32 $0x40, s11  }
.Ltmp0:
0x21: {  	(pc) =	sbr.rel @p1 .LBB2_2-.Ltmp0, $4  }
0x22: {  	_ = 	snop  }
0x23: {  	s14 =	sand.u32 $0xFE00, s14  }
0x24: {  	s15 =	sand.u32 $0x70, s13;
	s14 =	sshrl.u32 s14, $0x2  }
0x25: {  	s14 =	sor.u32 s15, s14  }
0x26: {  	[tilespmem:s14+$0x17C00] =	vst v0  }
0x27: {  	[spmem:s12] =	stream.linear.scatter [tilespmem:s19], [sflag:$0x6], $0x4000, $0x38;
	[tilespmem:$0x1FC00] =	vst v63  }
0x28: {  	_ =	swait.ge [sflag:s20], $0x4000  }
0x29: {  	[sflag:s20] =	ssyncset.done $0x0  }
0x2a: {  	s11 =	rddreg [dreg:$0xc];
	[sflag:s20] =	ssyncadd.s32 $0xFFFFC000  }
0x2b: {  	[spmem:s11] =	stream.linear.scatter [tilespmem:s19], [sflag:$0x6], $0x4000, $0x38;
	[tilespmem:$0x1FC00] =	vst v63  }
0x2c: {  	_ =	swait.ge [sflag:s20], $0x4000  }
0x2d: {  	[sflag:s20] =	ssyncset.done $0x0  }
0x2e: {  	[sflag:s20] =	ssyncadd.s32 $0xFFFFC000  }
0x2f: {  	[spmem:s16] =	stream.linear.scatter [tilespmem:s19], [sflag:$0x6], $0x4000, $0x38;
	[tilespmem:$0x1FC00] =	vst v63  }
0x30: {  	_ =	swait.ge [sflag:s20], $0x4000  }
0x31: {  	[sflag:s20] =	ssyncset.done $0x0  }
0x32: {  	[sflag:s20] =	ssyncadd.s32 $0xFFFFC000  }
0x33: {  	[spmem:s17] =	stream.linear.scatter [tilespmem:s19], [sflag:$0x6], $0x4000, $0x38;
	[tilespmem:$0x1FC00] =	vst v63  }
0x34: {  	_ =	swait.ge [sflag:s20], $0x4000  }
0x35: {  	[sflag:s20] =	ssyncset.done $0x0  }
0x36: {  	s11 =	simm.s32 @!p0 $0x17C00;
	[sflag:s20] =	ssyncadd.s32 $0xFFFFC000  }
0x37: {  	[spmem:s18] =	stream.linear.scatter @!p0 [tilespmem:s11], [sflag:$0x6], $0x4000, $0x38;
	[tilespmem:$0x1FC00] =	vst v63  }
0x38: {  	s11 =	simm.s32 @!p0 $0x6  }
0x39: {  	_ =	swait.ge @!p0 [sflag:s11], $0x4000  }
0x3a: {  	[sflag:s11] =	ssyncset.done @!p0 $0x0  }
0x3b: {  	[sflag:s11] =	ssyncadd.s32 @!p0 $0xFFFFC000  }
0x3c: {  	[bflag:$0x0] =	sbarrier.arrive $0xFFFF  }
0x3d: {  	s14 =	rddreg [dreg:$0x3]  }
0x3e: {  	[tilespmem:s21], [sflag:$0x5] =	stream.linear.gather [hbm4b:s14+s3], $0x2000, $0x38;
	[tilespmem:$0x1FC00] =	vst v63  }
0x3f: {  	_ =	swait.ge [sflag:s22], $0x2000  }
0x40: {  	[sflag:s22] =	ssyncset.done $0x0  }
0x41: {  	s15 =	rddreg [dreg:$0x4];
	[sflag:s22] =	ssyncadd.s32 $0xFFFFE000  }
0x42: {  	[tilespmem:s23], [sflag:$0x5] =	stream.linear.gather [hbm4b:s15+s3], $0x2000, $0x38;
	[tilespmem:$0x1FC00] =	vst v63  }
0x43: {  	_ =	swait.ge [sflag:s22], $0x2000  }
0x44: {  	[sflag:s22] =	ssyncset.done $0x0  }
0x45: {  	[sflag:s22] =	ssyncadd.s32 $0xFFFFE000  }
0x46: {  	[tilespmem:s19], [sflag:$0x1] =	stream.indirect.gather [hbm4b:s4+s26], $0x80, s21, s26, $0xb8;
	[tilespmem:$0x1FC00] =	vst v63  }
0x47: {  	_ =	swait.ge [sflag:s28], $0x4000  }
0x48: {  	[sflag:s28] =	ssyncset.done $0x0  }
0x49: {  	[sflag:s28] =	ssyncadd.s32 $0xFFFFC000  }
0x4a: {  	[spmem:s2] =	stream.indirect.scatter.add.f32 [tilespmem:s19], [sflag:$0x3], $0x80, s23, s26, $0xb8;
	[tilespmem:$0x1FC00] =	vst v63  }
0x4b: {  	_ = 	snop  }
0x4c: {  	[tilespmem:s30], [sflag:$0x2] =	stream.indirect.gather [hbm4b:s4+s26], $0x80, s29, s26, $0xb8;
	[tilespmem:$0x1FC00] =	vst v63  }
0x4d: {  	_ =	swait.ge [sflag:s31], $0x4000  }
0x4e: {  	[sflag:s31] =	ssyncset.done $0x0  }
0x4f: {  	[sflag:s31] =	ssyncadd.s32 $0xFFFFC000  }
0x50: {  	[tilespmem:s19], [sflag:$0x1] =	stream.indirect.gather [hbm4b:s4+s26], $0x80, s1, s26, $0xb8;
	[tilespmem:$0x1FC00] =	vst v63  }
0x51: {  	_ =	swait.ge [sflag:s0], $0x4000  }
0x52: {  	[sflag:s0] =	ssyncset.done $0x0  }
0x53: {  	[sflag:s0] =	ssyncadd.s32 $0xFFFFC000  }
0x54: {  	[spmem:s2] =	stream.indirect.scatter.add.f32 [tilespmem:s30], [sflag:$0x4], $0x80, s5, s26, $0xb8;
	[tilespmem:$0x1FC00] =	vst v63  }
0x55: {  	_ =	swait.ge [sflag:s28], $0x4000  }
0x56: {  	[sflag:s28] =	ssyncset.done $0x0  }
0x57: {  	s13 =	simm.s32 $0x15D00;
	[sflag:s28] =	ssyncadd.s32 $0xFFFFC000  }
0x58: {  	[spmem:s2] =	stream.indirect.scatter.add.f32 [tilespmem:s19], [sflag:$0x3], $0x80, s13, s26, $0xb8;
	[tilespmem:$0x1FC00] =	vst v63  }
0x59: {  	_ =	swait.ge [sflag:s6], $0x4000  }
0x5a: {  	[sflag:s6] =	ssyncset.done $0x0  }
0x5b: {  	s14 =	simm.s32 $0x13D80;
	[sflag:s6] =	ssyncadd.s32 $0xFFFFC000  }
0x5c: {  	[tilespmem:s30], [sflag:$0x2] =	stream.indirect.gather [hbm4b:s4+s26], $0x80, s14, s26, $0xb8;
	[tilespmem:$0x1FC00] =	vst v63  }
0x5d: {  	_ =	swait.ge [sflag:s31], $0x4000  }
0x5e: {  	[sflag:s31] =	ssyncset.done $0x0  }
0x5f: {  	s15 =	simm.s32 $0x13E00;
	[sflag:s31] =	ssyncadd.s32 $0xFFFFC000  }
0x60: {  	[tilespmem:s19], [sflag:$0x1] =	stream.indirect.gather [hbm4b:s4+s26], $0x80, s15, s26, $0xb8;
	[tilespmem:$0x1FC00] =	vst v63  }
0x61: {  	_ =	swait.ge [sflag:s0], $0x4000  }
0x62: {  	[sflag:s0] =	ssyncset.done $0x0  }
0x63: {  	s11 =	simm.s32 $0xFFFF8C00;
	s13 =	simm.s32 $0x15D80;
	[sflag:s0] =	ssyncadd.s32 $0xFFFFC000  }
.LBB2_4:
0x64: {  	[spmem:s2] =	stream.indirect.scatter.add.f32 [tilespmem:s30], [sflag:$0x4], $0x80, s13, s26, $0xb8;
	[tilespmem:$0x1FC00] =	vst v63  }
0x65: {  	s13 =	smov.u32 s11  }
0x66: {  	p1 =	sne.s32 s11, $0xFFFFFC00;
	s11 =	sadd.s32 $0x400, s11;
	_ =	swait.ge [sflag:s28], $0x4000  }
0x67: {  	s13 =	sshra.s32 s13, $0x2;
	[sflag:s28] =	ssyncset.done $0x0  }
0x68: {  	s14 =	sadd.s32 $0x17B00, s13;
	[sflag:s28] =	ssyncadd.s32 $0xFFFFC000  }
0x69: {  	[spmem:s2] =	stream.indirect.scatter.add.f32 [tilespmem:s19], [sflag:$0x3], $0x80, s14, s26, $0xb8;
	[tilespmem:$0x1FC00] =	vst v63  }
0x6a: {  	_ =	swait.ge [sflag:s6], $0x4000  }
0x6b: {  	[sflag:s6] =	ssyncset.done $0x0  }
0x6c: {  	s14 =	sadd.s32 $0x15B80, s13;
	[sflag:s6] =	ssyncadd.s32 $0xFFFFC000  }
0x6d: {  	[tilespmem:s30], [sflag:$0x2] =	stream.indirect.gather [hbm4b:s4+s26], $0x80, s14, s26, $0xb8;
	[tilespmem:$0x1FC00] =	vst v63  }
0x6e: {  	_ =	swait.ge [sflag:s31], $0x4000  }
0x6f: {  	[sflag:s31] =	ssyncset.done $0x0  }
.Ltmp1:
0x70: {  	s14 =	sadd.s32 $0x15C00, s13;
	[sflag:s31] =	ssyncadd.s32 $0xFFFFC000;
	(pc) =	sbr.rel @p1 .LBB2_4-.Ltmp1, $4  }
0x71: {  	[tilespmem:s19], [sflag:$0x1] =	stream.indirect.gather [hbm4b:s4+s26], $0x80, s14, s26, $0xb8;
	[tilespmem:$0x1FC00] =	vst v63  }
0x72: {  	_ =	swait.ge [sflag:s0], $0x4000  }
0x73: {  	[sflag:s0] =	ssyncset.done $0x0  }
0x74: {  	s13 =	sadd.s32 $0x17B80, s13;
	[sflag:s0] =	ssyncadd.s32 $0xFFFFC000  }
0x75: {  	[spmem:s2] =	stream.indirect.scatter.add.f32 [tilespmem:s30], [sflag:$0x4], $0x80, s13, s26, $0xb8;
	[tilespmem:$0x1FC00] =	vst v63  }
0x76: {  	_ =	swait.ge [sflag:s28], $0x4000  }
0x77: {  	[sflag:s28] =	ssyncset.done $0x0  }
0x78: {  	[sflag:s28] =	ssyncadd.s32 $0xFFFFC000  }
0x79: {  	[spmem:s2] =	stream.indirect.scatter.add.f32 [tilespmem:s19], [sflag:$0x3], $0x80, s7, s26, $0xb8;
	[tilespmem:$0x1FC00] =	vst v63  }
0x7a: {  	_ =	swait.ge [sflag:s6], $0x4000  }
0x7b: {  	[sflag:s6] =	ssyncset.done $0x0  }
0x7c: {  	[sflag:s6] =	ssyncadd.s32 $0xFFFFC000  }
0x7d: {  	[tilespmem:s30], [sflag:$0x2] =	stream.indirect.gather [hbm4b:s4+s26], $0x80, s8, s26, $0xb8;
	[tilespmem:$0x1FC00] =	vst v63  }
0x7e: {  	_ =	swait.ge [sflag:s0], $0x4000  }
0x7f: {  	[sflag:s0] =	ssyncset.done $0x0  }
0x80: {  	[sflag:s0] =	ssyncadd.s32 $0xFFFFC000  }
0x81: {  	[spmem:s2] =	stream.indirect.scatter.add.f32 [tilespmem:s30], [sflag:$0x4], $0x80, s9, s26, $0xb8;
	[tilespmem:$0x1FC00] =	vst v63  }
0x82: {  	_ =	swait.ge [sflag:s31], $0x4000  }
0x83: {  	[sflag:s31] =	ssyncset.done $0x0  }
0x84: {  	[sflag:s31] =	ssyncadd.s32 $0xFFFFC000  }
0x85: {  	_ =	swait.ge [sflag:s6], $0x4000  }
0x86: {  	[sflag:s6] =	ssyncset.done $0x0  }
0x87: {  	s11 =	rddreg [dreg:$0x5];
	[sflag:s6] =	ssyncadd.s32 $0xFFFFC000  }
0x88: {  	[tilespmem:s21], [sflag:$0x5] =	stream.linear.gather [hbm4b:s11+s3], $0x2000, $0x38;
	[tilespmem:$0x1FC00] =	vst v63  }
0x89: {  	_ =	swait.ge [sflag:s22], $0x2000  }
0x8a: {  	[sflag:s22] =	ssyncset.done $0x0  }
0x8b: {  	s15 =	rddreg [dreg:$0x6];
	[sflag:s22] =	ssyncadd.s32 $0xFFFFE000  }
0x8c: {  	[tilespmem:s23], [sflag:$0x5] =	stream.linear.gather [hbm4b:s15+s3], $0x2000, $0x38;
	[tilespmem:$0x1FC00] =	vst v63  }
0x8d: {  	_ =	swait.ge [sflag:s22], $0x2000  }
0x8e: {  	[sflag:s22] =	ssyncset.done $0x0  }
0x8f: {  	[sflag:s22] =	ssyncadd.s32 $0xFFFFE000  }
0x90: {  	[tilespmem:s19], [sflag:$0x1] =	stream.indirect.gather [hbm4b:s4+s26], $0x80, s21, s26, $0xb8;
	[tilespmem:$0x1FC00] =	vst v63  }
0x91: {  	_ =	swait.ge [sflag:s28], $0x4000  }
0x92: {  	[sflag:s28] =	ssyncset.done $0x0  }
0x93: {  	[sflag:s28] =	ssyncadd.s32 $0xFFFFC000  }
0x94: {  	[spmem:s2] =	stream.indirect.scatter.add.f32 [tilespmem:s19], [sflag:$0x3], $0x80, s23, s26, $0xb8;
	[tilespmem:$0x1FC00] =	vst v63  }
0x95: {  	_ = 	snop  }
0x96: {  	[tilespmem:s30], [sflag:$0x2] =	stream.indirect.gather [hbm4b:s4+s26], $0x80, s29, s26, $0xb8;
	[tilespmem:$0x1FC00] =	vst v63  }
0x97: {  	_ =	swait.ge [sflag:s31], $0x4000  }
0x98: {  	[sflag:s31] =	ssyncset.done $0x0  }
0x99: {  	[sflag:s31] =	ssyncadd.s32 $0xFFFFC000  }
0x9a: {  	[tilespmem:s19], [sflag:$0x1] =	stream.indirect.gather [hbm4b:s4+s26], $0x80, s1, s26, $0xb8;
	[tilespmem:$0x1FC00] =	vst v63  }
0x9b: {  	_ =	swait.ge [sflag:s0], $0x4000  }
0x9c: {  	[sflag:s0] =	ssyncset.done $0x0  }
0x9d: {  	[sflag:s0] =	ssyncadd.s32 $0xFFFFC000  }
0x9e: {  	[spmem:s2] =	stream.indirect.scatter.add.f32 [tilespmem:s30], [sflag:$0x4], $0x80, s5, s26, $0xb8;
	[tilespmem:$0x1FC00] =	vst v63  }
0x9f: {  	_ =	swait.ge [sflag:s28], $0x4000  }
0xa0: {  	[sflag:s28] =	ssyncset.done $0x0  }
0xa1: {  	s13 =	simm.s32 $0x15D00;
	[sflag:s28] =	ssyncadd.s32 $0xFFFFC000  }
0xa2: {  	[spmem:s2] =	stream.indirect.scatter.add.f32 [tilespmem:s19], [sflag:$0x3], $0x80, s13, s26, $0xb8;
	[tilespmem:$0x1FC00] =	vst v63  }
0xa3: {  	_ =	swait.ge [sflag:s6], $0x4000  }
0xa4: {  	[sflag:s6] =	ssyncset.done $0x0  }
0xa5: {  	s14 =	simm.s32 $0x13D80;
	[sflag:s6] =	ssyncadd.s32 $0xFFFFC000  }
0xa6: {  	[tilespmem:s30], [sflag:$0x2] =	stream.indirect.gather [hbm4b:s4+s26], $0x80, s14, s26, $0xb8;
	[tilespmem:$0x1FC00] =	vst v63  }
0xa7: {  	_ =	swait.ge [sflag:s31], $0x4000  }
0xa8: {  	[sflag:s31] =	ssyncset.done $0x0  }
0xa9: {  	s15 =	simm.s32 $0x13E00;
	[sflag:s31] =	ssyncadd.s32 $0xFFFFC000  }
0xaa: {  	[tilespmem:s19], [sflag:$0x1] =	stream.indirect.gather [hbm4b:s4+s26], $0x80, s15, s26, $0xb8;
	[tilespmem:$0x1FC00] =	vst v63  }
0xab: {  	_ =	swait.ge [sflag:s0], $0x4000  }
0xac: {  	[sflag:s0] =	ssyncset.done $0x0  }
0xad: {  	s11 =	simm.s32 $0xFFFF8C00;
	s13 =	simm.s32 $0x15D80;
	[sflag:s0] =	ssyncadd.s32 $0xFFFFC000  }
.LBB2_6:
0xae: {  	[spmem:s2] =	stream.indirect.scatter.add.f32 [tilespmem:s30], [sflag:$0x4], $0x80, s13, s26, $0xb8;
	[tilespmem:$0x1FC00] =	vst v63  }
0xaf: {  	s13 =	smov.u32 s11  }
0xb0: {  	p1 =	sne.s32 s11, $0xFFFFFC00;
	s11 =	sadd.s32 $0x400, s11;
	_ =	swait.ge [sflag:s28], $0x4000  }
0xb1: {  	s13 =	sshra.s32 s13, $0x2;
	[sflag:s28] =	ssyncset.done $0x0  }
0xb2: {  	s14 =	sadd.s32 $0x17B00, s13;
	[sflag:s28] =	ssyncadd.s32 $0xFFFFC000  }
0xb3: {  	[spmem:s2] =	stream.indirect.scatter.add.f32 [tilespmem:s19], [sflag:$0x3], $0x80, s14, s26, $0xb8;
	[tilespmem:$0x1FC00] =	vst v63  }
0xb4: {  	_ =	swait.ge [sflag:s6], $0x4000  }
0xb5: {  	[sflag:s6] =	ssyncset.done $0x0  }
0xb6: {  	s14 =	sadd.s32 $0x15B80, s13;
	[sflag:s6] =	ssyncadd.s32 $0xFFFFC000  }
0xb7: {  	[tilespmem:s30], [sflag:$0x2] =	stream.indirect.gather [hbm4b:s4+s26], $0x80, s14, s26, $0xb8;
	[tilespmem:$0x1FC00] =	vst v63  }
0xb8: {  	_ =	swait.ge [sflag:s31], $0x4000  }
0xb9: {  	[sflag:s31] =	ssyncset.done $0x0  }
.Ltmp2:
0xba: {  	s14 =	sadd.s32 $0x15C00, s13;
	[sflag:s31] =	ssyncadd.s32 $0xFFFFC000;
	(pc) =	sbr.rel @p1 .LBB2_6-.Ltmp2, $4  }
0xbb: {  	[tilespmem:s19], [sflag:$0x1] =	stream.indirect.gather [hbm4b:s4+s26], $0x80, s14, s26, $0xb8;
	[tilespmem:$0x1FC00] =	vst v63  }
0xbc: {  	_ =	swait.ge [sflag:s0], $0x4000  }
0xbd: {  	[sflag:s0] =	ssyncset.done $0x0  }
0xbe: {  	s13 =	sadd.s32 $0x17B80, s13;
	[sflag:s0] =	ssyncadd.s32 $0xFFFFC000  }
0xbf: {  	[spmem:s2] =	stream.indirect.scatter.add.f32 [tilespmem:s30], [sflag:$0x4], $0x80, s13, s26, $0xb8;
	[tilespmem:$0x1FC00] =	vst v63  }
0xc0: {  	_ =	swait.ge [sflag:s28], $0x4000  }
0xc1: {  	[sflag:s28] =	ssyncset.done $0x0  }
0xc2: {  	[sflag:s28] =	ssyncadd.s32 $0xFFFFC000  }
0xc3: {  	[spmem:s2] =	stream.indirect.scatter.add.f32 [tilespmem:s19], [sflag:$0x3], $0x80, s7, s26, $0xb8;
	[tilespmem:$0x1FC00] =	vst v63  }
0xc4: {  	_ =	swait.ge [sflag:s6], $0x4000  }
0xc5: {  	[sflag:s6] =	ssyncset.done $0x0  }
0xc6: {  	[sflag:s6] =	ssyncadd.s32 $0xFFFFC000  }
0xc7: {  	[tilespmem:s30], [sflag:$0x2] =	stream.indirect.gather [hbm4b:s4+s26], $0x80, s8, s26, $0xb8;
	[tilespmem:$0x1FC00] =	vst v63  }
0xc8: {  	_ =	swait.ge [sflag:s0], $0x4000  }
0xc9: {  	[sflag:s0] =	ssyncset.done $0x0  }
0xca: {  	[sflag:s0] =	ssyncadd.s32 $0xFFFFC000  }
0xcb: {  	[spmem:s2] =	stream.indirect.scatter.add.f32 [tilespmem:s30], [sflag:$0x4], $0x80, s9, s26, $0xb8;
	[tilespmem:$0x1FC00] =	vst v63  }
0xcc: {  	_ =	swait.ge [sflag:s31], $0x4000  }
0xcd: {  	[sflag:s31] =	ssyncset.done $0x0  }
0xce: {  	[sflag:s31] =	ssyncadd.s32 $0xFFFFC000  }
0xcf: {  	_ =	swait.ge [sflag:s6], $0x4000  }
0xd0: {  	[sflag:s6] =	ssyncset.done $0x0  }
0xd1: {  	s11 =	rddreg [dreg:$0x7];
	[sflag:s6] =	ssyncadd.s32 $0xFFFFC000  }
0xd2: {  	[tilespmem:s21], [sflag:$0x5] =	stream.linear.gather [hbm4b:s11+s3], $0x1000, $0x38;
	[tilespmem:$0x1FC00] =	vst v63  }
0xd3: {  	_ =	swait.ge [sflag:s22], $0x1000  }
0xd4: {  	[sflag:s22] =	ssyncset.done $0x0  }
0xd5: {  	s15 =	rddreg [dreg:$0x8];
	[sflag:s22] =	ssyncadd.s32 $0xFFFFF000  }
0xd6: {  	[tilespmem:s23], [sflag:$0x5] =	stream.linear.gather [hbm4b:s15+s3], $0x1000, $0x38;
	[tilespmem:$0x1FC00] =	vst v63  }
0xd7: {  	_ =	swait.ge [sflag:s22], $0x1000  }
0xd8: {  	[sflag:s22] =	ssyncset.done $0x0  }
0xd9: {  	[sflag:s22] =	ssyncadd.s32 $0xFFFFF000  }
0xda: {  	[tilespmem:s19], [sflag:$0x1] =	stream.indirect.gather [hbm4b:s4+s26], $0x80, s21, s26, $0xb8;
	[tilespmem:$0x1FC00] =	vst v63  }
0xdb: {  	_ =	swait.ge [sflag:s28], $0x4000  }
0xdc: {  	[sflag:s28] =	ssyncset.done $0x0  }
0xdd: {  	[sflag:s28] =	ssyncadd.s32 $0xFFFFC000  }
0xde: {  	[spmem:s2] =	stream.indirect.scatter.add.f32 [tilespmem:s19], [sflag:$0x3], $0x80, s23, s26, $0xb8;
	[tilespmem:$0x1FC00] =	vst v63  }
0xdf: {  	_ = 	snop  }
0xe0: {  	[tilespmem:s30], [sflag:$0x2] =	stream.indirect.gather [hbm4b:s4+s26], $0x80, s29, s26, $0xb8;
	[tilespmem:$0x1FC00] =	vst v63  }
0xe1: {  	_ =	swait.ge [sflag:s31], $0x4000  }
0xe2: {  	[sflag:s31] =	ssyncset.done $0x0  }
0xe3: {  	[sflag:s31] =	ssyncadd.s32 $0xFFFFC000  }
0xe4: {  	[tilespmem:s19], [sflag:$0x1] =	stream.indirect.gather [hbm4b:s4+s26], $0x80, s1, s26, $0xb8;
	[tilespmem:$0x1FC00] =	vst v63  }
0xe5: {  	_ =	swait.ge [sflag:s0], $0x4000  }
0xe6: {  	[sflag:s0] =	ssyncset.done $0x0  }
0xe7: {  	[sflag:s0] =	ssyncadd.s32 $0xFFFFC000  }
0xe8: {  	[spmem:s2] =	stream.indirect.scatter.add.f32 [tilespmem:s30], [sflag:$0x4], $0x80, s5, s26, $0xb8;
	[tilespmem:$0x1FC00] =	vst v63  }
0xe9: {  	_ =	swait.ge [sflag:s28], $0x4000  }
0xea: {  	[sflag:s28] =	ssyncset.done $0x0  }
0xeb: {  	s13 =	simm.s32 $0x15D00;
	[sflag:s28] =	ssyncadd.s32 $0xFFFFC000  }
0xec: {  	[spmem:s2] =	stream.indirect.scatter.add.f32 [tilespmem:s19], [sflag:$0x3], $0x80, s13, s26, $0xb8;
	[tilespmem:$0x1FC00] =	vst v63  }
0xed: {  	_ =	swait.ge [sflag:s6], $0x4000  }
0xee: {  	[sflag:s6] =	ssyncset.done $0x0  }
0xef: {  	s14 =	simm.s32 $0x13D80;
	[sflag:s6] =	ssyncadd.s32 $0xFFFFC000  }
0xf0: {  	[tilespmem:s30], [sflag:$0x2] =	stream.indirect.gather [hbm4b:s4+s26], $0x80, s14, s26, $0xb8;
	[tilespmem:$0x1FC00] =	vst v63  }
0xf1: {  	_ =	swait.ge [sflag:s31], $0x4000  }
0xf2: {  	[sflag:s31] =	ssyncset.done $0x0  }
0xf3: {  	s15 =	simm.s32 $0x13E00;
	[sflag:s31] =	ssyncadd.s32 $0xFFFFC000  }
0xf4: {  	[tilespmem:s19], [sflag:$0x1] =	stream.indirect.gather [hbm4b:s4+s26], $0x80, s15, s26, $0xb8;
	[tilespmem:$0x1FC00] =	vst v63  }
0xf5: {  	_ =	swait.ge [sflag:s0], $0x4000  }
0xf6: {  	[sflag:s0] =	ssyncset.done $0x0  }
0xf7: {  	s11 =	simm.s32 $0xFFFFCC00;
	s13 =	simm.s32 $0x15D80;
	[sflag:s0] =	ssyncadd.s32 $0xFFFFC000  }
.LBB2_8:
0xf8: {  	[spmem:s2] =	stream.indirect.scatter.add.f32 [tilespmem:s30], [sflag:$0x4], $0x80, s13, s26, $0xb8;
	[tilespmem:$0x1FC00] =	vst v63  }
0xf9: {  	s13 =	smov.u32 s11  }
0xfa: {  	p1 =	sne.s32 s11, $0xFFFFFC00;
	s11 =	sadd.s32 $0x400, s11;
	_ =	swait.ge [sflag:s28], $0x4000  }
0xfb: {  	s13 =	sshra.s32 s13, $0x2;
	[sflag:s28] =	ssyncset.done $0x0  }
0xfc: {  	s14 =	sadd.s32 $0x16B00, s13;
	[sflag:s28] =	ssyncadd.s32 $0xFFFFC000  }
0xfd: {  	[spmem:s2] =	stream.indirect.scatter.add.f32 [tilespmem:s19], [sflag:$0x3], $0x80, s14, s26, $0xb8;
	[tilespmem:$0x1FC00] =	vst v63  }
0xfe: {  	_ =	swait.ge [sflag:s6], $0x4000  }
0xff: {  	[sflag:s6] =	ssyncset.done $0x0  }
0x100: {  	s14 =	sadd.s32 $0x14B80, s13;
	[sflag:s6] =	ssyncadd.s32 $0xFFFFC000  }
0x101: {  	[tilespmem:s30], [sflag:$0x2] =	stream.indirect.gather [hbm4b:s4+s26], $0x80, s14, s26, $0xb8;
	[tilespmem:$0x1FC00] =	vst v63  }
0x102: {  	_ =	swait.ge [sflag:s31], $0x4000  }
0x103: {  	[sflag:s31] =	ssyncset.done $0x0  }
.Ltmp3:
0x104: {  	s14 =	sadd.s32 $0x14C00, s13;
	[sflag:s31] =	ssyncadd.s32 $0xFFFFC000;
	(pc) =	sbr.rel @p1 .LBB2_8-.Ltmp3, $4  }
0x105: {  	[tilespmem:s19], [sflag:$0x1] =	stream.indirect.gather [hbm4b:s4+s26], $0x80, s14, s26, $0xb8;
	[tilespmem:$0x1FC00] =	vst v63  }
0x106: {  	_ =	swait.ge [sflag:s0], $0x4000  }
0x107: {  	[sflag:s0] =	ssyncset.done $0x0  }
0x108: {  	s13 =	sadd.s32 $0x16B80, s13;
	[sflag:s0] =	ssyncadd.s32 $0xFFFFC000  }
0x109: {  	[spmem:s2] =	stream.indirect.scatter.add.f32 [tilespmem:s30], [sflag:$0x4], $0x80, s13, s26, $0xb8;
	[tilespmem:$0x1FC00] =	vst v63  }
0x10a: {  	_ =	swait.ge [sflag:s28], $0x4000  }
0x10b: {  	[sflag:s28] =	ssyncset.done $0x0  }
0x10c: {  	s11 =	simm.s32 $0x16B00;
	[sflag:s28] =	ssyncadd.s32 $0xFFFFC000  }
0x10d: {  	[spmem:s2] =	stream.indirect.scatter.add.f32 [tilespmem:s19], [sflag:$0x3], $0x80, s11, s26, $0xb8;
	[tilespmem:$0x1FC00] =	vst v63  }
0x10e: {  	_ =	swait.ge [sflag:s6], $0x4000  }
0x10f: {  	[sflag:s6] =	ssyncset.done $0x0  }
0x110: {  	s13 =	simm.s32 $0x14B80;
	[sflag:s6] =	ssyncadd.s32 $0xFFFFC000  }
0x111: {  	[tilespmem:s30], [sflag:$0x2] =	stream.indirect.gather [hbm4b:s4+s26], $0x80, s13, s26, $0xb8;
	[tilespmem:$0x1FC00] =	vst v63  }
0x112: {  	_ =	swait.ge [sflag:s0], $0x4000  }
0x113: {  	[sflag:s0] =	ssyncset.done $0x0  }
0x114: {  	s14 =	simm.s32 $0x16B80;
	[sflag:s0] =	ssyncadd.s32 $0xFFFFC000  }
0x115: {  	[spmem:s2] =	stream.indirect.scatter.add.f32 [tilespmem:s30], [sflag:$0x4], $0x80, s14, s26, $0xb8;
	[tilespmem:$0x1FC00] =	vst v63  }
0x116: {  	_ =	swait.ge [sflag:s31], $0x4000  }
0x117: {  	[sflag:s31] =	ssyncset.done $0x0  }
0x118: {  	[sflag:s31] =	ssyncadd.s32 $0xFFFFC000  }
0x119: {  	_ =	swait.ge [sflag:s6], $0x4000  }
0x11a: {  	[sflag:s6] =	ssyncset.done $0x0  }
0x11b: {  	[sflag:s6] =	ssyncadd.s32 $0xFFFFC000  }
0x11c: {  	[bflag:$0x0] =	sbarrier.arrive $0xFFFF  }
0x11d: {  	s11 =	simm.s32 @p0 $0x1FC5;
	s13 =	rddreg [dreg:$0xa]  }
0x11e: {  	[hbm:s13], [sflag:s11] =	dma.local @p0 [spmem:s24], $0x2800  }
0x11f: {  	s11 =	simm.s32 @p0 $0x5  }
0x120: {  	s13 =	stileid.u32;
	_ =	swait.ge @p0 [sflag:s11], $0x2800  }
0x121: {  	s13 =	sshll.u32 @!p0 s13, $0x6;
	[sflag:s11] =	ssyncset.done @p0 $0x0  }
0x122: {  	[sflag:s11] =	ssyncadd.s32 @p0 $0xFFFFD800;
	s11 =	sor.u32 @!p0 $0x1C05, s13;
	s13 =	rddreg [dreg:$0x9]  }
0x123: {  	[hbm:s13], [sflag:s11] =	dma.local @!p0 [spmem:s25], $0x2700  }
0x124: {  	s11 =	simm.s32 @!p0 $0x5  }
0x125: {  	_ =	swait.ge @!p0 [sflag:s11], $0x2700  }
0x126: {  	s10 =	sadd.s32 $0x1, s10;
	s15 =	rddreg [dreg:$0xb]  }
0x127: {  	p1 =	sne.s32 s10, s15  }
.Ltmp4:
0x128: {  	_ = 	snop;
	(pc) =	sbr.rel @p1 .LBB2_1-.Ltmp4, $3  }
0x129: {  	_ =	sdelay $0x1  }
0x12a: {  	[sflag:s11] =	ssyncset.done @!p0 $0x0  }
0x12b: {  	[sflag:s11] =	ssyncadd.s32 @!p0 $0xFFFFD900  }
0x12c: {  	_ =	sfence.sel $0x180000  }
0x12d: {  	[bflag:$0x0] =	sbarrier.arrive $0xFFFF  }
0x12e: {  	_ =	strace $0x9000004D  }
0x12f: {  	s0 =	stileid.u32;
	[bflag:$0x2] =	sbarrier.arrive $0xFFFF  }
0x130: {  	p0 =	sne.s32 s0, $0x0;
	s0 =	rddreg [dreg:$0x2]  }
0x131: {  	s0 =	sadd.s32 @!p0 $0x100000, s0  }
0x132: {  	[sflag:s0] =	ssyncadd.tile.s32 @!p0 $0x1;
	_ =	shalt  }
.Lfunc_end2:
_tile_overlayer_lowered:
.L_overlay_start_2:
0x133: {  	(tag) =	ssettag $0x2  }
0x134: {  	s0 =	rddreg [dreg:$0x0];
	s2 =	stileid.u32  }
0x135: {  	s1 =	rddreg [dreg:$0x1];
	p0 =	sne.s32 s2, $0x0  }
0x136: {  	s3 =	rddreg [dreg:$0x2];
	[bflag:$0x3] =	sbarrier.arrive $0xFFFF;
	s2 =	simm.s32 @!p0 $0x1C06  }
0x137: {  	[timem:s3], [sflag:s2] =	dma.local @!p0 [hbm:s0], s1  }
0x138: {  	s0 =	simm.s32 @!p0 $0x6  }
0x139: {  	_ =	swait.ge @!p0 [sflag:s0], s1  }
0x13a: {  	s1 =	ssub.s32 @!p0 $0x0, s1;
	[sflag:s0] =	ssyncset.done @!p0 $0x0  }
0x13b: {  	[sflag:s0] =	ssyncadd.s32 @!p0 s1  }
0x13c: {  	[bflag:$0x3] =	sbarrier.arrive $0xFFFF  }
0x13d: {  	_ =	shalt  }

</sc_bundles>
